<compile_context>
chip_gen: v7x
topology: tpu7x:2x2x1
jax: 0.10.2.dev20260603
libtpu: 0.0.44.dev20260713+nightly
codegen_flags: <defaults>
</compile_context>

<pallas_src>
import functools

import jax
import jax.numpy as jnp
from jax import lax
from jax.experimental import pallas as pl
from jax.experimental.pallas import tpu as pltpu
from jax.experimental.pallas import tpu_sc as plsc

T = 128
D = 1024
E = 64
DFF = 512
NBUF = 4
NGRP = T // 16


def _nt_dot(a, b):
    return jax.lax.dot_general(
        a, b, (((1,), (1,)), ((), ())), preferred_element_type=jnp.float32
    )



def _logits_kernel(gw_ref, x_ref, out_ref):
    out_ref[...] = _nt_dot(gw_ref[...], x_ref[...])


def _router_logits(hidden_states, gate_w):
    return pl.pallas_call(
        _logits_kernel,
        out_shape=jax.ShapeDtypeStruct((E, T), jnp.float32),
    )(gate_w, hidden_states)



def _sc_router_body(lt_hbm, gates_hbm, lblk, gblk, sem):
    wid = lax.axis_index("s") * 2 + lax.axis_index("c")

    @pl.when(wid < NGRP)
    def _():
        pltpu.make_async_copy(lt_hbm, lblk, sem).start()
        pltpu.make_async_copy(lt_hbm, lblk, sem).wait()
        col = wid * 16
        m1 = lblk[pl.ds(col, 16)]
        i1 = jnp.zeros((16,), jnp.int32)
        m2 = jnp.full((16,), -3.0e38, jnp.float32)
        i2 = jnp.zeros((16,), jnp.int32)
        for e in range(1, E):
            v = lblk[pl.ds(e * T + col, 16)]
            e_v = jnp.full((16,), e, jnp.int32)
            gt1 = v > m1
            gt2 = v > m2
            m2 = jnp.where(gt1, m1, jnp.where(gt2, v, m2))
            i2 = jnp.where(gt1, i1, jnp.where(gt2, e_v, i2))
            m1 = jnp.where(gt1, v, m1)
            i1 = jnp.where(gt1, e_v, i1)
        d = jnp.exp(m2 - m1)
        g1 = 1.0 / (1.0 + d)
        g2 = 1.0 - g1
        for e in range(E):
            e_v = jnp.full((16,), e, jnp.int32)
            ge = (jnp.where(i1 == e_v, g1, 0.0)
                  + jnp.where(i2 == e_v, g2, 0.0))
            gblk[e, :] = ge
        pltpu.make_async_copy(gblk, gates_hbm.at[wid], sem).start()
        pltpu.make_async_copy(gblk, gates_hbm.at[wid], sem).wait()


_sc_router = functools.partial(
    pl.kernel,
    out_type=jax.ShapeDtypeStruct((NGRP, E, 16), jnp.float32),
    mesh=plsc.VectorSubcoreMesh(core_axis_name="c", subcore_axis_name="s"),
    scratch_types=[
        pltpu.VMEM((E * T,), jnp.float32),
        pltpu.VMEM((E, 16), jnp.float32),
        pltpu.SemaphoreType.DMA,
    ],
)(_sc_router_body)



def _copy_in(w1_hbm, w2_hbm, w3_hbm, b1, b2, b3, sems, e, slot):
    pltpu.make_async_copy(w1_hbm.at[e], b1.at[slot], sems.at[slot, 0]).start()
    pltpu.make_async_copy(w2_hbm.at[e], b2.at[slot], sems.at[slot, 1]).start()
    pltpu.make_async_copy(w3_hbm.at[e], b3.at[slot], sems.at[slot, 2]).start()


def _moe_kernel(x_ref, gsc_ref, w1_hbm, w2_hbm, w3_hbm,
                sw1_ref, sw2_ref, sw3_ref,
                out_ref, acc_ref, gates_ref, b1, b2, b3, sems):
    x = x_ref[...]

    for s in range(NBUF):
        _copy_in(w1_hbm, w2_hbm, w3_hbm, b1, b2, b3, sems, s, s)

    for grp in range(NGRP):
        gates_ref[pl.ds(grp * 16, 16), :] = jnp.transpose(gsc_ref[grp], (1, 0))

    col = jax.lax.broadcasted_iota(jnp.int32, (T, E), 1)

    sh1 = _nt_dot(x, sw1_ref[...])
    sh3 = _nt_dot(x, sw3_ref[...])
    sh = (sh1 * jax.nn.sigmoid(sh1)) * sh3
    acc_ref[...] = _nt_dot(sh, sw2_ref[...])

    def body(e, carry):
        slot = jax.lax.rem(e, NBUF)
        pltpu.make_async_copy(w1_hbm.at[e], b1.at[slot], sems.at[slot, 0]).wait()
        pltpu.make_async_copy(w2_hbm.at[e], b2.at[slot], sems.at[slot, 1]).wait()
        pltpu.make_async_copy(w3_hbm.at[e], b3.at[slot], sems.at[slot, 2]).wait()
        w1 = b1[slot]
        w2 = b2[slot]
        w3 = b3[slot]
        h1 = _nt_dot(x, w1)
        h3 = _nt_dot(x, w3)
        h = (h1 * jax.nn.sigmoid(h1)) * h3
        g = jnp.sum(jnp.where(col == e, gates_ref[...], 0.0),
                    axis=1, keepdims=True)
        acc_ref[...] += _nt_dot(h * g, w2)
        nxt = e + NBUF
        @pl.when(nxt < E)
        def _():
            _copy_in(w1_hbm, w2_hbm, w3_hbm, b1, b2, b3, sems, nxt, slot)
        return carry

    jax.lax.fori_loop(0, E, body, 0, unroll=2)
    out_ref[...] = acc_ref[...]


def _moe_main(hidden_states, gates, w1, w2, w3, s_w1, s_w2, s_w3):
    vmem = lambda: pl.BlockSpec(memory_space=pltpu.MemorySpace.VMEM)
    anym = lambda: pl.BlockSpec(memory_space=pl.ANY)
    return pl.pallas_call(
        _moe_kernel,
        in_specs=[
            vmem(),
            vmem(),
            anym(),
            anym(),
            anym(),
            vmem(),
            vmem(),
            vmem(),
        ],
        out_specs=vmem(),
        out_shape=jax.ShapeDtypeStruct((T, D), jnp.float32),
        scratch_shapes=[
            pltpu.VMEM((T, D), jnp.float32),
            pltpu.VMEM((T, E), jnp.float32),
            pltpu.VMEM((NBUF, DFF, D), jnp.float32),
            pltpu.VMEM((NBUF, D, DFF), jnp.float32),
            pltpu.VMEM((NBUF, DFF, D), jnp.float32),
            pltpu.SemaphoreType.DMA((NBUF, 3)),
        ],
    )(hidden_states, gates, w1, w2, w3, s_w1, s_w2, s_w3)


def kernel(hidden_states, gate_w, w1, w2, w3, s_w1, s_w2, s_w3):
    logits_t = _router_logits(hidden_states, gate_w)
    gates = _sc_router(logits_t.reshape(E * T))
    return _moe_main(hidden_states, gates, w1, w2, w3, s_w1, s_w2, s_w3)

# --- scband reference (transcript-rebuilt; emitter-appended) ---
"""Pipeline reference for scband-glm4-mo-e-73933567033637 (READ-ONLY COPY).

The authoritative reference and input builder live on the scoring server;
editing this copy changes nothing except your own understanding.
"""

import jax, jax.numpy as jnp
import numpy as np

T = 128
D = 1024
E = 64
DFF = 512
N_SHARED = 1
DFF_SHARED = DFF * N_SHARED
TOP_K = 2
ROUTED_SCALING = 1.0


def setup_inputs(seed: int = 0) -> dict:
    key = jax.random.key(seed)
    ks = jax.random.split(key, 8)
    scale_d = 1.0 / np.sqrt(D)
    scale_f = 1.0 / np.sqrt(DFF)
    hidden_states = jax.random.normal(ks[0], (T, D), dtype=jnp.float32)
    gate_w = jax.random.normal(ks[1], (E, D), dtype=jnp.float32) * scale_d
    # torch Linear weight layout [out, in]: w1/w3 project D->DFF, w2 projects DFF->D
    w1 = jax.random.normal(ks[2], (E, DFF, D), dtype=jnp.float32) * scale_d
    w2 = jax.random.normal(ks[3], (E, D, DFF), dtype=jnp.float32) * scale_f
    w3 = jax.random.normal(ks[4], (E, DFF, D), dtype=jnp.float32) * scale_d
    s_w1 = jax.random.normal(ks[5], (DFF_SHARED, D), dtype=jnp.float32) * scale_d
    s_w2 = jax.random.normal(ks[6], (D, DFF_SHARED), dtype=jnp.float32) * (1.0 / np.sqrt(DFF_SHARED))
    s_w3 = jax.random.normal(ks[7], (DFF_SHARED, D), dtype=jnp.float32) * scale_d
    return {
        'hidden_states': hidden_states,
        'gate_w': gate_w,
        'w1': w1,
        'w2': w2,
        'w3': w3,
        's_w1': s_w1,
        's_w2': s_w2,
        's_w3': s_w3,
    }


def reference(hidden_states, gate_w, w1, w2, w3, s_w1, s_w2, s_w3):
    x = hidden_states
    # router: gate linear -> softmax -> top-k -> renormalize (fused_moe, topk=2, renormalize=True)
    router_logits = x @ gate_w.T  # [T, E]
    probs = jax.nn.softmax(router_logits, axis=-1)
    topk_vals, topk_idx = jax.lax.top_k(probs, TOP_K)  # [T, K]
    topk_vals = topk_vals / jnp.sum(topk_vals, axis=-1, keepdims=True)
    # dense combine weights [T, E]; zero for non-selected experts so dense expert
    # evaluation is mathematically identical to sparse dispatch
    gates = jnp.sum(jax.nn.one_hot(topk_idx, E, dtype=x.dtype) * topk_vals[..., None], axis=1)
    # per-expert gated MLP (SiLU): w2 @ (silu(w1 x) * (w3 x))
    h1 = jnp.einsum('td,efd->tef', x, w1)  # [T, E, DFF]
    h3 = jnp.einsum('td,efd->tef', x, w3)
    h = jax.nn.silu(h1) * h3
    expert_out = jnp.einsum('tef,edf->ted', h, w2)  # [T, E, D]
    routed = jnp.einsum('te,ted->td', gates, expert_out)
    final = routed * ROUTED_SCALING
    # shared expert (intermediate = moe_intermediate_size * n_shared_experts)
    sh = jax.nn.silu(x @ s_w1.T) * (x @ s_w3.T)
    shared_out = sh @ s_w2.T
    return final + shared_out

if __name__ == "__main__":
    import jax
    _d = setup_inputs()
    print(jax.jit(kernel)(*tuple(_d.values())))

</pallas_src>

<mosaic_0001>
#map = affine_map<(d0, d1) -> (0)>
#map1 = affine_map<(d0, d1) -> (0, 0, 0)>
module attributes {stable_mosaic.version = 14 : i64} {
  func.func @_sc_router_body(%arg0: i32, %arg1: i32, %arg2: memref<8192xf32, #tpu.memory_space<hbm>>, %arg3: memref<8x64x16xf32, #tpu.memory_space<hbm>>, %arg4: memref<8192xf32, #tpu.memory_space<vmem>>, %arg5: memref<64x16xf32, #tpu.memory_space<vmem>>, %arg6: memref<!tpu.dma_semaphore, #tpu.memory_space<semaphore_mem>>) attributes {dimension_semantics = [#tpu.dimension_semantics<core_parallel>, #tpu.dimension_semantics<subcore_parallel>], iteration_bounds = array<i64: 2, 16>, scalar_prefetch = 0 : i64, scratch_operands = 3 : i64, tpu.core_type = #tpu.core_type<sc_vector_subcore>, window_params = [{transform_indices = #map}, {transform_indices = #map1}]} {
    %mul3A = arith.constant 2 : i32
    %mul3A_0 = arith.muli %arg1, %mul3A : i32
    %add3A = arith.addi %mul3A_0, %arg0 : i32
    %lt3A = arith.constant 8 : i32
    %lt3A_1 = arith.cmpi slt, %add3A, %lt3A : i32
    %convert_element_type3A = arith.extui %lt3A_1 : i1 to i32
    %cond3A = arith.constant 0 : i32
    %cond3A_2 = arith.cmpi ne, %convert_element_type3A, %cond3A : i32
    scf.if %cond3A_2 {
      tpu.enqueue_dma source(%arg2 : memref<8192xf32, #tpu.memory_space<hbm>>) target(%arg4 : memref<8192xf32, #tpu.memory_space<vmem>>) target_semaphore(%arg6 : memref<!tpu.dma_semaphore, #tpu.memory_space<semaphore_mem>>)
      tpu.wait_dma2 semaphore(%arg6 : memref<!tpu.dma_semaphore, #tpu.memory_space<semaphore_mem>>) src(%arg2 : memref<8192xf32, #tpu.memory_space<hbm>>) dst(%arg4 : memref<8192xf32, #tpu.memory_space<vmem>>)
      %mul3A_3 = arith.constant 16 : i32
      %mul3A_4 = arith.muli %add3A, %mul3A_3 : i32
      %get3A = arith.index_cast %mul3A_4 : i32 to index
      %get3A_5 = tpu.vector_load %arg4[%get3A] {strides = array<i32>} : memref<8192xf32, #tpu.memory_space<vmem>>, vector<16xf32>,
      %get3A_6 = vector.shape_cast %get3A_5 : vector<16xf32> to vector<16xf32>
      %broadcast_in_dim3A = arith.constant 0 : i32
      %broadcast_in_dim3A_7 = vector.broadcast %broadcast_in_dim3A : i32 to vector<16xi32>
      %broadcast_in_dim3A_8 = arith.constant -3.000000e+38 : f32
      %broadcast_in_dim3A_9 = vector.broadcast %broadcast_in_dim3A_8 : f32 to vector<16xf32>
      %broadcast_in_dim3A_10 = arith.constant 0 : i32
      %broadcast_in_dim3A_11 = vector.broadcast %broadcast_in_dim3A_10 : i32 to vector<16xi32>
      %add3A_12 = arith.constant 128 : i32
      %add3A_13 = arith.addi %add3A_12, %mul3A_4 : i32
      %get3A_14 = arith.index_cast %add3A_13 : i32 to index
      %get3A_15 = tpu.vector_load %arg4[%get3A_14] {strides = array<i32>} : memref<8192xf32, #tpu.memory_space<vmem>>, vector<16xf32>,
      %get3A_16 = vector.shape_cast %get3A_15 : vector<16xf32> to vector<16xf32>
      %broadcast_in_dim3A_17 = arith.constant 1 : i32
      %broadcast_in_dim3A_18 = vector.broadcast %broadcast_in_dim3A_17 : i32 to vector<16xi32>
      %gt3A = arith.cmpf ogt, %get3A_16, %get3A_6 : vector<16xf32>
      %gt3A_19 = arith.cmpf ogt, %get3A_16, %broadcast_in_dim3A_9 : vector<16xf32>
      %select_n3A = arith.select %gt3A_19, %get3A_16, %broadcast_in_dim3A_9 : vector<16xi1>, vector<16xf32>
      %select_n3A_20 = arith.select %gt3A, %get3A_6, %select_n3A : vector<16xi1>, vector<16xf32>
      %select_n3A_21 = arith.select %gt3A_19, %broadcast_in_dim3A_18, %broadcast_in_dim3A_11 : vector<16xi1>, vector<16xi32>
      %select_n3A_22 = arith.select %gt3A, %broadcast_in_dim3A_7, %select_n3A_21 : vector<16xi1>, vector<16xi32>
      %select_n3A_23 = arith.select %gt3A, %get3A_16, %get3A_6 : vector<16xi1>, vector<16xf32>
      %select_n3A_24 = arith.select %gt3A, %broadcast_in_dim3A_18, %broadcast_in_dim3A_7 : vector<16xi1>, vector<16xi32>
      %add3A_25 = arith.constant 256 : i32
      %add3A_26 = arith.addi %add3A_25, %mul3A_4 : i32
      %get3A_27 = arith.index_cast %add3A_26 : i32 to index
      %get3A_28 = tpu.vector_load %arg4[%get3A_27] {strides = array<i32>} : memref<8192xf32, #tpu.memory_space<vmem>>, vector<16xf32>,
      %get3A_29 = vector.shape_cast %get3A_28 : vector<16xf32> to vector<16xf32>
      %broadcast_in_dim3A_30 = arith.constant 2 : i32
      %broadcast_in_dim3A_31 = vector.broadcast %broadcast_in_dim3A_30 : i32 to vector<16xi32>
      %gt3A_32 = arith.cmpf ogt, %get3A_29, %select_n3A_23 : vector<16xf32>
      %gt3A_33 = arith.cmpf ogt, %get3A_29, %select_n3A_20 : vector<16xf32>
      %select_n3A_34 = arith.select %gt3A_33, %get3A_29, %select_n3A_20 : vector<16xi1>, vector<16xf32>
      %select_n3A_35 = arith.select %gt3A_32, %select_n3A_23, %select_n3A_34 : vector<16xi1>, vector<16xf32>
      %select_n3A_36 = arith.select %gt3A_33, %broadcast_in_dim3A_31, %select_n3A_22 : vector<16xi1>, vector<16xi32>
      %select_n3A_37 = arith.select %gt3A_32, %select_n3A_24, %select_n3A_36 : vector<16xi1>, vector<16xi32>
      %select_n3A_38 = arith.select %gt3A_32, %get3A_29, %select_n3A_23 : vector<16xi1>, vector<16xf32>
      %select_n3A_39 = arith.select %gt3A_32, %broadcast_in_dim3A_31, %select_n3A_24 : vector<16xi1>, vector<16xi32>
      %add3A_40 = arith.constant 384 : i32
      %add3A_41 = arith.addi %add3A_40, %mul3A_4 : i32
      %get3A_42 = arith.index_cast %add3A_41 : i32 to index
      %get3A_43 = tpu.vector_load %arg4[%get3A_42] {strides = array<i32>} : memref<8192xf32, #tpu.memory_space<vmem>>, vector<16xf32>,
      %get3A_44 = vector.shape_cast %get3A_43 : vector<16xf32> to vector<16xf32>
      %broadcast_in_dim3A_45 = arith.constant 3 : i32
      %broadcast_in_dim3A_46 = vector.broadcast %broadcast_in_dim3A_45 : i32 to vector<16xi32>
      %gt3A_47 = arith.cmpf ogt, %get3A_44, %select_n3A_38 : vector<16xf32>
      %gt3A_48 = arith.cmpf ogt, %get3A_44, %select_n3A_35 : vector<16xf32>
      %select_n3A_49 = arith.select %gt3A_48, %get3A_44, %select_n3A_35 : vector<16xi1>, vector<16xf32>
      %select_n3A_50 = arith.select %gt3A_47, %select_n3A_38, %select_n3A_49 : vector<16xi1>, vector<16xf32>
      %select_n3A_51 = arith.select %gt3A_48, %broadcast_in_dim3A_46, %select_n3A_37 : vector<16xi1>, vector<16xi32>
      %select_n3A_52 = arith.select %gt3A_47, %select_n3A_39, %select_n3A_51 : vector<16xi1>, vector<16xi32>
      %select_n3A_53 = arith.select %gt3A_47, %get3A_44, %select_n3A_38 : vector<16xi1>, vector<16xf32>
      %select_n3A_54 = arith.select %gt3A_47, %broadcast_in_dim3A_46, %select_n3A_39 : vector<16xi1>, vector<16xi32>
      %add3A_55 = arith.constant 512 : i32
      %add3A_56 = arith.addi %add3A_55, %mul3A_4 : i32
      %get3A_57 = arith.index_cast %add3A_56 : i32 to index
      %get3A_58 = tpu.vector_load %arg4[%get3A_57] {strides = array<i32>} : memref<8192xf32, #tpu.memory_space<vmem>>, vector<16xf32>,
      %get3A_59 = vector.shape_cast %get3A_58 : vector<16xf32> to vector<16xf32>
      %broadcast_in_dim3A_60 = arith.constant 4 : i32
      %broadcast_in_dim3A_61 = vector.broadcast %broadcast_in_dim3A_60 : i32 to vector<16xi32>
      %gt3A_62 = arith.cmpf ogt, %get3A_59, %select_n3A_53 : vector<16xf32>
      %gt3A_63 = arith.cmpf ogt, %get3A_59, %select_n3A_50 : vector<16xf32>
      %select_n3A_64 = arith.select %gt3A_63, %get3A_59, %select_n3A_50 : vector<16xi1>, vector<16xf32>
      %select_n3A_65 = arith.select %gt3A_62, %select_n3A_53, %select_n3A_64 : vector<16xi1>, vector<16xf32>
      %select_n3A_66 = arith.select %gt3A_63, %broadcast_in_dim3A_61, %select_n3A_52 : vector<16xi1>, vector<16xi32>
      %select_n3A_67 = arith.select %gt3A_62, %select_n3A_54, %select_n3A_66 : vector<16xi1>, vector<16xi32>
      %select_n3A_68 = arith.select %gt3A_62, %get3A_59, %select_n3A_53 : vector<16xi1>, vector<16xf32>
      %select_n3A_69 = arith.select %gt3A_62, %broadcast_in_dim3A_61, %select_n3A_54 : vector<16xi1>, vector<16xi32>
      %add3A_70 = arith.constant 640 : i32
      %add3A_71 = arith.addi %add3A_70, %mul3A_4 : i32
      %get3A_72 = arith.index_cast %add3A_71 : i32 to index
      %get3A_73 = tpu.vector_load %arg4[%get3A_72] {strides = array<i32>} : memref<8192xf32, #tpu.memory_space<vmem>>, vector<16xf32>,
      %get3A_74 = vector.shape_cast %get3A_73 : vector<16xf32> to vector<16xf32>
      %broadcast_in_dim3A_75 = arith.constant 5 : i32
      %broadcast_in_dim3A_76 = vector.broadcast %broadcast_in_dim3A_75 : i32 to vector<16xi32>
      %gt3A_77 = arith.cmpf ogt, %get3A_74, %select_n3A_68 : vector<16xf32>
      %gt3A_78 = arith.cmpf ogt, %get3A_74, %select_n3A_65 : vector<16xf32>
      %select_n3A_79 = arith.select %gt3A_78, %get3A_74, %select_n3A_65 : vector<16xi1>, vector<16xf32>
      %select_n3A_80 = arith.select %gt3A_77, %select_n3A_68, %select_n3A_79 : vector<16xi1>, vector<16xf32>
      %select_n3A_81 = arith.select %gt3A_78, %broadcast_in_dim3A_76, %select_n3A_67 : vector<16xi1>, vector<16xi32>
      %select_n3A_82 = arith.select %gt3A_77, %select_n3A_69, %select_n3A_81 : vector<16xi1>, vector<16xi32>
      %select_n3A_83 = arith.select %gt3A_77, %get3A_74, %select_n3A_68 : vector<16xi1>, vector<16xf32>
      %select_n3A_84 = arith.select %gt3A_77, %broadcast_in_dim3A_76, %select_n3A_69 : vector<16xi1>, vector<16xi32>
      %add3A_85 = arith.constant 768 : i32
      %add3A_86 = arith.addi %add3A_85, %mul3A_4 : i32
      %get3A_87 = arith.index_cast %add3A_86 : i32 to index
      %get3A_88 = tpu.vector_load %arg4[%get3A_87] {strides = array<i32>} : memref<8192xf32, #tpu.memory_space<vmem>>, vector<16xf32>,
      %get3A_89 = vector.shape_cast %get3A_88 : vector<16xf32> to vector<16xf32>
      %broadcast_in_dim3A_90 = arith.constant 6 : i32
      %broadcast_in_dim3A_91 = vector.broadcast %broadcast_in_dim3A_90 : i32 to vector<16xi32>
      %gt3A_92 = arith.cmpf ogt, %get3A_89, %select_n3A_83 : vector<16xf32>
      %gt3A_93 = arith.cmpf ogt, %get3A_89, %select_n3A_80 : vector<16xf32>
      %select_n3A_94 = arith.select %gt3A_93, %get3A_89, %select_n3A_80 : vector<16xi1>, vector<16xf32>
      %select_n3A_95 = arith.select %gt3A_92, %select_n3A_83, %select_n3A_94 : vector<16xi1>, vector<16xf32>
      %select_n3A_96 = arith.select %gt3A_93, %broadcast_in_dim3A_91, %select_n3A_82 : vector<16xi1>, vector<16xi32>
      %select_n3A_97 = arith.select %gt3A_92, %select_n3A_84, %select_n3A_96 : vector<16xi1>, vector<16xi32>
      %select_n3A_98 = arith.select %gt3A_92, %get3A_89, %select_n3A_83 : vector<16xi1>, vector<16xf32>
      %select_n3A_99 = arith.select %gt3A_92, %broadcast_in_dim3A_91, %select_n3A_84 : vector<16xi1>, vector<16xi32>
      %add3A_100 = arith.constant 896 : i32
      %add3A_101 = arith.addi %add3A_100, %mul3A_4 : i32
      %get3A_102 = arith.index_cast %add3A_101 : i32 to index
      %get3A_103 = tpu.vector_load %arg4[%get3A_102] {strides = array<i32>} : memref<8192xf32, #tpu.memory_space<vmem>>, vector<16xf32>,
      %get3A_104 = vector.shape_cast %get3A_103 : vector<16xf32> to vector<16xf32>
      %broadcast_in_dim3A_105 = arith.constant 7 : i32
      %broadcast_in_dim3A_106 = vector.broadcast %broadcast_in_dim3A_105 : i32 to vector<16xi32>
      %gt3A_107 = arith.cmpf ogt, %get3A_104, %select_n3A_98 : vector<16xf32>
      %gt3A_108 = arith.cmpf ogt, %get3A_104, %select_n3A_95 : vector<16xf32>
      %select_n3A_109 = arith.select %gt3A_108, %get3A_104, %select_n3A_95 : vector<16xi1>, vector<16xf32>
      %select_n3A_110 = arith.select %gt3A_107, %select_n3A_98, %select_n3A_109 : vector<16xi1>, vector<16xf32>
      %select_n3A_111 = arith.select %gt3A_108, %broadcast_in_dim3A_106, %select_n3A_97 : vector<16xi1>, vector<16xi32>
      %select_n3A_112 = arith.select %gt3A_107, %select_n3A_99, %select_n3A_111 : vector<16xi1>, vector<16xi32>
      %select_n3A_113 = arith.select %gt3A_107, %get3A_104, %select_n3A_98 : vector<16xi1>, vector<16xf32>
      %select_n3A_114 = arith.select %gt3A_107, %broadcast_in_dim3A_106, %select_n3A_99 : vector<16xi1>, vector<16xi32>
      %add3A_115 = arith.constant 1024 : i32
      %add3A_116 = arith.addi %add3A_115, %mul3A_4 : i32
      %get3A_117 = arith.index_cast %add3A_116 : i32 to index
      %get3A_118 = tpu.vector_load %arg4[%get3A_117] {strides = array<i32>} : memref<8192xf32, #tpu.memory_space<vmem>>, vector<16xf32>,
      %get3A_119 = vector.shape_cast %get3A_118 : vector<16xf32> to vector<16xf32>
      %broadcast_in_dim3A_120 = arith.constant 8 : i32
      %broadcast_in_dim3A_121 = vector.broadcast %broadcast_in_dim3A_120 : i32 to vector<16xi32>
      %gt3A_122 = arith.cmpf ogt, %get3A_119, %select_n3A_113 : vector<16xf32>
      %gt3A_123 = arith.cmpf ogt, %get3A_119, %select_n3A_110 : vector<16xf32>
      %select_n3A_124 = arith.select %gt3A_123, %get3A_119, %select_n3A_110 : vector<16xi1>, vector<16xf32>
      %select_n3A_125 = arith.select %gt3A_122, %select_n3A_113, %select_n3A_124 : vector<16xi1>, vector<16xf32>
      %select_n3A_126 = arith.select %gt3A_123, %broadcast_in_dim3A_121, %select_n3A_112 : vector<16xi1>, vector<16xi32>
      %select_n3A_127 = arith.select %gt3A_122, %select_n3A_114, %select_n3A_126 : vector<16xi1>, vector<16xi32>
      %select_n3A_128 = arith.select %gt3A_122, %get3A_119, %select_n3A_113 : vector<16xi1>, vector<16xf32>
      %select_n3A_129 = arith.select %gt3A_122, %broadcast_in_dim3A_121, %select_n3A_114 : vector<16xi1>, vector<16xi32>
      %add3A_130 = arith.constant 1152 : i32
      %add3A_131 = arith.addi %add3A_130, %mul3A_4 : i32
      %get3A_132 = arith.index_cast %add3A_131 : i32 to index
      %get3A_133 = tpu.vector_load %arg4[%get3A_132] {strides = array<i32>} : memref<8192xf32, #tpu.memory_space<vmem>>, vector<16xf32>,
      %get3A_134 = vector.shape_cast %get3A_133 : vector<16xf32> to vector<16xf32>
      %broadcast_in_dim3A_135 = arith.constant 9 : i32
      %broadcast_in_dim3A_136 = vector.broadcast %broadcast_in_dim3A_135 : i32 to vector<16xi32>
      %gt3A_137 = arith.cmpf ogt, %get3A_134, %select_n3A_128 : vector<16xf32>
      %gt3A_138 = arith.cmpf ogt, %get3A_134, %select_n3A_125 : vector<16xf32>
      %select_n3A_139 = arith.select %gt3A_138, %get3A_134, %select_n3A_125 : vector<16xi1>, vector<16xf32>
      %select_n3A_140 = arith.select %gt3A_137, %select_n3A_128, %select_n3A_139 : vector<16xi1>, vector<16xf32>
      %select_n3A_141 = arith.select %gt3A_138, %broadcast_in_dim3A_136, %select_n3A_127 : vector<16xi1>, vector<16xi32>
      %select_n3A_142 = arith.select %gt3A_137, %select_n3A_129, %select_n3A_141 : vector<16xi1>, vector<16xi32>
      %select_n3A_143 = arith.select %gt3A_137, %get3A_134, %select_n3A_128 : vector<16xi1>, vector<16xf32>
      %select_n3A_144 = arith.select %gt3A_137, %broadcast_in_dim3A_136, %select_n3A_129 : vector<16xi1>, vector<16xi32>
      %add3A_145 = arith.constant 1280 : i32
      %add3A_146 = arith.addi %add3A_145, %mul3A_4 : i32
      %get3A_147 = arith.index_cast %add3A_146 : i32 to index
      %get3A_148 = tpu.vector_load %arg4[%get3A_147] {strides = array<i32>} : memref<8192xf32, #tpu.memory_space<vmem>>, vector<16xf32>,
      %get3A_149 = vector.shape_cast %get3A_148 : vector<16xf32> to vector<16xf32>
      %broadcast_in_dim3A_150 = arith.constant 10 : i32
      %broadcast_in_dim3A_151 = vector.broadcast %broadcast_in_dim3A_150 : i32 to vector<16xi32>
      %gt3A_152 = arith.cmpf ogt, %get3A_149, %select_n3A_143 : vector<16xf32>
      %gt3A_153 = arith.cmpf ogt, %get3A_149, %select_n3A_140 : vector<16xf32>
      %select_n3A_154 = arith.select %gt3A_153, %get3A_149, %select_n3A_140 : vector<16xi1>, vector<16xf32>
      %select_n3A_155 = arith.select %gt3A_152, %select_n3A_143, %select_n3A_154 : vector<16xi1>, vector<16xf32>
      %select_n3A_156 = arith.select %gt3A_153, %broadcast_in_dim3A_151, %select_n3A_142 : vector<16xi1>, vector<16xi32>
      %select_n3A_157 = arith.select %gt3A_152, %select_n3A_144, %select_n3A_156 : vector<16xi1>, vector<16xi32>
      %select_n3A_158 = arith.select %gt3A_152, %get3A_149, %select_n3A_143 : vector<16xi1>, vector<16xf32>
      %select_n3A_159 = arith.select %gt3A_152, %broadcast_in_dim3A_151, %select_n3A_144 : vector<16xi1>, vector<16xi32>
      %add3A_160 = arith.constant 1408 : i32
      %add3A_161 = arith.addi %add3A_160, %mul3A_4 : i32
      %get3A_162 = arith.index_cast %add3A_161 : i32 to index
      %get3A_163 = tpu.vector_load %arg4[%get3A_162] {strides = array<i32>} : memref<8192xf32, #tpu.memory_space<vmem>>, vector<16xf32>,
      %get3A_164 = vector.shape_cast %get3A_163 : vector<16xf32> to vector<16xf32>
      %broadcast_in_dim3A_165 = arith.constant 11 : i32
      %broadcast_in_dim3A_166 = vector.broadcast %broadcast_in_dim3A_165 : i32 to vector<16xi32>
      %gt3A_167 = arith.cmpf ogt, %get3A_164, %select_n3A_158 : vector<16xf32>
      %gt3A_168 = arith.cmpf ogt, %get3A_164, %select_n3A_155 : vector<16xf32>
      %select_n3A_169 = arith.select %gt3A_168, %get3A_164, %select_n3A_155 : vector<16xi1>, vector<16xf32>
      %select_n3A_170 = arith.select %gt3A_167, %select_n3A_158, %select_n3A_169 : vector<16xi1>, vector<16xf32>
      %select_n3A_171 = arith.select %gt3A_168, %broadcast_in_dim3A_166, %select_n3A_157 : vector<16xi1>, vector<16xi32>
      %select_n3A_172 = arith.select %gt3A_167, %select_n3A_159, %select_n3A_171 : vector<16xi1>, vector<16xi32>
      %select_n3A_173 = arith.select %gt3A_167, %get3A_164, %select_n3A_158 : vector<16xi1>, vector<16xf32>
      %select_n3A_174 = arith.select %gt3A_167, %broadcast_in_dim3A_166, %select_n3A_159 : vector<16xi1>, vector<16xi32>
      %add3A_175 = arith.constant 1536 : i32
      %add3A_176 = arith.addi %add3A_175, %mul3A_4 : i32
      %get3A_177 = arith.index_cast %add3A_176 : i32 to index
      %get3A_178 = tpu.vector_load %arg4[%get3A_177] {strides = array<i32>} : memref<8192xf32, #tpu.memory_space<vmem>>, vector<16xf32>,
      %get3A_179 = vector.shape_cast %get3A_178 : vector<16xf32> to vector<16xf32>
      %broadcast_in_dim3A_180 = arith.constant 12 : i32
      %broadcast_in_dim3A_181 = vector.broadcast %broadcast_in_dim3A_180 : i32 to vector<16xi32>
      %gt3A_182 = arith.cmpf ogt, %get3A_179, %select_n3A_173 : vector<16xf32>
      %gt3A_183 = arith.cmpf ogt, %get3A_179, %select_n3A_170 : vector<16xf32>
      %select_n3A_184 = arith.select %gt3A_183, %get3A_179, %select_n3A_170 : vector<16xi1>, vector<16xf32>
      %select_n3A_185 = arith.select %gt3A_182, %select_n3A_173, %select_n3A_184 : vector<16xi1>, vector<16xf32>
      %select_n3A_186 = arith.select %gt3A_183, %broadcast_in_dim3A_181, %select_n3A_172 : vector<16xi1>, vector<16xi32>
      %select_n3A_187 = arith.select %gt3A_182, %select_n3A_174, %select_n3A_186 : vector<16xi1>, vector<16xi32>
      %select_n3A_188 = arith.select %gt3A_182, %get3A_179, %select_n3A_173 : vector<16xi1>, vector<16xf32>
      %select_n3A_189 = arith.select %gt3A_182, %broadcast_in_dim3A_181, %select_n3A_174 : vector<16xi1>, vector<16xi32>
      %add3A_190 = arith.constant 1664 : i32
      %add3A_191 = arith.addi %add3A_190, %mul3A_4 : i32
      %get3A_192 = arith.index_cast %add3A_191 : i32 to index
      %get3A_193 = tpu.vector_load %arg4[%get3A_192] {strides = array<i32>} : memref<8192xf32, #tpu.memory_space<vmem>>, vector<16xf32>,
      %get3A_194 = vector.shape_cast %get3A_193 : vector<16xf32> to vector<16xf32>
      %broadcast_in_dim3A_195 = arith.constant 13 : i32
      %broadcast_in_dim3A_196 = vector.broadcast %broadcast_in_dim3A_195 : i32 to vector<16xi32>
      %gt3A_197 = arith.cmpf ogt, %get3A_194, %select_n3A_188 : vector<16xf32>
      %gt3A_198 = arith.cmpf ogt, %get3A_194, %select_n3A_185 : vector<16xf32>
      %select_n3A_199 = arith.select %gt3A_198, %get3A_194, %select_n3A_185 : vector<16xi1>, vector<16xf32>
      %select_n3A_200 = arith.select %gt3A_197, %select_n3A_188, %select_n3A_199 : vector<16xi1>, vector<16xf32>
      %select_n3A_201 = arith.select %gt3A_198, %broadcast_in_dim3A_196, %select_n3A_187 : vector<16xi1>, vector<16xi32>
      %select_n3A_202 = arith.select %gt3A_197, %select_n3A_189, %select_n3A_201 : vector<16xi1>, vector<16xi32>
      %select_n3A_203 = arith.select %gt3A_197, %get3A_194, %select_n3A_188 : vector<16xi1>, vector<16xf32>
      %select_n3A_204 = arith.select %gt3A_197, %broadcast_in_dim3A_196, %select_n3A_189 : vector<16xi1>, vector<16xi32>
      %add3A_205 = arith.constant 1792 : i32
      %add3A_206 = arith.addi %add3A_205, %mul3A_4 : i32
      %get3A_207 = arith.index_cast %add3A_206 : i32 to index
      %get3A_208 = tpu.vector_load %arg4[%get3A_207] {strides = array<i32>} : memref<8192xf32, #tpu.memory_space<vmem>>, vector<16xf32>,
      %get3A_209 = vector.shape_cast %get3A_208 : vector<16xf32> to vector<16xf32>
      %broadcast_in_dim3A_210 = arith.constant 14 : i32
      %broadcast_in_dim3A_211 = vector.broadcast %broadcast_in_dim3A_210 : i32 to vector<16xi32>
      %gt3A_212 = arith.cmpf ogt, %get3A_209, %select_n3A_203 : vector<16xf32>
      %gt3A_213 = arith.cmpf ogt, %get3A_209, %select_n3A_200 : vector<16xf32>
      %select_n3A_214 = arith.select %gt3A_213, %get3A_209, %select_n3A_200 : vector<16xi1>, vector<16xf32>
      %select_n3A_215 = arith.select %gt3A_212, %select_n3A_203, %select_n3A_214 : vector<16xi1>, vector<16xf32>
      %select_n3A_216 = arith.select %gt3A_213, %broadcast_in_dim3A_211, %select_n3A_202 : vector<16xi1>, vector<16xi32>
      %select_n3A_217 = arith.select %gt3A_212, %select_n3A_204, %select_n3A_216 : vector<16xi1>, vector<16xi32>
      %select_n3A_218 = arith.select %gt3A_212, %get3A_209, %select_n3A_203 : vector<16xi1>, vector<16xf32>
      %select_n3A_219 = arith.select %gt3A_212, %broadcast_in_dim3A_211, %select_n3A_204 : vector<16xi1>, vector<16xi32>
      %add3A_220 = arith.constant 1920 : i32
      %add3A_221 = arith.addi %add3A_220, %mul3A_4 : i32
      %get3A_222 = arith.index_cast %add3A_221 : i32 to index
      %get3A_223 = tpu.vector_load %arg4[%get3A_222] {strides = array<i32>} : memref<8192xf32, #tpu.memory_space<vmem>>, vector<16xf32>,
      %get3A_224 = vector.shape_cast %get3A_223 : vector<16xf32> to vector<16xf32>
      %broadcast_in_dim3A_225 = arith.constant 15 : i32
      %broadcast_in_dim3A_226 = vector.broadcast %broadcast_in_dim3A_225 : i32 to vector<16xi32>
      %gt3A_227 = arith.cmpf ogt, %get3A_224, %select_n3A_218 : vector<16xf32>
      %gt3A_228 = arith.cmpf ogt, %get3A_224, %select_n3A_215 : vector<16xf32>
      %select_n3A_229 = arith.select %gt3A_228, %get3A_224, %select_n3A_215 : vector<16xi1>, vector<16xf32>
      %select_n3A_230 = arith.select %gt3A_227, %select_n3A_218, %select_n3A_229 : vector<16xi1>, vector<16xf32>
      %select_n3A_231 = arith.select %gt3A_228, %broadcast_in_dim3A_226, %select_n3A_217 : vector<16xi1>, vector<16xi32>
      %select_n3A_232 = arith.select %gt3A_227, %select_n3A_219, %select_n3A_231 : vector<16xi1>, vector<16xi32>
      %select_n3A_233 = arith.select %gt3A_227, %get3A_224, %select_n3A_218 : vector<16xi1>, vector<16xf32>
      %select_n3A_234 = arith.select %gt3A_227, %broadcast_in_dim3A_226, %select_n3A_219 : vector<16xi1>, vector<16xi32>
      %add3A_235 = arith.constant 2048 : i32
      %add3A_236 = arith.addi %add3A_235, %mul3A_4 : i32
      %get3A_237 = arith.index_cast %add3A_236 : i32 to index
      %get3A_238 = tpu.vector_load %arg4[%get3A_237] {strides = array<i32>} : memref<8192xf32, #tpu.memory_space<vmem>>, vector<16xf32>,
      %get3A_239 = vector.shape_cast %get3A_238 : vector<16xf32> to vector<16xf32>
      %broadcast_in_dim3A_240 = arith.constant 16 : i32
      %broadcast_in_dim3A_241 = vector.broadcast %broadcast_in_dim3A_240 : i32 to vector<16xi32>
      %gt3A_242 = arith.cmpf ogt, %get3A_239, %select_n3A_233 : vector<16xf32>
      %gt3A_243 = arith.cmpf ogt, %get3A_239, %select_n3A_230 : vector<16xf32>
      %select_n3A_244 = arith.select %gt3A_243, %get3A_239, %select_n3A_230 : vector<16xi1>, vector<16xf32>
      %select_n3A_245 = arith.select %gt3A_242, %select_n3A_233, %select_n3A_244 : vector<16xi1>, vector<16xf32>
      %select_n3A_246 = arith.select %gt3A_243, %broadcast_in_dim3A_241, %select_n3A_232 : vector<16xi1>, vector<16xi32>
      %select_n3A_247 = arith.select %gt3A_242, %select_n3A_234, %select_n3A_246 : vector<16xi1>, vector<16xi32>
      %select_n3A_248 = arith.select %gt3A_242, %get3A_239, %select_n3A_233 : vector<16xi1>, vector<16xf32>
      %select_n3A_249 = arith.select %gt3A_242, %broadcast_in_dim3A_241, %select_n3A_234 : vector<16xi1>, vector<16xi32>
      %add3A_250 = arith.constant 2176 : i32
      %add3A_251 = arith.addi %add3A_250, %mul3A_4 : i32
      %get3A_252 = arith.index_cast %add3A_251 : i32 to index
      %get3A_253 = tpu.vector_load %arg4[%get3A_252] {strides = array<i32>} : memref<8192xf32, #tpu.memory_space<vmem>>, vector<16xf32>,
      %get3A_254 = vector.shape_cast %get3A_253 : vector<16xf32> to vector<16xf32>
      %broadcast_in_dim3A_255 = arith.constant 17 : i32
      %broadcast_in_dim3A_256 = vector.broadcast %broadcast_in_dim3A_255 : i32 to vector<16xi32>
      %gt3A_257 = arith.cmpf ogt, %get3A_254, %select_n3A_248 : vector<16xf32>
      %gt3A_258 = arith.cmpf ogt, %get3A_254, %select_n3A_245 : vector<16xf32>
      %select_n3A_259 = arith.select %gt3A_258, %get3A_254, %select_n3A_245 : vector<16xi1>, vector<16xf32>
      %select_n3A_260 = arith.select %gt3A_257, %select_n3A_248, %select_n3A_259 : vector<16xi1>, vector<16xf32>
      %select_n3A_261 = arith.select %gt3A_258, %broadcast_in_dim3A_256, %select_n3A_247 : vector<16xi1>, vector<16xi32>
      %select_n3A_262 = arith.select %gt3A_257, %select_n3A_249, %select_n3A_261 : vector<16xi1>, vector<16xi32>
      %select_n3A_263 = arith.select %gt3A_257, %get3A_254, %select_n3A_248 : vector<16xi1>, vector<16xf32>
      %select_n3A_264 = arith.select %gt3A_257, %broadcast_in_dim3A_256, %select_n3A_249 : vector<16xi1>, vector<16xi32>
      %add3A_265 = arith.constant 2304 : i32
      %add3A_266 = arith.addi %add3A_265, %mul3A_4 : i32
      %get3A_267 = arith.index_cast %add3A_266 : i32 to index
      %get3A_268 = tpu.vector_load %arg4[%get3A_267] {strides = array<i32>} : memref<8192xf32, #tpu.memory_space<vmem>>, vector<16xf32>,
      %get3A_269 = vector.shape_cast %get3A_268 : vector<16xf32> to vector<16xf32>
      %broadcast_in_dim3A_270 = arith.constant 18 : i32
      %broadcast_in_dim3A_271 = vector.broadcast %broadcast_in_dim3A_270 : i32 to vector<16xi32>
      %gt3A_272 = arith.cmpf ogt, %get3A_269, %select_n3A_263 : vector<16xf32>
      %gt3A_273 = arith.cmpf ogt, %get3A_269, %select_n3A_260 : vector<16xf32>
      %select_n3A_274 = arith.select %gt3A_273, %get3A_269, %select_n3A_260 : vector<16xi1>, vector<16xf32>
      %select_n3A_275 = arith.select %gt3A_272, %select_n3A_263, %select_n3A_274 : vector<16xi1>, vector<16xf32>
      %select_n3A_276 = arith.select %gt3A_273, %broadcast_in_dim3A_271, %select_n3A_262 : vector<16xi1>, vector<16xi32>
      %select_n3A_277 = arith.select %gt3A_272, %select_n3A_264, %select_n3A_276 : vector<16xi1>, vector<16xi32>
      %select_n3A_278 = arith.select %gt3A_272, %get3A_269, %select_n3A_263 : vector<16xi1>, vector<16xf32>
      %select_n3A_279 = arith.select %gt3A_272, %broadcast_in_dim3A_271, %select_n3A_264 : vector<16xi1>, vector<16xi32>
      %add3A_280 = arith.constant 2432 : i32
      %add3A_281 = arith.addi %add3A_280, %mul3A_4 : i32
      %get3A_282 = arith.index_cast %add3A_281 : i32 to index
      %get3A_283 = tpu.vector_load %arg4[%get3A_282] {strides = array<i32>} : memref<8192xf32, #tpu.memory_space<vmem>>, vector<16xf32>,
      %get3A_284 = vector.shape_cast %get3A_283 : vector<16xf32> to vector<16xf32>
      %broadcast_in_dim3A_285 = arith.constant 19 : i32
      %broadcast_in_dim3A_286 = vector.broadcast %broadcast_in_dim3A_285 : i32 to vector<16xi32>
      %gt3A_287 = arith.cmpf ogt, %get3A_284, %select_n3A_278 : vector<16xf32>
      %gt3A_288 = arith.cmpf ogt, %get3A_284, %select_n3A_275 : vector<16xf32>
      %select_n3A_289 = arith.select %gt3A_288, %get3A_284, %select_n3A_275 : vector<16xi1>, vector<16xf32>
      %select_n3A_290 = arith.select %gt3A_287, %select_n3A_278, %select_n3A_289 : vector<16xi1>, vector<16xf32>
      %select_n3A_291 = arith.select %gt3A_288, %broadcast_in_dim3A_286, %select_n3A_277 : vector<16xi1>, vector<16xi32>
      %select_n3A_292 = arith.select %gt3A_287, %select_n3A_279, %select_n3A_291 : vector<16xi1>, vector<16xi32>
      %select_n3A_293 = arith.select %gt3A_287, %get3A_284, %select_n3A_278 : vector<16xi1>, vector<16xf32>
      %select_n3A_294 = arith.select %gt3A_287, %broadcast_in_dim3A_286, %select_n3A_279 : vector<16xi1>, vector<16xi32>
      %add3A_295 = arith.constant 2560 : i32
      %add3A_296 = arith.addi %add3A_295, %mul3A_4 : i32
      %get3A_297 = arith.index_cast %add3A_296 : i32 to index
      %get3A_298 = tpu.vector_load %arg4[%get3A_297] {strides = array<i32>} : memref<8192xf32, #tpu.memory_space<vmem>>, vector<16xf32>,
      %get3A_299 = vector.shape_cast %get3A_298 : vector<16xf32> to vector<16xf32>
      %broadcast_in_dim3A_300 = arith.constant 20 : i32
      %broadcast_in_dim3A_301 = vector.broadcast %broadcast_in_dim3A_300 : i32 to vector<16xi32>
      %gt3A_302 = arith.cmpf ogt, %get3A_299, %select_n3A_293 : vector<16xf32>
      %gt3A_303 = arith.cmpf ogt, %get3A_299, %select_n3A_290 : vector<16xf32>
      %select_n3A_304 = arith.select %gt3A_303, %get3A_299, %select_n3A_290 : vector<16xi1>, vector<16xf32>
      %select_n3A_305 = arith.select %gt3A_302, %select_n3A_293, %select_n3A_304 : vector<16xi1>, vector<16xf32>
      %select_n3A_306 = arith.select %gt3A_303, %broadcast_in_dim3A_301, %select_n3A_292 : vector<16xi1>, vector<16xi32>
      %select_n3A_307 = arith.select %gt3A_302, %select_n3A_294, %select_n3A_306 : vector<16xi1>, vector<16xi32>
      %select_n3A_308 = arith.select %gt3A_302, %get3A_299, %select_n3A_293 : vector<16xi1>, vector<16xf32>
      %select_n3A_309 = arith.select %gt3A_302, %broadcast_in_dim3A_301, %select_n3A_294 : vector<16xi1>, vector<16xi32>
      %add3A_310 = arith.constant 2688 : i32
      %add3A_311 = arith.addi %add3A_310, %mul3A_4 : i32
      %get3A_312 = arith.index_cast %add3A_311 : i32 to index
      %get3A_313 = tpu.vector_load %arg4[%get3A_312] {strides = array<i32>} : memref<8192xf32, #tpu.memory_space<vmem>>, vector<16xf32>,
      %get3A_314 = vector.shape_cast %get3A_313 : vector<16xf32> to vector<16xf32>
      %broadcast_in_dim3A_315 = arith.constant 21 : i32
      %broadcast_in_dim3A_316 = vector.broadcast %broadcast_in_dim3A_315 : i32 to vector<16xi32>
      %gt3A_317 = arith.cmpf ogt, %get3A_314, %select_n3A_308 : vector<16xf32>
      %gt3A_318 = arith.cmpf ogt, %get3A_314, %select_n3A_305 : vector<16xf32>
      %select_n3A_319 = arith.select %gt3A_318, %get3A_314, %select_n3A_305 : vector<16xi1>, vector<16xf32>
      %select_n3A_320 = arith.select %gt3A_317, %select_n3A_308, %select_n3A_319 : vector<16xi1>, vector<16xf32>
      %select_n3A_321 = arith.select %gt3A_318, %broadcast_in_dim3A_316, %select_n3A_307 : vector<16xi1>, vector<16xi32>
      %select_n3A_322 = arith.select %gt3A_317, %select_n3A_309, %select_n3A_321 : vector<16xi1>, vector<16xi32>
      %select_n3A_323 = arith.select %gt3A_317, %get3A_314, %select_n3A_308 : vector<16xi1>, vector<16xf32>
      %select_n3A_324 = arith.select %gt3A_317, %broadcast_in_dim3A_316, %select_n3A_309 : vector<16xi1>, vector<16xi32>
      %add3A_325 = arith.constant 2816 : i32
      %add3A_326 = arith.addi %add3A_325, %mul3A_4 : i32
      %get3A_327 = arith.index_cast %add3A_326 : i32 to index
      %get3A_328 = tpu.vector_load %arg4[%get3A_327] {strides = array<i32>} : memref<8192xf32, #tpu.memory_space<vmem>>, vector<16xf32>,
      %get3A_329 = vector.shape_cast %get3A_328 : vector<16xf32> to vector<16xf32>
      %broadcast_in_dim3A_330 = arith.constant 22 : i32
      %broadcast_in_dim3A_331 = vector.broadcast %broadcast_in_dim3A_330 : i32 to vector<16xi32>
      %gt3A_332 = arith.cmpf ogt, %get3A_329, %select_n3A_323 : vector<16xf32>
      %gt3A_333 = arith.cmpf ogt, %get3A_329, %select_n3A_320 : vector<16xf32>
      %select_n3A_334 = arith.select %gt3A_333, %get3A_329, %select_n3A_320 : vector<16xi1>, vector<16xf32>
      %select_n3A_335 = arith.select %gt3A_332, %select_n3A_323, %select_n3A_334 : vector<16xi1>, vector<16xf32>
      %select_n3A_336 = arith.select %gt3A_333, %broadcast_in_dim3A_331, %select_n3A_322 : vector<16xi1>, vector<16xi32>
      %select_n3A_337 = arith.select %gt3A_332, %select_n3A_324, %select_n3A_336 : vector<16xi1>, vector<16xi32>
      %select_n3A_338 = arith.select %gt3A_332, %get3A_329, %select_n3A_323 : vector<16xi1>, vector<16xf32>
      %select_n3A_339 = arith.select %gt3A_332, %broadcast_in_dim3A_331, %select_n3A_324 : vector<16xi1>, vector<16xi32>
      %add3A_340 = arith.constant 2944 : i32
      %add3A_341 = arith.addi %add3A_340, %mul3A_4 : i32
      %get3A_342 = arith.index_cast %add3A_341 : i32 to index
      %get3A_343 = tpu.vector_load %arg4[%get3A_342] {strides = array<i32>} : memref<8192xf32, #tpu.memory_space<vmem>>, vector<16xf32>,
      %get3A_344 = vector.shape_cast %get3A_343 : vector<16xf32> to vector<16xf32>
      %broadcast_in_dim3A_345 = arith.constant 23 : i32
      %broadcast_in_dim3A_346 = vector.broadcast %broadcast_in_dim3A_345 : i32 to vector<16xi32>
      %gt3A_347 = arith.cmpf ogt, %get3A_344, %select_n3A_338 : vector<16xf32>
      %gt3A_348 = arith.cmpf ogt, %get3A_344, %select_n3A_335 : vector<16xf32>
      %select_n3A_349 = arith.select %gt3A_348, %get3A_344, %select_n3A_335 : vector<16xi1>, vector<16xf32>
      %select_n3A_350 = arith.select %gt3A_347, %select_n3A_338, %select_n3A_349 : vector<16xi1>, vector<16xf32>
      %select_n3A_351 = arith.select %gt3A_348, %broadcast_in_dim3A_346, %select_n3A_337 : vector<16xi1>, vector<16xi32>
      %select_n3A_352 = arith.select %gt3A_347, %select_n3A_339, %select_n3A_351 : vector<16xi1>, vector<16xi32>
      %select_n3A_353 = arith.select %gt3A_347, %get3A_344, %select_n3A_338 : vector<16xi1>, vector<16xf32>
      %select_n3A_354 = arith.select %gt3A_347, %broadcast_in_dim3A_346, %select_n3A_339 : vector<16xi1>, vector<16xi32>
      %add3A_355 = arith.constant 3072 : i32
      %add3A_356 = arith.addi %add3A_355, %mul3A_4 : i32
      %get3A_357 = arith.index_cast %add3A_356 : i32 to index
      %get3A_358 = tpu.vector_load %arg4[%get3A_357] {strides = array<i32>} : memref<8192xf32, #tpu.memory_space<vmem>>, vector<16xf32>,
      %get3A_359 = vector.shape_cast %get3A_358 : vector<16xf32> to vector<16xf32>
      %broadcast_in_dim3A_360 = arith.constant 24 : i32
      %broadcast_in_dim3A_361 = vector.broadcast %broadcast_in_dim3A_360 : i32 to vector<16xi32>
      %gt3A_362 = arith.cmpf ogt, %get3A_359, %select_n3A_353 : vector<16xf32>
      %gt3A_363 = arith.cmpf ogt, %get3A_359, %select_n3A_350 : vector<16xf32>
      %select_n3A_364 = arith.select %gt3A_363, %get3A_359, %select_n3A_350 : vector<16xi1>, vector<16xf32>
      %select_n3A_365 = arith.select %gt3A_362, %select_n3A_353, %select_n3A_364 : vector<16xi1>, vector<16xf32>
      %select_n3A_366 = arith.select %gt3A_363, %broadcast_in_dim3A_361, %select_n3A_352 : vector<16xi1>, vector<16xi32>
      %select_n3A_367 = arith.select %gt3A_362, %select_n3A_354, %select_n3A_366 : vector<16xi1>, vector<16xi32>
      %select_n3A_368 = arith.select %gt3A_362, %get3A_359, %select_n3A_353 : vector<16xi1>, vector<16xf32>
      %select_n3A_369 = arith.select %gt3A_362, %broadcast_in_dim3A_361, %select_n3A_354 : vector<16xi1>, vector<16xi32>
      %add3A_370 = arith.constant 3200 : i32
      %add3A_371 = arith.addi %add3A_370, %mul3A_4 : i32
      %get3A_372 = arith.index_cast %add3A_371 : i32 to index
      %get3A_373 = tpu.vector_load %arg4[%get3A_372] {strides = array<i32>} : memref<8192xf32, #tpu.memory_space<vmem>>, vector<16xf32>,
      %get3A_374 = vector.shape_cast %get3A_373 : vector<16xf32> to vector<16xf32>
      %broadcast_in_dim3A_375 = arith.constant 25 : i32
      %broadcast_in_dim3A_376 = vector.broadcast %broadcast_in_dim3A_375 : i32 to vector<16xi32>
      %gt3A_377 = arith.cmpf ogt, %get3A_374, %select_n3A_368 : vector<16xf32>
      %gt3A_378 = arith.cmpf ogt, %get3A_374, %select_n3A_365 : vector<16xf32>
      %select_n3A_379 = arith.select %gt3A_378, %get3A_374, %select_n3A_365 : vector<16xi1>, vector<16xf32>
      %select_n3A_380 = arith.select %gt3A_377, %select_n3A_368, %select_n3A_379 : vector<16xi1>, vector<16xf32>
      %select_n3A_381 = arith.select %gt3A_378, %broadcast_in_dim3A_376, %select_n3A_367 : vector<16xi1>, vector<16xi32>
      %select_n3A_382 = arith.select %gt3A_377, %select_n3A_369, %select_n3A_381 : vector<16xi1>, vector<16xi32>
      %select_n3A_383 = arith.select %gt3A_377, %get3A_374, %select_n3A_368 : vector<16xi1>, vector<16xf32>
      %select_n3A_384 = arith.select %gt3A_377, %broadcast_in_dim3A_376, %select_n3A_369 : vector<16xi1>, vector<16xi32>
      %add3A_385 = arith.constant 3328 : i32
      %add3A_386 = arith.addi %add3A_385, %mul3A_4 : i32
      %get3A_387 = arith.index_cast %add3A_386 : i32 to index
      %get3A_388 = tpu.vector_load %arg4[%get3A_387] {strides = array<i32>} : memref<8192xf32, #tpu.memory_space<vmem>>, vector<16xf32>,
      %get3A_389 = vector.shape_cast %get3A_388 : vector<16xf32> to vector<16xf32>
      %broadcast_in_dim3A_390 = arith.constant 26 : i32
      %broadcast_in_dim3A_391 = vector.broadcast %broadcast_in_dim3A_390 : i32 to vector<16xi32>
      %gt3A_392 = arith.cmpf ogt, %get3A_389, %select_n3A_383 : vector<16xf32>
      %gt3A_393 = arith.cmpf ogt, %get3A_389, %select_n3A_380 : vector<16xf32>
      %select_n3A_394 = arith.select %gt3A_393, %get3A_389, %select_n3A_380 : vector<16xi1>, vector<16xf32>
      %select_n3A_395 = arith.select %gt3A_392, %select_n3A_383, %select_n3A_394 : vector<16xi1>, vector<16xf32>
      %select_n3A_396 = arith.select %gt3A_393, %broadcast_in_dim3A_391, %select_n3A_382 : vector<16xi1>, vector<16xi32>
      %select_n3A_397 = arith.select %gt3A_392, %select_n3A_384, %select_n3A_396 : vector<16xi1>, vector<16xi32>
      %select_n3A_398 = arith.select %gt3A_392, %get3A_389, %select_n3A_383 : vector<16xi1>, vector<16xf32>
      %select_n3A_399 = arith.select %gt3A_392, %broadcast_in_dim3A_391, %select_n3A_384 : vector<16xi1>, vector<16xi32>
      %add3A_400 = arith.constant 3456 : i32
      %add3A_401 = arith.addi %add3A_400, %mul3A_4 : i32
      %get3A_402 = arith.index_cast %add3A_401 : i32 to index
      %get3A_403 = tpu.vector_load %arg4[%get3A_402] {strides = array<i32>} : memref<8192xf32, #tpu.memory_space<vmem>>, vector<16xf32>,
      %get3A_404 = vector.shape_cast %get3A_403 : vector<16xf32> to vector<16xf32>
      %broadcast_in_dim3A_405 = arith.constant 27 : i32
      %broadcast_in_dim3A_406 = vector.broadcast %broadcast_in_dim3A_405 : i32 to vector<16xi32>
      %gt3A_407 = arith.cmpf ogt, %get3A_404, %select_n3A_398 : vector<16xf32>
      %gt3A_408 = arith.cmpf ogt, %get3A_404, %select_n3A_395 : vector<16xf32>
      %select_n3A_409 = arith.select %gt3A_408, %get3A_404, %select_n3A_395 : vector<16xi1>, vector<16xf32>
      %select_n3A_410 = arith.select %gt3A_407, %select_n3A_398, %select_n3A_409 : vector<16xi1>, vector<16xf32>
      %select_n3A_411 = arith.select %gt3A_408, %broadcast_in_dim3A_406, %select_n3A_397 : vector<16xi1>, vector<16xi32>
      %select_n3A_412 = arith.select %gt3A_407, %select_n3A_399, %select_n3A_411 : vector<16xi1>, vector<16xi32>
      %select_n3A_413 = arith.select %gt3A_407, %get3A_404, %select_n3A_398 : vector<16xi1>, vector<16xf32>
      %select_n3A_414 = arith.select %gt3A_407, %broadcast_in_dim3A_406, %select_n3A_399 : vector<16xi1>, vector<16xi32>
      %add3A_415 = arith.constant 3584 : i32
      %add3A_416 = arith.addi %add3A_415, %mul3A_4 : i32
      %get3A_417 = arith.index_cast %add3A_416 : i32 to index
      %get3A_418 = tpu.vector_load %arg4[%get3A_417] {strides = array<i32>} : memref<8192xf32, #tpu.memory_space<vmem>>, vector<16xf32>,
      %get3A_419 = vector.shape_cast %get3A_418 : vector<16xf32> to vector<16xf32>
      %broadcast_in_dim3A_420 = arith.constant 28 : i32
      %broadcast_in_dim3A_421 = vector.broadcast %broadcast_in_dim3A_420 : i32 to vector<16xi32>
      %gt3A_422 = arith.cmpf ogt, %get3A_419, %select_n3A_413 : vector<16xf32>
      %gt3A_423 = arith.cmpf ogt, %get3A_419, %select_n3A_410 : vector<16xf32>
      %select_n3A_424 = arith.select %gt3A_423, %get3A_419, %select_n3A_410 : vector<16xi1>, vector<16xf32>
      %select_n3A_425 = arith.select %gt3A_422, %select_n3A_413, %select_n3A_424 : vector<16xi1>, vector<16xf32>
      %select_n3A_426 = arith.select %gt3A_423, %broadcast_in_dim3A_421, %select_n3A_412 : vector<16xi1>, vector<16xi32>
      %select_n3A_427 = arith.select %gt3A_422, %select_n3A_414, %select_n3A_426 : vector<16xi1>, vector<16xi32>
      %select_n3A_428 = arith.select %gt3A_422, %get3A_419, %select_n3A_413 : vector<16xi1>, vector<16xf32>
      %select_n3A_429 = arith.select %gt3A_422, %broadcast_in_dim3A_421, %select_n3A_414 : vector<16xi1>, vector<16xi32>
      %add3A_430 = arith.constant 3712 : i32
      %add3A_431 = arith.addi %add3A_430, %mul3A_4 : i32
      %get3A_432 = arith.index_cast %add3A_431 : i32 to index
      %get3A_433 = tpu.vector_load %arg4[%get3A_432] {strides = array<i32>} : memref<8192xf32, #tpu.memory_space<vmem>>, vector<16xf32>,
      %get3A_434 = vector.shape_cast %get3A_433 : vector<16xf32> to vector<16xf32>
      %broadcast_in_dim3A_435 = arith.constant 29 : i32
      %broadcast_in_dim3A_436 = vector.broadcast %broadcast_in_dim3A_435 : i32 to vector<16xi32>
      %gt3A_437 = arith.cmpf ogt, %get3A_434, %select_n3A_428 : vector<16xf32>
      %gt3A_438 = arith.cmpf ogt, %get3A_434, %select_n3A_425 : vector<16xf32>
      %select_n3A_439 = arith.select %gt3A_438, %get3A_434, %select_n3A_425 : vector<16xi1>, vector<16xf32>
      %select_n3A_440 = arith.select %gt3A_437, %select_n3A_428, %select_n3A_439 : vector<16xi1>, vector<16xf32>
      %select_n3A_441 = arith.select %gt3A_438, %broadcast_in_dim3A_436, %select_n3A_427 : vector<16xi1>, vector<16xi32>
      %select_n3A_442 = arith.select %gt3A_437, %select_n3A_429, %select_n3A_441 : vector<16xi1>, vector<16xi32>
      %select_n3A_443 = arith.select %gt3A_437, %get3A_434, %select_n3A_428 : vector<16xi1>, vector<16xf32>
      %select_n3A_444 = arith.select %gt3A_437, %broadcast_in_dim3A_436, %select_n3A_429 : vector<16xi1>, vector<16xi32>
      %add3A_445 = arith.constant 3840 : i32
      %add3A_446 = arith.addi %add3A_445, %mul3A_4 : i32
      %get3A_447 = arith.index_cast %add3A_446 : i32 to index
      %get3A_448 = tpu.vector_load %arg4[%get3A_447] {strides = array<i32>} : memref<8192xf32, #tpu.memory_space<vmem>>, vector<16xf32>,
      %get3A_449 = vector.shape_cast %get3A_448 : vector<16xf32> to vector<16xf32>
      %broadcast_in_dim3A_450 = arith.constant 30 : i32
      %broadcast_in_dim3A_451 = vector.broadcast %broadcast_in_dim3A_450 : i32 to vector<16xi32>
      %gt3A_452 = arith.cmpf ogt, %get3A_449, %select_n3A_443 : vector<16xf32>
      %gt3A_453 = arith.cmpf ogt, %get3A_449, %select_n3A_440 : vector<16xf32>
      %select_n3A_454 = arith.select %gt3A_453, %get3A_449, %select_n3A_440 : vector<16xi1>, vector<16xf32>
      %select_n3A_455 = arith.select %gt3A_452, %select_n3A_443, %select_n3A_454 : vector<16xi1>, vector<16xf32>
      %select_n3A_456 = arith.select %gt3A_453, %broadcast_in_dim3A_451, %select_n3A_442 : vector<16xi1>, vector<16xi32>
      %select_n3A_457 = arith.select %gt3A_452, %select_n3A_444, %select_n3A_456 : vector<16xi1>, vector<16xi32>
      %select_n3A_458 = arith.select %gt3A_452, %get3A_449, %select_n3A_443 : vector<16xi1>, vector<16xf32>
      %select_n3A_459 = arith.select %gt3A_452, %broadcast_in_dim3A_451, %select_n3A_444 : vector<16xi1>, vector<16xi32>
      %add3A_460 = arith.constant 3968 : i32
      %add3A_461 = arith.addi %add3A_460, %mul3A_4 : i32
      %get3A_462 = arith.index_cast %add3A_461 : i32 to index
      %get3A_463 = tpu.vector_load %arg4[%get3A_462] {strides = array<i32>} : memref<8192xf32, #tpu.memory_space<vmem>>, vector<16xf32>,
      %get3A_464 = vector.shape_cast %get3A_463 : vector<16xf32> to vector<16xf32>
      %broadcast_in_dim3A_465 = arith.constant 31 : i32
      %broadcast_in_dim3A_466 = vector.broadcast %broadcast_in_dim3A_465 : i32 to vector<16xi32>
      %gt3A_467 = arith.cmpf ogt, %get3A_464, %select_n3A_458 : vector<16xf32>
      %gt3A_468 = arith.cmpf ogt, %get3A_464, %select_n3A_455 : vector<16xf32>
      %select_n3A_469 = arith.select %gt3A_468, %get3A_464, %select_n3A_455 : vector<16xi1>, vector<16xf32>
      %select_n3A_470 = arith.select %gt3A_467, %select_n3A_458, %select_n3A_469 : vector<16xi1>, vector<16xf32>
      %select_n3A_471 = arith.select %gt3A_468, %broadcast_in_dim3A_466, %select_n3A_457 : vector<16xi1>, vector<16xi32>
      %select_n3A_472 = arith.select %gt3A_467, %select_n3A_459, %select_n3A_471 : vector<16xi1>, vector<16xi32>
      %select_n3A_473 = arith.select %gt3A_467, %get3A_464, %select_n3A_458 : vector<16xi1>, vector<16xf32>
      %select_n3A_474 = arith.select %gt3A_467, %broadcast_in_dim3A_466, %select_n3A_459 : vector<16xi1>, vector<16xi32>
      %add3A_475 = arith.constant 4096 : i32
      %add3A_476 = arith.addi %add3A_475, %mul3A_4 : i32
      %get3A_477 = arith.index_cast %add3A_476 : i32 to index
      %get3A_478 = tpu.vector_load %arg4[%get3A_477] {strides = array<i32>} : memref<8192xf32, #tpu.memory_space<vmem>>, vector<16xf32>,
      %get3A_479 = vector.shape_cast %get3A_478 : vector<16xf32> to vector<16xf32>
      %broadcast_in_dim3A_480 = arith.constant 32 : i32
      %broadcast_in_dim3A_481 = vector.broadcast %broadcast_in_dim3A_480 : i32 to vector<16xi32>
      %gt3A_482 = arith.cmpf ogt, %get3A_479, %select_n3A_473 : vector<16xf32>
      %gt3A_483 = arith.cmpf ogt, %get3A_479, %select_n3A_470 : vector<16xf32>
      %select_n3A_484 = arith.select %gt3A_483, %get3A_479, %select_n3A_470 : vector<16xi1>, vector<16xf32>
      %select_n3A_485 = arith.select %gt3A_482, %select_n3A_473, %select_n3A_484 : vector<16xi1>, vector<16xf32>
      %select_n3A_486 = arith.select %gt3A_483, %broadcast_in_dim3A_481, %select_n3A_472 : vector<16xi1>, vector<16xi32>
      %select_n3A_487 = arith.select %gt3A_482, %select_n3A_474, %select_n3A_486 : vector<16xi1>, vector<16xi32>
      %select_n3A_488 = arith.select %gt3A_482, %get3A_479, %select_n3A_473 : vector<16xi1>, vector<16xf32>
      %select_n3A_489 = arith.select %gt3A_482, %broadcast_in_dim3A_481, %select_n3A_474 : vector<16xi1>, vector<16xi32>
      %add3A_490 = arith.constant 4224 : i32
      %add3A_491 = arith.addi %add3A_490, %mul3A_4 : i32
      %get3A_492 = arith.index_cast %add3A_491 : i32 to index
      %get3A_493 = tpu.vector_load %arg4[%get3A_492] {strides = array<i32>} : memref<8192xf32, #tpu.memory_space<vmem>>, vector<16xf32>,
      %get3A_494 = vector.shape_cast %get3A_493 : vector<16xf32> to vector<16xf32>
      %broadcast_in_dim3A_495 = arith.constant 33 : i32
      %broadcast_in_dim3A_496 = vector.broadcast %broadcast_in_dim3A_495 : i32 to vector<16xi32>
      %gt3A_497 = arith.cmpf ogt, %get3A_494, %select_n3A_488 : vector<16xf32>
      %gt3A_498 = arith.cmpf ogt, %get3A_494, %select_n3A_485 : vector<16xf32>
      %select_n3A_499 = arith.select %gt3A_498, %get3A_494, %select_n3A_485 : vector<16xi1>, vector<16xf32>
      %select_n3A_500 = arith.select %gt3A_497, %select_n3A_488, %select_n3A_499 : vector<16xi1>, vector<16xf32>
      %select_n3A_501 = arith.select %gt3A_498, %broadcast_in_dim3A_496, %select_n3A_487 : vector<16xi1>, vector<16xi32>
      %select_n3A_502 = arith.select %gt3A_497, %select_n3A_489, %select_n3A_501 : vector<16xi1>, vector<16xi32>
      %select_n3A_503 = arith.select %gt3A_497, %get3A_494, %select_n3A_488 : vector<16xi1>, vector<16xf32>
      %select_n3A_504 = arith.select %gt3A_497, %broadcast_in_dim3A_496, %select_n3A_489 : vector<16xi1>, vector<16xi32>
      %add3A_505 = arith.constant 4352 : i32
      %add3A_506 = arith.addi %add3A_505, %mul3A_4 : i32
      %get3A_507 = arith.index_cast %add3A_506 : i32 to index
      %get3A_508 = tpu.vector_load %arg4[%get3A_507] {strides = array<i32>} : memref<8192xf32, #tpu.memory_space<vmem>>, vector<16xf32>,
      %get3A_509 = vector.shape_cast %get3A_508 : vector<16xf32> to vector<16xf32>
      %broadcast_in_dim3A_510 = arith.constant 34 : i32
      %broadcast_in_dim3A_511 = vector.broadcast %broadcast_in_dim3A_510 : i32 to vector<16xi32>
      %gt3A_512 = arith.cmpf ogt, %get3A_509, %select_n3A_503 : vector<16xf32>
      %gt3A_513 = arith.cmpf ogt, %get3A_509, %select_n3A_500 : vector<16xf32>
      %select_n3A_514 = arith.select %gt3A_513, %get3A_509, %select_n3A_500 : vector<16xi1>, vector<16xf32>
      %select_n3A_515 = arith.select %gt3A_512, %select_n3A_503, %select_n3A_514 : vector<16xi1>, vector<16xf32>
      %select_n3A_516 = arith.select %gt3A_513, %broadcast_in_dim3A_511, %select_n3A_502 : vector<16xi1>, vector<16xi32>
      %select_n3A_517 = arith.select %gt3A_512, %select_n3A_504, %select_n3A_516 : vector<16xi1>, vector<16xi32>
      %select_n3A_518 = arith.select %gt3A_512, %get3A_509, %select_n3A_503 : vector<16xi1>, vector<16xf32>
      %select_n3A_519 = arith.select %gt3A_512, %broadcast_in_dim3A_511, %select_n3A_504 : vector<16xi1>, vector<16xi32>
      %add3A_520 = arith.constant 4480 : i32
      %add3A_521 = arith.addi %add3A_520, %mul3A_4 : i32
      %get3A_522 = arith.index_cast %add3A_521 : i32 to index
      %get3A_523 = tpu.vector_load %arg4[%get3A_522] {strides = array<i32>} : memref<8192xf32, #tpu.memory_space<vmem>>, vector<16xf32>,
      %get3A_524 = vector.shape_cast %get3A_523 : vector<16xf32> to vector<16xf32>
      %broadcast_in_dim3A_525 = arith.constant 35 : i32
      %broadcast_in_dim3A_526 = vector.broadcast %broadcast_in_dim3A_525 : i32 to vector<16xi32>
      %gt3A_527 = arith.cmpf ogt, %get3A_524, %select_n3A_518 : vector<16xf32>
      %gt3A_528 = arith.cmpf ogt, %get3A_524, %select_n3A_515 : vector<16xf32>
      %select_n3A_529 = arith.select %gt3A_528, %get3A_524, %select_n3A_515 : vector<16xi1>, vector<16xf32>
      %select_n3A_530 = arith.select %gt3A_527, %select_n3A_518, %select_n3A_529 : vector<16xi1>, vector<16xf32>
      %select_n3A_531 = arith.select %gt3A_528, %broadcast_in_dim3A_526, %select_n3A_517 : vector<16xi1>, vector<16xi32>
      %select_n3A_532 = arith.select %gt3A_527, %select_n3A_519, %select_n3A_531 : vector<16xi1>, vector<16xi32>
      %select_n3A_533 = arith.select %gt3A_527, %get3A_524, %select_n3A_518 : vector<16xi1>, vector<16xf32>
      %select_n3A_534 = arith.select %gt3A_527, %broadcast_in_dim3A_526, %select_n3A_519 : vector<16xi1>, vector<16xi32>
      %add3A_535 = arith.constant 4608 : i32
      %add3A_536 = arith.addi %add3A_535, %mul3A_4 : i32
      %get3A_537 = arith.index_cast %add3A_536 : i32 to index
      %get3A_538 = tpu.vector_load %arg4[%get3A_537] {strides = array<i32>} : memref<8192xf32, #tpu.memory_space<vmem>>, vector<16xf32>,
      %get3A_539 = vector.shape_cast %get3A_538 : vector<16xf32> to vector<16xf32>
      %broadcast_in_dim3A_540 = arith.constant 36 : i32
      %broadcast_in_dim3A_541 = vector.broadcast %broadcast_in_dim3A_540 : i32 to vector<16xi32>
      %gt3A_542 = arith.cmpf ogt, %get3A_539, %select_n3A_533 : vector<16xf32>
      %gt3A_543 = arith.cmpf ogt, %get3A_539, %select_n3A_530 : vector<16xf32>
      %select_n3A_544 = arith.select %gt3A_543, %get3A_539, %select_n3A_530 : vector<16xi1>, vector<16xf32>
      %select_n3A_545 = arith.select %gt3A_542, %select_n3A_533, %select_n3A_544 : vector<16xi1>, vector<16xf32>
      %select_n3A_546 = arith.select %gt3A_543, %broadcast_in_dim3A_541, %select_n3A_532 : vector<16xi1>, vector<16xi32>
      %select_n3A_547 = arith.select %gt3A_542, %select_n3A_534, %select_n3A_546 : vector<16xi1>, vector<16xi32>
      %select_n3A_548 = arith.select %gt3A_542, %get3A_539, %select_n3A_533 : vector<16xi1>, vector<16xf32>
      %select_n3A_549 = arith.select %gt3A_542, %broadcast_in_dim3A_541, %select_n3A_534 : vector<16xi1>, vector<16xi32>
      %add3A_550 = arith.constant 4736 : i32
      %add3A_551 = arith.addi %add3A_550, %mul3A_4 : i32
      %get3A_552 = arith.index_cast %add3A_551 : i32 to index
      %get3A_553 = tpu.vector_load %arg4[%get3A_552] {strides = array<i32>} : memref<8192xf32, #tpu.memory_space<vmem>>, vector<16xf32>,
      %get3A_554 = vector.shape_cast %get3A_553 : vector<16xf32> to vector<16xf32>
      %broadcast_in_dim3A_555 = arith.constant 37 : i32
      %broadcast_in_dim3A_556 = vector.broadcast %broadcast_in_dim3A_555 : i32 to vector<16xi32>
      %gt3A_557 = arith.cmpf ogt, %get3A_554, %select_n3A_548 : vector<16xf32>
      %gt3A_558 = arith.cmpf ogt, %get3A_554, %select_n3A_545 : vector<16xf32>
      %select_n3A_559 = arith.select %gt3A_558, %get3A_554, %select_n3A_545 : vector<16xi1>, vector<16xf32>
      %select_n3A_560 = arith.select %gt3A_557, %select_n3A_548, %select_n3A_559 : vector<16xi1>, vector<16xf32>
      %select_n3A_561 = arith.select %gt3A_558, %broadcast_in_dim3A_556, %select_n3A_547 : vector<16xi1>, vector<16xi32>
      %select_n3A_562 = arith.select %gt3A_557, %select_n3A_549, %select_n3A_561 : vector<16xi1>, vector<16xi32>
      %select_n3A_563 = arith.select %gt3A_557, %get3A_554, %select_n3A_548 : vector<16xi1>, vector<16xf32>
      %select_n3A_564 = arith.select %gt3A_557, %broadcast_in_dim3A_556, %select_n3A_549 : vector<16xi1>, vector<16xi32>
      %add3A_565 = arith.constant 4864 : i32
      %add3A_566 = arith.addi %add3A_565, %mul3A_4 : i32
      %get3A_567 = arith.index_cast %add3A_566 : i32 to index
      %get3A_568 = tpu.vector_load %arg4[%get3A_567] {strides = array<i32>} : memref<8192xf32, #tpu.memory_space<vmem>>, vector<16xf32>,
      %get3A_569 = vector.shape_cast %get3A_568 : vector<16xf32> to vector<16xf32>
      %broadcast_in_dim3A_570 = arith.constant 38 : i32
      %broadcast_in_dim3A_571 = vector.broadcast %broadcast_in_dim3A_570 : i32 to vector<16xi32>
      %gt3A_572 = arith.cmpf ogt, %get3A_569, %select_n3A_563 : vector<16xf32>
      %gt3A_573 = arith.cmpf ogt, %get3A_569, %select_n3A_560 : vector<16xf32>
      %select_n3A_574 = arith.select %gt3A_573, %get3A_569, %select_n3A_560 : vector<16xi1>, vector<16xf32>
      %select_n3A_575 = arith.select %gt3A_572, %select_n3A_563, %select_n3A_574 : vector<16xi1>, vector<16xf32>
      %select_n3A_576 = arith.select %gt3A_573, %broadcast_in_dim3A_571, %select_n3A_562 : vector<16xi1>, vector<16xi32>
      %select_n3A_577 = arith.select %gt3A_572, %select_n3A_564, %select_n3A_576 : vector<16xi1>, vector<16xi32>
      %select_n3A_578 = arith.select %gt3A_572, %get3A_569, %select_n3A_563 : vector<16xi1>, vector<16xf32>
      %select_n3A_579 = arith.select %gt3A_572, %broadcast_in_dim3A_571, %select_n3A_564 : vector<16xi1>, vector<16xi32>
      %add3A_580 = arith.constant 4992 : i32
      %add3A_581 = arith.addi %add3A_580, %mul3A_4 : i32
      %get3A_582 = arith.index_cast %add3A_581 : i32 to index
      %get3A_583 = tpu.vector_load %arg4[%get3A_582] {strides = array<i32>} : memref<8192xf32, #tpu.memory_space<vmem>>, vector<16xf32>,
      %get3A_584 = vector.shape_cast %get3A_583 : vector<16xf32> to vector<16xf32>
      %broadcast_in_dim3A_585 = arith.constant 39 : i32
      %broadcast_in_dim3A_586 = vector.broadcast %broadcast_in_dim3A_585 : i32 to vector<16xi32>
      %gt3A_587 = arith.cmpf ogt, %get3A_584, %select_n3A_578 : vector<16xf32>
      %gt3A_588 = arith.cmpf ogt, %get3A_584, %select_n3A_575 : vector<16xf32>
      %select_n3A_589 = arith.select %gt3A_588, %get3A_584, %select_n3A_575 : vector<16xi1>, vector<16xf32>
      %select_n3A_590 = arith.select %gt3A_587, %select_n3A_578, %select_n3A_589 : vector<16xi1>, vector<16xf32>
      %select_n3A_591 = arith.select %gt3A_588, %broadcast_in_dim3A_586, %select_n3A_577 : vector<16xi1>, vector<16xi32>
      %select_n3A_592 = arith.select %gt3A_587, %select_n3A_579, %select_n3A_591 : vector<16xi1>, vector<16xi32>
      %select_n3A_593 = arith.select %gt3A_587, %get3A_584, %select_n3A_578 : vector<16xi1>, vector<16xf32>
      %select_n3A_594 = arith.select %gt3A_587, %broadcast_in_dim3A_586, %select_n3A_579 : vector<16xi1>, vector<16xi32>
      %add3A_595 = arith.constant 5120 : i32
      %add3A_596 = arith.addi %add3A_595, %mul3A_4 : i32
      %get3A_597 = arith.index_cast %add3A_596 : i32 to index
      %get3A_598 = tpu.vector_load %arg4[%get3A_597] {strides = array<i32>} : memref<8192xf32, #tpu.memory_space<vmem>>, vector<16xf32>,
      %get3A_599 = vector.shape_cast %get3A_598 : vector<16xf32> to vector<16xf32>
      %broadcast_in_dim3A_600 = arith.constant 40 : i32
      %broadcast_in_dim3A_601 = vector.broadcast %broadcast_in_dim3A_600 : i32 to vector<16xi32>
      %gt3A_602 = arith.cmpf ogt, %get3A_599, %select_n3A_593 : vector<16xf32>
      %gt3A_603 = arith.cmpf ogt, %get3A_599, %select_n3A_590 : vector<16xf32>
      %select_n3A_604 = arith.select %gt3A_603, %get3A_599, %select_n3A_590 : vector<16xi1>, vector<16xf32>
      %select_n3A_605 = arith.select %gt3A_602, %select_n3A_593, %select_n3A_604 : vector<16xi1>, vector<16xf32>
      %select_n3A_606 = arith.select %gt3A_603, %broadcast_in_dim3A_601, %select_n3A_592 : vector<16xi1>, vector<16xi32>
      %select_n3A_607 = arith.select %gt3A_602, %select_n3A_594, %select_n3A_606 : vector<16xi1>, vector<16xi32>
      %select_n3A_608 = arith.select %gt3A_602, %get3A_599, %select_n3A_593 : vector<16xi1>, vector<16xf32>
      %select_n3A_609 = arith.select %gt3A_602, %broadcast_in_dim3A_601, %select_n3A_594 : vector<16xi1>, vector<16xi32>
      %add3A_610 = arith.constant 5248 : i32
      %add3A_611 = arith.addi %add3A_610, %mul3A_4 : i32
      %get3A_612 = arith.index_cast %add3A_611 : i32 to index
      %get3A_613 = tpu.vector_load %arg4[%get3A_612] {strides = array<i32>} : memref<8192xf32, #tpu.memory_space<vmem>>, vector<16xf32>,
      %get3A_614 = vector.shape_cast %get3A_613 : vector<16xf32> to vector<16xf32>
      %broadcast_in_dim3A_615 = arith.constant 41 : i32
      %broadcast_in_dim3A_616 = vector.broadcast %broadcast_in_dim3A_615 : i32 to vector<16xi32>
      %gt3A_617 = arith.cmpf ogt, %get3A_614, %select_n3A_608 : vector<16xf32>
      %gt3A_618 = arith.cmpf ogt, %get3A_614, %select_n3A_605 : vector<16xf32>
      %select_n3A_619 = arith.select %gt3A_618, %get3A_614, %select_n3A_605 : vector<16xi1>, vector<16xf32>
      %select_n3A_620 = arith.select %gt3A_617, %select_n3A_608, %select_n3A_619 : vector<16xi1>, vector<16xf32>
      %select_n3A_621 = arith.select %gt3A_618, %broadcast_in_dim3A_616, %select_n3A_607 : vector<16xi1>, vector<16xi32>
      %select_n3A_622 = arith.select %gt3A_617, %select_n3A_609, %select_n3A_621 : vector<16xi1>, vector<16xi32>
      %select_n3A_623 = arith.select %gt3A_617, %get3A_614, %select_n3A_608 : vector<16xi1>, vector<16xf32>
      %select_n3A_624 = arith.select %gt3A_617, %broadcast_in_dim3A_616, %select_n3A_609 : vector<16xi1>, vector<16xi32>
      %add3A_625 = arith.constant 5376 : i32
      %add3A_626 = arith.addi %add3A_625, %mul3A_4 : i32
      %get3A_627 = arith.index_cast %add3A_626 : i32 to index
      %get3A_628 = tpu.vector_load %arg4[%get3A_627] {strides = array<i32>} : memref<8192xf32, #tpu.memory_space<vmem>>, vector<16xf32>,
      %get3A_629 = vector.shape_cast %get3A_628 : vector<16xf32> to vector<16xf32>
      %broadcast_in_dim3A_630 = arith.constant 42 : i32
      %broadcast_in_dim3A_631 = vector.broadcast %broadcast_in_dim3A_630 : i32 to vector<16xi32>
      %gt3A_632 = arith.cmpf ogt, %get3A_629, %select_n3A_623 : vector<16xf32>
      %gt3A_633 = arith.cmpf ogt, %get3A_629, %select_n3A_620 : vector<16xf32>
      %select_n3A_634 = arith.select %gt3A_633, %get3A_629, %select_n3A_620 : vector<16xi1>, vector<16xf32>
      %select_n3A_635 = arith.select %gt3A_632, %select_n3A_623, %select_n3A_634 : vector<16xi1>, vector<16xf32>
      %select_n3A_636 = arith.select %gt3A_633, %broadcast_in_dim3A_631, %select_n3A_622 : vector<16xi1>, vector<16xi32>
      %select_n3A_637 = arith.select %gt3A_632, %select_n3A_624, %select_n3A_636 : vector<16xi1>, vector<16xi32>
      %select_n3A_638 = arith.select %gt3A_632, %get3A_629, %select_n3A_623 : vector<16xi1>, vector<16xf32>
      %select_n3A_639 = arith.select %gt3A_632, %broadcast_in_dim3A_631, %select_n3A_624 : vector<16xi1>, vector<16xi32>
      %add3A_640 = arith.constant 5504 : i32
      %add3A_641 = arith.addi %add3A_640, %mul3A_4 : i32
      %get3A_642 = arith.index_cast %add3A_641 : i32 to index
      %get3A_643 = tpu.vector_load %arg4[%get3A_642] {strides = array<i32>} : memref<8192xf32, #tpu.memory_space<vmem>>, vector<16xf32>,
      %get3A_644 = vector.shape_cast %get3A_643 : vector<16xf32> to vector<16xf32>
      %broadcast_in_dim3A_645 = arith.constant 43 : i32
      %broadcast_in_dim3A_646 = vector.broadcast %broadcast_in_dim3A_645 : i32 to vector<16xi32>
      %gt3A_647 = arith.cmpf ogt, %get3A_644, %select_n3A_638 : vector<16xf32>
      %gt3A_648 = arith.cmpf ogt, %get3A_644, %select_n3A_635 : vector<16xf32>
      %select_n3A_649 = arith.select %gt3A_648, %get3A_644, %select_n3A_635 : vector<16xi1>, vector<16xf32>
      %select_n3A_650 = arith.select %gt3A_647, %select_n3A_638, %select_n3A_649 : vector<16xi1>, vector<16xf32>
      %select_n3A_651 = arith.select %gt3A_648, %broadcast_in_dim3A_646, %select_n3A_637 : vector<16xi1>, vector<16xi32>
      %select_n3A_652 = arith.select %gt3A_647, %select_n3A_639, %select_n3A_651 : vector<16xi1>, vector<16xi32>
      %select_n3A_653 = arith.select %gt3A_647, %get3A_644, %select_n3A_638 : vector<16xi1>, vector<16xf32>
      %select_n3A_654 = arith.select %gt3A_647, %broadcast_in_dim3A_646, %select_n3A_639 : vector<16xi1>, vector<16xi32>
      %add3A_655 = arith.constant 5632 : i32
      %add3A_656 = arith.addi %add3A_655, %mul3A_4 : i32
      %get3A_657 = arith.index_cast %add3A_656 : i32 to index
      %get3A_658 = tpu.vector_load %arg4[%get3A_657] {strides = array<i32>} : memref<8192xf32, #tpu.memory_space<vmem>>, vector<16xf32>,
      %get3A_659 = vector.shape_cast %get3A_658 : vector<16xf32> to vector<16xf32>
      %broadcast_in_dim3A_660 = arith.constant 44 : i32
      %broadcast_in_dim3A_661 = vector.broadcast %broadcast_in_dim3A_660 : i32 to vector<16xi32>
      %gt3A_662 = arith.cmpf ogt, %get3A_659, %select_n3A_653 : vector<16xf32>
      %gt3A_663 = arith.cmpf ogt, %get3A_659, %select_n3A_650 : vector<16xf32>
      %select_n3A_664 = arith.select %gt3A_663, %get3A_659, %select_n3A_650 : vector<16xi1>, vector<16xf32>
      %select_n3A_665 = arith.select %gt3A_662, %select_n3A_653, %select_n3A_664 : vector<16xi1>, vector<16xf32>
      %select_n3A_666 = arith.select %gt3A_663, %broadcast_in_dim3A_661, %select_n3A_652 : vector<16xi1>, vector<16xi32>
      %select_n3A_667 = arith.select %gt3A_662, %select_n3A_654, %select_n3A_666 : vector<16xi1>, vector<16xi32>
      %select_n3A_668 = arith.select %gt3A_662, %get3A_659, %select_n3A_653 : vector<16xi1>, vector<16xf32>
      %select_n3A_669 = arith.select %gt3A_662, %broadcast_in_dim3A_661, %select_n3A_654 : vector<16xi1>, vector<16xi32>
      %add3A_670 = arith.constant 5760 : i32
      %add3A_671 = arith.addi %add3A_670, %mul3A_4 : i32
      %get3A_672 = arith.index_cast %add3A_671 : i32 to index
      %get3A_673 = tpu.vector_load %arg4[%get3A_672] {strides = array<i32>} : memref<8192xf32, #tpu.memory_space<vmem>>, vector<16xf32>,
      %get3A_674 = vector.shape_cast %get3A_673 : vector<16xf32> to vector<16xf32>
      %broadcast_in_dim3A_675 = arith.constant 45 : i32
      %broadcast_in_dim3A_676 = vector.broadcast %broadcast_in_dim3A_675 : i32 to vector<16xi32>
      %gt3A_677 = arith.cmpf ogt, %get3A_674, %select_n3A_668 : vector<16xf32>
      %gt3A_678 = arith.cmpf ogt, %get3A_674, %select_n3A_665 : vector<16xf32>
      %select_n3A_679 = arith.select %gt3A_678, %get3A_674, %select_n3A_665 : vector<16xi1>, vector<16xf32>
      %select_n3A_680 = arith.select %gt3A_677, %select_n3A_668, %select_n3A_679 : vector<16xi1>, vector<16xf32>
      %select_n3A_681 = arith.select %gt3A_678, %broadcast_in_dim3A_676, %select_n3A_667 : vector<16xi1>, vector<16xi32>
      %select_n3A_682 = arith.select %gt3A_677, %select_n3A_669, %select_n3A_681 : vector<16xi1>, vector<16xi32>
      %select_n3A_683 = arith.select %gt3A_677, %get3A_674, %select_n3A_668 : vector<16xi1>, vector<16xf32>
      %select_n3A_684 = arith.select %gt3A_677, %broadcast_in_dim3A_676, %select_n3A_669 : vector<16xi1>, vector<16xi32>
      %add3A_685 = arith.constant 5888 : i32
      %add3A_686 = arith.addi %add3A_685, %mul3A_4 : i32
      %get3A_687 = arith.index_cast %add3A_686 : i32 to index
      %get3A_688 = tpu.vector_load %arg4[%get3A_687] {strides = array<i32>} : memref<8192xf32, #tpu.memory_space<vmem>>, vector<16xf32>,
      %get3A_689 = vector.shape_cast %get3A_688 : vector<16xf32> to vector<16xf32>
      %broadcast_in_dim3A_690 = arith.constant 46 : i32
      %broadcast_in_dim3A_691 = vector.broadcast %broadcast_in_dim3A_690 : i32 to vector<16xi32>
      %gt3A_692 = arith.cmpf ogt, %get3A_689, %select_n3A_683 : vector<16xf32>
      %gt3A_693 = arith.cmpf ogt, %get3A_689, %select_n3A_680 : vector<16xf32>
      %select_n3A_694 = arith.select %gt3A_693, %get3A_689, %select_n3A_680 : vector<16xi1>, vector<16xf32>
      %select_n3A_695 = arith.select %gt3A_692, %select_n3A_683, %select_n3A_694 : vector<16xi1>, vector<16xf32>
      %select_n3A_696 = arith.select %gt3A_693, %broadcast_in_dim3A_691, %select_n3A_682 : vector<16xi1>, vector<16xi32>
      %select_n3A_697 = arith.select %gt3A_692, %select_n3A_684, %select_n3A_696 : vector<16xi1>, vector<16xi32>
      %select_n3A_698 = arith.select %gt3A_692, %get3A_689, %select_n3A_683 : vector<16xi1>, vector<16xf32>
      %select_n3A_699 = arith.select %gt3A_692, %broadcast_in_dim3A_691, %select_n3A_684 : vector<16xi1>, vector<16xi32>
      %add3A_700 = arith.constant 6016 : i32
      %add3A_701 = arith.addi %add3A_700, %mul3A_4 : i32
      %get3A_702 = arith.index_cast %add3A_701 : i32 to index
      %get3A_703 = tpu.vector_load %arg4[%get3A_702] {strides = array<i32>} : memref<8192xf32, #tpu.memory_space<vmem>>, vector<16xf32>,
      %get3A_704 = vector.shape_cast %get3A_703 : vector<16xf32> to vector<16xf32>
      %broadcast_in_dim3A_705 = arith.constant 47 : i32
      %broadcast_in_dim3A_706 = vector.broadcast %broadcast_in_dim3A_705 : i32 to vector<16xi32>
      %gt3A_707 = arith.cmpf ogt, %get3A_704, %select_n3A_698 : vector<16xf32>
      %gt3A_708 = arith.cmpf ogt, %get3A_704, %select_n3A_695 : vector<16xf32>
      %select_n3A_709 = arith.select %gt3A_708, %get3A_704, %select_n3A_695 : vector<16xi1>, vector<16xf32>
      %select_n3A_710 = arith.select %gt3A_707, %select_n3A_698, %select_n3A_709 : vector<16xi1>, vector<16xf32>
      %select_n3A_711 = arith.select %gt3A_708, %broadcast_in_dim3A_706, %select_n3A_697 : vector<16xi1>, vector<16xi32>
      %select_n3A_712 = arith.select %gt3A_707, %select_n3A_699, %select_n3A_711 : vector<16xi1>, vector<16xi32>
      %select_n3A_713 = arith.select %gt3A_707, %get3A_704, %select_n3A_698 : vector<16xi1>, vector<16xf32>
      %select_n3A_714 = arith.select %gt3A_707, %broadcast_in_dim3A_706, %select_n3A_699 : vector<16xi1>, vector<16xi32>
      %add3A_715 = arith.constant 6144 : i32
      %add3A_716 = arith.addi %add3A_715, %mul3A_4 : i32
      %get3A_717 = arith.index_cast %add3A_716 : i32 to index
      %get3A_718 = tpu.vector_load %arg4[%get3A_717] {strides = array<i32>} : memref<8192xf32, #tpu.memory_space<vmem>>, vector<16xf32>,
      %get3A_719 = vector.shape_cast %get3A_718 : vector<16xf32> to vector<16xf32>
      %broadcast_in_dim3A_720 = arith.constant 48 : i32
      %broadcast_in_dim3A_721 = vector.broadcast %broadcast_in_dim3A_720 : i32 to vector<16xi32>
      %gt3A_722 = arith.cmpf ogt, %get3A_719, %select_n3A_713 : vector<16xf32>
      %gt3A_723 = arith.cmpf ogt, %get3A_719, %select_n3A_710 : vector<16xf32>
      %select_n3A_724 = arith.select %gt3A_723, %get3A_719, %select_n3A_710 : vector<16xi1>, vector<16xf32>
      %select_n3A_725 = arith.select %gt3A_722, %select_n3A_713, %select_n3A_724 : vector<16xi1>, vector<16xf32>
      %select_n3A_726 = arith.select %gt3A_723, %broadcast_in_dim3A_721, %select_n3A_712 : vector<16xi1>, vector<16xi32>
      %select_n3A_727 = arith.select %gt3A_722, %select_n3A_714, %select_n3A_726 : vector<16xi1>, vector<16xi32>
      %select_n3A_728 = arith.select %gt3A_722, %get3A_719, %select_n3A_713 : vector<16xi1>, vector<16xf32>
      %select_n3A_729 = arith.select %gt3A_722, %broadcast_in_dim3A_721, %select_n3A_714 : vector<16xi1>, vector<16xi32>
      %add3A_730 = arith.constant 6272 : i32
      %add3A_731 = arith.addi %add3A_730, %mul3A_4 : i32
      %get3A_732 = arith.index_cast %add3A_731 : i32 to index
      %get3A_733 = tpu.vector_load %arg4[%get3A_732] {strides = array<i32>} : memref<8192xf32, #tpu.memory_space<vmem>>, vector<16xf32>,
      %get3A_734 = vector.shape_cast %get3A_733 : vector<16xf32> to vector<16xf32>
      %broadcast_in_dim3A_735 = arith.constant 49 : i32
      %broadcast_in_dim3A_736 = vector.broadcast %broadcast_in_dim3A_735 : i32 to vector<16xi32>
      %gt3A_737 = arith.cmpf ogt, %get3A_734, %select_n3A_728 : vector<16xf32>
      %gt3A_738 = arith.cmpf ogt, %get3A_734, %select_n3A_725 : vector<16xf32>
      %select_n3A_739 = arith.select %gt3A_738, %get3A_734, %select_n3A_725 : vector<16xi1>, vector<16xf32>
      %select_n3A_740 = arith.select %gt3A_737, %select_n3A_728, %select_n3A_739 : vector<16xi1>, vector<16xf32>
      %select_n3A_741 = arith.select %gt3A_738, %broadcast_in_dim3A_736, %select_n3A_727 : vector<16xi1>, vector<16xi32>
      %select_n3A_742 = arith.select %gt3A_737, %select_n3A_729, %select_n3A_741 : vector<16xi1>, vector<16xi32>
      %select_n3A_743 = arith.select %gt3A_737, %get3A_734, %select_n3A_728 : vector<16xi1>, vector<16xf32>
      %select_n3A_744 = arith.select %gt3A_737, %broadcast_in_dim3A_736, %select_n3A_729 : vector<16xi1>, vector<16xi32>
      %add3A_745 = arith.constant 6400 : i32
      %add3A_746 = arith.addi %add3A_745, %mul3A_4 : i32
      %get3A_747 = arith.index_cast %add3A_746 : i32 to index
      %get3A_748 = tpu.vector_load %arg4[%get3A_747] {strides = array<i32>} : memref<8192xf32, #tpu.memory_space<vmem>>, vector<16xf32>,
      %get3A_749 = vector.shape_cast %get3A_748 : vector<16xf32> to vector<16xf32>
      %broadcast_in_dim3A_750 = arith.constant 50 : i32
      %broadcast_in_dim3A_751 = vector.broadcast %broadcast_in_dim3A_750 : i32 to vector<16xi32>
      %gt3A_752 = arith.cmpf ogt, %get3A_749, %select_n3A_743 : vector<16xf32>
      %gt3A_753 = arith.cmpf ogt, %get3A_749, %select_n3A_740 : vector<16xf32>
      %select_n3A_754 = arith.select %gt3A_753, %get3A_749, %select_n3A_740 : vector<16xi1>, vector<16xf32>
      %select_n3A_755 = arith.select %gt3A_752, %select_n3A_743, %select_n3A_754 : vector<16xi1>, vector<16xf32>
      %select_n3A_756 = arith.select %gt3A_753, %broadcast_in_dim3A_751, %select_n3A_742 : vector<16xi1>, vector<16xi32>
      %select_n3A_757 = arith.select %gt3A_752, %select_n3A_744, %select_n3A_756 : vector<16xi1>, vector<16xi32>
      %select_n3A_758 = arith.select %gt3A_752, %get3A_749, %select_n3A_743 : vector<16xi1>, vector<16xf32>
      %select_n3A_759 = arith.select %gt3A_752, %broadcast_in_dim3A_751, %select_n3A_744 : vector<16xi1>, vector<16xi32>
      %add3A_760 = arith.constant 6528 : i32
      %add3A_761 = arith.addi %add3A_760, %mul3A_4 : i32
      %get3A_762 = arith.index_cast %add3A_761 : i32 to index
      %get3A_763 = tpu.vector_load %arg4[%get3A_762] {strides = array<i32>} : memref<8192xf32, #tpu.memory_space<vmem>>, vector<16xf32>,
      %get3A_764 = vector.shape_cast %get3A_763 : vector<16xf32> to vector<16xf32>
      %broadcast_in_dim3A_765 = arith.constant 51 : i32
      %broadcast_in_dim3A_766 = vector.broadcast %broadcast_in_dim3A_765 : i32 to vector<16xi32>
      %gt3A_767 = arith.cmpf ogt, %get3A_764, %select_n3A_758 : vector<16xf32>
      %gt3A_768 = arith.cmpf ogt, %get3A_764, %select_n3A_755 : vector<16xf32>
      %select_n3A_769 = arith.select %gt3A_768, %get3A_764, %select_n3A_755 : vector<16xi1>, vector<16xf32>
      %select_n3A_770 = arith.select %gt3A_767, %select_n3A_758, %select_n3A_769 : vector<16xi1>, vector<16xf32>
      %select_n3A_771 = arith.select %gt3A_768, %broadcast_in_dim3A_766, %select_n3A_757 : vector<16xi1>, vector<16xi32>
      %select_n3A_772 = arith.select %gt3A_767, %select_n3A_759, %select_n3A_771 : vector<16xi1>, vector<16xi32>
      %select_n3A_773 = arith.select %gt3A_767, %get3A_764, %select_n3A_758 : vector<16xi1>, vector<16xf32>
      %select_n3A_774 = arith.select %gt3A_767, %broadcast_in_dim3A_766, %select_n3A_759 : vector<16xi1>, vector<16xi32>
      %add3A_775 = arith.constant 6656 : i32
      %add3A_776 = arith.addi %add3A_775, %mul3A_4 : i32
      %get3A_777 = arith.index_cast %add3A_776 : i32 to index
      %get3A_778 = tpu.vector_load %arg4[%get3A_777] {strides = array<i32>} : memref<8192xf32, #tpu.memory_space<vmem>>, vector<16xf32>,
      %get3A_779 = vector.shape_cast %get3A_778 : vector<16xf32> to vector<16xf32>
      %broadcast_in_dim3A_780 = arith.constant 52 : i32
      %broadcast_in_dim3A_781 = vector.broadcast %broadcast_in_dim3A_780 : i32 to vector<16xi32>
      %gt3A_782 = arith.cmpf ogt, %get3A_779, %select_n3A_773 : vector<16xf32>
      %gt3A_783 = arith.cmpf ogt, %get3A_779, %select_n3A_770 : vector<16xf32>
      %select_n3A_784 = arith.select %gt3A_783, %get3A_779, %select_n3A_770 : vector<16xi1>, vector<16xf32>
      %select_n3A_785 = arith.select %gt3A_782, %select_n3A_773, %select_n3A_784 : vector<16xi1>, vector<16xf32>
      %select_n3A_786 = arith.select %gt3A_783, %broadcast_in_dim3A_781, %select_n3A_772 : vector<16xi1>, vector<16xi32>
      %select_n3A_787 = arith.select %gt3A_782, %select_n3A_774, %select_n3A_786 : vector<16xi1>, vector<16xi32>
      %select_n3A_788 = arith.select %gt3A_782, %get3A_779, %select_n3A_773 : vector<16xi1>, vector<16xf32>
      %select_n3A_789 = arith.select %gt3A_782, %broadcast_in_dim3A_781, %select_n3A_774 : vector<16xi1>, vector<16xi32>
      %add3A_790 = arith.constant 6784 : i32
      %add3A_791 = arith.addi %add3A_790, %mul3A_4 : i32
      %get3A_792 = arith.index_cast %add3A_791 : i32 to index
      %get3A_793 = tpu.vector_load %arg4[%get3A_792] {strides = array<i32>} : memref<8192xf32, #tpu.memory_space<vmem>>, vector<16xf32>,
      %get3A_794 = vector.shape_cast %get3A_793 : vector<16xf32> to vector<16xf32>
      %broadcast_in_dim3A_795 = arith.constant 53 : i32
      %broadcast_in_dim3A_796 = vector.broadcast %broadcast_in_dim3A_795 : i32 to vector<16xi32>
      %gt3A_797 = arith.cmpf ogt, %get3A_794, %select_n3A_788 : vector<16xf32>
      %gt3A_798 = arith.cmpf ogt, %get3A_794, %select_n3A_785 : vector<16xf32>
      %select_n3A_799 = arith.select %gt3A_798, %get3A_794, %select_n3A_785 : vector<16xi1>, vector<16xf32>
      %select_n3A_800 = arith.select %gt3A_797, %select_n3A_788, %select_n3A_799 : vector<16xi1>, vector<16xf32>
      %select_n3A_801 = arith.select %gt3A_798, %broadcast_in_dim3A_796, %select_n3A_787 : vector<16xi1>, vector<16xi32>
      %select_n3A_802 = arith.select %gt3A_797, %select_n3A_789, %select_n3A_801 : vector<16xi1>, vector<16xi32>
      %select_n3A_803 = arith.select %gt3A_797, %get3A_794, %select_n3A_788 : vector<16xi1>, vector<16xf32>
      %select_n3A_804 = arith.select %gt3A_797, %broadcast_in_dim3A_796, %select_n3A_789 : vector<16xi1>, vector<16xi32>
      %add3A_805 = arith.constant 6912 : i32
      %add3A_806 = arith.addi %add3A_805, %mul3A_4 : i32
      %get3A_807 = arith.index_cast %add3A_806 : i32 to index
      %get3A_808 = tpu.vector_load %arg4[%get3A_807] {strides = array<i32>} : memref<8192xf32, #tpu.memory_space<vmem>>, vector<16xf32>,
      %get3A_809 = vector.shape_cast %get3A_808 : vector<16xf32> to vector<16xf32>
      %broadcast_in_dim3A_810 = arith.constant 54 : i32
      %broadcast_in_dim3A_811 = vector.broadcast %broadcast_in_dim3A_810 : i32 to vector<16xi32>
      %gt3A_812 = arith.cmpf ogt, %get3A_809, %select_n3A_803 : vector<16xf32>
      %gt3A_813 = arith.cmpf ogt, %get3A_809, %select_n3A_800 : vector<16xf32>
      %select_n3A_814 = arith.select %gt3A_813, %get3A_809, %select_n3A_800 : vector<16xi1>, vector<16xf32>
      %select_n3A_815 = arith.select %gt3A_812, %select_n3A_803, %select_n3A_814 : vector<16xi1>, vector<16xf32>
      %select_n3A_816 = arith.select %gt3A_813, %broadcast_in_dim3A_811, %select_n3A_802 : vector<16xi1>, vector<16xi32>
      %select_n3A_817 = arith.select %gt3A_812, %select_n3A_804, %select_n3A_816 : vector<16xi1>, vector<16xi32>
      %select_n3A_818 = arith.select %gt3A_812, %get3A_809, %select_n3A_803 : vector<16xi1>, vector<16xf32>
      %select_n3A_819 = arith.select %gt3A_812, %broadcast_in_dim3A_811, %select_n3A_804 : vector<16xi1>, vector<16xi32>
      %add3A_820 = arith.constant 7040 : i32
      %add3A_821 = arith.addi %add3A_820, %mul3A_4 : i32
      %get3A_822 = arith.index_cast %add3A_821 : i32 to index
      %get3A_823 = tpu.vector_load %arg4[%get3A_822] {strides = array<i32>} : memref<8192xf32, #tpu.memory_space<vmem>>, vector<16xf32>,
      %get3A_824 = vector.shape_cast %get3A_823 : vector<16xf32> to vector<16xf32>
      %broadcast_in_dim3A_825 = arith.constant 55 : i32
      %broadcast_in_dim3A_826 = vector.broadcast %broadcast_in_dim3A_825 : i32 to vector<16xi32>
      %gt3A_827 = arith.cmpf ogt, %get3A_824, %select_n3A_818 : vector<16xf32>
      %gt3A_828 = arith.cmpf ogt, %get3A_824, %select_n3A_815 : vector<16xf32>
      %select_n3A_829 = arith.select %gt3A_828, %get3A_824, %select_n3A_815 : vector<16xi1>, vector<16xf32>
      %select_n3A_830 = arith.select %gt3A_827, %select_n3A_818, %select_n3A_829 : vector<16xi1>, vector<16xf32>
      %select_n3A_831 = arith.select %gt3A_828, %broadcast_in_dim3A_826, %select_n3A_817 : vector<16xi1>, vector<16xi32>
      %select_n3A_832 = arith.select %gt3A_827, %select_n3A_819, %select_n3A_831 : vector<16xi1>, vector<16xi32>
      %select_n3A_833 = arith.select %gt3A_827, %get3A_824, %select_n3A_818 : vector<16xi1>, vector<16xf32>
      %select_n3A_834 = arith.select %gt3A_827, %broadcast_in_dim3A_826, %select_n3A_819 : vector<16xi1>, vector<16xi32>
      %add3A_835 = arith.constant 7168 : i32
      %add3A_836 = arith.addi %add3A_835, %mul3A_4 : i32
      %get3A_837 = arith.index_cast %add3A_836 : i32 to index
      %get3A_838 = tpu.vector_load %arg4[%get3A_837] {strides = array<i32>} : memref<8192xf32, #tpu.memory_space<vmem>>, vector<16xf32>,
      %get3A_839 = vector.shape_cast %get3A_838 : vector<16xf32> to vector<16xf32>
      %broadcast_in_dim3A_840 = arith.constant 56 : i32
      %broadcast_in_dim3A_841 = vector.broadcast %broadcast_in_dim3A_840 : i32 to vector<16xi32>
      %gt3A_842 = arith.cmpf ogt, %get3A_839, %select_n3A_833 : vector<16xf32>
      %gt3A_843 = arith.cmpf ogt, %get3A_839, %select_n3A_830 : vector<16xf32>
      %select_n3A_844 = arith.select %gt3A_843, %get3A_839, %select_n3A_830 : vector<16xi1>, vector<16xf32>
      %select_n3A_845 = arith.select %gt3A_842, %select_n3A_833, %select_n3A_844 : vector<16xi1>, vector<16xf32>
      %select_n3A_846 = arith.select %gt3A_843, %broadcast_in_dim3A_841, %select_n3A_832 : vector<16xi1>, vector<16xi32>
      %select_n3A_847 = arith.select %gt3A_842, %select_n3A_834, %select_n3A_846 : vector<16xi1>, vector<16xi32>
      %select_n3A_848 = arith.select %gt3A_842, %get3A_839, %select_n3A_833 : vector<16xi1>, vector<16xf32>
      %select_n3A_849 = arith.select %gt3A_842, %broadcast_in_dim3A_841, %select_n3A_834 : vector<16xi1>, vector<16xi32>
      %add3A_850 = arith.constant 7296 : i32
      %add3A_851 = arith.addi %add3A_850, %mul3A_4 : i32
      %get3A_852 = arith.index_cast %add3A_851 : i32 to index
      %get3A_853 = tpu.vector_load %arg4[%get3A_852] {strides = array<i32>} : memref<8192xf32, #tpu.memory_space<vmem>>, vector<16xf32>,
      %get3A_854 = vector.shape_cast %get3A_853 : vector<16xf32> to vector<16xf32>
      %broadcast_in_dim3A_855 = arith.constant 57 : i32
      %broadcast_in_dim3A_856 = vector.broadcast %broadcast_in_dim3A_855 : i32 to vector<16xi32>
      %gt3A_857 = arith.cmpf ogt, %get3A_854, %select_n3A_848 : vector<16xf32>
      %gt3A_858 = arith.cmpf ogt, %get3A_854, %select_n3A_845 : vector<16xf32>
      %select_n3A_859 = arith.select %gt3A_858, %get3A_854, %select_n3A_845 : vector<16xi1>, vector<16xf32>
      %select_n3A_860 = arith.select %gt3A_857, %select_n3A_848, %select_n3A_859 : vector<16xi1>, vector<16xf32>
      %select_n3A_861 = arith.select %gt3A_858, %broadcast_in_dim3A_856, %select_n3A_847 : vector<16xi1>, vector<16xi32>
      %select_n3A_862 = arith.select %gt3A_857, %select_n3A_849, %select_n3A_861 : vector<16xi1>, vector<16xi32>
      %select_n3A_863 = arith.select %gt3A_857, %get3A_854, %select_n3A_848 : vector<16xi1>, vector<16xf32>
      %select_n3A_864 = arith.select %gt3A_857, %broadcast_in_dim3A_856, %select_n3A_849 : vector<16xi1>, vector<16xi32>
      %add3A_865 = arith.constant 7424 : i32
      %add3A_866 = arith.addi %add3A_865, %mul3A_4 : i32
      %get3A_867 = arith.index_cast %add3A_866 : i32 to index
      %get3A_868 = tpu.vector_load %arg4[%get3A_867] {strides = array<i32>} : memref<8192xf32, #tpu.memory_space<vmem>>, vector<16xf32>,
      %get3A_869 = vector.shape_cast %get3A_868 : vector<16xf32> to vector<16xf32>
      %broadcast_in_dim3A_870 = arith.constant 58 : i32
      %broadcast_in_dim3A_871 = vector.broadcast %broadcast_in_dim3A_870 : i32 to vector<16xi32>
      %gt3A_872 = arith.cmpf ogt, %get3A_869, %select_n3A_863 : vector<16xf32>
      %gt3A_873 = arith.cmpf ogt, %get3A_869, %select_n3A_860 : vector<16xf32>
      %select_n3A_874 = arith.select %gt3A_873, %get3A_869, %select_n3A_860 : vector<16xi1>, vector<16xf32>
      %select_n3A_875 = arith.select %gt3A_872, %select_n3A_863, %select_n3A_874 : vector<16xi1>, vector<16xf32>
      %select_n3A_876 = arith.select %gt3A_873, %broadcast_in_dim3A_871, %select_n3A_862 : vector<16xi1>, vector<16xi32>
      %select_n3A_877 = arith.select %gt3A_872, %select_n3A_864, %select_n3A_876 : vector<16xi1>, vector<16xi32>
      %select_n3A_878 = arith.select %gt3A_872, %get3A_869, %select_n3A_863 : vector<16xi1>, vector<16xf32>
      %select_n3A_879 = arith.select %gt3A_872, %broadcast_in_dim3A_871, %select_n3A_864 : vector<16xi1>, vector<16xi32>
      %add3A_880 = arith.constant 7552 : i32
      %add3A_881 = arith.addi %add3A_880, %mul3A_4 : i32
      %get3A_882 = arith.index_cast %add3A_881 : i32 to index
      %get3A_883 = tpu.vector_load %arg4[%get3A_882] {strides = array<i32>} : memref<8192xf32, #tpu.memory_space<vmem>>, vector<16xf32>,
      %get3A_884 = vector.shape_cast %get3A_883 : vector<16xf32> to vector<16xf32>
      %broadcast_in_dim3A_885 = arith.constant 59 : i32
      %broadcast_in_dim3A_886 = vector.broadcast %broadcast_in_dim3A_885 : i32 to vector<16xi32>
      %gt3A_887 = arith.cmpf ogt, %get3A_884, %select_n3A_878 : vector<16xf32>
      %gt3A_888 = arith.cmpf ogt, %get3A_884, %select_n3A_875 : vector<16xf32>
      %select_n3A_889 = arith.select %gt3A_888, %get3A_884, %select_n3A_875 : vector<16xi1>, vector<16xf32>
      %select_n3A_890 = arith.select %gt3A_887, %select_n3A_878, %select_n3A_889 : vector<16xi1>, vector<16xf32>
      %select_n3A_891 = arith.select %gt3A_888, %broadcast_in_dim3A_886, %select_n3A_877 : vector<16xi1>, vector<16xi32>
      %select_n3A_892 = arith.select %gt3A_887, %select_n3A_879, %select_n3A_891 : vector<16xi1>, vector<16xi32>
      %select_n3A_893 = arith.select %gt3A_887, %get3A_884, %select_n3A_878 : vector<16xi1>, vector<16xf32>
      %select_n3A_894 = arith.select %gt3A_887, %broadcast_in_dim3A_886, %select_n3A_879 : vector<16xi1>, vector<16xi32>
      %add3A_895 = arith.constant 7680 : i32
      %add3A_896 = arith.addi %add3A_895, %mul3A_4 : i32
      %get3A_897 = arith.index_cast %add3A_896 : i32 to index
      %get3A_898 = tpu.vector_load %arg4[%get3A_897] {strides = array<i32>} : memref<8192xf32, #tpu.memory_space<vmem>>, vector<16xf32>,
      %get3A_899 = vector.shape_cast %get3A_898 : vector<16xf32> to vector<16xf32>
      %broadcast_in_dim3A_900 = arith.constant 60 : i32
      %broadcast_in_dim3A_901 = vector.broadcast %broadcast_in_dim3A_900 : i32 to vector<16xi32>
      %gt3A_902 = arith.cmpf ogt, %get3A_899, %select_n3A_893 : vector<16xf32>
      %gt3A_903 = arith.cmpf ogt, %get3A_899, %select_n3A_890 : vector<16xf32>
      %select_n3A_904 = arith.select %gt3A_903, %get3A_899, %select_n3A_890 : vector<16xi1>, vector<16xf32>
      %select_n3A_905 = arith.select %gt3A_902, %select_n3A_893, %select_n3A_904 : vector<16xi1>, vector<16xf32>
      %select_n3A_906 = arith.select %gt3A_903, %broadcast_in_dim3A_901, %select_n3A_892 : vector<16xi1>, vector<16xi32>
      %select_n3A_907 = arith.select %gt3A_902, %select_n3A_894, %select_n3A_906 : vector<16xi1>, vector<16xi32>
      %select_n3A_908 = arith.select %gt3A_902, %get3A_899, %select_n3A_893 : vector<16xi1>, vector<16xf32>
      %select_n3A_909 = arith.select %gt3A_902, %broadcast_in_dim3A_901, %select_n3A_894 : vector<16xi1>, vector<16xi32>
      %add3A_910 = arith.constant 7808 : i32
      %add3A_911 = arith.addi %add3A_910, %mul3A_4 : i32
      %get3A_912 = arith.index_cast %add3A_911 : i32 to index
      %get3A_913 = tpu.vector_load %arg4[%get3A_912] {strides = array<i32>} : memref<8192xf32, #tpu.memory_space<vmem>>, vector<16xf32>,
      %get3A_914 = vector.shape_cast %get3A_913 : vector<16xf32> to vector<16xf32>
      %broadcast_in_dim3A_915 = arith.constant 61 : i32
      %broadcast_in_dim3A_916 = vector.broadcast %broadcast_in_dim3A_915 : i32 to vector<16xi32>
      %gt3A_917 = arith.cmpf ogt, %get3A_914, %select_n3A_908 : vector<16xf32>
      %gt3A_918 = arith.cmpf ogt, %get3A_914, %select_n3A_905 : vector<16xf32>
      %select_n3A_919 = arith.select %gt3A_918, %get3A_914, %select_n3A_905 : vector<16xi1>, vector<16xf32>
      %select_n3A_920 = arith.select %gt3A_917, %select_n3A_908, %select_n3A_919 : vector<16xi1>, vector<16xf32>
      %select_n3A_921 = arith.select %gt3A_918, %broadcast_in_dim3A_916, %select_n3A_907 : vector<16xi1>, vector<16xi32>
      %select_n3A_922 = arith.select %gt3A_917, %select_n3A_909, %select_n3A_921 : vector<16xi1>, vector<16xi32>
      %select_n3A_923 = arith.select %gt3A_917, %get3A_914, %select_n3A_908 : vector<16xi1>, vector<16xf32>
      %select_n3A_924 = arith.select %gt3A_917, %broadcast_in_dim3A_916, %select_n3A_909 : vector<16xi1>, vector<16xi32>
      %add3A_925 = arith.constant 7936 : i32
      %add3A_926 = arith.addi %add3A_925, %mul3A_4 : i32
      %get3A_927 = arith.index_cast %add3A_926 : i32 to index
      %get3A_928 = tpu.vector_load %arg4[%get3A_927] {strides = array<i32>} : memref<8192xf32, #tpu.memory_space<vmem>>, vector<16xf32>,
      %get3A_929 = vector.shape_cast %get3A_928 : vector<16xf32> to vector<16xf32>
      %broadcast_in_dim3A_930 = arith.constant 62 : i32
      %broadcast_in_dim3A_931 = vector.broadcast %broadcast_in_dim3A_930 : i32 to vector<16xi32>
      %gt3A_932 = arith.cmpf ogt, %get3A_929, %select_n3A_923 : vector<16xf32>
      %gt3A_933 = arith.cmpf ogt, %get3A_929, %select_n3A_920 : vector<16xf32>
      %select_n3A_934 = arith.select %gt3A_933, %get3A_929, %select_n3A_920 : vector<16xi1>, vector<16xf32>
      %select_n3A_935 = arith.select %gt3A_932, %select_n3A_923, %select_n3A_934 : vector<16xi1>, vector<16xf32>
      %select_n3A_936 = arith.select %gt3A_933, %broadcast_in_dim3A_931, %select_n3A_922 : vector<16xi1>, vector<16xi32>
      %select_n3A_937 = arith.select %gt3A_932, %select_n3A_924, %select_n3A_936 : vector<16xi1>, vector<16xi32>
      %select_n3A_938 = arith.select %gt3A_932, %get3A_929, %select_n3A_923 : vector<16xi1>, vector<16xf32>
      %select_n3A_939 = arith.select %gt3A_932, %broadcast_in_dim3A_931, %select_n3A_924 : vector<16xi1>, vector<16xi32>
      %add3A_940 = arith.constant 8064 : i32
      %add3A_941 = arith.addi %add3A_940, %mul3A_4 : i32
      %get3A_942 = arith.index_cast %add3A_941 : i32 to index
      %get3A_943 = tpu.vector_load %arg4[%get3A_942] {strides = array<i32>} : memref<8192xf32, #tpu.memory_space<vmem>>, vector<16xf32>,
      %get3A_944 = vector.shape_cast %get3A_943 : vector<16xf32> to vector<16xf32>
      %broadcast_in_dim3A_945 = arith.constant 63 : i32
      %broadcast_in_dim3A_946 = vector.broadcast %broadcast_in_dim3A_945 : i32 to vector<16xi32>
      %gt3A_947 = arith.cmpf ogt, %get3A_944, %select_n3A_938 : vector<16xf32>
      %gt3A_948 = arith.cmpf ogt, %get3A_944, %select_n3A_935 : vector<16xf32>
      %select_n3A_949 = arith.select %gt3A_948, %get3A_944, %select_n3A_935 : vector<16xi1>, vector<16xf32>
      %select_n3A_950 = arith.select %gt3A_947, %select_n3A_938, %select_n3A_949 : vector<16xi1>, vector<16xf32>
      %select_n3A_951 = arith.select %gt3A_948, %broadcast_in_dim3A_946, %select_n3A_937 : vector<16xi1>, vector<16xi32>
      %select_n3A_952 = arith.select %gt3A_947, %select_n3A_939, %select_n3A_951 : vector<16xi1>, vector<16xi32>
      %select_n3A_953 = arith.select %gt3A_947, %get3A_944, %select_n3A_938 : vector<16xi1>, vector<16xf32>
      %select_n3A_954 = arith.select %gt3A_947, %broadcast_in_dim3A_946, %select_n3A_939 : vector<16xi1>, vector<16xi32>
      %sub3A = arith.subf %select_n3A_950, %select_n3A_953 : vector<16xf32>
      %exp3A = math.exp %sub3A : vector<16xf32>
      %add3A_955 = arith.constant 1.000000e+00 : f32
      %add3A_956 = vector.broadcast %add3A_955 : f32 to vector<16xf32>
      %add3A_957 = arith.addf %add3A_956, %exp3A : vector<16xf32>
      %div3A = arith.constant 1.000000e+00 : f32
      %div3A_958 = vector.broadcast %div3A : f32 to vector<16xf32>
      %div3A_959 = arith.divf %div3A_958, %add3A_957 : vector<16xf32>
      %sub3A_960 = arith.constant 1.000000e+00 : f32
      %sub3A_961 = vector.broadcast %sub3A_960 : f32 to vector<16xf32>
      %sub3A_962 = arith.subf %sub3A_961, %div3A_959 : vector<16xf32>
      %broadcast_in_dim3A_963 = arith.constant 0 : i32
      %broadcast_in_dim3A_964 = vector.broadcast %broadcast_in_dim3A_963 : i32 to vector<16xi32>
      %eq3A = arith.cmpi eq, %select_n3A_954, %broadcast_in_dim3A_964 : vector<16xi32>
      %jit3A = arith.constant 0.000000e+00 : f32
      %broadcast_in_dim3A_965 = vector.broadcast %jit3A : f32 to vector<16xf32>
      %select_n3A_966 = arith.select %eq3A, %div3A_959, %broadcast_in_dim3A_965 : vector<16xi1>, vector<16xf32>
      %eq3A_967 = arith.cmpi eq, %select_n3A_952, %broadcast_in_dim3A_964 : vector<16xi32>
      %jit3A_968 = arith.constant 0.000000e+00 : f32
      %broadcast_in_dim3A_969 = vector.broadcast %jit3A_968 : f32 to vector<16xf32>
      %select_n3A_970 = arith.select %eq3A_967, %sub3A_962, %broadcast_in_dim3A_969 : vector<16xi1>, vector<16xf32>
      %add3A_971 = arith.addf %select_n3A_966, %select_n3A_970 : vector<16xf32>
      %swap3A = arith.constant 0 : i32
      %swap3A_972 = arith.index_cast %swap3A : i32 to index
      %swap3A_973 = arith.constant 0 : index
      %swap3A_974 = tpu.vector_load %arg5[%swap3A_972, %swap3A_973] {strides = array<i32>} : memref<64x16xf32, #tpu.memory_space<vmem>>, vector<1x16xf32>,
      %swap3A_975 = vector.shape_cast %swap3A_974 : vector<1x16xf32> to vector<16xf32>
      %swap3A_976 = vector.shape_cast %add3A_971 : vector<16xf32> to vector<1x16xf32>
      tpu.vector_store %arg5[%swap3A_972, %swap3A_973], %swap3A_976 {strides = array<i32>} : memref<64x16xf32, #tpu.memory_space<vmem>>, vector<1x16xf32>,
      %broadcast_in_dim3A_977 = arith.constant 1 : i32
      %broadcast_in_dim3A_978 = vector.broadcast %broadcast_in_dim3A_977 : i32 to vector<16xi32>
      %eq3A_979 = arith.cmpi eq, %select_n3A_954, %broadcast_in_dim3A_978 : vector<16xi32>
      %jit3A_980 = arith.constant 0.000000e+00 : f32
      %broadcast_in_dim3A_981 = vector.broadcast %jit3A_980 : f32 to vector<16xf32>
      %select_n3A_982 = arith.select %eq3A_979, %div3A_959, %broadcast_in_dim3A_981 : vector<16xi1>, vector<16xf32>
      %eq3A_983 = arith.cmpi eq, %select_n3A_952, %broadcast_in_dim3A_978 : vector<16xi32>
      %jit3A_984 = arith.constant 0.000000e+00 : f32
      %broadcast_in_dim3A_985 = vector.broadcast %jit3A_984 : f32 to vector<16xf32>
      %select_n3A_986 = arith.select %eq3A_983, %sub3A_962, %broadcast_in_dim3A_985 : vector<16xi1>, vector<16xf32>
      %add3A_987 = arith.addf %select_n3A_982, %select_n3A_986 : vector<16xf32>
      %swap3A_988 = arith.constant 1 : i32
      %swap3A_989 = arith.index_cast %swap3A_988 : i32 to index
      %swap3A_990 = arith.constant 0 : index
      %swap3A_991 = tpu.vector_load %arg5[%swap3A_989, %swap3A_990] {strides = array<i32>} : memref<64x16xf32, #tpu.memory_space<vmem>>, vector<1x16xf32>,
      %swap3A_992 = vector.shape_cast %swap3A_991 : vector<1x16xf32> to vector<16xf32>
      %swap3A_993 = vector.shape_cast %add3A_987 : vector<16xf32> to vector<1x16xf32>
      tpu.vector_store %arg5[%swap3A_989, %swap3A_990], %swap3A_993 {strides = array<i32>} : memref<64x16xf32, #tpu.memory_space<vmem>>, vector<1x16xf32>,
      %broadcast_in_dim3A_994 = arith.constant 2 : i32
      %broadcast_in_dim3A_995 = vector.broadcast %broadcast_in_dim3A_994 : i32 to vector<16xi32>
      %eq3A_996 = arith.cmpi eq, %select_n3A_954, %broadcast_in_dim3A_995 : vector<16xi32>
      %jit3A_997 = arith.constant 0.000000e+00 : f32
      %broadcast_in_dim3A_998 = vector.broadcast %jit3A_997 : f32 to vector<16xf32>
      %select_n3A_999 = arith.select %eq3A_996, %div3A_959, %broadcast_in_dim3A_998 : vector<16xi1>, vector<16xf32>
      %eq3A_1000 = arith.cmpi eq, %select_n3A_952, %broadcast_in_dim3A_995 : vector<16xi32>
      %jit3A_1001 = arith.constant 0.000000e+00 : f32
      %broadcast_in_dim3A_1002 = vector.broadcast %jit3A_1001 : f32 to vector<16xf32>
      %select_n3A_1003 = arith.select %eq3A_1000, %sub3A_962, %broadcast_in_dim3A_1002 : vector<16xi1>, vector<16xf32>
      %add3A_1004 = arith.addf %select_n3A_999, %select_n3A_1003 : vector<16xf32>
      %swap3A_1005 = arith.constant 2 : i32
      %swap3A_1006 = arith.index_cast %swap3A_1005 : i32 to index
      %swap3A_1007 = arith.constant 0 : index
      %swap3A_1008 = tpu.vector_load %arg5[%swap3A_1006, %swap3A_1007] {strides = array<i32>} : memref<64x16xf32, #tpu.memory_space<vmem>>, vector<1x16xf32>,
      %swap3A_1009 = vector.shape_cast %swap3A_1008 : vector<1x16xf32> to vector<16xf32>
      %swap3A_1010 = vector.shape_cast %add3A_1004 : vector<16xf32> to vector<1x16xf32>
      tpu.vector_store %arg5[%swap3A_1006, %swap3A_1007], %swap3A_1010 {strides = array<i32>} : memref<64x16xf32, #tpu.memory_space<vmem>>, vector<1x16xf32>,
      %broadcast_in_dim3A_1011 = arith.constant 3 : i32
      %broadcast_in_dim3A_1012 = vector.broadcast %broadcast_in_dim3A_1011 : i32 to vector<16xi32>
      %eq3A_1013 = arith.cmpi eq, %select_n3A_954, %broadcast_in_dim3A_1012 : vector<16xi32>
      %jit3A_1014 = arith.constant 0.000000e+00 : f32
      %broadcast_in_dim3A_1015 = vector.broadcast %jit3A_1014 : f32 to vector<16xf32>
      %select_n3A_1016 = arith.select %eq3A_1013, %div3A_959, %broadcast_in_dim3A_1015 : vector<16xi1>, vector<16xf32>
      %eq3A_1017 = arith.cmpi eq, %select_n3A_952, %broadcast_in_dim3A_1012 : vector<16xi32>
      %jit3A_1018 = arith.constant 0.000000e+00 : f32
      %broadcast_in_dim3A_1019 = vector.broadcast %jit3A_1018 : f32 to vector<16xf32>
      %select_n3A_1020 = arith.select %eq3A_1017, %sub3A_962, %broadcast_in_dim3A_1019 : vector<16xi1>, vector<16xf32>
      %add3A_1021 = arith.addf %select_n3A_1016, %select_n3A_1020 : vector<16xf32>
      %swap3A_1022 = arith.constant 3 : i32
      %swap3A_1023 = arith.index_cast %swap3A_1022 : i32 to index
      %swap3A_1024 = arith.constant 0 : index
      %swap3A_1025 = tpu.vector_load %arg5[%swap3A_1023, %swap3A_1024] {strides = array<i32>} : memref<64x16xf32, #tpu.memory_space<vmem>>, vector<1x16xf32>,
      %swap3A_1026 = vector.shape_cast %swap3A_1025 : vector<1x16xf32> to vector<16xf32>
      %swap3A_1027 = vector.shape_cast %add3A_1021 : vector<16xf32> to vector<1x16xf32>
      tpu.vector_store %arg5[%swap3A_1023, %swap3A_1024], %swap3A_1027 {strides = array<i32>} : memref<64x16xf32, #tpu.memory_space<vmem>>, vector<1x16xf32>,
      %broadcast_in_dim3A_1028 = arith.constant 4 : i32
      %broadcast_in_dim3A_1029 = vector.broadcast %broadcast_in_dim3A_1028 : i32 to vector<16xi32>
      %eq3A_1030 = arith.cmpi eq, %select_n3A_954, %broadcast_in_dim3A_1029 : vector<16xi32>
      %jit3A_1031 = arith.constant 0.000000e+00 : f32
      %broadcast_in_dim3A_1032 = vector.broadcast %jit3A_1031 : f32 to vector<16xf32>
      %select_n3A_1033 = arith.select %eq3A_1030, %div3A_959, %broadcast_in_dim3A_1032 : vector<16xi1>, vector<16xf32>
      %eq3A_1034 = arith.cmpi eq, %select_n3A_952, %broadcast_in_dim3A_1029 : vector<16xi32>
      %jit3A_1035 = arith.constant 0.000000e+00 : f32
      %broadcast_in_dim3A_1036 = vector.broadcast %jit3A_1035 : f32 to vector<16xf32>
      %select_n3A_1037 = arith.select %eq3A_1034, %sub3A_962, %broadcast_in_dim3A_1036 : vector<16xi1>, vector<16xf32>
      %add3A_1038 = arith.addf %select_n3A_1033, %select_n3A_1037 : vector<16xf32>
      %swap3A_1039 = arith.constant 4 : i32
      %swap3A_1040 = arith.index_cast %swap3A_1039 : i32 to index
      %swap3A_1041 = arith.constant 0 : index
      %swap3A_1042 = tpu.vector_load %arg5[%swap3A_1040, %swap3A_1041] {strides = array<i32>} : memref<64x16xf32, #tpu.memory_space<vmem>>, vector<1x16xf32>,
      %swap3A_1043 = vector.shape_cast %swap3A_1042 : vector<1x16xf32> to vector<16xf32>
      %swap3A_1044 = vector.shape_cast %add3A_1038 : vector<16xf32> to vector<1x16xf32>
      tpu.vector_store %arg5[%swap3A_1040, %swap3A_1041], %swap3A_1044 {strides = array<i32>} : memref<64x16xf32, #tpu.memory_space<vmem>>, vector<1x16xf32>,
      %broadcast_in_dim3A_1045 = arith.constant 5 : i32
      %broadcast_in_dim3A_1046 = vector.broadcast %broadcast_in_dim3A_1045 : i32 to vector<16xi32>
      %eq3A_1047 = arith.cmpi eq, %select_n3A_954, %broadcast_in_dim3A_1046 : vector<16xi32>
      %jit3A_1048 = arith.constant 0.000000e+00 : f32
      %broadcast_in_dim3A_1049 = vector.broadcast %jit3A_1048 : f32 to vector<16xf32>
      %select_n3A_1050 = arith.select %eq3A_1047, %div3A_959, %broadcast_in_dim3A_1049 : vector<16xi1>, vector<16xf32>
      %eq3A_1051 = arith.cmpi eq, %select_n3A_952, %broadcast_in_dim3A_1046 : vector<16xi32>
      %jit3A_1052 = arith.constant 0.000000e+00 : f32
      %broadcast_in_dim3A_1053 = vector.broadcast %jit3A_1052 : f32 to vector<16xf32>
      %select_n3A_1054 = arith.select %eq3A_1051, %sub3A_962, %broadcast_in_dim3A_1053 : vector<16xi1>, vector<16xf32>
      %add3A_1055 = arith.addf %select_n3A_1050, %select_n3A_1054 : vector<16xf32>
      %swap3A_1056 = arith.constant 5 : i32
      %swap3A_1057 = arith.index_cast %swap3A_1056 : i32 to index
      %swap3A_1058 = arith.constant 0 : index
      %swap3A_1059 = tpu.vector_load %arg5[%swap3A_1057, %swap3A_1058] {strides = array<i32>} : memref<64x16xf32, #tpu.memory_space<vmem>>, vector<1x16xf32>,
      %swap3A_1060 = vector.shape_cast %swap3A_1059 : vector<1x16xf32> to vector<16xf32>
      %swap3A_1061 = vector.shape_cast %add3A_1055 : vector<16xf32> to vector<1x16xf32>
      tpu.vector_store %arg5[%swap3A_1057, %swap3A_1058], %swap3A_1061 {strides = array<i32>} : memref<64x16xf32, #tpu.memory_space<vmem>>, vector<1x16xf32>,
      %broadcast_in_dim3A_1062 = arith.constant 6 : i32
      %broadcast_in_dim3A_1063 = vector.broadcast %broadcast_in_dim3A_1062 : i32 to vector<16xi32>
      %eq3A_1064 = arith.cmpi eq, %select_n3A_954, %broadcast_in_dim3A_1063 : vector<16xi32>
      %jit3A_1065 = arith.constant 0.000000e+00 : f32
      %broadcast_in_dim3A_1066 = vector.broadcast %jit3A_1065 : f32 to vector<16xf32>
      %select_n3A_1067 = arith.select %eq3A_1064, %div3A_959, %broadcast_in_dim3A_1066 : vector<16xi1>, vector<16xf32>
      %eq3A_1068 = arith.cmpi eq, %select_n3A_952, %broadcast_in_dim3A_1063 : vector<16xi32>
      %jit3A_1069 = arith.constant 0.000000e+00 : f32
      %broadcast_in_dim3A_1070 = vector.broadcast %jit3A_1069 : f32 to vector<16xf32>
      %select_n3A_1071 = arith.select %eq3A_1068, %sub3A_962, %broadcast_in_dim3A_1070 : vector<16xi1>, vector<16xf32>
      %add3A_1072 = arith.addf %select_n3A_1067, %select_n3A_1071 : vector<16xf32>
      %swap3A_1073 = arith.constant 6 : i32
      %swap3A_1074 = arith.index_cast %swap3A_1073 : i32 to index
      %swap3A_1075 = arith.constant 0 : index
      %swap3A_1076 = tpu.vector_load %arg5[%swap3A_1074, %swap3A_1075] {strides = array<i32>} : memref<64x16xf32, #tpu.memory_space<vmem>>, vector<1x16xf32>,
      %swap3A_1077 = vector.shape_cast %swap3A_1076 : vector<1x16xf32> to vector<16xf32>
      %swap3A_1078 = vector.shape_cast %add3A_1072 : vector<16xf32> to vector<1x16xf32>
      tpu.vector_store %arg5[%swap3A_1074, %swap3A_1075], %swap3A_1078 {strides = array<i32>} : memref<64x16xf32, #tpu.memory_space<vmem>>, vector<1x16xf32>,
      %broadcast_in_dim3A_1079 = arith.constant 7 : i32
      %broadcast_in_dim3A_1080 = vector.broadcast %broadcast_in_dim3A_1079 : i32 to vector<16xi32>
      %eq3A_1081 = arith.cmpi eq, %select_n3A_954, %broadcast_in_dim3A_1080 : vector<16xi32>
      %jit3A_1082 = arith.constant 0.000000e+00 : f32
      %broadcast_in_dim3A_1083 = vector.broadcast %jit3A_1082 : f32 to vector<16xf32>
      %select_n3A_1084 = arith.select %eq3A_1081, %div3A_959, %broadcast_in_dim3A_1083 : vector<16xi1>, vector<16xf32>
      %eq3A_1085 = arith.cmpi eq, %select_n3A_952, %broadcast_in_dim3A_1080 : vector<16xi32>
      %jit3A_1086 = arith.constant 0.000000e+00 : f32
      %broadcast_in_dim3A_1087 = vector.broadcast %jit3A_1086 : f32 to vector<16xf32>
      %select_n3A_1088 = arith.select %eq3A_1085, %sub3A_962, %broadcast_in_dim3A_1087 : vector<16xi1>, vector<16xf32>
      %add3A_1089 = arith.addf %select_n3A_1084, %select_n3A_1088 : vector<16xf32>
      %swap3A_1090 = arith.constant 7 : i32
      %swap3A_1091 = arith.index_cast %swap3A_1090 : i32 to index
      %swap3A_1092 = arith.constant 0 : index
      %swap3A_1093 = tpu.vector_load %arg5[%swap3A_1091, %swap3A_1092] {strides = array<i32>} : memref<64x16xf32, #tpu.memory_space<vmem>>, vector<1x16xf32>,
      %swap3A_1094 = vector.shape_cast %swap3A_1093 : vector<1x16xf32> to vector<16xf32>
      %swap3A_1095 = vector.shape_cast %add3A_1089 : vector<16xf32> to vector<1x16xf32>
      tpu.vector_store %arg5[%swap3A_1091, %swap3A_1092], %swap3A_1095 {strides = array<i32>} : memref<64x16xf32, #tpu.memory_space<vmem>>, vector<1x16xf32>,
      %broadcast_in_dim3A_1096 = arith.constant 8 : i32
      %broadcast_in_dim3A_1097 = vector.broadcast %broadcast_in_dim3A_1096 : i32 to vector<16xi32>
      %eq3A_1098 = arith.cmpi eq, %select_n3A_954, %broadcast_in_dim3A_1097 : vector<16xi32>
      %jit3A_1099 = arith.constant 0.000000e+00 : f32
      %broadcast_in_dim3A_1100 = vector.broadcast %jit3A_1099 : f32 to vector<16xf32>
      %select_n3A_1101 = arith.select %eq3A_1098, %div3A_959, %broadcast_in_dim3A_1100 : vector<16xi1>, vector<16xf32>
      %eq3A_1102 = arith.cmpi eq, %select_n3A_952, %broadcast_in_dim3A_1097 : vector<16xi32>
      %jit3A_1103 = arith.constant 0.000000e+00 : f32
      %broadcast_in_dim3A_1104 = vector.broadcast %jit3A_1103 : f32 to vector<16xf32>
      %select_n3A_1105 = arith.select %eq3A_1102, %sub3A_962, %broadcast_in_dim3A_1104 : vector<16xi1>, vector<16xf32>
      %add3A_1106 = arith.addf %select_n3A_1101, %select_n3A_1105 : vector<16xf32>
      %swap3A_1107 = arith.constant 8 : i32
      %swap3A_1108 = arith.index_cast %swap3A_1107 : i32 to index
      %swap3A_1109 = arith.constant 0 : index
      %swap3A_1110 = tpu.vector_load %arg5[%swap3A_1108, %swap3A_1109] {strides = array<i32>} : memref<64x16xf32, #tpu.memory_space<vmem>>, vector<1x16xf32>,
      %swap3A_1111 = vector.shape_cast %swap3A_1110 : vector<1x16xf32> to vector<16xf32>
      %swap3A_1112 = vector.shape_cast %add3A_1106 : vector<16xf32> to vector<1x16xf32>
      tpu.vector_store %arg5[%swap3A_1108, %swap3A_1109], %swap3A_1112 {strides = array<i32>} : memref<64x16xf32, #tpu.memory_space<vmem>>, vector<1x16xf32>,
      %broadcast_in_dim3A_1113 = arith.constant 9 : i32
      %broadcast_in_dim3A_1114 = vector.broadcast %broadcast_in_dim3A_1113 : i32 to vector<16xi32>
      %eq3A_1115 = arith.cmpi eq, %select_n3A_954, %broadcast_in_dim3A_1114 : vector<16xi32>
      %jit3A_1116 = arith.constant 0.000000e+00 : f32
      %broadcast_in_dim3A_1117 = vector.broadcast %jit3A_1116 : f32 to vector<16xf32>
      %select_n3A_1118 = arith.select %eq3A_1115, %div3A_959, %broadcast_in_dim3A_1117 : vector<16xi1>, vector<16xf32>
      %eq3A_1119 = arith.cmpi eq, %select_n3A_952, %broadcast_in_dim3A_1114 : vector<16xi32>
      %jit3A_1120 = arith.constant 0.000000e+00 : f32
      %broadcast_in_dim3A_1121 = vector.broadcast %jit3A_1120 : f32 to vector<16xf32>
      %select_n3A_1122 = arith.select %eq3A_1119, %sub3A_962, %broadcast_in_dim3A_1121 : vector<16xi1>, vector<16xf32>
      %add3A_1123 = arith.addf %select_n3A_1118, %select_n3A_1122 : vector<16xf32>
      %swap3A_1124 = arith.constant 9 : i32
      %swap3A_1125 = arith.index_cast %swap3A_1124 : i32 to index
      %swap3A_1126 = arith.constant 0 : index
      %swap3A_1127 = tpu.vector_load %arg5[%swap3A_1125, %swap3A_1126] {strides = array<i32>} : memref<64x16xf32, #tpu.memory_space<vmem>>, vector<1x16xf32>,
      %swap3A_1128 = vector.shape_cast %swap3A_1127 : vector<1x16xf32> to vector<16xf32>
      %swap3A_1129 = vector.shape_cast %add3A_1123 : vector<16xf32> to vector<1x16xf32>
      tpu.vector_store %arg5[%swap3A_1125, %swap3A_1126], %swap3A_1129 {strides = array<i32>} : memref<64x16xf32, #tpu.memory_space<vmem>>, vector<1x16xf32>,
      %broadcast_in_dim3A_1130 = arith.constant 10 : i32
      %broadcast_in_dim3A_1131 = vector.broadcast %broadcast_in_dim3A_1130 : i32 to vector<16xi32>
      %eq3A_1132 = arith.cmpi eq, %select_n3A_954, %broadcast_in_dim3A_1131 : vector<16xi32>
      %jit3A_1133 = arith.constant 0.000000e+00 : f32
      %broadcast_in_dim3A_1134 = vector.broadcast %jit3A_1133 : f32 to vector<16xf32>
      %select_n3A_1135 = arith.select %eq3A_1132, %div3A_959, %broadcast_in_dim3A_1134 : vector<16xi1>, vector<16xf32>
      %eq3A_1136 = arith.cmpi eq, %select_n3A_952, %broadcast_in_dim3A_1131 : vector<16xi32>
      %jit3A_1137 = arith.constant 0.000000e+00 : f32
      %broadcast_in_dim3A_1138 = vector.broadcast %jit3A_1137 : f32 to vector<16xf32>
      %select_n3A_1139 = arith.select %eq3A_1136, %sub3A_962, %broadcast_in_dim3A_1138 : vector<16xi1>, vector<16xf32>
      %add3A_1140 = arith.addf %select_n3A_1135, %select_n3A_1139 : vector<16xf32>
      %swap3A_1141 = arith.constant 10 : i32
      %swap3A_1142 = arith.index_cast %swap3A_1141 : i32 to index
      %swap3A_1143 = arith.constant 0 : index
      %swap3A_1144 = tpu.vector_load %arg5[%swap3A_1142, %swap3A_1143] {strides = array<i32>} : memref<64x16xf32, #tpu.memory_space<vmem>>, vector<1x16xf32>,
      %swap3A_1145 = vector.shape_cast %swap3A_1144 : vector<1x16xf32> to vector<16xf32>
      %swap3A_1146 = vector.shape_cast %add3A_1140 : vector<16xf32> to vector<1x16xf32>
      tpu.vector_store %arg5[%swap3A_1142, %swap3A_1143], %swap3A_1146 {strides = array<i32>} : memref<64x16xf32, #tpu.memory_space<vmem>>, vector<1x16xf32>,
      %broadcast_in_dim3A_1147 = arith.constant 11 : i32
      %broadcast_in_dim3A_1148 = vector.broadcast %broadcast_in_dim3A_1147 : i32 to vector<16xi32>
      %eq3A_1149 = arith.cmpi eq, %select_n3A_954, %broadcast_in_dim3A_1148 : vector<16xi32>
      %jit3A_1150 = arith.constant 0.000000e+00 : f32
      %broadcast_in_dim3A_1151 = vector.broadcast %jit3A_1150 : f32 to vector<16xf32>
      %select_n3A_1152 = arith.select %eq3A_1149, %div3A_959, %broadcast_in_dim3A_1151 : vector<16xi1>, vector<16xf32>
      %eq3A_1153 = arith.cmpi eq, %select_n3A_952, %broadcast_in_dim3A_1148 : vector<16xi32>
      %jit3A_1154 = arith.constant 0.000000e+00 : f32
      %broadcast_in_dim3A_1155 = vector.broadcast %jit3A_1154 : f32 to vector<16xf32>
      %select_n3A_1156 = arith.select %eq3A_1153, %sub3A_962, %broadcast_in_dim3A_1155 : vector<16xi1>, vector<16xf32>
      %add3A_1157 = arith.addf %select_n3A_1152, %select_n3A_1156 : vector<16xf32>
      %swap3A_1158 = arith.constant 11 : i32
      %swap3A_1159 = arith.index_cast %swap3A_1158 : i32 to index
      %swap3A_1160 = arith.constant 0 : index
      %swap3A_1161 = tpu.vector_load %arg5[%swap3A_1159, %swap3A_1160] {strides = array<i32>} : memref<64x16xf32, #tpu.memory_space<vmem>>, vector<1x16xf32>,
      %swap3A_1162 = vector.shape_cast %swap3A_1161 : vector<1x16xf32> to vector<16xf32>
      %swap3A_1163 = vector.shape_cast %add3A_1157 : vector<16xf32> to vector<1x16xf32>
      tpu.vector_store %arg5[%swap3A_1159, %swap3A_1160], %swap3A_1163 {strides = array<i32>} : memref<64x16xf32, #tpu.memory_space<vmem>>, vector<1x16xf32>,
      %broadcast_in_dim3A_1164 = arith.constant 12 : i32
      %broadcast_in_dim3A_1165 = vector.broadcast %broadcast_in_dim3A_1164 : i32 to vector<16xi32>
      %eq3A_1166 = arith.cmpi eq, %select_n3A_954, %broadcast_in_dim3A_1165 : vector<16xi32>
      %jit3A_1167 = arith.constant 0.000000e+00 : f32
      %broadcast_in_dim3A_1168 = vector.broadcast %jit3A_1167 : f32 to vector<16xf32>
      %select_n3A_1169 = arith.select %eq3A_1166, %div3A_959, %broadcast_in_dim3A_1168 : vector<16xi1>, vector<16xf32>
      %eq3A_1170 = arith.cmpi eq, %select_n3A_952, %broadcast_in_dim3A_1165 : vector<16xi32>
      %jit3A_1171 = arith.constant 0.000000e+00 : f32
      %broadcast_in_dim3A_1172 = vector.broadcast %jit3A_1171 : f32 to vector<16xf32>
      %select_n3A_1173 = arith.select %eq3A_1170, %sub3A_962, %broadcast_in_dim3A_1172 : vector<16xi1>, vector<16xf32>
      %add3A_1174 = arith.addf %select_n3A_1169, %select_n3A_1173 : vector<16xf32>
      %swap3A_1175 = arith.constant 12 : i32
      %swap3A_1176 = arith.index_cast %swap3A_1175 : i32 to index
      %swap3A_1177 = arith.constant 0 : index
      %swap3A_1178 = tpu.vector_load %arg5[%swap3A_1176, %swap3A_1177] {strides = array<i32>} : memref<64x16xf32, #tpu.memory_space<vmem>>, vector<1x16xf32>,
      %swap3A_1179 = vector.shape_cast %swap3A_1178 : vector<1x16xf32> to vector<16xf32>
      %swap3A_1180 = vector.shape_cast %add3A_1174 : vector<16xf32> to vector<1x16xf32>
      tpu.vector_store %arg5[%swap3A_1176, %swap3A_1177], %swap3A_1180 {strides = array<i32>} : memref<64x16xf32, #tpu.memory_space<vmem>>, vector<1x16xf32>,
      %broadcast_in_dim3A_1181 = arith.constant 13 : i32
      %broadcast_in_dim3A_1182 = vector.broadcast %broadcast_in_dim3A_1181 : i32 to vector<16xi32>
      %eq3A_1183 = arith.cmpi eq, %select_n3A_954, %broadcast_in_dim3A_1182 : vector<16xi32>
      %jit3A_1184 = arith.constant 0.000000e+00 : f32
      %broadcast_in_dim3A_1185 = vector.broadcast %jit3A_1184 : f32 to vector<16xf32>
      %select_n3A_1186 = arith.select %eq3A_1183, %div3A_959, %broadcast_in_dim3A_1185 : vector<16xi1>, vector<16xf32>
      %eq3A_1187 = arith.cmpi eq, %select_n3A_952, %broadcast_in_dim3A_1182 : vector<16xi32>
      %jit3A_1188 = arith.constant 0.000000e+00 : f32
      %broadcast_in_dim3A_1189 = vector.broadcast %jit3A_1188 : f32 to vector<16xf32>
      %select_n3A_1190 = arith.select %eq3A_1187, %sub3A_962, %broadcast_in_dim3A_1189 : vector<16xi1>, vector<16xf32>
      %add3A_1191 = arith.addf %select_n3A_1186, %select_n3A_1190 : vector<16xf32>
      %swap3A_1192 = arith.constant 13 : i32
      %swap3A_1193 = arith.index_cast %swap3A_1192 : i32 to index
      %swap3A_1194 = arith.constant 0 : index
      %swap3A_1195 = tpu.vector_load %arg5[%swap3A_1193, %swap3A_1194] {strides = array<i32>} : memref<64x16xf32, #tpu.memory_space<vmem>>, vector<1x16xf32>,
      %swap3A_1196 = vector.shape_cast %swap3A_1195 : vector<1x16xf32> to vector<16xf32>
      %swap3A_1197 = vector.shape_cast %add3A_1191 : vector<16xf32> to vector<1x16xf32>
      tpu.vector_store %arg5[%swap3A_1193, %swap3A_1194], %swap3A_1197 {strides = array<i32>} : memref<64x16xf32, #tpu.memory_space<vmem>>, vector<1x16xf32>,
      %broadcast_in_dim3A_1198 = arith.constant 14 : i32
      %broadcast_in_dim3A_1199 = vector.broadcast %broadcast_in_dim3A_1198 : i32 to vector<16xi32>
      %eq3A_1200 = arith.cmpi eq, %select_n3A_954, %broadcast_in_dim3A_1199 : vector<16xi32>
      %jit3A_1201 = arith.constant 0.000000e+00 : f32
      %broadcast_in_dim3A_1202 = vector.broadcast %jit3A_1201 : f32 to vector<16xf32>
      %select_n3A_1203 = arith.select %eq3A_1200, %div3A_959, %broadcast_in_dim3A_1202 : vector<16xi1>, vector<16xf32>
      %eq3A_1204 = arith.cmpi eq, %select_n3A_952, %broadcast_in_dim3A_1199 : vector<16xi32>
      %jit3A_1205 = arith.constant 0.000000e+00 : f32
      %broadcast_in_dim3A_1206 = vector.broadcast %jit3A_1205 : f32 to vector<16xf32>
      %select_n3A_1207 = arith.select %eq3A_1204, %sub3A_962, %broadcast_in_dim3A_1206 : vector<16xi1>, vector<16xf32>
      %add3A_1208 = arith.addf %select_n3A_1203, %select_n3A_1207 : vector<16xf32>
      %swap3A_1209 = arith.constant 14 : i32
      %swap3A_1210 = arith.index_cast %swap3A_1209 : i32 to index
      %swap3A_1211 = arith.constant 0 : index
      %swap3A_1212 = tpu.vector_load %arg5[%swap3A_1210, %swap3A_1211] {strides = array<i32>} : memref<64x16xf32, #tpu.memory_space<vmem>>, vector<1x16xf32>,
      %swap3A_1213 = vector.shape_cast %swap3A_1212 : vector<1x16xf32> to vector<16xf32>
      %swap3A_1214 = vector.shape_cast %add3A_1208 : vector<16xf32> to vector<1x16xf32>
      tpu.vector_store %arg5[%swap3A_1210, %swap3A_1211], %swap3A_1214 {strides = array<i32>} : memref<64x16xf32, #tpu.memory_space<vmem>>, vector<1x16xf32>,
      %broadcast_in_dim3A_1215 = arith.constant 15 : i32
      %broadcast_in_dim3A_1216 = vector.broadcast %broadcast_in_dim3A_1215 : i32 to vector<16xi32>
      %eq3A_1217 = arith.cmpi eq, %select_n3A_954, %broadcast_in_dim3A_1216 : vector<16xi32>
      %jit3A_1218 = arith.constant 0.000000e+00 : f32
      %broadcast_in_dim3A_1219 = vector.broadcast %jit3A_1218 : f32 to vector<16xf32>
      %select_n3A_1220 = arith.select %eq3A_1217, %div3A_959, %broadcast_in_dim3A_1219 : vector<16xi1>, vector<16xf32>
      %eq3A_1221 = arith.cmpi eq, %select_n3A_952, %broadcast_in_dim3A_1216 : vector<16xi32>
      %jit3A_1222 = arith.constant 0.000000e+00 : f32
      %broadcast_in_dim3A_1223 = vector.broadcast %jit3A_1222 : f32 to vector<16xf32>
      %select_n3A_1224 = arith.select %eq3A_1221, %sub3A_962, %broadcast_in_dim3A_1223 : vector<16xi1>, vector<16xf32>
      %add3A_1225 = arith.addf %select_n3A_1220, %select_n3A_1224 : vector<16xf32>
      %swap3A_1226 = arith.constant 15 : i32
      %swap3A_1227 = arith.index_cast %swap3A_1226 : i32 to index
      %swap3A_1228 = arith.constant 0 : index
      %swap3A_1229 = tpu.vector_load %arg5[%swap3A_1227, %swap3A_1228] {strides = array<i32>} : memref<64x16xf32, #tpu.memory_space<vmem>>, vector<1x16xf32>,
      %swap3A_1230 = vector.shape_cast %swap3A_1229 : vector<1x16xf32> to vector<16xf32>
      %swap3A_1231 = vector.shape_cast %add3A_1225 : vector<16xf32> to vector<1x16xf32>
      tpu.vector_store %arg5[%swap3A_1227, %swap3A_1228], %swap3A_1231 {strides = array<i32>} : memref<64x16xf32, #tpu.memory_space<vmem>>, vector<1x16xf32>,
      %broadcast_in_dim3A_1232 = arith.constant 16 : i32
      %broadcast_in_dim3A_1233 = vector.broadcast %broadcast_in_dim3A_1232 : i32 to vector<16xi32>
      %eq3A_1234 = arith.cmpi eq, %select_n3A_954, %broadcast_in_dim3A_1233 : vector<16xi32>
      %jit3A_1235 = arith.constant 0.000000e+00 : f32
      %broadcast_in_dim3A_1236 = vector.broadcast %jit3A_1235 : f32 to vector<16xf32>
      %select_n3A_1237 = arith.select %eq3A_1234, %div3A_959, %broadcast_in_dim3A_1236 : vector<16xi1>, vector<16xf32>
      %eq3A_1238 = arith.cmpi eq, %select_n3A_952, %broadcast_in_dim3A_1233 : vector<16xi32>
      %jit3A_1239 = arith.constant 0.000000e+00 : f32
      %broadcast_in_dim3A_1240 = vector.broadcast %jit3A_1239 : f32 to vector<16xf32>
      %select_n3A_1241 = arith.select %eq3A_1238, %sub3A_962, %broadcast_in_dim3A_1240 : vector<16xi1>, vector<16xf32>
      %add3A_1242 = arith.addf %select_n3A_1237, %select_n3A_1241 : vector<16xf32>
      %swap3A_1243 = arith.constant 16 : i32
      %swap3A_1244 = arith.index_cast %swap3A_1243 : i32 to index
      %swap3A_1245 = arith.constant 0 : index
      %swap3A_1246 = tpu.vector_load %arg5[%swap3A_1244, %swap3A_1245] {strides = array<i32>} : memref<64x16xf32, #tpu.memory_space<vmem>>, vector<1x16xf32>,
      %swap3A_1247 = vector.shape_cast %swap3A_1246 : vector<1x16xf32> to vector<16xf32>
      %swap3A_1248 = vector.shape_cast %add3A_1242 : vector<16xf32> to vector<1x16xf32>
      tpu.vector_store %arg5[%swap3A_1244, %swap3A_1245], %swap3A_1248 {strides = array<i32>} : memref<64x16xf32, #tpu.memory_space<vmem>>, vector<1x16xf32>,
      %broadcast_in_dim3A_1249 = arith.constant 17 : i32
      %broadcast_in_dim3A_1250 = vector.broadcast %broadcast_in_dim3A_1249 : i32 to vector<16xi32>
      %eq3A_1251 = arith.cmpi eq, %select_n3A_954, %broadcast_in_dim3A_1250 : vector<16xi32>
      %jit3A_1252 = arith.constant 0.000000e+00 : f32
      %broadcast_in_dim3A_1253 = vector.broadcast %jit3A_1252 : f32 to vector<16xf32>
      %select_n3A_1254 = arith.select %eq3A_1251, %div3A_959, %broadcast_in_dim3A_1253 : vector<16xi1>, vector<16xf32>
      %eq3A_1255 = arith.cmpi eq, %select_n3A_952, %broadcast_in_dim3A_1250 : vector<16xi32>
      %jit3A_1256 = arith.constant 0.000000e+00 : f32
      %broadcast_in_dim3A_1257 = vector.broadcast %jit3A_1256 : f32 to vector<16xf32>
      %select_n3A_1258 = arith.select %eq3A_1255, %sub3A_962, %broadcast_in_dim3A_1257 : vector<16xi1>, vector<16xf32>
      %add3A_1259 = arith.addf %select_n3A_1254, %select_n3A_1258 : vector<16xf32>
      %swap3A_1260 = arith.constant 17 : i32
      %swap3A_1261 = arith.index_cast %swap3A_1260 : i32 to index
      %swap3A_1262 = arith.constant 0 : index
      %swap3A_1263 = tpu.vector_load %arg5[%swap3A_1261, %swap3A_1262] {strides = array<i32>} : memref<64x16xf32, #tpu.memory_space<vmem>>, vector<1x16xf32>,
      %swap3A_1264 = vector.shape_cast %swap3A_1263 : vector<1x16xf32> to vector<16xf32>
      %swap3A_1265 = vector.shape_cast %add3A_1259 : vector<16xf32> to vector<1x16xf32>
      tpu.vector_store %arg5[%swap3A_1261, %swap3A_1262], %swap3A_1265 {strides = array<i32>} : memref<64x16xf32, #tpu.memory_space<vmem>>, vector<1x16xf32>,
      %broadcast_in_dim3A_1266 = arith.constant 18 : i32
      %broadcast_in_dim3A_1267 = vector.broadcast %broadcast_in_dim3A_1266 : i32 to vector<16xi32>
      %eq3A_1268 = arith.cmpi eq, %select_n3A_954, %broadcast_in_dim3A_1267 : vector<16xi32>
      %jit3A_1269 = arith.constant 0.000000e+00 : f32
      %broadcast_in_dim3A_1270 = vector.broadcast %jit3A_1269 : f32 to vector<16xf32>
      %select_n3A_1271 = arith.select %eq3A_1268, %div3A_959, %broadcast_in_dim3A_1270 : vector<16xi1>, vector<16xf32>
      %eq3A_1272 = arith.cmpi eq, %select_n3A_952, %broadcast_in_dim3A_1267 : vector<16xi32>
      %jit3A_1273 = arith.constant 0.000000e+00 : f32
      %broadcast_in_dim3A_1274 = vector.broadcast %jit3A_1273 : f32 to vector<16xf32>
      %select_n3A_1275 = arith.select %eq3A_1272, %sub3A_962, %broadcast_in_dim3A_1274 : vector<16xi1>, vector<16xf32>
      %add3A_1276 = arith.addf %select_n3A_1271, %select_n3A_1275 : vector<16xf32>
      %swap3A_1277 = arith.constant 18 : i32
      %swap3A_1278 = arith.index_cast %swap3A_1277 : i32 to index
      %swap3A_1279 = arith.constant 0 : index
      %swap3A_1280 = tpu.vector_load %arg5[%swap3A_1278, %swap3A_1279] {strides = array<i32>} : memref<64x16xf32, #tpu.memory_space<vmem>>, vector<1x16xf32>,
      %swap3A_1281 = vector.shape_cast %swap3A_1280 : vector<1x16xf32> to vector<16xf32>
      %swap3A_1282 = vector.shape_cast %add3A_1276 : vector<16xf32> to vector<1x16xf32>
      tpu.vector_store %arg5[%swap3A_1278, %swap3A_1279], %swap3A_1282 {strides = array<i32>} : memref<64x16xf32, #tpu.memory_space<vmem>>, vector<1x16xf32>,
      %broadcast_in_dim3A_1283 = arith.constant 19 : i32
      %broadcast_in_dim3A_1284 = vector.broadcast %broadcast_in_dim3A_1283 : i32 to vector<16xi32>
      %eq3A_1285 = arith.cmpi eq, %select_n3A_954, %broadcast_in_dim3A_1284 : vector<16xi32>
      %jit3A_1286 = arith.constant 0.000000e+00 : f32
      %broadcast_in_dim3A_1287 = vector.broadcast %jit3A_1286 : f32 to vector<16xf32>
      %select_n3A_1288 = arith.select %eq3A_1285, %div3A_959, %broadcast_in_dim3A_1287 : vector<16xi1>, vector<16xf32>
      %eq3A_1289 = arith.cmpi eq, %select_n3A_952, %broadcast_in_dim3A_1284 : vector<16xi32>
      %jit3A_1290 = arith.constant 0.000000e+00 : f32
      %broadcast_in_dim3A_1291 = vector.broadcast %jit3A_1290 : f32 to vector<16xf32>
      %select_n3A_1292 = arith.select %eq3A_1289, %sub3A_962, %broadcast_in_dim3A_1291 : vector<16xi1>, vector<16xf32>
      %add3A_1293 = arith.addf %select_n3A_1288, %select_n3A_1292 : vector<16xf32>
      %swap3A_1294 = arith.constant 19 : i32
      %swap3A_1295 = arith.index_cast %swap3A_1294 : i32 to index
      %swap3A_1296 = arith.constant 0 : index
      %swap3A_1297 = tpu.vector_load %arg5[%swap3A_1295, %swap3A_1296] {strides = array<i32>} : memref<64x16xf32, #tpu.memory_space<vmem>>, vector<1x16xf32>,
      %swap3A_1298 = vector.shape_cast %swap3A_1297 : vector<1x16xf32> to vector<16xf32>
      %swap3A_1299 = vector.shape_cast %add3A_1293 : vector<16xf32> to vector<1x16xf32>
      tpu.vector_store %arg5[%swap3A_1295, %swap3A_1296], %swap3A_1299 {strides = array<i32>} : memref<64x16xf32, #tpu.memory_space<vmem>>, vector<1x16xf32>,
      %broadcast_in_dim3A_1300 = arith.constant 20 : i32
      %broadcast_in_dim3A_1301 = vector.broadcast %broadcast_in_dim3A_1300 : i32 to vector<16xi32>
      %eq3A_1302 = arith.cmpi eq, %select_n3A_954, %broadcast_in_dim3A_1301 : vector<16xi32>
      %jit3A_1303 = arith.constant 0.000000e+00 : f32
      %broadcast_in_dim3A_1304 = vector.broadcast %jit3A_1303 : f32 to vector<16xf32>
      %select_n3A_1305 = arith.select %eq3A_1302, %div3A_959, %broadcast_in_dim3A_1304 : vector<16xi1>, vector<16xf32>
      %eq3A_1306 = arith.cmpi eq, %select_n3A_952, %broadcast_in_dim3A_1301 : vector<16xi32>
      %jit3A_1307 = arith.constant 0.000000e+00 : f32
      %broadcast_in_dim3A_1308 = vector.broadcast %jit3A_1307 : f32 to vector<16xf32>
      %select_n3A_1309 = arith.select %eq3A_1306, %sub3A_962, %broadcast_in_dim3A_1308 : vector<16xi1>, vector<16xf32>
      %add3A_1310 = arith.addf %select_n3A_1305, %select_n3A_1309 : vector<16xf32>
      %swap3A_1311 = arith.constant 20 : i32
      %swap3A_1312 = arith.index_cast %swap3A_1311 : i32 to index
      %swap3A_1313 = arith.constant 0 : index
      %swap3A_1314 = tpu.vector_load %arg5[%swap3A_1312, %swap3A_1313] {strides = array<i32>} : memref<64x16xf32, #tpu.memory_space<vmem>>, vector<1x16xf32>,
      %swap3A_1315 = vector.shape_cast %swap3A_1314 : vector<1x16xf32> to vector<16xf32>
      %swap3A_1316 = vector.shape_cast %add3A_1310 : vector<16xf32> to vector<1x16xf32>
      tpu.vector_store %arg5[%swap3A_1312, %swap3A_1313], %swap3A_1316 {strides = array<i32>} : memref<64x16xf32, #tpu.memory_space<vmem>>, vector<1x16xf32>,
      %broadcast_in_dim3A_1317 = arith.constant 21 : i32
      %broadcast_in_dim3A_1318 = vector.broadcast %broadcast_in_dim3A_1317 : i32 to vector<16xi32>
      %eq3A_1319 = arith.cmpi eq, %select_n3A_954, %broadcast_in_dim3A_1318 : vector<16xi32>
      %jit3A_1320 = arith.constant 0.000000e+00 : f32
      %broadcast_in_dim3A_1321 = vector.broadcast %jit3A_1320 : f32 to vector<16xf32>
      %select_n3A_1322 = arith.select %eq3A_1319, %div3A_959, %broadcast_in_dim3A_1321 : vector<16xi1>, vector<16xf32>
      %eq3A_1323 = arith.cmpi eq, %select_n3A_952, %broadcast_in_dim3A_1318 : vector<16xi32>
      %jit3A_1324 = arith.constant 0.000000e+00 : f32
      %broadcast_in_dim3A_1325 = vector.broadcast %jit3A_1324 : f32 to vector<16xf32>
      %select_n3A_1326 = arith.select %eq3A_1323, %sub3A_962, %broadcast_in_dim3A_1325 : vector<16xi1>, vector<16xf32>
      %add3A_1327 = arith.addf %select_n3A_1322, %select_n3A_1326 : vector<16xf32>
      %swap3A_1328 = arith.constant 21 : i32
      %swap3A_1329 = arith.index_cast %swap3A_1328 : i32 to index
      %swap3A_1330 = arith.constant 0 : index
      %swap3A_1331 = tpu.vector_load %arg5[%swap3A_1329, %swap3A_1330] {strides = array<i32>} : memref<64x16xf32, #tpu.memory_space<vmem>>, vector<1x16xf32>,
      %swap3A_1332 = vector.shape_cast %swap3A_1331 : vector<1x16xf32> to vector<16xf32>
      %swap3A_1333 = vector.shape_cast %add3A_1327 : vector<16xf32> to vector<1x16xf32>
      tpu.vector_store %arg5[%swap3A_1329, %swap3A_1330], %swap3A_1333 {strides = array<i32>} : memref<64x16xf32, #tpu.memory_space<vmem>>, vector<1x16xf32>,
      %broadcast_in_dim3A_1334 = arith.constant 22 : i32
      %broadcast_in_dim3A_1335 = vector.broadcast %broadcast_in_dim3A_1334 : i32 to vector<16xi32>
      %eq3A_1336 = arith.cmpi eq, %select_n3A_954, %broadcast_in_dim3A_1335 : vector<16xi32>
      %jit3A_1337 = arith.constant 0.000000e+00 : f32
      %broadcast_in_dim3A_1338 = vector.broadcast %jit3A_1337 : f32 to vector<16xf32>
      %select_n3A_1339 = arith.select %eq3A_1336, %div3A_959, %broadcast_in_dim3A_1338 : vector<16xi1>, vector<16xf32>
      %eq3A_1340 = arith.cmpi eq, %select_n3A_952, %broadcast_in_dim3A_1335 : vector<16xi32>
      %jit3A_1341 = arith.constant 0.000000e+00 : f32
      %broadcast_in_dim3A_1342 = vector.broadcast %jit3A_1341 : f32 to vector<16xf32>
      %select_n3A_1343 = arith.select %eq3A_1340, %sub3A_962, %broadcast_in_dim3A_1342 : vector<16xi1>, vector<16xf32>
      %add3A_1344 = arith.addf %select_n3A_1339, %select_n3A_1343 : vector<16xf32>
      %swap3A_1345 = arith.constant 22 : i32
      %swap3A_1346 = arith.index_cast %swap3A_1345 : i32 to index
      %swap3A_1347 = arith.constant 0 : index
      %swap3A_1348 = tpu.vector_load %arg5[%swap3A_1346, %swap3A_1347] {strides = array<i32>} : memref<64x16xf32, #tpu.memory_space<vmem>>, vector<1x16xf32>,
      %swap3A_1349 = vector.shape_cast %swap3A_1348 : vector<1x16xf32> to vector<16xf32>
      %swap3A_1350 = vector.shape_cast %add3A_1344 : vector<16xf32> to vector<1x16xf32>
      tpu.vector_store %arg5[%swap3A_1346, %swap3A_1347], %swap3A_1350 {strides = array<i32>} : memref<64x16xf32, #tpu.memory_space<vmem>>, vector<1x16xf32>,
      %broadcast_in_dim3A_1351 = arith.constant 23 : i32
      %broadcast_in_dim3A_1352 = vector.broadcast %broadcast_in_dim3A_1351 : i32 to vector<16xi32>
      %eq3A_1353 = arith.cmpi eq, %select_n3A_954, %broadcast_in_dim3A_1352 : vector<16xi32>
      %jit3A_1354 = arith.constant 0.000000e+00 : f32
      %broadcast_in_dim3A_1355 = vector.broadcast %jit3A_1354 : f32 to vector<16xf32>
      %select_n3A_1356 = arith.select %eq3A_1353, %div3A_959, %broadcast_in_dim3A_1355 : vector<16xi1>, vector<16xf32>
      %eq3A_1357 = arith.cmpi eq, %select_n3A_952, %broadcast_in_dim3A_1352 : vector<16xi32>
      %jit3A_1358 = arith.constant 0.000000e+00 : f32
      %broadcast_in_dim3A_1359 = vector.broadcast %jit3A_1358 : f32 to vector<16xf32>
      %select_n3A_1360 = arith.select %eq3A_1357, %sub3A_962, %broadcast_in_dim3A_1359 : vector<16xi1>, vector<16xf32>
      %add3A_1361 = arith.addf %select_n3A_1356, %select_n3A_1360 : vector<16xf32>
      %swap3A_1362 = arith.constant 23 : i32
      %swap3A_1363 = arith.index_cast %swap3A_1362 : i32 to index
      %swap3A_1364 = arith.constant 0 : index
      %swap3A_1365 = tpu.vector_load %arg5[%swap3A_1363, %swap3A_1364] {strides = array<i32>} : memref<64x16xf32, #tpu.memory_space<vmem>>, vector<1x16xf32>,
      %swap3A_1366 = vector.shape_cast %swap3A_1365 : vector<1x16xf32> to vector<16xf32>
      %swap3A_1367 = vector.shape_cast %add3A_1361 : vector<16xf32> to vector<1x16xf32>
      tpu.vector_store %arg5[%swap3A_1363, %swap3A_1364], %swap3A_1367 {strides = array<i32>} : memref<64x16xf32, #tpu.memory_space<vmem>>, vector<1x16xf32>,
      %broadcast_in_dim3A_1368 = arith.constant 24 : i32
      %broadcast_in_dim3A_1369 = vector.broadcast %broadcast_in_dim3A_1368 : i32 to vector<16xi32>
      %eq3A_1370 = arith.cmpi eq, %select_n3A_954, %broadcast_in_dim3A_1369 : vector<16xi32>
      %jit3A_1371 = arith.constant 0.000000e+00 : f32
      %broadcast_in_dim3A_1372 = vector.broadcast %jit3A_1371 : f32 to vector<16xf32>
      %select_n3A_1373 = arith.select %eq3A_1370, %div3A_959, %broadcast_in_dim3A_1372 : vector<16xi1>, vector<16xf32>
      %eq3A_1374 = arith.cmpi eq, %select_n3A_952, %broadcast_in_dim3A_1369 : vector<16xi32>
      %jit3A_1375 = arith.constant 0.000000e+00 : f32
      %broadcast_in_dim3A_1376 = vector.broadcast %jit3A_1375 : f32 to vector<16xf32>
      %select_n3A_1377 = arith.select %eq3A_1374, %sub3A_962, %broadcast_in_dim3A_1376 : vector<16xi1>, vector<16xf32>
      %add3A_1378 = arith.addf %select_n3A_1373, %select_n3A_1377 : vector<16xf32>
      %swap3A_1379 = arith.constant 24 : i32
      %swap3A_1380 = arith.index_cast %swap3A_1379 : i32 to index
      %swap3A_1381 = arith.constant 0 : index
      %swap3A_1382 = tpu.vector_load %arg5[%swap3A_1380, %swap3A_1381] {strides = array<i32>} : memref<64x16xf32, #tpu.memory_space<vmem>>, vector<1x16xf32>,
      %swap3A_1383 = vector.shape_cast %swap3A_1382 : vector<1x16xf32> to vector<16xf32>
      %swap3A_1384 = vector.shape_cast %add3A_1378 : vector<16xf32> to vector<1x16xf32>
      tpu.vector_store %arg5[%swap3A_1380, %swap3A_1381], %swap3A_1384 {strides = array<i32>} : memref<64x16xf32, #tpu.memory_space<vmem>>, vector<1x16xf32>,
      %broadcast_in_dim3A_1385 = arith.constant 25 : i32
      %broadcast_in_dim3A_1386 = vector.broadcast %broadcast_in_dim3A_1385 : i32 to vector<16xi32>
      %eq3A_1387 = arith.cmpi eq, %select_n3A_954, %broadcast_in_dim3A_1386 : vector<16xi32>
      %jit3A_1388 = arith.constant 0.000000e+00 : f32
      %broadcast_in_dim3A_1389 = vector.broadcast %jit3A_1388 : f32 to vector<16xf32>
      %select_n3A_1390 = arith.select %eq3A_1387, %div3A_959, %broadcast_in_dim3A_1389 : vector<16xi1>, vector<16xf32>
      %eq3A_1391 = arith.cmpi eq, %select_n3A_952, %broadcast_in_dim3A_1386 : vector<16xi32>
      %jit3A_1392 = arith.constant 0.000000e+00 : f32
      %broadcast_in_dim3A_1393 = vector.broadcast %jit3A_1392 : f32 to vector<16xf32>
      %select_n3A_1394 = arith.select %eq3A_1391, %sub3A_962, %broadcast_in_dim3A_1393 : vector<16xi1>, vector<16xf32>
      %add3A_1395 = arith.addf %select_n3A_1390, %select_n3A_1394 : vector<16xf32>
      %swap3A_1396 = arith.constant 25 : i32
      %swap3A_1397 = arith.index_cast %swap3A_1396 : i32 to index
      %swap3A_1398 = arith.constant 0 : index
      %swap3A_1399 = tpu.vector_load %arg5[%swap3A_1397, %swap3A_1398] {strides = array<i32>} : memref<64x16xf32, #tpu.memory_space<vmem>>, vector<1x16xf32>,
      %swap3A_1400 = vector.shape_cast %swap3A_1399 : vector<1x16xf32> to vector<16xf32>
      %swap3A_1401 = vector.shape_cast %add3A_1395 : vector<16xf32> to vector<1x16xf32>
      tpu.vector_store %arg5[%swap3A_1397, %swap3A_1398], %swap3A_1401 {strides = array<i32>} : memref<64x16xf32, #tpu.memory_space<vmem>>, vector<1x16xf32>,
      %broadcast_in_dim3A_1402 = arith.constant 26 : i32
      %broadcast_in_dim3A_1403 = vector.broadcast %broadcast_in_dim3A_1402 : i32 to vector<16xi32>
      %eq3A_1404 = arith.cmpi eq, %select_n3A_954, %broadcast_in_dim3A_1403 : vector<16xi32>
      %jit3A_1405 = arith.constant 0.000000e+00 : f32
      %broadcast_in_dim3A_1406 = vector.broadcast %jit3A_1405 : f32 to vector<16xf32>
      %select_n3A_1407 = arith.select %eq3A_1404, %div3A_959, %broadcast_in_dim3A_1406 : vector<16xi1>, vector<16xf32>
      %eq3A_1408 = arith.cmpi eq, %select_n3A_952, %broadcast_in_dim3A_1403 : vector<16xi32>
      %jit3A_1409 = arith.constant 0.000000e+00 : f32
      %broadcast_in_dim3A_1410 = vector.broadcast %jit3A_1409 : f32 to vector<16xf32>
      %select_n3A_1411 = arith.select %eq3A_1408, %sub3A_962, %broadcast_in_dim3A_1410 : vector<16xi1>, vector<16xf32>
      %add3A_1412 = arith.addf %select_n3A_1407, %select_n3A_1411 : vector<16xf32>
      %swap3A_1413 = arith.constant 26 : i32
      %swap3A_1414 = arith.index_cast %swap3A_1413 : i32 to index
      %swap3A_1415 = arith.constant 0 : index
      %swap3A_1416 = tpu.vector_load %arg5[%swap3A_1414, %swap3A_1415] {strides = array<i32>} : memref<64x16xf32, #tpu.memory_space<vmem>>, vector<1x16xf32>,
      %swap3A_1417 = vector.shape_cast %swap3A_1416 : vector<1x16xf32> to vector<16xf32>
      %swap3A_1418 = vector.shape_cast %add3A_1412 : vector<16xf32> to vector<1x16xf32>
      tpu.vector_store %arg5[%swap3A_1414, %swap3A_1415], %swap3A_1418 {strides = array<i32>} : memref<64x16xf32, #tpu.memory_space<vmem>>, vector<1x16xf32>,
      %broadcast_in_dim3A_1419 = arith.constant 27 : i32
      %broadcast_in_dim3A_1420 = vector.broadcast %broadcast_in_dim3A_1419 : i32 to vector<16xi32>
      %eq3A_1421 = arith.cmpi eq, %select_n3A_954, %broadcast_in_dim3A_1420 : vector<16xi32>
      %jit3A_1422 = arith.constant 0.000000e+00 : f32
      %broadcast_in_dim3A_1423 = vector.broadcast %jit3A_1422 : f32 to vector<16xf32>
      %select_n3A_1424 = arith.select %eq3A_1421, %div3A_959, %broadcast_in_dim3A_1423 : vector<16xi1>, vector<16xf32>
      %eq3A_1425 = arith.cmpi eq, %select_n3A_952, %broadcast_in_dim3A_1420 : vector<16xi32>
      %jit3A_1426 = arith.constant 0.000000e+00 : f32
      %broadcast_in_dim3A_1427 = vector.broadcast %jit3A_1426 : f32 to vector<16xf32>
      %select_n3A_1428 = arith.select %eq3A_1425, %sub3A_962, %broadcast_in_dim3A_1427 : vector<16xi1>, vector<16xf32>
      %add3A_1429 = arith.addf %select_n3A_1424, %select_n3A_1428 : vector<16xf32>
      %swap3A_1430 = arith.constant 27 : i32
      %swap3A_1431 = arith.index_cast %swap3A_1430 : i32 to index
      %swap3A_1432 = arith.constant 0 : index
      %swap3A_1433 = tpu.vector_load %arg5[%swap3A_1431, %swap3A_1432] {strides = array<i32>} : memref<64x16xf32, #tpu.memory_space<vmem>>, vector<1x16xf32>,
      %swap3A_1434 = vector.shape_cast %swap3A_1433 : vector<1x16xf32> to vector<16xf32>
      %swap3A_1435 = vector.shape_cast %add3A_1429 : vector<16xf32> to vector<1x16xf32>
      tpu.vector_store %arg5[%swap3A_1431, %swap3A_1432], %swap3A_1435 {strides = array<i32>} : memref<64x16xf32, #tpu.memory_space<vmem>>, vector<1x16xf32>,
      %broadcast_in_dim3A_1436 = arith.constant 28 : i32
      %broadcast_in_dim3A_1437 = vector.broadcast %broadcast_in_dim3A_1436 : i32 to vector<16xi32>
      %eq3A_1438 = arith.cmpi eq, %select_n3A_954, %broadcast_in_dim3A_1437 : vector<16xi32>
      %jit3A_1439 = arith.constant 0.000000e+00 : f32
      %broadcast_in_dim3A_1440 = vector.broadcast %jit3A_1439 : f32 to vector<16xf32>
      %select_n3A_1441 = arith.select %eq3A_1438, %div3A_959, %broadcast_in_dim3A_1440 : vector<16xi1>, vector<16xf32>
      %eq3A_1442 = arith.cmpi eq, %select_n3A_952, %broadcast_in_dim3A_1437 : vector<16xi32>
      %jit3A_1443 = arith.constant 0.000000e+00 : f32
      %broadcast_in_dim3A_1444 = vector.broadcast %jit3A_1443 : f32 to vector<16xf32>
      %select_n3A_1445 = arith.select %eq3A_1442, %sub3A_962, %broadcast_in_dim3A_1444 : vector<16xi1>, vector<16xf32>
      %add3A_1446 = arith.addf %select_n3A_1441, %select_n3A_1445 : vector<16xf32>
      %swap3A_1447 = arith.constant 28 : i32
      %swap3A_1448 = arith.index_cast %swap3A_1447 : i32 to index
      %swap3A_1449 = arith.constant 0 : index
      %swap3A_1450 = tpu.vector_load %arg5[%swap3A_1448, %swap3A_1449] {strides = array<i32>} : memref<64x16xf32, #tpu.memory_space<vmem>>, vector<1x16xf32>,
      %swap3A_1451 = vector.shape_cast %swap3A_1450 : vector<1x16xf32> to vector<16xf32>
      %swap3A_1452 = vector.shape_cast %add3A_1446 : vector<16xf32> to vector<1x16xf32>
      tpu.vector_store %arg5[%swap3A_1448, %swap3A_1449], %swap3A_1452 {strides = array<i32>} : memref<64x16xf32, #tpu.memory_space<vmem>>, vector<1x16xf32>,
      %broadcast_in_dim3A_1453 = arith.constant 29 : i32
      %broadcast_in_dim3A_1454 = vector.broadcast %broadcast_in_dim3A_1453 : i32 to vector<16xi32>
      %eq3A_1455 = arith.cmpi eq, %select_n3A_954, %broadcast_in_dim3A_1454 : vector<16xi32>
      %jit3A_1456 = arith.constant 0.000000e+00 : f32
      %broadcast_in_dim3A_1457 = vector.broadcast %jit3A_1456 : f32 to vector<16xf32>
      %select_n3A_1458 = arith.select %eq3A_1455, %div3A_959, %broadcast_in_dim3A_1457 : vector<16xi1>, vector<16xf32>
      %eq3A_1459 = arith.cmpi eq, %select_n3A_952, %broadcast_in_dim3A_1454 : vector<16xi32>
      %jit3A_1460 = arith.constant 0.000000e+00 : f32
      %broadcast_in_dim3A_1461 = vector.broadcast %jit3A_1460 : f32 to vector<16xf32>
      %select_n3A_1462 = arith.select %eq3A_1459, %sub3A_962, %broadcast_in_dim3A_1461 : vector<16xi1>, vector<16xf32>
      %add3A_1463 = arith.addf %select_n3A_1458, %select_n3A_1462 : vector<16xf32>
      %swap3A_1464 = arith.constant 29 : i32
      %swap3A_1465 = arith.index_cast %swap3A_1464 : i32 to index
      %swap3A_1466 = arith.constant 0 : index
      %swap3A_1467 = tpu.vector_load %arg5[%swap3A_1465, %swap3A_1466] {strides = array<i32>} : memref<64x16xf32, #tpu.memory_space<vmem>>, vector<1x16xf32>,
      %swap3A_1468 = vector.shape_cast %swap3A_1467 : vector<1x16xf32> to vector<16xf32>
      %swap3A_1469 = vector.shape_cast %add3A_1463 : vector<16xf32> to vector<1x16xf32>
      tpu.vector_store %arg5[%swap3A_1465, %swap3A_1466], %swap3A_1469 {strides = array<i32>} : memref<64x16xf32, #tpu.memory_space<vmem>>, vector<1x16xf32>,
      %broadcast_in_dim3A_1470 = arith.constant 30 : i32
      %broadcast_in_dim3A_1471 = vector.broadcast %broadcast_in_dim3A_1470 : i32 to vector<16xi32>
      %eq3A_1472 = arith.cmpi eq, %select_n3A_954, %broadcast_in_dim3A_1471 : vector<16xi32>
      %jit3A_1473 = arith.constant 0.000000e+00 : f32
      %broadcast_in_dim3A_1474 = vector.broadcast %jit3A_1473 : f32 to vector<16xf32>
      %select_n3A_1475 = arith.select %eq3A_1472, %div3A_959, %broadcast_in_dim3A_1474 : vector<16xi1>, vector<16xf32>
      %eq3A_1476 = arith.cmpi eq, %select_n3A_952, %broadcast_in_dim3A_1471 : vector<16xi32>
      %jit3A_1477 = arith.constant 0.000000e+00 : f32
      %broadcast_in_dim3A_1478 = vector.broadcast %jit3A_1477 : f32 to vector<16xf32>
      %select_n3A_1479 = arith.select %eq3A_1476, %sub3A_962, %broadcast_in_dim3A_1478 : vector<16xi1>, vector<16xf32>
      %add3A_1480 = arith.addf %select_n3A_1475, %select_n3A_1479 : vector<16xf32>
      %swap3A_1481 = arith.constant 30 : i32
      %swap3A_1482 = arith.index_cast %swap3A_1481 : i32 to index
      %swap3A_1483 = arith.constant 0 : index
      %swap3A_1484 = tpu.vector_load %arg5[%swap3A_1482, %swap3A_1483] {strides = array<i32>} : memref<64x16xf32, #tpu.memory_space<vmem>>, vector<1x16xf32>,
      %swap3A_1485 = vector.shape_cast %swap3A_1484 : vector<1x16xf32> to vector<16xf32>
      %swap3A_1486 = vector.shape_cast %add3A_1480 : vector<16xf32> to vector<1x16xf32>
      tpu.vector_store %arg5[%swap3A_1482, %swap3A_1483], %swap3A_1486 {strides = array<i32>} : memref<64x16xf32, #tpu.memory_space<vmem>>, vector<1x16xf32>,
      %broadcast_in_dim3A_1487 = arith.constant 31 : i32
      %broadcast_in_dim3A_1488 = vector.broadcast %broadcast_in_dim3A_1487 : i32 to vector<16xi32>
      %eq3A_1489 = arith.cmpi eq, %select_n3A_954, %broadcast_in_dim3A_1488 : vector<16xi32>
      %jit3A_1490 = arith.constant 0.000000e+00 : f32
      %broadcast_in_dim3A_1491 = vector.broadcast %jit3A_1490 : f32 to vector<16xf32>
      %select_n3A_1492 = arith.select %eq3A_1489, %div3A_959, %broadcast_in_dim3A_1491 : vector<16xi1>, vector<16xf32>
      %eq3A_1493 = arith.cmpi eq, %select_n3A_952, %broadcast_in_dim3A_1488 : vector<16xi32>
      %jit3A_1494 = arith.constant 0.000000e+00 : f32
      %broadcast_in_dim3A_1495 = vector.broadcast %jit3A_1494 : f32 to vector<16xf32>
      %select_n3A_1496 = arith.select %eq3A_1493, %sub3A_962, %broadcast_in_dim3A_1495 : vector<16xi1>, vector<16xf32>
      %add3A_1497 = arith.addf %select_n3A_1492, %select_n3A_1496 : vector<16xf32>
      %swap3A_1498 = arith.constant 31 : i32
      %swap3A_1499 = arith.index_cast %swap3A_1498 : i32 to index
      %swap3A_1500 = arith.constant 0 : index
      %swap3A_1501 = tpu.vector_load %arg5[%swap3A_1499, %swap3A_1500] {strides = array<i32>} : memref<64x16xf32, #tpu.memory_space<vmem>>, vector<1x16xf32>,
      %swap3A_1502 = vector.shape_cast %swap3A_1501 : vector<1x16xf32> to vector<16xf32>
      %swap3A_1503 = vector.shape_cast %add3A_1497 : vector<16xf32> to vector<1x16xf32>
      tpu.vector_store %arg5[%swap3A_1499, %swap3A_1500], %swap3A_1503 {strides = array<i32>} : memref<64x16xf32, #tpu.memory_space<vmem>>, vector<1x16xf32>,
      %broadcast_in_dim3A_1504 = arith.constant 32 : i32
      %broadcast_in_dim3A_1505 = vector.broadcast %broadcast_in_dim3A_1504 : i32 to vector<16xi32>
      %eq3A_1506 = arith.cmpi eq, %select_n3A_954, %broadcast_in_dim3A_1505 : vector<16xi32>
      %jit3A_1507 = arith.constant 0.000000e+00 : f32
      %broadcast_in_dim3A_1508 = vector.broadcast %jit3A_1507 : f32 to vector<16xf32>
      %select_n3A_1509 = arith.select %eq3A_1506, %div3A_959, %broadcast_in_dim3A_1508 : vector<16xi1>, vector<16xf32>
      %eq3A_1510 = arith.cmpi eq, %select_n3A_952, %broadcast_in_dim3A_1505 : vector<16xi32>
      %jit3A_1511 = arith.constant 0.000000e+00 : f32
      %broadcast_in_dim3A_1512 = vector.broadcast %jit3A_1511 : f32 to vector<16xf32>
      %select_n3A_1513 = arith.select %eq3A_1510, %sub3A_962, %broadcast_in_dim3A_1512 : vector<16xi1>, vector<16xf32>
      %add3A_1514 = arith.addf %select_n3A_1509, %select_n3A_1513 : vector<16xf32>
      %swap3A_1515 = arith.constant 32 : i32
      %swap3A_1516 = arith.index_cast %swap3A_1515 : i32 to index
      %swap3A_1517 = arith.constant 0 : index
      %swap3A_1518 = tpu.vector_load %arg5[%swap3A_1516, %swap3A_1517] {strides = array<i32>} : memref<64x16xf32, #tpu.memory_space<vmem>>, vector<1x16xf32>,
      %swap3A_1519 = vector.shape_cast %swap3A_1518 : vector<1x16xf32> to vector<16xf32>
      %swap3A_1520 = vector.shape_cast %add3A_1514 : vector<16xf32> to vector<1x16xf32>
      tpu.vector_store %arg5[%swap3A_1516, %swap3A_1517], %swap3A_1520 {strides = array<i32>} : memref<64x16xf32, #tpu.memory_space<vmem>>, vector<1x16xf32>,
      %broadcast_in_dim3A_1521 = arith.constant 33 : i32
      %broadcast_in_dim3A_1522 = vector.broadcast %broadcast_in_dim3A_1521 : i32 to vector<16xi32>
      %eq3A_1523 = arith.cmpi eq, %select_n3A_954, %broadcast_in_dim3A_1522 : vector<16xi32>
      %jit3A_1524 = arith.constant 0.000000e+00 : f32
      %broadcast_in_dim3A_1525 = vector.broadcast %jit3A_1524 : f32 to vector<16xf32>
      %select_n3A_1526 = arith.select %eq3A_1523, %div3A_959, %broadcast_in_dim3A_1525 : vector<16xi1>, vector<16xf32>
      %eq3A_1527 = arith.cmpi eq, %select_n3A_952, %broadcast_in_dim3A_1522 : vector<16xi32>
      %jit3A_1528 = arith.constant 0.000000e+00 : f32
      %broadcast_in_dim3A_1529 = vector.broadcast %jit3A_1528 : f32 to vector<16xf32>
      %select_n3A_1530 = arith.select %eq3A_1527, %sub3A_962, %broadcast_in_dim3A_1529 : vector<16xi1>, vector<16xf32>
      %add3A_1531 = arith.addf %select_n3A_1526, %select_n3A_1530 : vector<16xf32>
      %swap3A_1532 = arith.constant 33 : i32
      %swap3A_1533 = arith.index_cast %swap3A_1532 : i32 to index
      %swap3A_1534 = arith.constant 0 : index
      %swap3A_1535 = tpu.vector_load %arg5[%swap3A_1533, %swap3A_1534] {strides = array<i32>} : memref<64x16xf32, #tpu.memory_space<vmem>>, vector<1x16xf32>,
      %swap3A_1536 = vector.shape_cast %swap3A_1535 : vector<1x16xf32> to vector<16xf32>
      %swap3A_1537 = vector.shape_cast %add3A_1531 : vector<16xf32> to vector<1x16xf32>
      tpu.vector_store %arg5[%swap3A_1533, %swap3A_1534], %swap3A_1537 {strides = array<i32>} : memref<64x16xf32, #tpu.memory_space<vmem>>, vector<1x16xf32>,
      %broadcast_in_dim3A_1538 = arith.constant 34 : i32
      %broadcast_in_dim3A_1539 = vector.broadcast %broadcast_in_dim3A_1538 : i32 to vector<16xi32>
      %eq3A_1540 = arith.cmpi eq, %select_n3A_954, %broadcast_in_dim3A_1539 : vector<16xi32>
      %jit3A_1541 = arith.constant 0.000000e+00 : f32
      %broadcast_in_dim3A_1542 = vector.broadcast %jit3A_1541 : f32 to vector<16xf32>
      %select_n3A_1543 = arith.select %eq3A_1540, %div3A_959, %broadcast_in_dim3A_1542 : vector<16xi1>, vector<16xf32>
      %eq3A_1544 = arith.cmpi eq, %select_n3A_952, %broadcast_in_dim3A_1539 : vector<16xi32>
      %jit3A_1545 = arith.constant 0.000000e+00 : f32
      %broadcast_in_dim3A_1546 = vector.broadcast %jit3A_1545 : f32 to vector<16xf32>
      %select_n3A_1547 = arith.select %eq3A_1544, %sub3A_962, %broadcast_in_dim3A_1546 : vector<16xi1>, vector<16xf32>
      %add3A_1548 = arith.addf %select_n3A_1543, %select_n3A_1547 : vector<16xf32>
      %swap3A_1549 = arith.constant 34 : i32
      %swap3A_1550 = arith.index_cast %swap3A_1549 : i32 to index
      %swap3A_1551 = arith.constant 0 : index
      %swap3A_1552 = tpu.vector_load %arg5[%swap3A_1550, %swap3A_1551] {strides = array<i32>} : memref<64x16xf32, #tpu.memory_space<vmem>>, vector<1x16xf32>,
      %swap3A_1553 = vector.shape_cast %swap3A_1552 : vector<1x16xf32> to vector<16xf32>
      %swap3A_1554 = vector.shape_cast %add3A_1548 : vector<16xf32> to vector<1x16xf32>
      tpu.vector_store %arg5[%swap3A_1550, %swap3A_1551], %swap3A_1554 {strides = array<i32>} : memref<64x16xf32, #tpu.memory_space<vmem>>, vector<1x16xf32>,
      %broadcast_in_dim3A_1555 = arith.constant 35 : i32
      %broadcast_in_dim3A_1556 = vector.broadcast %broadcast_in_dim3A_1555 : i32 to vector<16xi32>
      %eq3A_1557 = arith.cmpi eq, %select_n3A_954, %broadcast_in_dim3A_1556 : vector<16xi32>
      %jit3A_1558 = arith.constant 0.000000e+00 : f32
      %broadcast_in_dim3A_1559 = vector.broadcast %jit3A_1558 : f32 to vector<16xf32>
      %select_n3A_1560 = arith.select %eq3A_1557, %div3A_959, %broadcast_in_dim3A_1559 : vector<16xi1>, vector<16xf32>
      %eq3A_1561 = arith.cmpi eq, %select_n3A_952, %broadcast_in_dim3A_1556 : vector<16xi32>
      %jit3A_1562 = arith.constant 0.000000e+00 : f32
      %broadcast_in_dim3A_1563 = vector.broadcast %jit3A_1562 : f32 to vector<16xf32>
      %select_n3A_1564 = arith.select %eq3A_1561, %sub3A_962, %broadcast_in_dim3A_1563 : vector<16xi1>, vector<16xf32>
      %add3A_1565 = arith.addf %select_n3A_1560, %select_n3A_1564 : vector<16xf32>
      %swap3A_1566 = arith.constant 35 : i32
      %swap3A_1567 = arith.index_cast %swap3A_1566 : i32 to index
      %swap3A_1568 = arith.constant 0 : index
      %swap3A_1569 = tpu.vector_load %arg5[%swap3A_1567, %swap3A_1568] {strides = array<i32>} : memref<64x16xf32, #tpu.memory_space<vmem>>, vector<1x16xf32>,
      %swap3A_1570 = vector.shape_cast %swap3A_1569 : vector<1x16xf32> to vector<16xf32>
      %swap3A_1571 = vector.shape_cast %add3A_1565 : vector<16xf32> to vector<1x16xf32>
      tpu.vector_store %arg5[%swap3A_1567, %swap3A_1568], %swap3A_1571 {strides = array<i32>} : memref<64x16xf32, #tpu.memory_space<vmem>>, vector<1x16xf32>,
      %broadcast_in_dim3A_1572 = arith.constant 36 : i32
      %broadcast_in_dim3A_1573 = vector.broadcast %broadcast_in_dim3A_1572 : i32 to vector<16xi32>
      %eq3A_1574 = arith.cmpi eq, %select_n3A_954, %broadcast_in_dim3A_1573 : vector<16xi32>
      %jit3A_1575 = arith.constant 0.000000e+00 : f32
      %broadcast_in_dim3A_1576 = vector.broadcast %jit3A_1575 : f32 to vector<16xf32>
      %select_n3A_1577 = arith.select %eq3A_1574, %div3A_959, %broadcast_in_dim3A_1576 : vector<16xi1>, vector<16xf32>
      %eq3A_1578 = arith.cmpi eq, %select_n3A_952, %broadcast_in_dim3A_1573 : vector<16xi32>
      %jit3A_1579 = arith.constant 0.000000e+00 : f32
      %broadcast_in_dim3A_1580 = vector.broadcast %jit3A_1579 : f32 to vector<16xf32>
      %select_n3A_1581 = arith.select %eq3A_1578, %sub3A_962, %broadcast_in_dim3A_1580 : vector<16xi1>, vector<16xf32>
      %add3A_1582 = arith.addf %select_n3A_1577, %select_n3A_1581 : vector<16xf32>
      %swap3A_1583 = arith.constant 36 : i32
      %swap3A_1584 = arith.index_cast %swap3A_1583 : i32 to index
      %swap3A_1585 = arith.constant 0 : index
      %swap3A_1586 = tpu.vector_load %arg5[%swap3A_1584, %swap3A_1585] {strides = array<i32>} : memref<64x16xf32, #tpu.memory_space<vmem>>, vector<1x16xf32>,
      %swap3A_1587 = vector.shape_cast %swap3A_1586 : vector<1x16xf32> to vector<16xf32>
      %swap3A_1588 = vector.shape_cast %add3A_1582 : vector<16xf32> to vector<1x16xf32>
      tpu.vector_store %arg5[%swap3A_1584, %swap3A_1585], %swap3A_1588 {strides = array<i32>} : memref<64x16xf32, #tpu.memory_space<vmem>>, vector<1x16xf32>,
      %broadcast_in_dim3A_1589 = arith.constant 37 : i32
      %broadcast_in_dim3A_1590 = vector.broadcast %broadcast_in_dim3A_1589 : i32 to vector<16xi32>
      %eq3A_1591 = arith.cmpi eq, %select_n3A_954, %broadcast_in_dim3A_1590 : vector<16xi32>
      %jit3A_1592 = arith.constant 0.000000e+00 : f32
      %broadcast_in_dim3A_1593 = vector.broadcast %jit3A_1592 : f32 to vector<16xf32>
      %select_n3A_1594 = arith.select %eq3A_1591, %div3A_959, %broadcast_in_dim3A_1593 : vector<16xi1>, vector<16xf32>
      %eq3A_1595 = arith.cmpi eq, %select_n3A_952, %broadcast_in_dim3A_1590 : vector<16xi32>
      %jit3A_1596 = arith.constant 0.000000e+00 : f32
      %broadcast_in_dim3A_1597 = vector.broadcast %jit3A_1596 : f32 to vector<16xf32>
      %select_n3A_1598 = arith.select %eq3A_1595, %sub3A_962, %broadcast_in_dim3A_1597 : vector<16xi1>, vector<16xf32>
      %add3A_1599 = arith.addf %select_n3A_1594, %select_n3A_1598 : vector<16xf32>
      %swap3A_1600 = arith.constant 37 : i32
      %swap3A_1601 = arith.index_cast %swap3A_1600 : i32 to index
      %swap3A_1602 = arith.constant 0 : index
      %swap3A_1603 = tpu.vector_load %arg5[%swap3A_1601, %swap3A_1602] {strides = array<i32>} : memref<64x16xf32, #tpu.memory_space<vmem>>, vector<1x16xf32>,
      %swap3A_1604 = vector.shape_cast %swap3A_1603 : vector<1x16xf32> to vector<16xf32>
      %swap3A_1605 = vector.shape_cast %add3A_1599 : vector<16xf32> to vector<1x16xf32>
      tpu.vector_store %arg5[%swap3A_1601, %swap3A_1602], %swap3A_1605 {strides = array<i32>} : memref<64x16xf32, #tpu.memory_space<vmem>>, vector<1x16xf32>,
      %broadcast_in_dim3A_1606 = arith.constant 38 : i32
      %broadcast_in_dim3A_1607 = vector.broadcast %broadcast_in_dim3A_1606 : i32 to vector<16xi32>
      %eq3A_1608 = arith.cmpi eq, %select_n3A_954, %broadcast_in_dim3A_1607 : vector<16xi32>
      %jit3A_1609 = arith.constant 0.000000e+00 : f32
      %broadcast_in_dim3A_1610 = vector.broadcast %jit3A_1609 : f32 to vector<16xf32>
      %select_n3A_1611 = arith.select %eq3A_1608, %div3A_959, %broadcast_in_dim3A_1610 : vector<16xi1>, vector<16xf32>
      %eq3A_1612 = arith.cmpi eq, %select_n3A_952, %broadcast_in_dim3A_1607 : vector<16xi32>
      %jit3A_1613 = arith.constant 0.000000e+00 : f32
      %broadcast_in_dim3A_1614 = vector.broadcast %jit3A_1613 : f32 to vector<16xf32>
      %select_n3A_1615 = arith.select %eq3A_1612, %sub3A_962, %broadcast_in_dim3A_1614 : vector<16xi1>, vector<16xf32>
      %add3A_1616 = arith.addf %select_n3A_1611, %select_n3A_1615 : vector<16xf32>
      %swap3A_1617 = arith.constant 38 : i32
      %swap3A_1618 = arith.index_cast %swap3A_1617 : i32 to index
      %swap3A_1619 = arith.constant 0 : index
      %swap3A_1620 = tpu.vector_load %arg5[%swap3A_1618, %swap3A_1619] {strides = array<i32>} : memref<64x16xf32, #tpu.memory_space<vmem>>, vector<1x16xf32>,
      %swap3A_1621 = vector.shape_cast %swap3A_1620 : vector<1x16xf32> to vector<16xf32>
      %swap3A_1622 = vector.shape_cast %add3A_1616 : vector<16xf32> to vector<1x16xf32>
      tpu.vector_store %arg5[%swap3A_1618, %swap3A_1619], %swap3A_1622 {strides = array<i32>} : memref<64x16xf32, #tpu.memory_space<vmem>>, vector<1x16xf32>,
      %broadcast_in_dim3A_1623 = arith.constant 39 : i32
      %broadcast_in_dim3A_1624 = vector.broadcast %broadcast_in_dim3A_1623 : i32 to vector<16xi32>
      %eq3A_1625 = arith.cmpi eq, %select_n3A_954, %broadcast_in_dim3A_1624 : vector<16xi32>
      %jit3A_1626 = arith.constant 0.000000e+00 : f32
      %broadcast_in_dim3A_1627 = vector.broadcast %jit3A_1626 : f32 to vector<16xf32>
      %select_n3A_1628 = arith.select %eq3A_1625, %div3A_959, %broadcast_in_dim3A_1627 : vector<16xi1>, vector<16xf32>
      %eq3A_1629 = arith.cmpi eq, %select_n3A_952, %broadcast_in_dim3A_1624 : vector<16xi32>
      %jit3A_1630 = arith.constant 0.000000e+00 : f32
      %broadcast_in_dim3A_1631 = vector.broadcast %jit3A_1630 : f32 to vector<16xf32>
      %select_n3A_1632 = arith.select %eq3A_1629, %sub3A_962, %broadcast_in_dim3A_1631 : vector<16xi1>, vector<16xf32>
      %add3A_1633 = arith.addf %select_n3A_1628, %select_n3A_1632 : vector<16xf32>
      %swap3A_1634 = arith.constant 39 : i32
      %swap3A_1635 = arith.index_cast %swap3A_1634 : i32 to index
      %swap3A_1636 = arith.constant 0 : index
      %swap3A_1637 = tpu.vector_load %arg5[%swap3A_1635, %swap3A_1636] {strides = array<i32>} : memref<64x16xf32, #tpu.memory_space<vmem>>, vector<1x16xf32>,
      %swap3A_1638 = vector.shape_cast %swap3A_1637 : vector<1x16xf32> to vector<16xf32>
      %swap3A_1639 = vector.shape_cast %add3A_1633 : vector<16xf32> to vector<1x16xf32>
      tpu.vector_store %arg5[%swap3A_1635, %swap3A_1636], %swap3A_1639 {strides = array<i32>} : memref<64x16xf32, #tpu.memory_space<vmem>>, vector<1x16xf32>,
      %broadcast_in_dim3A_1640 = arith.constant 40 : i32
      %broadcast_in_dim3A_1641 = vector.broadcast %broadcast_in_dim3A_1640 : i32 to vector<16xi32>
      %eq3A_1642 = arith.cmpi eq, %select_n3A_954, %broadcast_in_dim3A_1641 : vector<16xi32>
      %jit3A_1643 = arith.constant 0.000000e+00 : f32
      %broadcast_in_dim3A_1644 = vector.broadcast %jit3A_1643 : f32 to vector<16xf32>
      %select_n3A_1645 = arith.select %eq3A_1642, %div3A_959, %broadcast_in_dim3A_1644 : vector<16xi1>, vector<16xf32>
      %eq3A_1646 = arith.cmpi eq, %select_n3A_952, %broadcast_in_dim3A_1641 : vector<16xi32>
      %jit3A_1647 = arith.constant 0.000000e+00 : f32
      %broadcast_in_dim3A_1648 = vector.broadcast %jit3A_1647 : f32 to vector<16xf32>
      %select_n3A_1649 = arith.select %eq3A_1646, %sub3A_962, %broadcast_in_dim3A_1648 : vector<16xi1>, vector<16xf32>
      %add3A_1650 = arith.addf %select_n3A_1645, %select_n3A_1649 : vector<16xf32>
      %swap3A_1651 = arith.constant 40 : i32
      %swap3A_1652 = arith.index_cast %swap3A_1651 : i32 to index
      %swap3A_1653 = arith.constant 0 : index
      %swap3A_1654 = tpu.vector_load %arg5[%swap3A_1652, %swap3A_1653] {strides = array<i32>} : memref<64x16xf32, #tpu.memory_space<vmem>>, vector<1x16xf32>,
      %swap3A_1655 = vector.shape_cast %swap3A_1654 : vector<1x16xf32> to vector<16xf32>
      %swap3A_1656 = vector.shape_cast %add3A_1650 : vector<16xf32> to vector<1x16xf32>
      tpu.vector_store %arg5[%swap3A_1652, %swap3A_1653], %swap3A_1656 {strides = array<i32>} : memref<64x16xf32, #tpu.memory_space<vmem>>, vector<1x16xf32>,
      %broadcast_in_dim3A_1657 = arith.constant 41 : i32
      %broadcast_in_dim3A_1658 = vector.broadcast %broadcast_in_dim3A_1657 : i32 to vector<16xi32>
      %eq3A_1659 = arith.cmpi eq, %select_n3A_954, %broadcast_in_dim3A_1658 : vector<16xi32>
      %jit3A_1660 = arith.constant 0.000000e+00 : f32
      %broadcast_in_dim3A_1661 = vector.broadcast %jit3A_1660 : f32 to vector<16xf32>
      %select_n3A_1662 = arith.select %eq3A_1659, %div3A_959, %broadcast_in_dim3A_1661 : vector<16xi1>, vector<16xf32>
      %eq3A_1663 = arith.cmpi eq, %select_n3A_952, %broadcast_in_dim3A_1658 : vector<16xi32>
      %jit3A_1664 = arith.constant 0.000000e+00 : f32
      %broadcast_in_dim3A_1665 = vector.broadcast %jit3A_1664 : f32 to vector<16xf32>
      %select_n3A_1666 = arith.select %eq3A_1663, %sub3A_962, %broadcast_in_dim3A_1665 : vector<16xi1>, vector<16xf32>
      %add3A_1667 = arith.addf %select_n3A_1662, %select_n3A_1666 : vector<16xf32>
      %swap3A_1668 = arith.constant 41 : i32
      %swap3A_1669 = arith.index_cast %swap3A_1668 : i32 to index
      %swap3A_1670 = arith.constant 0 : index
      %swap3A_1671 = tpu.vector_load %arg5[%swap3A_1669, %swap3A_1670] {strides = array<i32>} : memref<64x16xf32, #tpu.memory_space<vmem>>, vector<1x16xf32>,
      %swap3A_1672 = vector.shape_cast %swap3A_1671 : vector<1x16xf32> to vector<16xf32>
      %swap3A_1673 = vector.shape_cast %add3A_1667 : vector<16xf32> to vector<1x16xf32>
      tpu.vector_store %arg5[%swap3A_1669, %swap3A_1670], %swap3A_1673 {strides = array<i32>} : memref<64x16xf32, #tpu.memory_space<vmem>>, vector<1x16xf32>,
      %broadcast_in_dim3A_1674 = arith.constant 42 : i32
      %broadcast_in_dim3A_1675 = vector.broadcast %broadcast_in_dim3A_1674 : i32 to vector<16xi32>
      %eq3A_1676 = arith.cmpi eq, %select_n3A_954, %broadcast_in_dim3A_1675 : vector<16xi32>
      %jit3A_1677 = arith.constant 0.000000e+00 : f32
      %broadcast_in_dim3A_1678 = vector.broadcast %jit3A_1677 : f32 to vector<16xf32>
      %select_n3A_1679 = arith.select %eq3A_1676, %div3A_959, %broadcast_in_dim3A_1678 : vector<16xi1>, vector<16xf32>
      %eq3A_1680 = arith.cmpi eq, %select_n3A_952, %broadcast_in_dim3A_1675 : vector<16xi32>
      %jit3A_1681 = arith.constant 0.000000e+00 : f32
      %broadcast_in_dim3A_1682 = vector.broadcast %jit3A_1681 : f32 to vector<16xf32>
      %select_n3A_1683 = arith.select %eq3A_1680, %sub3A_962, %broadcast_in_dim3A_1682 : vector<16xi1>, vector<16xf32>
      %add3A_1684 = arith.addf %select_n3A_1679, %select_n3A_1683 : vector<16xf32>
      %swap3A_1685 = arith.constant 42 : i32
      %swap3A_1686 = arith.index_cast %swap3A_1685 : i32 to index
      %swap3A_1687 = arith.constant 0 : index
      %swap3A_1688 = tpu.vector_load %arg5[%swap3A_1686, %swap3A_1687] {strides = array<i32>} : memref<64x16xf32, #tpu.memory_space<vmem>>, vector<1x16xf32>,
      %swap3A_1689 = vector.shape_cast %swap3A_1688 : vector<1x16xf32> to vector<16xf32>
      %swap3A_1690 = vector.shape_cast %add3A_1684 : vector<16xf32> to vector<1x16xf32>
      tpu.vector_store %arg5[%swap3A_1686, %swap3A_1687], %swap3A_1690 {strides = array<i32>} : memref<64x16xf32, #tpu.memory_space<vmem>>, vector<1x16xf32>,
      %broadcast_in_dim3A_1691 = arith.constant 43 : i32
      %broadcast_in_dim3A_1692 = vector.broadcast %broadcast_in_dim3A_1691 : i32 to vector<16xi32>
      %eq3A_1693 = arith.cmpi eq, %select_n3A_954, %broadcast_in_dim3A_1692 : vector<16xi32>
      %jit3A_1694 = arith.constant 0.000000e+00 : f32
      %broadcast_in_dim3A_1695 = vector.broadcast %jit3A_1694 : f32 to vector<16xf32>
      %select_n3A_1696 = arith.select %eq3A_1693, %div3A_959, %broadcast_in_dim3A_1695 : vector<16xi1>, vector<16xf32>
      %eq3A_1697 = arith.cmpi eq, %select_n3A_952, %broadcast_in_dim3A_1692 : vector<16xi32>
      %jit3A_1698 = arith.constant 0.000000e+00 : f32
      %broadcast_in_dim3A_1699 = vector.broadcast %jit3A_1698 : f32 to vector<16xf32>
      %select_n3A_1700 = arith.select %eq3A_1697, %sub3A_962, %broadcast_in_dim3A_1699 : vector<16xi1>, vector<16xf32>
      %add3A_1701 = arith.addf %select_n3A_1696, %select_n3A_1700 : vector<16xf32>
      %swap3A_1702 = arith.constant 43 : i32
      %swap3A_1703 = arith.index_cast %swap3A_1702 : i32 to index
      %swap3A_1704 = arith.constant 0 : index
      %swap3A_1705 = tpu.vector_load %arg5[%swap3A_1703, %swap3A_1704] {strides = array<i32>} : memref<64x16xf32, #tpu.memory_space<vmem>>, vector<1x16xf32>,
      %swap3A_1706 = vector.shape_cast %swap3A_1705 : vector<1x16xf32> to vector<16xf32>
      %swap3A_1707 = vector.shape_cast %add3A_1701 : vector<16xf32> to vector<1x16xf32>
      tpu.vector_store %arg5[%swap3A_1703, %swap3A_1704], %swap3A_1707 {strides = array<i32>} : memref<64x16xf32, #tpu.memory_space<vmem>>, vector<1x16xf32>,
      %broadcast_in_dim3A_1708 = arith.constant 44 : i32
      %broadcast_in_dim3A_1709 = vector.broadcast %broadcast_in_dim3A_1708 : i32 to vector<16xi32>
      %eq3A_1710 = arith.cmpi eq, %select_n3A_954, %broadcast_in_dim3A_1709 : vector<16xi32>
      %jit3A_1711 = arith.constant 0.000000e+00 : f32
      %broadcast_in_dim3A_1712 = vector.broadcast %jit3A_1711 : f32 to vector<16xf32>
      %select_n3A_1713 = arith.select %eq3A_1710, %div3A_959, %broadcast_in_dim3A_1712 : vector<16xi1>, vector<16xf32>
      %eq3A_1714 = arith.cmpi eq, %select_n3A_952, %broadcast_in_dim3A_1709 : vector<16xi32>
      %jit3A_1715 = arith.constant 0.000000e+00 : f32
      %broadcast_in_dim3A_1716 = vector.broadcast %jit3A_1715 : f32 to vector<16xf32>
      %select_n3A_1717 = arith.select %eq3A_1714, %sub3A_962, %broadcast_in_dim3A_1716 : vector<16xi1>, vector<16xf32>
      %add3A_1718 = arith.addf %select_n3A_1713, %select_n3A_1717 : vector<16xf32>
      %swap3A_1719 = arith.constant 44 : i32
      %swap3A_1720 = arith.index_cast %swap3A_1719 : i32 to index
      %swap3A_1721 = arith.constant 0 : index
      %swap3A_1722 = tpu.vector_load %arg5[%swap3A_1720, %swap3A_1721] {strides = array<i32>} : memref<64x16xf32, #tpu.memory_space<vmem>>, vector<1x16xf32>,
      %swap3A_1723 = vector.shape_cast %swap3A_1722 : vector<1x16xf32> to vector<16xf32>
      %swap3A_1724 = vector.shape_cast %add3A_1718 : vector<16xf32> to vector<1x16xf32>
      tpu.vector_store %arg5[%swap3A_1720, %swap3A_1721], %swap3A_1724 {strides = array<i32>} : memref<64x16xf32, #tpu.memory_space<vmem>>, vector<1x16xf32>,
      %broadcast_in_dim3A_1725 = arith.constant 45 : i32
      %broadcast_in_dim3A_1726 = vector.broadcast %broadcast_in_dim3A_1725 : i32 to vector<16xi32>
      %eq3A_1727 = arith.cmpi eq, %select_n3A_954, %broadcast_in_dim3A_1726 : vector<16xi32>
      %jit3A_1728 = arith.constant 0.000000e+00 : f32
      %broadcast_in_dim3A_1729 = vector.broadcast %jit3A_1728 : f32 to vector<16xf32>
      %select_n3A_1730 = arith.select %eq3A_1727, %div3A_959, %broadcast_in_dim3A_1729 : vector<16xi1>, vector<16xf32>
      %eq3A_1731 = arith.cmpi eq, %select_n3A_952, %broadcast_in_dim3A_1726 : vector<16xi32>
      %jit3A_1732 = arith.constant 0.000000e+00 : f32
      %broadcast_in_dim3A_1733 = vector.broadcast %jit3A_1732 : f32 to vector<16xf32>
      %select_n3A_1734 = arith.select %eq3A_1731, %sub3A_962, %broadcast_in_dim3A_1733 : vector<16xi1>, vector<16xf32>
      %add3A_1735 = arith.addf %select_n3A_1730, %select_n3A_1734 : vector<16xf32>
      %swap3A_1736 = arith.constant 45 : i32
      %swap3A_1737 = arith.index_cast %swap3A_1736 : i32 to index
      %swap3A_1738 = arith.constant 0 : index
      %swap3A_1739 = tpu.vector_load %arg5[%swap3A_1737, %swap3A_1738] {strides = array<i32>} : memref<64x16xf32, #tpu.memory_space<vmem>>, vector<1x16xf32>,
      %swap3A_1740 = vector.shape_cast %swap3A_1739 : vector<1x16xf32> to vector<16xf32>
      %swap3A_1741 = vector.shape_cast %add3A_1735 : vector<16xf32> to vector<1x16xf32>
      tpu.vector_store %arg5[%swap3A_1737, %swap3A_1738], %swap3A_1741 {strides = array<i32>} : memref<64x16xf32, #tpu.memory_space<vmem>>, vector<1x16xf32>,
      %broadcast_in_dim3A_1742 = arith.constant 46 : i32
      %broadcast_in_dim3A_1743 = vector.broadcast %broadcast_in_dim3A_1742 : i32 to vector<16xi32>
      %eq3A_1744 = arith.cmpi eq, %select_n3A_954, %broadcast_in_dim3A_1743 : vector<16xi32>
      %jit3A_1745 = arith.constant 0.000000e+00 : f32
      %broadcast_in_dim3A_1746 = vector.broadcast %jit3A_1745 : f32 to vector<16xf32>
      %select_n3A_1747 = arith.select %eq3A_1744, %div3A_959, %broadcast_in_dim3A_1746 : vector<16xi1>, vector<16xf32>
      %eq3A_1748 = arith.cmpi eq, %select_n3A_952, %broadcast_in_dim3A_1743 : vector<16xi32>
      %jit3A_1749 = arith.constant 0.000000e+00 : f32
      %broadcast_in_dim3A_1750 = vector.broadcast %jit3A_1749 : f32 to vector<16xf32>
      %select_n3A_1751 = arith.select %eq3A_1748, %sub3A_962, %broadcast_in_dim3A_1750 : vector<16xi1>, vector<16xf32>
      %add3A_1752 = arith.addf %select_n3A_1747, %select_n3A_1751 : vector<16xf32>
      %swap3A_1753 = arith.constant 46 : i32
      %swap3A_1754 = arith.index_cast %swap3A_1753 : i32 to index
      %swap3A_1755 = arith.constant 0 : index
      %swap3A_1756 = tpu.vector_load %arg5[%swap3A_1754, %swap3A_1755] {strides = array<i32>} : memref<64x16xf32, #tpu.memory_space<vmem>>, vector<1x16xf32>,
      %swap3A_1757 = vector.shape_cast %swap3A_1756 : vector<1x16xf32> to vector<16xf32>
      %swap3A_1758 = vector.shape_cast %add3A_1752 : vector<16xf32> to vector<1x16xf32>
      tpu.vector_store %arg5[%swap3A_1754, %swap3A_1755], %swap3A_1758 {strides = array<i32>} : memref<64x16xf32, #tpu.memory_space<vmem>>, vector<1x16xf32>,
      %broadcast_in_dim3A_1759 = arith.constant 47 : i32
      %broadcast_in_dim3A_1760 = vector.broadcast %broadcast_in_dim3A_1759 : i32 to vector<16xi32>
      %eq3A_1761 = arith.cmpi eq, %select_n3A_954, %broadcast_in_dim3A_1760 : vector<16xi32>
      %jit3A_1762 = arith.constant 0.000000e+00 : f32
      %broadcast_in_dim3A_1763 = vector.broadcast %jit3A_1762 : f32 to vector<16xf32>
      %select_n3A_1764 = arith.select %eq3A_1761, %div3A_959, %broadcast_in_dim3A_1763 : vector<16xi1>, vector<16xf32>
      %eq3A_1765 = arith.cmpi eq, %select_n3A_952, %broadcast_in_dim3A_1760 : vector<16xi32>
      %jit3A_1766 = arith.constant 0.000000e+00 : f32
      %broadcast_in_dim3A_1767 = vector.broadcast %jit3A_1766 : f32 to vector<16xf32>
      %select_n3A_1768 = arith.select %eq3A_1765, %sub3A_962, %broadcast_in_dim3A_1767 : vector<16xi1>, vector<16xf32>
      %add3A_1769 = arith.addf %select_n3A_1764, %select_n3A_1768 : vector<16xf32>
      %swap3A_1770 = arith.constant 47 : i32
      %swap3A_1771 = arith.index_cast %swap3A_1770 : i32 to index
      %swap3A_1772 = arith.constant 0 : index
      %swap3A_1773 = tpu.vector_load %arg5[%swap3A_1771, %swap3A_1772] {strides = array<i32>} : memref<64x16xf32, #tpu.memory_space<vmem>>, vector<1x16xf32>,
      %swap3A_1774 = vector.shape_cast %swap3A_1773 : vector<1x16xf32> to vector<16xf32>
      %swap3A_1775 = vector.shape_cast %add3A_1769 : vector<16xf32> to vector<1x16xf32>
      tpu.vector_store %arg5[%swap3A_1771, %swap3A_1772], %swap3A_1775 {strides = array<i32>} : memref<64x16xf32, #tpu.memory_space<vmem>>, vector<1x16xf32>,
      %broadcast_in_dim3A_1776 = arith.constant 48 : i32
      %broadcast_in_dim3A_1777 = vector.broadcast %broadcast_in_dim3A_1776 : i32 to vector<16xi32>
      %eq3A_1778 = arith.cmpi eq, %select_n3A_954, %broadcast_in_dim3A_1777 : vector<16xi32>
      %jit3A_1779 = arith.constant 0.000000e+00 : f32
      %broadcast_in_dim3A_1780 = vector.broadcast %jit3A_1779 : f32 to vector<16xf32>
      %select_n3A_1781 = arith.select %eq3A_1778, %div3A_959, %broadcast_in_dim3A_1780 : vector<16xi1>, vector<16xf32>
      %eq3A_1782 = arith.cmpi eq, %select_n3A_952, %broadcast_in_dim3A_1777 : vector<16xi32>
      %jit3A_1783 = arith.constant 0.000000e+00 : f32
      %broadcast_in_dim3A_1784 = vector.broadcast %jit3A_1783 : f32 to vector<16xf32>
      %select_n3A_1785 = arith.select %eq3A_1782, %sub3A_962, %broadcast_in_dim3A_1784 : vector<16xi1>, vector<16xf32>
      %add3A_1786 = arith.addf %select_n3A_1781, %select_n3A_1785 : vector<16xf32>
      %swap3A_1787 = arith.constant 48 : i32
      %swap3A_1788 = arith.index_cast %swap3A_1787 : i32 to index
      %swap3A_1789 = arith.constant 0 : index
      %swap3A_1790 = tpu.vector_load %arg5[%swap3A_1788, %swap3A_1789] {strides = array<i32>} : memref<64x16xf32, #tpu.memory_space<vmem>>, vector<1x16xf32>,
      %swap3A_1791 = vector.shape_cast %swap3A_1790 : vector<1x16xf32> to vector<16xf32>
      %swap3A_1792 = vector.shape_cast %add3A_1786 : vector<16xf32> to vector<1x16xf32>
      tpu.vector_store %arg5[%swap3A_1788, %swap3A_1789], %swap3A_1792 {strides = array<i32>} : memref<64x16xf32, #tpu.memory_space<vmem>>, vector<1x16xf32>,
      %broadcast_in_dim3A_1793 = arith.constant 49 : i32
      %broadcast_in_dim3A_1794 = vector.broadcast %broadcast_in_dim3A_1793 : i32 to vector<16xi32>
      %eq3A_1795 = arith.cmpi eq, %select_n3A_954, %broadcast_in_dim3A_1794 : vector<16xi32>
      %jit3A_1796 = arith.constant 0.000000e+00 : f32
      %broadcast_in_dim3A_1797 = vector.broadcast %jit3A_1796 : f32 to vector<16xf32>
      %select_n3A_1798 = arith.select %eq3A_1795, %div3A_959, %broadcast_in_dim3A_1797 : vector<16xi1>, vector<16xf32>
      %eq3A_1799 = arith.cmpi eq, %select_n3A_952, %broadcast_in_dim3A_1794 : vector<16xi32>
      %jit3A_1800 = arith.constant 0.000000e+00 : f32
      %broadcast_in_dim3A_1801 = vector.broadcast %jit3A_1800 : f32 to vector<16xf32>
      %select_n3A_1802 = arith.select %eq3A_1799, %sub3A_962, %broadcast_in_dim3A_1801 : vector<16xi1>, vector<16xf32>
      %add3A_1803 = arith.addf %select_n3A_1798, %select_n3A_1802 : vector<16xf32>
      %swap3A_1804 = arith.constant 49 : i32
      %swap3A_1805 = arith.index_cast %swap3A_1804 : i32 to index
      %swap3A_1806 = arith.constant 0 : index
      %swap3A_1807 = tpu.vector_load %arg5[%swap3A_1805, %swap3A_1806] {strides = array<i32>} : memref<64x16xf32, #tpu.memory_space<vmem>>, vector<1x16xf32>,
      %swap3A_1808 = vector.shape_cast %swap3A_1807 : vector<1x16xf32> to vector<16xf32>
      %swap3A_1809 = vector.shape_cast %add3A_1803 : vector<16xf32> to vector<1x16xf32>
      tpu.vector_store %arg5[%swap3A_1805, %swap3A_1806], %swap3A_1809 {strides = array<i32>} : memref<64x16xf32, #tpu.memory_space<vmem>>, vector<1x16xf32>,
      %broadcast_in_dim3A_1810 = arith.constant 50 : i32
      %broadcast_in_dim3A_1811 = vector.broadcast %broadcast_in_dim3A_1810 : i32 to vector<16xi32>
      %eq3A_1812 = arith.cmpi eq, %select_n3A_954, %broadcast_in_dim3A_1811 : vector<16xi32>
      %jit3A_1813 = arith.constant 0.000000e+00 : f32
      %broadcast_in_dim3A_1814 = vector.broadcast %jit3A_1813 : f32 to vector<16xf32>
      %select_n3A_1815 = arith.select %eq3A_1812, %div3A_959, %broadcast_in_dim3A_1814 : vector<16xi1>, vector<16xf32>
      %eq3A_1816 = arith.cmpi eq, %select_n3A_952, %broadcast_in_dim3A_1811 : vector<16xi32>
      %jit3A_1817 = arith.constant 0.000000e+00 : f32
      %broadcast_in_dim3A_1818 = vector.broadcast %jit3A_1817 : f32 to vector<16xf32>
      %select_n3A_1819 = arith.select %eq3A_1816, %sub3A_962, %broadcast_in_dim3A_1818 : vector<16xi1>, vector<16xf32>
      %add3A_1820 = arith.addf %select_n3A_1815, %select_n3A_1819 : vector<16xf32>
      %swap3A_1821 = arith.constant 50 : i32
      %swap3A_1822 = arith.index_cast %swap3A_1821 : i32 to index
      %swap3A_1823 = arith.constant 0 : index
      %swap3A_1824 = tpu.vector_load %arg5[%swap3A_1822, %swap3A_1823] {strides = array<i32>} : memref<64x16xf32, #tpu.memory_space<vmem>>, vector<1x16xf32>,
      %swap3A_1825 = vector.shape_cast %swap3A_1824 : vector<1x16xf32> to vector<16xf32>
      %swap3A_1826 = vector.shape_cast %add3A_1820 : vector<16xf32> to vector<1x16xf32>
      tpu.vector_store %arg5[%swap3A_1822, %swap3A_1823], %swap3A_1826 {strides = array<i32>} : memref<64x16xf32, #tpu.memory_space<vmem>>, vector<1x16xf32>,
      %broadcast_in_dim3A_1827 = arith.constant 51 : i32
      %broadcast_in_dim3A_1828 = vector.broadcast %broadcast_in_dim3A_1827 : i32 to vector<16xi32>
      %eq3A_1829 = arith.cmpi eq, %select_n3A_954, %broadcast_in_dim3A_1828 : vector<16xi32>
      %jit3A_1830 = arith.constant 0.000000e+00 : f32
      %broadcast_in_dim3A_1831 = vector.broadcast %jit3A_1830 : f32 to vector<16xf32>
      %select_n3A_1832 = arith.select %eq3A_1829, %div3A_959, %broadcast_in_dim3A_1831 : vector<16xi1>, vector<16xf32>
      %eq3A_1833 = arith.cmpi eq, %select_n3A_952, %broadcast_in_dim3A_1828 : vector<16xi32>
      %jit3A_1834 = arith.constant 0.000000e+00 : f32
      %broadcast_in_dim3A_1835 = vector.broadcast %jit3A_1834 : f32 to vector<16xf32>
      %select_n3A_1836 = arith.select %eq3A_1833, %sub3A_962, %broadcast_in_dim3A_1835 : vector<16xi1>, vector<16xf32>
      %add3A_1837 = arith.addf %select_n3A_1832, %select_n3A_1836 : vector<16xf32>
      %swap3A_1838 = arith.constant 51 : i32
      %swap3A_1839 = arith.index_cast %swap3A_1838 : i32 to index
      %swap3A_1840 = arith.constant 0 : index
      %swap3A_1841 = tpu.vector_load %arg5[%swap3A_1839, %swap3A_1840] {strides = array<i32>} : memref<64x16xf32, #tpu.memory_space<vmem>>, vector<1x16xf32>,
      %swap3A_1842 = vector.shape_cast %swap3A_1841 : vector<1x16xf32> to vector<16xf32>
      %swap3A_1843 = vector.shape_cast %add3A_1837 : vector<16xf32> to vector<1x16xf32>
      tpu.vector_store %arg5[%swap3A_1839, %swap3A_1840], %swap3A_1843 {strides = array<i32>} : memref<64x16xf32, #tpu.memory_space<vmem>>, vector<1x16xf32>,
      %broadcast_in_dim3A_1844 = arith.constant 52 : i32
      %broadcast_in_dim3A_1845 = vector.broadcast %broadcast_in_dim3A_1844 : i32 to vector<16xi32>
      %eq3A_1846 = arith.cmpi eq, %select_n3A_954, %broadcast_in_dim3A_1845 : vector<16xi32>
      %jit3A_1847 = arith.constant 0.000000e+00 : f32
      %broadcast_in_dim3A_1848 = vector.broadcast %jit3A_1847 : f32 to vector<16xf32>
      %select_n3A_1849 = arith.select %eq3A_1846, %div3A_959, %broadcast_in_dim3A_1848 : vector<16xi1>, vector<16xf32>
      %eq3A_1850 = arith.cmpi eq, %select_n3A_952, %broadcast_in_dim3A_1845 : vector<16xi32>
      %jit3A_1851 = arith.constant 0.000000e+00 : f32
      %broadcast_in_dim3A_1852 = vector.broadcast %jit3A_1851 : f32 to vector<16xf32>
      %select_n3A_1853 = arith.select %eq3A_1850, %sub3A_962, %broadcast_in_dim3A_1852 : vector<16xi1>, vector<16xf32>
      %add3A_1854 = arith.addf %select_n3A_1849, %select_n3A_1853 : vector<16xf32>
      %swap3A_1855 = arith.constant 52 : i32
      %swap3A_1856 = arith.index_cast %swap3A_1855 : i32 to index
      %swap3A_1857 = arith.constant 0 : index
      %swap3A_1858 = tpu.vector_load %arg5[%swap3A_1856, %swap3A_1857] {strides = array<i32>} : memref<64x16xf32, #tpu.memory_space<vmem>>, vector<1x16xf32>,
      %swap3A_1859 = vector.shape_cast %swap3A_1858 : vector<1x16xf32> to vector<16xf32>
      %swap3A_1860 = vector.shape_cast %add3A_1854 : vector<16xf32> to vector<1x16xf32>
      tpu.vector_store %arg5[%swap3A_1856, %swap3A_1857], %swap3A_1860 {strides = array<i32>} : memref<64x16xf32, #tpu.memory_space<vmem>>, vector<1x16xf32>,
      %broadcast_in_dim3A_1861 = arith.constant 53 : i32
      %broadcast_in_dim3A_1862 = vector.broadcast %broadcast_in_dim3A_1861 : i32 to vector<16xi32>
      %eq3A_1863 = arith.cmpi eq, %select_n3A_954, %broadcast_in_dim3A_1862 : vector<16xi32>
      %jit3A_1864 = arith.constant 0.000000e+00 : f32
      %broadcast_in_dim3A_1865 = vector.broadcast %jit3A_1864 : f32 to vector<16xf32>
      %select_n3A_1866 = arith.select %eq3A_1863, %div3A_959, %broadcast_in_dim3A_1865 : vector<16xi1>, vector<16xf32>
      %eq3A_1867 = arith.cmpi eq, %select_n3A_952, %broadcast_in_dim3A_1862 : vector<16xi32>
      %jit3A_1868 = arith.constant 0.000000e+00 : f32
      %broadcast_in_dim3A_1869 = vector.broadcast %jit3A_1868 : f32 to vector<16xf32>
      %select_n3A_1870 = arith.select %eq3A_1867, %sub3A_962, %broadcast_in_dim3A_1869 : vector<16xi1>, vector<16xf32>
      %add3A_1871 = arith.addf %select_n3A_1866, %select_n3A_1870 : vector<16xf32>
      %swap3A_1872 = arith.constant 53 : i32
      %swap3A_1873 = arith.index_cast %swap3A_1872 : i32 to index
      %swap3A_1874 = arith.constant 0 : index
      %swap3A_1875 = tpu.vector_load %arg5[%swap3A_1873, %swap3A_1874] {strides = array<i32>} : memref<64x16xf32, #tpu.memory_space<vmem>>, vector<1x16xf32>,
      %swap3A_1876 = vector.shape_cast %swap3A_1875 : vector<1x16xf32> to vector<16xf32>
      %swap3A_1877 = vector.shape_cast %add3A_1871 : vector<16xf32> to vector<1x16xf32>
      tpu.vector_store %arg5[%swap3A_1873, %swap3A_1874], %swap3A_1877 {strides = array<i32>} : memref<64x16xf32, #tpu.memory_space<vmem>>, vector<1x16xf32>,
      %broadcast_in_dim3A_1878 = arith.constant 54 : i32
      %broadcast_in_dim3A_1879 = vector.broadcast %broadcast_in_dim3A_1878 : i32 to vector<16xi32>
      %eq3A_1880 = arith.cmpi eq, %select_n3A_954, %broadcast_in_dim3A_1879 : vector<16xi32>
      %jit3A_1881 = arith.constant 0.000000e+00 : f32
      %broadcast_in_dim3A_1882 = vector.broadcast %jit3A_1881 : f32 to vector<16xf32>
      %select_n3A_1883 = arith.select %eq3A_1880, %div3A_959, %broadcast_in_dim3A_1882 : vector<16xi1>, vector<16xf32>
      %eq3A_1884 = arith.cmpi eq, %select_n3A_952, %broadcast_in_dim3A_1879 : vector<16xi32>
      %jit3A_1885 = arith.constant 0.000000e+00 : f32
      %broadcast_in_dim3A_1886 = vector.broadcast %jit3A_1885 : f32 to vector<16xf32>
      %select_n3A_1887 = arith.select %eq3A_1884, %sub3A_962, %broadcast_in_dim3A_1886 : vector<16xi1>, vector<16xf32>
      %add3A_1888 = arith.addf %select_n3A_1883, %select_n3A_1887 : vector<16xf32>
      %swap3A_1889 = arith.constant 54 : i32
      %swap3A_1890 = arith.index_cast %swap3A_1889 : i32 to index
      %swap3A_1891 = arith.constant 0 : index
      %swap3A_1892 = tpu.vector_load %arg5[%swap3A_1890, %swap3A_1891] {strides = array<i32>} : memref<64x16xf32, #tpu.memory_space<vmem>>, vector<1x16xf32>,
      %swap3A_1893 = vector.shape_cast %swap3A_1892 : vector<1x16xf32> to vector<16xf32>
      %swap3A_1894 = vector.shape_cast %add3A_1888 : vector<16xf32> to vector<1x16xf32>
      tpu.vector_store %arg5[%swap3A_1890, %swap3A_1891], %swap3A_1894 {strides = array<i32>} : memref<64x16xf32, #tpu.memory_space<vmem>>, vector<1x16xf32>,
      %broadcast_in_dim3A_1895 = arith.constant 55 : i32
      %broadcast_in_dim3A_1896 = vector.broadcast %broadcast_in_dim3A_1895 : i32 to vector<16xi32>
      %eq3A_1897 = arith.cmpi eq, %select_n3A_954, %broadcast_in_dim3A_1896 : vector<16xi32>
      %jit3A_1898 = arith.constant 0.000000e+00 : f32
      %broadcast_in_dim3A_1899 = vector.broadcast %jit3A_1898 : f32 to vector<16xf32>
      %select_n3A_1900 = arith.select %eq3A_1897, %div3A_959, %broadcast_in_dim3A_1899 : vector<16xi1>, vector<16xf32>
      %eq3A_1901 = arith.cmpi eq, %select_n3A_952, %broadcast_in_dim3A_1896 : vector<16xi32>
      %jit3A_1902 = arith.constant 0.000000e+00 : f32
      %broadcast_in_dim3A_1903 = vector.broadcast %jit3A_1902 : f32 to vector<16xf32>
      %select_n3A_1904 = arith.select %eq3A_1901, %sub3A_962, %broadcast_in_dim3A_1903 : vector<16xi1>, vector<16xf32>
      %add3A_1905 = arith.addf %select_n3A_1900, %select_n3A_1904 : vector<16xf32>
      %swap3A_1906 = arith.constant 55 : i32
      %swap3A_1907 = arith.index_cast %swap3A_1906 : i32 to index
      %swap3A_1908 = arith.constant 0 : index
      %swap3A_1909 = tpu.vector_load %arg5[%swap3A_1907, %swap3A_1908] {strides = array<i32>} : memref<64x16xf32, #tpu.memory_space<vmem>>, vector<1x16xf32>,
      %swap3A_1910 = vector.shape_cast %swap3A_1909 : vector<1x16xf32> to vector<16xf32>
      %swap3A_1911 = vector.shape_cast %add3A_1905 : vector<16xf32> to vector<1x16xf32>
      tpu.vector_store %arg5[%swap3A_1907, %swap3A_1908], %swap3A_1911 {strides = array<i32>} : memref<64x16xf32, #tpu.memory_space<vmem>>, vector<1x16xf32>,
      %broadcast_in_dim3A_1912 = arith.constant 56 : i32
      %broadcast_in_dim3A_1913 = vector.broadcast %broadcast_in_dim3A_1912 : i32 to vector<16xi32>
      %eq3A_1914 = arith.cmpi eq, %select_n3A_954, %broadcast_in_dim3A_1913 : vector<16xi32>
      %jit3A_1915 = arith.constant 0.000000e+00 : f32
      %broadcast_in_dim3A_1916 = vector.broadcast %jit3A_1915 : f32 to vector<16xf32>
      %select_n3A_1917 = arith.select %eq3A_1914, %div3A_959, %broadcast_in_dim3A_1916 : vector<16xi1>, vector<16xf32>
      %eq3A_1918 = arith.cmpi eq, %select_n3A_952, %broadcast_in_dim3A_1913 : vector<16xi32>
      %jit3A_1919 = arith.constant 0.000000e+00 : f32
      %broadcast_in_dim3A_1920 = vector.broadcast %jit3A_1919 : f32 to vector<16xf32>
      %select_n3A_1921 = arith.select %eq3A_1918, %sub3A_962, %broadcast_in_dim3A_1920 : vector<16xi1>, vector<16xf32>
      %add3A_1922 = arith.addf %select_n3A_1917, %select_n3A_1921 : vector<16xf32>
      %swap3A_1923 = arith.constant 56 : i32
      %swap3A_1924 = arith.index_cast %swap3A_1923 : i32 to index
      %swap3A_1925 = arith.constant 0 : index
      %swap3A_1926 = tpu.vector_load %arg5[%swap3A_1924, %swap3A_1925] {strides = array<i32>} : memref<64x16xf32, #tpu.memory_space<vmem>>, vector<1x16xf32>,
      %swap3A_1927 = vector.shape_cast %swap3A_1926 : vector<1x16xf32> to vector<16xf32>
      %swap3A_1928 = vector.shape_cast %add3A_1922 : vector<16xf32> to vector<1x16xf32>
      tpu.vector_store %arg5[%swap3A_1924, %swap3A_1925], %swap3A_1928 {strides = array<i32>} : memref<64x16xf32, #tpu.memory_space<vmem>>, vector<1x16xf32>,
      %broadcast_in_dim3A_1929 = arith.constant 57 : i32
      %broadcast_in_dim3A_1930 = vector.broadcast %broadcast_in_dim3A_1929 : i32 to vector<16xi32>
      %eq3A_1931 = arith.cmpi eq, %select_n3A_954, %broadcast_in_dim3A_1930 : vector<16xi32>
      %jit3A_1932 = arith.constant 0.000000e+00 : f32
      %broadcast_in_dim3A_1933 = vector.broadcast %jit3A_1932 : f32 to vector<16xf32>
      %select_n3A_1934 = arith.select %eq3A_1931, %div3A_959, %broadcast_in_dim3A_1933 : vector<16xi1>, vector<16xf32>
      %eq3A_1935 = arith.cmpi eq, %select_n3A_952, %broadcast_in_dim3A_1930 : vector<16xi32>
      %jit3A_1936 = arith.constant 0.000000e+00 : f32
      %broadcast_in_dim3A_1937 = vector.broadcast %jit3A_1936 : f32 to vector<16xf32>
      %select_n3A_1938 = arith.select %eq3A_1935, %sub3A_962, %broadcast_in_dim3A_1937 : vector<16xi1>, vector<16xf32>
      %add3A_1939 = arith.addf %select_n3A_1934, %select_n3A_1938 : vector<16xf32>
      %swap3A_1940 = arith.constant 57 : i32
      %swap3A_1941 = arith.index_cast %swap3A_1940 : i32 to index
      %swap3A_1942 = arith.constant 0 : index
      %swap3A_1943 = tpu.vector_load %arg5[%swap3A_1941, %swap3A_1942] {strides = array<i32>} : memref<64x16xf32, #tpu.memory_space<vmem>>, vector<1x16xf32>,
      %swap3A_1944 = vector.shape_cast %swap3A_1943 : vector<1x16xf32> to vector<16xf32>
      %swap3A_1945 = vector.shape_cast %add3A_1939 : vector<16xf32> to vector<1x16xf32>
      tpu.vector_store %arg5[%swap3A_1941, %swap3A_1942], %swap3A_1945 {strides = array<i32>} : memref<64x16xf32, #tpu.memory_space<vmem>>, vector<1x16xf32>,
      %broadcast_in_dim3A_1946 = arith.constant 58 : i32
      %broadcast_in_dim3A_1947 = vector.broadcast %broadcast_in_dim3A_1946 : i32 to vector<16xi32>
      %eq3A_1948 = arith.cmpi eq, %select_n3A_954, %broadcast_in_dim3A_1947 : vector<16xi32>
      %jit3A_1949 = arith.constant 0.000000e+00 : f32
      %broadcast_in_dim3A_1950 = vector.broadcast %jit3A_1949 : f32 to vector<16xf32>
      %select_n3A_1951 = arith.select %eq3A_1948, %div3A_959, %broadcast_in_dim3A_1950 : vector<16xi1>, vector<16xf32>
      %eq3A_1952 = arith.cmpi eq, %select_n3A_952, %broadcast_in_dim3A_1947 : vector<16xi32>
      %jit3A_1953 = arith.constant 0.000000e+00 : f32
      %broadcast_in_dim3A_1954 = vector.broadcast %jit3A_1953 : f32 to vector<16xf32>
      %select_n3A_1955 = arith.select %eq3A_1952, %sub3A_962, %broadcast_in_dim3A_1954 : vector<16xi1>, vector<16xf32>
      %add3A_1956 = arith.addf %select_n3A_1951, %select_n3A_1955 : vector<16xf32>
      %swap3A_1957 = arith.constant 58 : i32
      %swap3A_1958 = arith.index_cast %swap3A_1957 : i32 to index
      %swap3A_1959 = arith.constant 0 : index
      %swap3A_1960 = tpu.vector_load %arg5[%swap3A_1958, %swap3A_1959] {strides = array<i32>} : memref<64x16xf32, #tpu.memory_space<vmem>>, vector<1x16xf32>,
      %swap3A_1961 = vector.shape_cast %swap3A_1960 : vector<1x16xf32> to vector<16xf32>
      %swap3A_1962 = vector.shape_cast %add3A_1956 : vector<16xf32> to vector<1x16xf32>
      tpu.vector_store %arg5[%swap3A_1958, %swap3A_1959], %swap3A_1962 {strides = array<i32>} : memref<64x16xf32, #tpu.memory_space<vmem>>, vector<1x16xf32>,
      %broadcast_in_dim3A_1963 = arith.constant 59 : i32
      %broadcast_in_dim3A_1964 = vector.broadcast %broadcast_in_dim3A_1963 : i32 to vector<16xi32>
      %eq3A_1965 = arith.cmpi eq, %select_n3A_954, %broadcast_in_dim3A_1964 : vector<16xi32>
      %jit3A_1966 = arith.constant 0.000000e+00 : f32
      %broadcast_in_dim3A_1967 = vector.broadcast %jit3A_1966 : f32 to vector<16xf32>
      %select_n3A_1968 = arith.select %eq3A_1965, %div3A_959, %broadcast_in_dim3A_1967 : vector<16xi1>, vector<16xf32>
      %eq3A_1969 = arith.cmpi eq, %select_n3A_952, %broadcast_in_dim3A_1964 : vector<16xi32>
      %jit3A_1970 = arith.constant 0.000000e+00 : f32
      %broadcast_in_dim3A_1971 = vector.broadcast %jit3A_1970 : f32 to vector<16xf32>
      %select_n3A_1972 = arith.select %eq3A_1969, %sub3A_962, %broadcast_in_dim3A_1971 : vector<16xi1>, vector<16xf32>
      %add3A_1973 = arith.addf %select_n3A_1968, %select_n3A_1972 : vector<16xf32>
      %swap3A_1974 = arith.constant 59 : i32
      %swap3A_1975 = arith.index_cast %swap3A_1974 : i32 to index
      %swap3A_1976 = arith.constant 0 : index
      %swap3A_1977 = tpu.vector_load %arg5[%swap3A_1975, %swap3A_1976] {strides = array<i32>} : memref<64x16xf32, #tpu.memory_space<vmem>>, vector<1x16xf32>,
      %swap3A_1978 = vector.shape_cast %swap3A_1977 : vector<1x16xf32> to vector<16xf32>
      %swap3A_1979 = vector.shape_cast %add3A_1973 : vector<16xf32> to vector<1x16xf32>
      tpu.vector_store %arg5[%swap3A_1975, %swap3A_1976], %swap3A_1979 {strides = array<i32>} : memref<64x16xf32, #tpu.memory_space<vmem>>, vector<1x16xf32>,
      %broadcast_in_dim3A_1980 = arith.constant 60 : i32
      %broadcast_in_dim3A_1981 = vector.broadcast %broadcast_in_dim3A_1980 : i32 to vector<16xi32>
      %eq3A_1982 = arith.cmpi eq, %select_n3A_954, %broadcast_in_dim3A_1981 : vector<16xi32>
      %jit3A_1983 = arith.constant 0.000000e+00 : f32
      %broadcast_in_dim3A_1984 = vector.broadcast %jit3A_1983 : f32 to vector<16xf32>
      %select_n3A_1985 = arith.select %eq3A_1982, %div3A_959, %broadcast_in_dim3A_1984 : vector<16xi1>, vector<16xf32>
      %eq3A_1986 = arith.cmpi eq, %select_n3A_952, %broadcast_in_dim3A_1981 : vector<16xi32>
      %jit3A_1987 = arith.constant 0.000000e+00 : f32
      %broadcast_in_dim3A_1988 = vector.broadcast %jit3A_1987 : f32 to vector<16xf32>
      %select_n3A_1989 = arith.select %eq3A_1986, %sub3A_962, %broadcast_in_dim3A_1988 : vector<16xi1>, vector<16xf32>
      %add3A_1990 = arith.addf %select_n3A_1985, %select_n3A_1989 : vector<16xf32>
      %swap3A_1991 = arith.constant 60 : i32
      %swap3A_1992 = arith.index_cast %swap3A_1991 : i32 to index
      %swap3A_1993 = arith.constant 0 : index
      %swap3A_1994 = tpu.vector_load %arg5[%swap3A_1992, %swap3A_1993] {strides = array<i32>} : memref<64x16xf32, #tpu.memory_space<vmem>>, vector<1x16xf32>,
      %swap3A_1995 = vector.shape_cast %swap3A_1994 : vector<1x16xf32> to vector<16xf32>
      %swap3A_1996 = vector.shape_cast %add3A_1990 : vector<16xf32> to vector<1x16xf32>
      tpu.vector_store %arg5[%swap3A_1992, %swap3A_1993], %swap3A_1996 {strides = array<i32>} : memref<64x16xf32, #tpu.memory_space<vmem>>, vector<1x16xf32>,
      %broadcast_in_dim3A_1997 = arith.constant 61 : i32
      %broadcast_in_dim3A_1998 = vector.broadcast %broadcast_in_dim3A_1997 : i32 to vector<16xi32>
      %eq3A_1999 = arith.cmpi eq, %select_n3A_954, %broadcast_in_dim3A_1998 : vector<16xi32>
      %jit3A_2000 = arith.constant 0.000000e+00 : f32
      %broadcast_in_dim3A_2001 = vector.broadcast %jit3A_2000 : f32 to vector<16xf32>
      %select_n3A_2002 = arith.select %eq3A_1999, %div3A_959, %broadcast_in_dim3A_2001 : vector<16xi1>, vector<16xf32>
      %eq3A_2003 = arith.cmpi eq, %select_n3A_952, %broadcast_in_dim3A_1998 : vector<16xi32>
      %jit3A_2004 = arith.constant 0.000000e+00 : f32
      %broadcast_in_dim3A_2005 = vector.broadcast %jit3A_2004 : f32 to vector<16xf32>
      %select_n3A_2006 = arith.select %eq3A_2003, %sub3A_962, %broadcast_in_dim3A_2005 : vector<16xi1>, vector<16xf32>
      %add3A_2007 = arith.addf %select_n3A_2002, %select_n3A_2006 : vector<16xf32>
      %swap3A_2008 = arith.constant 61 : i32
      %swap3A_2009 = arith.index_cast %swap3A_2008 : i32 to index
      %swap3A_2010 = arith.constant 0 : index
      %swap3A_2011 = tpu.vector_load %arg5[%swap3A_2009, %swap3A_2010] {strides = array<i32>} : memref<64x16xf32, #tpu.memory_space<vmem>>, vector<1x16xf32>,
      %swap3A_2012 = vector.shape_cast %swap3A_2011 : vector<1x16xf32> to vector<16xf32>
      %swap3A_2013 = vector.shape_cast %add3A_2007 : vector<16xf32> to vector<1x16xf32>
      tpu.vector_store %arg5[%swap3A_2009, %swap3A_2010], %swap3A_2013 {strides = array<i32>} : memref<64x16xf32, #tpu.memory_space<vmem>>, vector<1x16xf32>,
      %broadcast_in_dim3A_2014 = arith.constant 62 : i32
      %broadcast_in_dim3A_2015 = vector.broadcast %broadcast_in_dim3A_2014 : i32 to vector<16xi32>
      %eq3A_2016 = arith.cmpi eq, %select_n3A_954, %broadcast_in_dim3A_2015 : vector<16xi32>
      %jit3A_2017 = arith.constant 0.000000e+00 : f32
      %broadcast_in_dim3A_2018 = vector.broadcast %jit3A_2017 : f32 to vector<16xf32>
      %select_n3A_2019 = arith.select %eq3A_2016, %div3A_959, %broadcast_in_dim3A_2018 : vector<16xi1>, vector<16xf32>
      %eq3A_2020 = arith.cmpi eq, %select_n3A_952, %broadcast_in_dim3A_2015 : vector<16xi32>
      %jit3A_2021 = arith.constant 0.000000e+00 : f32
      %broadcast_in_dim3A_2022 = vector.broadcast %jit3A_2021 : f32 to vector<16xf32>
      %select_n3A_2023 = arith.select %eq3A_2020, %sub3A_962, %broadcast_in_dim3A_2022 : vector<16xi1>, vector<16xf32>
      %add3A_2024 = arith.addf %select_n3A_2019, %select_n3A_2023 : vector<16xf32>
      %swap3A_2025 = arith.constant 62 : i32
      %swap3A_2026 = arith.index_cast %swap3A_2025 : i32 to index
      %swap3A_2027 = arith.constant 0 : index
      %swap3A_2028 = tpu.vector_load %arg5[%swap3A_2026, %swap3A_2027] {strides = array<i32>} : memref<64x16xf32, #tpu.memory_space<vmem>>, vector<1x16xf32>,
      %swap3A_2029 = vector.shape_cast %swap3A_2028 : vector<1x16xf32> to vector<16xf32>
      %swap3A_2030 = vector.shape_cast %add3A_2024 : vector<16xf32> to vector<1x16xf32>
      tpu.vector_store %arg5[%swap3A_2026, %swap3A_2027], %swap3A_2030 {strides = array<i32>} : memref<64x16xf32, #tpu.memory_space<vmem>>, vector<1x16xf32>,
      %broadcast_in_dim3A_2031 = arith.constant 63 : i32
      %broadcast_in_dim3A_2032 = vector.broadcast %broadcast_in_dim3A_2031 : i32 to vector<16xi32>
      %eq3A_2033 = arith.cmpi eq, %select_n3A_954, %broadcast_in_dim3A_2032 : vector<16xi32>
      %jit3A_2034 = arith.constant 0.000000e+00 : f32
      %broadcast_in_dim3A_2035 = vector.broadcast %jit3A_2034 : f32 to vector<16xf32>
      %select_n3A_2036 = arith.select %eq3A_2033, %div3A_959, %broadcast_in_dim3A_2035 : vector<16xi1>, vector<16xf32>
      %eq3A_2037 = arith.cmpi eq, %select_n3A_952, %broadcast_in_dim3A_2032 : vector<16xi32>
      %jit3A_2038 = arith.constant 0.000000e+00 : f32
      %broadcast_in_dim3A_2039 = vector.broadcast %jit3A_2038 : f32 to vector<16xf32>
      %select_n3A_2040 = arith.select %eq3A_2037, %sub3A_962, %broadcast_in_dim3A_2039 : vector<16xi1>, vector<16xf32>
      %add3A_2041 = arith.addf %select_n3A_2036, %select_n3A_2040 : vector<16xf32>
      %swap3A_2042 = arith.constant 63 : i32
      %swap3A_2043 = arith.index_cast %swap3A_2042 : i32 to index
      %swap3A_2044 = arith.constant 0 : index
      %swap3A_2045 = tpu.vector_load %arg5[%swap3A_2043, %swap3A_2044] {strides = array<i32>} : memref<64x16xf32, #tpu.memory_space<vmem>>, vector<1x16xf32>,
      %swap3A_2046 = vector.shape_cast %swap3A_2045 : vector<1x16xf32> to vector<16xf32>
      %swap3A_2047 = vector.shape_cast %add3A_2041 : vector<16xf32> to vector<1x16xf32>
      tpu.vector_store %arg5[%swap3A_2043, %swap3A_2044], %swap3A_2047 {strides = array<i32>} : memref<64x16xf32, #tpu.memory_space<vmem>>, vector<1x16xf32>,
      %dma_start3A = arith.constant 0 : i32
      %dma_start3A_2048 = arith.constant 0 : i32
      %dma_start3A_2049 = tpu.memref_slice %arg3[%add3A, %dma_start3A, %dma_start3A_2048] : memref<8x64x16xf32, #tpu.memory_space<hbm>> -> memref<1x64x16xf32, #tpu.memory_space<hbm>>
      %dma_start3A_2050 = tpu.memref_squeeze %dma_start3A_2049 : memref<1x64x16xf32, #tpu.memory_space<hbm>> -> memref<64x16xf32, #tpu.memory_space<hbm>>
      %dma_start3A_2051 = arith.constant 0 : i32
      %dma_start3A_2052 = arith.constant 0 : i32
      %dma_start3A_2053 = tpu.memref_slice %arg3[%add3A, %dma_start3A_2051, %dma_start3A_2052] : memref<8x64x16xf32, #tpu.memory_space<hbm>> -> memref<1x64x16xf32, #tpu.memory_space<hbm>>
      %dma_start3A_2054 = tpu.memref_squeeze %dma_start3A_2053 : memref<1x64x16xf32, #tpu.memory_space<hbm>> -> memref<64x16xf32, #tpu.memory_space<hbm>>
      tpu.enqueue_dma source(%arg5 : memref<64x16xf32, #tpu.memory_space<vmem>>) target(%dma_start3A_2054 : memref<64x16xf32, #tpu.memory_space<hbm>>) target_semaphore(%arg6 : memref<!tpu.dma_semaphore, #tpu.memory_space<semaphore_mem>>)
      %dma_wait3A = arith.constant 0 : i32
      %dma_wait3A_2055 = arith.constant 0 : i32
      %dma_wait3A_2056 = tpu.memref_slice %arg3[%add3A, %dma_wait3A, %dma_wait3A_2055] : memref<8x64x16xf32, #tpu.memory_space<hbm>> -> memref<1x64x16xf32, #tpu.memory_space<hbm>>
      %dma_wait3A_2057 = tpu.memref_squeeze %dma_wait3A_2056 : memref<1x64x16xf32, #tpu.memory_space<hbm>> -> memref<64x16xf32, #tpu.memory_space<hbm>>
      %dma_wait3A_2058 = arith.constant 0 : i32
      %dma_wait3A_2059 = arith.constant 0 : i32
      %dma_wait3A_2060 = tpu.memref_slice %arg3[%add3A, %dma_wait3A_2058, %dma_wait3A_2059] : memref<8x64x16xf32, #tpu.memory_space<hbm>> -> memref<1x64x16xf32, #tpu.memory_space<hbm>>
      %dma_wait3A_2061 = tpu.memref_squeeze %dma_wait3A_2060 : memref<1x64x16xf32, #tpu.memory_space<hbm>> -> memref<64x16xf32, #tpu.memory_space<hbm>>
      tpu.wait_dma2 semaphore(%arg6 : memref<!tpu.dma_semaphore, #tpu.memory_space<semaphore_mem>>) src(%arg5 : memref<64x16xf32, #tpu.memory_space<vmem>>) dst(%dma_wait3A_2061 : memref<64x16xf32, #tpu.memory_space<hbm>>)
    } else {
    }
    return
  }
}

module attributes {stable_mosaic.version = 14 : i64} {
  func.func @_logits_kernel(%arg0: memref<64x1024xf32, #tpu.memory_space<vmem>>, %arg1: memref<128x1024xf32, #tpu.memory_space<vmem>>, %arg2: memref<64x128xf32, #tpu.memory_space<vmem>>) attributes {dimension_semantics = [], scalar_prefetch = 0 : i64, scratch_operands = 0 : i64, tpu.core_type = #tpu.core_type<tc>} {
    %get3A = arith.constant 0 : index
    %get3A_0 = arith.constant 0 : index
    %get3A_1 = vector.load %arg0[%get3A, %get3A_0] : memref<64x1024xf32, #tpu.memory_space<vmem>>, vector<64x1024xf32>
    %get3A_2 = arith.constant 0 : index
    %get3A_3 = arith.constant 0 : index
    %get3A_4 = vector.load %arg1[%get3A_2, %get3A_3] : memref<128x1024xf32, #tpu.memory_space<vmem>>, vector<128x1024xf32>
    %dot_general3A = arith.constant dense<0.000000e+00> : vector<64x128xf32>
    %dot_general3A_5 = tpu.matmul %get3A_1, %get3A_4, %dot_general3A {dimension_numbers = #tpu.dot_dimension_numbers<[1], [1], [0], [0], [0, 0, 1, 0], [], []>, transpose_lhs_hint = false} : vector<64x1024xf32>, vector<128x1024xf32>, vector<64x128xf32> -> vector<64x128xf32>
    %swap3A = arith.constant 0 : index
    %swap3A_6 = arith.constant 0 : index
    %swap3A_7 = vector.load %arg2[%swap3A, %swap3A_6] : memref<64x128xf32, #tpu.memory_space<vmem>>, vector<64x128xf32>
    tpu.vector_store %arg2[%swap3A, %swap3A_6], %dot_general3A_5 {strides = array<i32>} : memref<64x128xf32, #tpu.memory_space<vmem>>, vector<64x128xf32>,
    return
  }
}

module attributes {stable_mosaic.version = 14 : i64} {
  func.func @_moe_kernel(%arg0: memref<128x1024xf32, #tpu.memory_space<vmem>>, %arg1: memref<8x64x16xf32, #tpu.memory_space<vmem>>, %arg2: memref<64x512x1024xf32, #tpu.memory_space<any>>, %arg3: memref<64x1024x512xf32, #tpu.memory_space<any>>, %arg4: memref<64x512x1024xf32, #tpu.memory_space<any>>, %arg5: memref<512x1024xf32, #tpu.memory_space<vmem>>, %arg6: memref<1024x512xf32, #tpu.memory_space<vmem>>, %arg7: memref<512x1024xf32, #tpu.memory_space<vmem>>, %arg8: memref<128x1024xf32, #tpu.memory_space<vmem>>, %arg9: memref<128x1024xf32, #tpu.memory_space<vmem>>, %arg10: memref<128x64xf32, #tpu.memory_space<vmem>>, %arg11: memref<4x512x1024xf32, #tpu.memory_space<vmem>>, %arg12: memref<4x1024x512xf32, #tpu.memory_space<vmem>>, %arg13: memref<4x512x1024xf32, #tpu.memory_space<vmem>>, %arg14: memref<4x3x!tpu.dma_semaphore, #tpu.memory_space<semaphore_mem>>) attributes {dimension_semantics = [], scalar_prefetch = 0 : i64, scratch_operands = 6 : i64, tpu.core_type = #tpu.core_type<tc>} {
    %get3A = arith.constant 0 : index
    %get3A_0 = arith.constant 0 : index
    %get3A_1 = vector.load %arg0[%get3A, %get3A_0] : memref<128x1024xf32, #tpu.memory_space<vmem>>, vector<128x1024xf32>
    %dma_start3A = arith.constant 0 : i32
    %dma_start3A_2 = arith.constant 0 : i32
    %dma_start3A_3 = arith.constant 0 : i32
    %dma_start3A_4 = arith.constant 0 : i32
    %dma_start3A_5 = tpu.memref_slice %arg14[%dma_start3A_3, %dma_start3A_4] : memref<4x3x!tpu.dma_semaphore, #tpu.memory_space<semaphore_mem>> -> memref<1x1x!tpu.dma_semaphore, #tpu.memory_space<semaphore_mem>>
    %dma_start3A_6 = tpu.memref_squeeze %dma_start3A_5 : memref<1x1x!tpu.dma_semaphore, #tpu.memory_space<semaphore_mem>> -> memref<!tpu.dma_semaphore, #tpu.memory_space<semaphore_mem>>
    %dma_start3A_7 = arith.constant 0 : i32
    %dma_start3A_8 = arith.constant 0 : i32
    %dma_start3A_9 = tpu.memref_slice %arg11[%dma_start3A_2, %dma_start3A_7, %dma_start3A_8] : memref<4x512x1024xf32, #tpu.memory_space<vmem>> -> memref<1x512x1024xf32, #tpu.memory_space<vmem>>
    %dma_start3A_10 = tpu.memref_squeeze %dma_start3A_9 : memref<1x512x1024xf32, #tpu.memory_space<vmem>> -> memref<512x1024xf32, #tpu.memory_space<vmem>>
    %dma_start3A_11 = arith.constant 0 : i32
    %dma_start3A_12 = arith.constant 0 : i32
    %dma_start3A_13 = tpu.memref_slice %arg2[%dma_start3A, %dma_start3A_11, %dma_start3A_12] : memref<64x512x1024xf32, #tpu.memory_space<any>> -> memref<1x512x1024xf32, #tpu.memory_space<any>>
    %dma_start3A_14 = tpu.memref_squeeze %dma_start3A_13 : memref<1x512x1024xf32, #tpu.memory_space<any>> -> memref<512x1024xf32, #tpu.memory_space<any>>
    tpu.enqueue_dma source(%dma_start3A_14 : memref<512x1024xf32, #tpu.memory_space<any>>) target(%dma_start3A_10 : memref<512x1024xf32, #tpu.memory_space<vmem>>) target_semaphore(%dma_start3A_6 : memref<!tpu.dma_semaphore, #tpu.memory_space<semaphore_mem>>)
    %dma_start3A_15 = arith.constant 0 : i32
    %dma_start3A_16 = arith.constant 0 : i32
    %dma_start3A_17 = arith.constant 0 : i32
    %dma_start3A_18 = arith.constant 1 : i32
    %dma_start3A_19 = tpu.memref_slice %arg14[%dma_start3A_17, %dma_start3A_18] : memref<4x3x!tpu.dma_semaphore, #tpu.memory_space<semaphore_mem>> -> memref<1x1x!tpu.dma_semaphore, #tpu.memory_space<semaphore_mem>>
    %dma_start3A_20 = tpu.memref_squeeze %dma_start3A_19 : memref<1x1x!tpu.dma_semaphore, #tpu.memory_space<semaphore_mem>> -> memref<!tpu.dma_semaphore, #tpu.memory_space<semaphore_mem>>
    %dma_start3A_21 = arith.constant 0 : i32
    %dma_start3A_22 = arith.constant 0 : i32
    %dma_start3A_23 = tpu.memref_slice %arg12[%dma_start3A_16, %dma_start3A_21, %dma_start3A_22] : memref<4x1024x512xf32, #tpu.memory_space<vmem>> -> memref<1x1024x512xf32, #tpu.memory_space<vmem>>
    %dma_start3A_24 = tpu.memref_squeeze %dma_start3A_23 : memref<1x1024x512xf32, #tpu.memory_space<vmem>> -> memref<1024x512xf32, #tpu.memory_space<vmem>>
    %dma_start3A_25 = arith.constant 0 : i32
    %dma_start3A_26 = arith.constant 0 : i32
    %dma_start3A_27 = tpu.memref_slice %arg3[%dma_start3A_15, %dma_start3A_25, %dma_start3A_26] : memref<64x1024x512xf32, #tpu.memory_space<any>> -> memref<1x1024x512xf32, #tpu.memory_space<any>>
    %dma_start3A_28 = tpu.memref_squeeze %dma_start3A_27 : memref<1x1024x512xf32, #tpu.memory_space<any>> -> memref<1024x512xf32, #tpu.memory_space<any>>
    tpu.enqueue_dma source(%dma_start3A_28 : memref<1024x512xf32, #tpu.memory_space<any>>) target(%dma_start3A_24 : memref<1024x512xf32, #tpu.memory_space<vmem>>) target_semaphore(%dma_start3A_20 : memref<!tpu.dma_semaphore, #tpu.memory_space<semaphore_mem>>)
    %dma_start3A_29 = arith.constant 0 : i32
    %dma_start3A_30 = arith.constant 0 : i32
    %dma_start3A_31 = arith.constant 0 : i32
    %dma_start3A_32 = arith.constant 2 : i32
    %dma_start3A_33 = tpu.memref_slice %arg14[%dma_start3A_31, %dma_start3A_32] : memref<4x3x!tpu.dma_semaphore, #tpu.memory_space<semaphore_mem>> -> memref<1x1x!tpu.dma_semaphore, #tpu.memory_space<semaphore_mem>>
    %dma_start3A_34 = tpu.memref_squeeze %dma_start3A_33 : memref<1x1x!tpu.dma_semaphore, #tpu.memory_space<semaphore_mem>> -> memref<!tpu.dma_semaphore, #tpu.memory_space<semaphore_mem>>
    %dma_start3A_35 = arith.constant 0 : i32
    %dma_start3A_36 = arith.constant 0 : i32
    %dma_start3A_37 = tpu.memref_slice %arg13[%dma_start3A_30, %dma_start3A_35, %dma_start3A_36] : memref<4x512x1024xf32, #tpu.memory_space<vmem>> -> memref<1x512x1024xf32, #tpu.memory_space<vmem>>
    %dma_start3A_38 = tpu.memref_squeeze %dma_start3A_37 : memref<1x512x1024xf32, #tpu.memory_space<vmem>> -> memref<512x1024xf32, #tpu.memory_space<vmem>>
    %dma_start3A_39 = arith.constant 0 : i32
    %dma_start3A_40 = arith.constant 0 : i32
    %dma_start3A_41 = tpu.memref_slice %arg4[%dma_start3A_29, %dma_start3A_39, %dma_start3A_40] : memref<64x512x1024xf32, #tpu.memory_space<any>> -> memref<1x512x1024xf32, #tpu.memory_space<any>>
    %dma_start3A_42 = tpu.memref_squeeze %dma_start3A_41 : memref<1x512x1024xf32, #tpu.memory_space<any>> -> memref<512x1024xf32, #tpu.memory_space<any>>
    tpu.enqueue_dma source(%dma_start3A_42 : memref<512x1024xf32, #tpu.memory_space<any>>) target(%dma_start3A_38 : memref<512x1024xf32, #tpu.memory_space<vmem>>) target_semaphore(%dma_start3A_34 : memref<!tpu.dma_semaphore, #tpu.memory_space<semaphore_mem>>)
    %dma_start3A_43 = arith.constant 1 : i32
    %dma_start3A_44 = arith.constant 1 : i32
    %dma_start3A_45 = arith.constant 1 : i32
    %dma_start3A_46 = arith.constant 0 : i32
    %dma_start3A_47 = tpu.memref_slice %arg14[%dma_start3A_45, %dma_start3A_46] : memref<4x3x!tpu.dma_semaphore, #tpu.memory_space<semaphore_mem>> -> memref<1x1x!tpu.dma_semaphore, #tpu.memory_space<semaphore_mem>>
    %dma_start3A_48 = tpu.memref_squeeze %dma_start3A_47 : memref<1x1x!tpu.dma_semaphore, #tpu.memory_space<semaphore_mem>> -> memref<!tpu.dma_semaphore, #tpu.memory_space<semaphore_mem>>
    %dma_start3A_49 = arith.constant 0 : i32
    %dma_start3A_50 = arith.constant 0 : i32
    %dma_start3A_51 = tpu.memref_slice %arg11[%dma_start3A_44, %dma_start3A_49, %dma_start3A_50] : memref<4x512x1024xf32, #tpu.memory_space<vmem>> -> memref<1x512x1024xf32, #tpu.memory_space<vmem>>
    %dma_start3A_52 = tpu.memref_squeeze %dma_start3A_51 : memref<1x512x1024xf32, #tpu.memory_space<vmem>> -> memref<512x1024xf32, #tpu.memory_space<vmem>>
    %dma_start3A_53 = arith.constant 0 : i32
    %dma_start3A_54 = arith.constant 0 : i32
    %dma_start3A_55 = tpu.memref_slice %arg2[%dma_start3A_43, %dma_start3A_53, %dma_start3A_54] : memref<64x512x1024xf32, #tpu.memory_space<any>> -> memref<1x512x1024xf32, #tpu.memory_space<any>>
    %dma_start3A_56 = tpu.memref_squeeze %dma_start3A_55 : memref<1x512x1024xf32, #tpu.memory_space<any>> -> memref<512x1024xf32, #tpu.memory_space<any>>
    tpu.enqueue_dma source(%dma_start3A_56 : memref<512x1024xf32, #tpu.memory_space<any>>) target(%dma_start3A_52 : memref<512x1024xf32, #tpu.memory_space<vmem>>) target_semaphore(%dma_start3A_48 : memref<!tpu.dma_semaphore, #tpu.memory_space<semaphore_mem>>)
    %dma_start3A_57 = arith.constant 1 : i32
    %dma_start3A_58 = arith.constant 1 : i32
    %dma_start3A_59 = arith.constant 1 : i32
    %dma_start3A_60 = arith.constant 1 : i32
    %dma_start3A_61 = tpu.memref_slice %arg14[%dma_start3A_59, %dma_start3A_60] : memref<4x3x!tpu.dma_semaphore, #tpu.memory_space<semaphore_mem>> -> memref<1x1x!tpu.dma_semaphore, #tpu.memory_space<semaphore_mem>>
    %dma_start3A_62 = tpu.memref_squeeze %dma_start3A_61 : memref<1x1x!tpu.dma_semaphore, #tpu.memory_space<semaphore_mem>> -> memref<!tpu.dma_semaphore, #tpu.memory_space<semaphore_mem>>
    %dma_start3A_63 = arith.constant 0 : i32
    %dma_start3A_64 = arith.constant 0 : i32
    %dma_start3A_65 = tpu.memref_slice %arg12[%dma_start3A_58, %dma_start3A_63, %dma_start3A_64] : memref<4x1024x512xf32, #tpu.memory_space<vmem>> -> memref<1x1024x512xf32, #tpu.memory_space<vmem>>
    %dma_start3A_66 = tpu.memref_squeeze %dma_start3A_65 : memref<1x1024x512xf32, #tpu.memory_space<vmem>> -> memref<1024x512xf32, #tpu.memory_space<vmem>>
    %dma_start3A_67 = arith.constant 0 : i32
    %dma_start3A_68 = arith.constant 0 : i32
    %dma_start3A_69 = tpu.memref_slice %arg3[%dma_start3A_57, %dma_start3A_67, %dma_start3A_68] : memref<64x1024x512xf32, #tpu.memory_space<any>> -> memref<1x1024x512xf32, #tpu.memory_space<any>>
    %dma_start3A_70 = tpu.memref_squeeze %dma_start3A_69 : memref<1x1024x512xf32, #tpu.memory_space<any>> -> memref<1024x512xf32, #tpu.memory_space<any>>
    tpu.enqueue_dma source(%dma_start3A_70 : memref<1024x512xf32, #tpu.memory_space<any>>) target(%dma_start3A_66 : memref<1024x512xf32, #tpu.memory_space<vmem>>) target_semaphore(%dma_start3A_62 : memref<!tpu.dma_semaphore, #tpu.memory_space<semaphore_mem>>)
    %dma_start3A_71 = arith.constant 1 : i32
    %dma_start3A_72 = arith.constant 1 : i32
    %dma_start3A_73 = arith.constant 1 : i32
    %dma_start3A_74 = arith.constant 2 : i32
    %dma_start3A_75 = tpu.memref_slice %arg14[%dma_start3A_73, %dma_start3A_74] : memref<4x3x!tpu.dma_semaphore, #tpu.memory_space<semaphore_mem>> -> memref<1x1x!tpu.dma_semaphore, #tpu.memory_space<semaphore_mem>>
    %dma_start3A_76 = tpu.memref_squeeze %dma_start3A_75 : memref<1x1x!tpu.dma_semaphore, #tpu.memory_space<semaphore_mem>> -> memref<!tpu.dma_semaphore, #tpu.memory_space<semaphore_mem>>
    %dma_start3A_77 = arith.constant 0 : i32
    %dma_start3A_78 = arith.constant 0 : i32
    %dma_start3A_79 = tpu.memref_slice %arg13[%dma_start3A_72, %dma_start3A_77, %dma_start3A_78] : memref<4x512x1024xf32, #tpu.memory_space<vmem>> -> memref<1x512x1024xf32, #tpu.memory_space<vmem>>
    %dma_start3A_80 = tpu.memref_squeeze %dma_start3A_79 : memref<1x512x1024xf32, #tpu.memory_space<vmem>> -> memref<512x1024xf32, #tpu.memory_space<vmem>>
    %dma_start3A_81 = arith.constant 0 : i32
    %dma_start3A_82 = arith.constant 0 : i32
    %dma_start3A_83 = tpu.memref_slice %arg4[%dma_start3A_71, %dma_start3A_81, %dma_start3A_82] : memref<64x512x1024xf32, #tpu.memory_space<any>> -> memref<1x512x1024xf32, #tpu.memory_space<any>>
    %dma_start3A_84 = tpu.memref_squeeze %dma_start3A_83 : memref<1x512x1024xf32, #tpu.memory_space<any>> -> memref<512x1024xf32, #tpu.memory_space<any>>
    tpu.enqueue_dma source(%dma_start3A_84 : memref<512x1024xf32, #tpu.memory_space<any>>) target(%dma_start3A_80 : memref<512x1024xf32, #tpu.memory_space<vmem>>) target_semaphore(%dma_start3A_76 : memref<!tpu.dma_semaphore, #tpu.memory_space<semaphore_mem>>)
    %dma_start3A_85 = arith.constant 2 : i32
    %dma_start3A_86 = arith.constant 2 : i32
    %dma_start3A_87 = arith.constant 2 : i32
    %dma_start3A_88 = arith.constant 0 : i32
    %dma_start3A_89 = tpu.memref_slice %arg14[%dma_start3A_87, %dma_start3A_88] : memref<4x3x!tpu.dma_semaphore, #tpu.memory_space<semaphore_mem>> -> memref<1x1x!tpu.dma_semaphore, #tpu.memory_space<semaphore_mem>>
    %dma_start3A_90 = tpu.memref_squeeze %dma_start3A_89 : memref<1x1x!tpu.dma_semaphore, #tpu.memory_space<semaphore_mem>> -> memref<!tpu.dma_semaphore, #tpu.memory_space<semaphore_mem>>
    %dma_start3A_91 = arith.constant 0 : i32
    %dma_start3A_92 = arith.constant 0 : i32
    %dma_start3A_93 = tpu.memref_slice %arg11[%dma_start3A_86, %dma_start3A_91, %dma_start3A_92] : memref<4x512x1024xf32, #tpu.memory_space<vmem>> -> memref<1x512x1024xf32, #tpu.memory_space<vmem>>
    %dma_start3A_94 = tpu.memref_squeeze %dma_start3A_93 : memref<1x512x1024xf32, #tpu.memory_space<vmem>> -> memref<512x1024xf32, #tpu.memory_space<vmem>>
    %dma_start3A_95 = arith.constant 0 : i32
    %dma_start3A_96 = arith.constant 0 : i32
    %dma_start3A_97 = tpu.memref_slice %arg2[%dma_start3A_85, %dma_start3A_95, %dma_start3A_96] : memref<64x512x1024xf32, #tpu.memory_space<any>> -> memref<1x512x1024xf32, #tpu.memory_space<any>>
    %dma_start3A_98 = tpu.memref_squeeze %dma_start3A_97 : memref<1x512x1024xf32, #tpu.memory_space<any>> -> memref<512x1024xf32, #tpu.memory_space<any>>
    tpu.enqueue_dma source(%dma_start3A_98 : memref<512x1024xf32, #tpu.memory_space<any>>) target(%dma_start3A_94 : memref<512x1024xf32, #tpu.memory_space<vmem>>) target_semaphore(%dma_start3A_90 : memref<!tpu.dma_semaphore, #tpu.memory_space<semaphore_mem>>)
    %dma_start3A_99 = arith.constant 2 : i32
    %dma_start3A_100 = arith.constant 2 : i32
    %dma_start3A_101 = arith.constant 2 : i32
    %dma_start3A_102 = arith.constant 1 : i32
    %dma_start3A_103 = tpu.memref_slice %arg14[%dma_start3A_101, %dma_start3A_102] : memref<4x3x!tpu.dma_semaphore, #tpu.memory_space<semaphore_mem>> -> memref<1x1x!tpu.dma_semaphore, #tpu.memory_space<semaphore_mem>>
    %dma_start3A_104 = tpu.memref_squeeze %dma_start3A_103 : memref<1x1x!tpu.dma_semaphore, #tpu.memory_space<semaphore_mem>> -> memref<!tpu.dma_semaphore, #tpu.memory_space<semaphore_mem>>
    %dma_start3A_105 = arith.constant 0 : i32
    %dma_start3A_106 = arith.constant 0 : i32
    %dma_start3A_107 = tpu.memref_slice %arg12[%dma_start3A_100, %dma_start3A_105, %dma_start3A_106] : memref<4x1024x512xf32, #tpu.memory_space<vmem>> -> memref<1x1024x512xf32, #tpu.memory_space<vmem>>
    %dma_start3A_108 = tpu.memref_squeeze %dma_start3A_107 : memref<1x1024x512xf32, #tpu.memory_space<vmem>> -> memref<1024x512xf32, #tpu.memory_space<vmem>>
    %dma_start3A_109 = arith.constant 0 : i32
    %dma_start3A_110 = arith.constant 0 : i32
    %dma_start3A_111 = tpu.memref_slice %arg3[%dma_start3A_99, %dma_start3A_109, %dma_start3A_110] : memref<64x1024x512xf32, #tpu.memory_space<any>> -> memref<1x1024x512xf32, #tpu.memory_space<any>>
    %dma_start3A_112 = tpu.memref_squeeze %dma_start3A_111 : memref<1x1024x512xf32, #tpu.memory_space<any>> -> memref<1024x512xf32, #tpu.memory_space<any>>
    tpu.enqueue_dma source(%dma_start3A_112 : memref<1024x512xf32, #tpu.memory_space<any>>) target(%dma_start3A_108 : memref<1024x512xf32, #tpu.memory_space<vmem>>) target_semaphore(%dma_start3A_104 : memref<!tpu.dma_semaphore, #tpu.memory_space<semaphore_mem>>)
    %dma_start3A_113 = arith.constant 2 : i32
    %dma_start3A_114 = arith.constant 2 : i32
    %dma_start3A_115 = arith.constant 2 : i32
    %dma_start3A_116 = arith.constant 2 : i32
    %dma_start3A_117 = tpu.memref_slice %arg14[%dma_start3A_115, %dma_start3A_116] : memref<4x3x!tpu.dma_semaphore, #tpu.memory_space<semaphore_mem>> -> memref<1x1x!tpu.dma_semaphore, #tpu.memory_space<semaphore_mem>>
    %dma_start3A_118 = tpu.memref_squeeze %dma_start3A_117 : memref<1x1x!tpu.dma_semaphore, #tpu.memory_space<semaphore_mem>> -> memref<!tpu.dma_semaphore, #tpu.memory_space<semaphore_mem>>
    %dma_start3A_119 = arith.constant 0 : i32
    %dma_start3A_120 = arith.constant 0 : i32
    %dma_start3A_121 = tpu.memref_slice %arg13[%dma_start3A_114, %dma_start3A_119, %dma_start3A_120] : memref<4x512x1024xf32, #tpu.memory_space<vmem>> -> memref<1x512x1024xf32, #tpu.memory_space<vmem>>
    %dma_start3A_122 = tpu.memref_squeeze %dma_start3A_121 : memref<1x512x1024xf32, #tpu.memory_space<vmem>> -> memref<512x1024xf32, #tpu.memory_space<vmem>>
    %dma_start3A_123 = arith.constant 0 : i32
    %dma_start3A_124 = arith.constant 0 : i32
    %dma_start3A_125 = tpu.memref_slice %arg4[%dma_start3A_113, %dma_start3A_123, %dma_start3A_124] : memref<64x512x1024xf32, #tpu.memory_space<any>> -> memref<1x512x1024xf32, #tpu.memory_space<any>>
    %dma_start3A_126 = tpu.memref_squeeze %dma_start3A_125 : memref<1x512x1024xf32, #tpu.memory_space<any>> -> memref<512x1024xf32, #tpu.memory_space<any>>
    tpu.enqueue_dma source(%dma_start3A_126 : memref<512x1024xf32, #tpu.memory_space<any>>) target(%dma_start3A_122 : memref<512x1024xf32, #tpu.memory_space<vmem>>) target_semaphore(%dma_start3A_118 : memref<!tpu.dma_semaphore, #tpu.memory_space<semaphore_mem>>)
    %dma_start3A_127 = arith.constant 3 : i32
    %dma_start3A_128 = arith.constant 3 : i32
    %dma_start3A_129 = arith.constant 3 : i32
    %dma_start3A_130 = arith.constant 0 : i32
    %dma_start3A_131 = tpu.memref_slice %arg14[%dma_start3A_129, %dma_start3A_130] : memref<4x3x!tpu.dma_semaphore, #tpu.memory_space<semaphore_mem>> -> memref<1x1x!tpu.dma_semaphore, #tpu.memory_space<semaphore_mem>>
    %dma_start3A_132 = tpu.memref_squeeze %dma_start3A_131 : memref<1x1x!tpu.dma_semaphore, #tpu.memory_space<semaphore_mem>> -> memref<!tpu.dma_semaphore, #tpu.memory_space<semaphore_mem>>
    %dma_start3A_133 = arith.constant 0 : i32
    %dma_start3A_134 = arith.constant 0 : i32
    %dma_start3A_135 = tpu.memref_slice %arg11[%dma_start3A_128, %dma_start3A_133, %dma_start3A_134] : memref<4x512x1024xf32, #tpu.memory_space<vmem>> -> memref<1x512x1024xf32, #tpu.memory_space<vmem>>
    %dma_start3A_136 = tpu.memref_squeeze %dma_start3A_135 : memref<1x512x1024xf32, #tpu.memory_space<vmem>> -> memref<512x1024xf32, #tpu.memory_space<vmem>>
    %dma_start3A_137 = arith.constant 0 : i32
    %dma_start3A_138 = arith.constant 0 : i32
    %dma_start3A_139 = tpu.memref_slice %arg2[%dma_start3A_127, %dma_start3A_137, %dma_start3A_138] : memref<64x512x1024xf32, #tpu.memory_space<any>> -> memref<1x512x1024xf32, #tpu.memory_space<any>>
    %dma_start3A_140 = tpu.memref_squeeze %dma_start3A_139 : memref<1x512x1024xf32, #tpu.memory_space<any>> -> memref<512x1024xf32, #tpu.memory_space<any>>
    tpu.enqueue_dma source(%dma_start3A_140 : memref<512x1024xf32, #tpu.memory_space<any>>) target(%dma_start3A_136 : memref<512x1024xf32, #tpu.memory_space<vmem>>) target_semaphore(%dma_start3A_132 : memref<!tpu.dma_semaphore, #tpu.memory_space<semaphore_mem>>)
    %dma_start3A_141 = arith.constant 3 : i32
    %dma_start3A_142 = arith.constant 3 : i32
    %dma_start3A_143 = arith.constant 3 : i32
    %dma_start3A_144 = arith.constant 1 : i32
    %dma_start3A_145 = tpu.memref_slice %arg14[%dma_start3A_143, %dma_start3A_144] : memref<4x3x!tpu.dma_semaphore, #tpu.memory_space<semaphore_mem>> -> memref<1x1x!tpu.dma_semaphore, #tpu.memory_space<semaphore_mem>>
    %dma_start3A_146 = tpu.memref_squeeze %dma_start3A_145 : memref<1x1x!tpu.dma_semaphore, #tpu.memory_space<semaphore_mem>> -> memref<!tpu.dma_semaphore, #tpu.memory_space<semaphore_mem>>
    %dma_start3A_147 = arith.constant 0 : i32
    %dma_start3A_148 = arith.constant 0 : i32
    %dma_start3A_149 = tpu.memref_slice %arg12[%dma_start3A_142, %dma_start3A_147, %dma_start3A_148] : memref<4x1024x512xf32, #tpu.memory_space<vmem>> -> memref<1x1024x512xf32, #tpu.memory_space<vmem>>
    %dma_start3A_150 = tpu.memref_squeeze %dma_start3A_149 : memref<1x1024x512xf32, #tpu.memory_space<vmem>> -> memref<1024x512xf32, #tpu.memory_space<vmem>>
    %dma_start3A_151 = arith.constant 0 : i32
    %dma_start3A_152 = arith.constant 0 : i32
    %dma_start3A_153 = tpu.memref_slice %arg3[%dma_start3A_141, %dma_start3A_151, %dma_start3A_152] : memref<64x1024x512xf32, #tpu.memory_space<any>> -> memref<1x1024x512xf32, #tpu.memory_space<any>>
    %dma_start3A_154 = tpu.memref_squeeze %dma_start3A_153 : memref<1x1024x512xf32, #tpu.memory_space<any>> -> memref<1024x512xf32, #tpu.memory_space<any>>
    tpu.enqueue_dma source(%dma_start3A_154 : memref<1024x512xf32, #tpu.memory_space<any>>) target(%dma_start3A_150 : memref<1024x512xf32, #tpu.memory_space<vmem>>) target_semaphore(%dma_start3A_146 : memref<!tpu.dma_semaphore, #tpu.memory_space<semaphore_mem>>)
    %dma_start3A_155 = arith.constant 3 : i32
    %dma_start3A_156 = arith.constant 3 : i32
    %dma_start3A_157 = arith.constant 3 : i32
    %dma_start3A_158 = arith.constant 2 : i32
    %dma_start3A_159 = tpu.memref_slice %arg14[%dma_start3A_157, %dma_start3A_158] : memref<4x3x!tpu.dma_semaphore, #tpu.memory_space<semaphore_mem>> -> memref<1x1x!tpu.dma_semaphore, #tpu.memory_space<semaphore_mem>>
    %dma_start3A_160 = tpu.memref_squeeze %dma_start3A_159 : memref<1x1x!tpu.dma_semaphore, #tpu.memory_space<semaphore_mem>> -> memref<!tpu.dma_semaphore, #tpu.memory_space<semaphore_mem>>
    %dma_start3A_161 = arith.constant 0 : i32
    %dma_start3A_162 = arith.constant 0 : i32
    %dma_start3A_163 = tpu.memref_slice %arg13[%dma_start3A_156, %dma_start3A_161, %dma_start3A_162] : memref<4x512x1024xf32, #tpu.memory_space<vmem>> -> memref<1x512x1024xf32, #tpu.memory_space<vmem>>
    %dma_start3A_164 = tpu.memref_squeeze %dma_start3A_163 : memref<1x512x1024xf32, #tpu.memory_space<vmem>> -> memref<512x1024xf32, #tpu.memory_space<vmem>>
    %dma_start3A_165 = arith.constant 0 : i32
    %dma_start3A_166 = arith.constant 0 : i32
    %dma_start3A_167 = tpu.memref_slice %arg4[%dma_start3A_155, %dma_start3A_165, %dma_start3A_166] : memref<64x512x1024xf32, #tpu.memory_space<any>> -> memref<1x512x1024xf32, #tpu.memory_space<any>>
    %dma_start3A_168 = tpu.memref_squeeze %dma_start3A_167 : memref<1x512x1024xf32, #tpu.memory_space<any>> -> memref<512x1024xf32, #tpu.memory_space<any>>
    tpu.enqueue_dma source(%dma_start3A_168 : memref<512x1024xf32, #tpu.memory_space<any>>) target(%dma_start3A_164 : memref<512x1024xf32, #tpu.memory_space<vmem>>) target_semaphore(%dma_start3A_160 : memref<!tpu.dma_semaphore, #tpu.memory_space<semaphore_mem>>)
    %get3A_169 = arith.constant 0 : index
    %get3A_170 = arith.constant 0 : index
    %get3A_171 = arith.constant 0 : index
    %get3A_172 = vector.load %arg1[%get3A_169, %get3A_170, %get3A_171] : memref<8x64x16xf32, #tpu.memory_space<vmem>>, vector<1x64x16xf32>
    %get3A_173 = vector.shape_cast %get3A_172 : vector<1x64x16xf32> to vector<64x16xf32>
    %transpose3A = tpu.transpose %get3A_173, [1, 0] : vector<64x16xf32> -> vector<16x64xf32>
    %swap3A = arith.constant 0 : index
    %swap3A_174 = arith.constant 0 : index
    %swap3A_175 = vector.load %arg10[%swap3A, %swap3A_174] : memref<128x64xf32, #tpu.memory_space<vmem>>, vector<16x64xf32>
    tpu.vector_store %arg10[%swap3A, %swap3A_174], %transpose3A {strides = array<i32>} : memref<128x64xf32, #tpu.memory_space<vmem>>, vector<16x64xf32>,
    %get3A_176 = arith.constant 1 : index
    %get3A_177 = arith.constant 0 : index
    %get3A_178 = arith.constant 0 : index
    %get3A_179 = vector.load %arg1[%get3A_176, %get3A_177, %get3A_178] : memref<8x64x16xf32, #tpu.memory_space<vmem>>, vector<1x64x16xf32>
    %get3A_180 = vector.shape_cast %get3A_179 : vector<1x64x16xf32> to vector<64x16xf32>
    %transpose3A_181 = tpu.transpose %get3A_180, [1, 0] : vector<64x16xf32> -> vector<16x64xf32>
    %swap3A_182 = arith.constant 16 : index
    %swap3A_183 = arith.constant 0 : index
    %swap3A_184 = vector.load %arg10[%swap3A_182, %swap3A_183] : memref<128x64xf32, #tpu.memory_space<vmem>>, vector<16x64xf32>
    tpu.vector_store %arg10[%swap3A_182, %swap3A_183], %transpose3A_181 {strides = array<i32>} : memref<128x64xf32, #tpu.memory_space<vmem>>, vector<16x64xf32>,
    %get3A_185 = arith.constant 2 : index
    %get3A_186 = arith.constant 0 : index
    %get3A_187 = arith.constant 0 : index
    %get3A_188 = vector.load %arg1[%get3A_185, %get3A_186, %get3A_187] : memref<8x64x16xf32, #tpu.memory_space<vmem>>, vector<1x64x16xf32>
    %get3A_189 = vector.shape_cast %get3A_188 : vector<1x64x16xf32> to vector<64x16xf32>
    %transpose3A_190 = tpu.transpose %get3A_189, [1, 0] : vector<64x16xf32> -> vector<16x64xf32>
    %swap3A_191 = arith.constant 32 : index
    %swap3A_192 = arith.constant 0 : index
    %swap3A_193 = vector.load %arg10[%swap3A_191, %swap3A_192] : memref<128x64xf32, #tpu.memory_space<vmem>>, vector<16x64xf32>
    tpu.vector_store %arg10[%swap3A_191, %swap3A_192], %transpose3A_190 {strides = array<i32>} : memref<128x64xf32, #tpu.memory_space<vmem>>, vector<16x64xf32>,
    %get3A_194 = arith.constant 3 : index
    %get3A_195 = arith.constant 0 : index
    %get3A_196 = arith.constant 0 : index
    %get3A_197 = vector.load %arg1[%get3A_194, %get3A_195, %get3A_196] : memref<8x64x16xf32, #tpu.memory_space<vmem>>, vector<1x64x16xf32>
    %get3A_198 = vector.shape_cast %get3A_197 : vector<1x64x16xf32> to vector<64x16xf32>
    %transpose3A_199 = tpu.transpose %get3A_198, [1, 0] : vector<64x16xf32> -> vector<16x64xf32>
    %swap3A_200 = arith.constant 48 : index
    %swap3A_201 = arith.constant 0 : index
    %swap3A_202 = vector.load %arg10[%swap3A_200, %swap3A_201] : memref<128x64xf32, #tpu.memory_space<vmem>>, vector<16x64xf32>
    tpu.vector_store %arg10[%swap3A_200, %swap3A_201], %transpose3A_199 {strides = array<i32>} : memref<128x64xf32, #tpu.memory_space<vmem>>, vector<16x64xf32>,
    %get3A_203 = arith.constant 4 : index
    %get3A_204 = arith.constant 0 : index
    %get3A_205 = arith.constant 0 : index
    %get3A_206 = vector.load %arg1[%get3A_203, %get3A_204, %get3A_205] : memref<8x64x16xf32, #tpu.memory_space<vmem>>, vector<1x64x16xf32>
    %get3A_207 = vector.shape_cast %get3A_206 : vector<1x64x16xf32> to vector<64x16xf32>
    %transpose3A_208 = tpu.transpose %get3A_207, [1, 0] : vector<64x16xf32> -> vector<16x64xf32>
    %swap3A_209 = arith.constant 64 : index
    %swap3A_210 = arith.constant 0 : index
    %swap3A_211 = vector.load %arg10[%swap3A_209, %swap3A_210] : memref<128x64xf32, #tpu.memory_space<vmem>>, vector<16x64xf32>
    tpu.vector_store %arg10[%swap3A_209, %swap3A_210], %transpose3A_208 {strides = array<i32>} : memref<128x64xf32, #tpu.memory_space<vmem>>, vector<16x64xf32>,
    %get3A_212 = arith.constant 5 : index
    %get3A_213 = arith.constant 0 : index
    %get3A_214 = arith.constant 0 : index
    %get3A_215 = vector.load %arg1[%get3A_212, %get3A_213, %get3A_214] : memref<8x64x16xf32, #tpu.memory_space<vmem>>, vector<1x64x16xf32>
    %get3A_216 = vector.shape_cast %get3A_215 : vector<1x64x16xf32> to vector<64x16xf32>
    %transpose3A_217 = tpu.transpose %get3A_216, [1, 0] : vector<64x16xf32> -> vector<16x64xf32>
    %swap3A_218 = arith.constant 80 : index
    %swap3A_219 = arith.constant 0 : index
    %swap3A_220 = vector.load %arg10[%swap3A_218, %swap3A_219] : memref<128x64xf32, #tpu.memory_space<vmem>>, vector<16x64xf32>
    tpu.vector_store %arg10[%swap3A_218, %swap3A_219], %transpose3A_217 {strides = array<i32>} : memref<128x64xf32, #tpu.memory_space<vmem>>, vector<16x64xf32>,
    %get3A_221 = arith.constant 6 : index
    %get3A_222 = arith.constant 0 : index
    %get3A_223 = arith.constant 0 : index
    %get3A_224 = vector.load %arg1[%get3A_221, %get3A_222, %get3A_223] : memref<8x64x16xf32, #tpu.memory_space<vmem>>, vector<1x64x16xf32>
    %get3A_225 = vector.shape_cast %get3A_224 : vector<1x64x16xf32> to vector<64x16xf32>
    %transpose3A_226 = tpu.transpose %get3A_225, [1, 0] : vector<64x16xf32> -> vector<16x64xf32>
    %swap3A_227 = arith.constant 96 : index
    %swap3A_228 = arith.constant 0 : index
    %swap3A_229 = vector.load %arg10[%swap3A_227, %swap3A_228] : memref<128x64xf32, #tpu.memory_space<vmem>>, vector<16x64xf32>
    tpu.vector_store %arg10[%swap3A_227, %swap3A_228], %transpose3A_226 {strides = array<i32>} : memref<128x64xf32, #tpu.memory_space<vmem>>, vector<16x64xf32>,
    %get3A_230 = arith.constant 7 : index
    %get3A_231 = arith.constant 0 : index
    %get3A_232 = arith.constant 0 : index
    %get3A_233 = vector.load %arg1[%get3A_230, %get3A_231, %get3A_232] : memref<8x64x16xf32, #tpu.memory_space<vmem>>, vector<1x64x16xf32>
    %get3A_234 = vector.shape_cast %get3A_233 : vector<1x64x16xf32> to vector<64x16xf32>
    %transpose3A_235 = tpu.transpose %get3A_234, [1, 0] : vector<64x16xf32> -> vector<16x64xf32>
    %swap3A_236 = arith.constant 112 : index
    %swap3A_237 = arith.constant 0 : index
    %swap3A_238 = vector.load %arg10[%swap3A_236, %swap3A_237] : memref<128x64xf32, #tpu.memory_space<vmem>>, vector<16x64xf32>
    tpu.vector_store %arg10[%swap3A_236, %swap3A_237], %transpose3A_235 {strides = array<i32>} : memref<128x64xf32, #tpu.memory_space<vmem>>, vector<16x64xf32>,
    %iota3A = tpu.iota {dimensions = array<i32: 1>} : vector<128x64xi32>
    %get3A_239 = arith.constant 0 : index
    %get3A_240 = arith.constant 0 : index
    %get3A_241 = vector.load %arg5[%get3A_239, %get3A_240] : memref<512x1024xf32, #tpu.memory_space<vmem>>, vector<512x1024xf32>
    %dot_general3A = arith.constant dense<0.000000e+00> : vector<128x512xf32>
    %dot_general3A_242 = tpu.matmul %get3A_1, %get3A_241, %dot_general3A {dimension_numbers = #tpu.dot_dimension_numbers<[1], [1], [0], [0], [0, 0, 1, 0], [], []>, transpose_lhs_hint = false} : vector<128x1024xf32>, vector<512x1024xf32>, vector<128x512xf32> -> vector<128x512xf32>
    %get3A_243 = arith.constant 0 : index
    %get3A_244 = arith.constant 0 : index
    %get3A_245 = vector.load %arg7[%get3A_243, %get3A_244] : memref<512x1024xf32, #tpu.memory_space<vmem>>, vector<512x1024xf32>
    %dot_general3A_246 = arith.constant dense<0.000000e+00> : vector<128x512xf32>
    %dot_general3A_247 = tpu.matmul %get3A_1, %get3A_245, %dot_general3A_246 {dimension_numbers = #tpu.dot_dimension_numbers<[1], [1], [0], [0], [0, 0, 1, 0], [], []>, transpose_lhs_hint = false} : vector<128x1024xf32>, vector<512x1024xf32>, vector<128x512xf32> -> vector<128x512xf32>
    %logistic3A = arith.negf %dot_general3A_242 : vector<128x512xf32>
    %logistic3A_248 = math.exp %logistic3A : vector<128x512xf32>
    %logistic3A_249 = arith.constant 1.000000e+00 : f32
    %logistic3A_250 = vector.broadcast %logistic3A_249 : f32 to vector<128x512xf32>
    %logistic3A_251 = arith.addf %logistic3A_250, %logistic3A_248 : vector<128x512xf32>
    %logistic3A_252 = arith.divf %logistic3A_250, %logistic3A_251 : vector<128x512xf32>
    %mul3A = arith.mulf %dot_general3A_242, %logistic3A_252 : vector<128x512xf32>
    %mul3A_253 = arith.mulf %mul3A, %dot_general3A_247 : vector<128x512xf32>
    %get3A_254 = arith.constant 0 : index
    %get3A_255 = arith.constant 0 : index
    %get3A_256 = vector.load %arg6[%get3A_254, %get3A_255] : memref<1024x512xf32, #tpu.memory_space<vmem>>, vector<1024x512xf32>
    %dot_general3A_257 = arith.constant dense<0.000000e+00> : vector<128x1024xf32>
    %dot_general3A_258 = tpu.matmul %mul3A_253, %get3A_256, %dot_general3A_257 {dimension_numbers = #tpu.dot_dimension_numbers<[1], [1], [0], [0], [0, 0, 1, 0], [], []>, transpose_lhs_hint = false} : vector<128x512xf32>, vector<1024x512xf32>, vector<128x1024xf32> -> vector<128x1024xf32>
    %swap3A_259 = arith.constant 0 : index
    %swap3A_260 = arith.constant 0 : index
    %swap3A_261 = vector.load %arg9[%swap3A_259, %swap3A_260] : memref<128x1024xf32, #tpu.memory_space<vmem>>, vector<128x1024xf32>
    tpu.vector_store %arg9[%swap3A_259, %swap3A_260], %dot_general3A_258 {strides = array<i32>} : memref<128x1024xf32, #tpu.memory_space<vmem>>, vector<128x1024xf32>,
    %scan3A = arith.constant 0 : i32
    %scan3A_262 = arith.constant 64 : i32
    %scan3A_263 = arith.addi %scan3A, %scan3A_262 : i32
    %scan3A_264 = arith.constant 2 : i32
    scf.for %scan3A_272 = %scan3A to %scan3A_263 step %scan3A_264  : i32 {
      %rem3A = arith.constant 4 : i32
      %rem3A_273 = arith.remsi %scan3A_272, %rem3A : i32
      %dma_wait3A = arith.constant 0 : i32
      %dma_wait3A_274 = tpu.memref_slice %arg14[%rem3A_273, %dma_wait3A] : memref<4x3x!tpu.dma_semaphore, #tpu.memory_space<semaphore_mem>> -> memref<1x1x!tpu.dma_semaphore, #tpu.memory_space<semaphore_mem>>
      %dma_wait3A_275 = tpu.memref_squeeze %dma_wait3A_274 : memref<1x1x!tpu.dma_semaphore, #tpu.memory_space<semaphore_mem>> -> memref<!tpu.dma_semaphore, #tpu.memory_space<semaphore_mem>>
      %dma_wait3A_276 = arith.constant 0 : i32
      %dma_wait3A_277 = arith.constant 0 : i32
      %dma_wait3A_278 = tpu.memref_slice %arg11[%rem3A_273, %dma_wait3A_276, %dma_wait3A_277] : memref<4x512x1024xf32, #tpu.memory_space<vmem>> -> memref<1x512x1024xf32, #tpu.memory_space<vmem>>
      %dma_wait3A_279 = tpu.memref_squeeze %dma_wait3A_278 : memref<1x512x1024xf32, #tpu.memory_space<vmem>> -> memref<512x1024xf32, #tpu.memory_space<vmem>>
      %dma_wait3A_280 = arith.constant 0 : i32
      %dma_wait3A_281 = arith.constant 0 : i32
      %dma_wait3A_282 = tpu.memref_slice %arg2[%scan3A_272, %dma_wait3A_280, %dma_wait3A_281] : memref<64x512x1024xf32, #tpu.memory_space<any>> -> memref<1x512x1024xf32, #tpu.memory_space<any>>
      %dma_wait3A_283 = tpu.memref_squeeze %dma_wait3A_282 : memref<1x512x1024xf32, #tpu.memory_space<any>> -> memref<512x1024xf32, #tpu.memory_space<any>>
      tpu.wait_dma2 semaphore(%dma_wait3A_275 : memref<!tpu.dma_semaphore, #tpu.memory_space<semaphore_mem>>) src(%dma_wait3A_283 : memref<512x1024xf32, #tpu.memory_space<any>>) dst(%dma_wait3A_279 : memref<512x1024xf32, #tpu.memory_space<vmem>>)
      %dma_wait3A_284 = arith.constant 1 : i32
      %dma_wait3A_285 = tpu.memref_slice %arg14[%rem3A_273, %dma_wait3A_284] : memref<4x3x!tpu.dma_semaphore, #tpu.memory_space<semaphore_mem>> -> memref<1x1x!tpu.dma_semaphore, #tpu.memory_space<semaphore_mem>>
      %dma_wait3A_286 = tpu.memref_squeeze %dma_wait3A_285 : memref<1x1x!tpu.dma_semaphore, #tpu.memory_space<semaphore_mem>> -> memref<!tpu.dma_semaphore, #tpu.memory_space<semaphore_mem>>
      %dma_wait3A_287 = arith.constant 0 : i32
      %dma_wait3A_288 = arith.constant 0 : i32
      %dma_wait3A_289 = tpu.memref_slice %arg12[%rem3A_273, %dma_wait3A_287, %dma_wait3A_288] : memref<4x1024x512xf32, #tpu.memory_space<vmem>> -> memref<1x1024x512xf32, #tpu.memory_space<vmem>>
      %dma_wait3A_290 = tpu.memref_squeeze %dma_wait3A_289 : memref<1x1024x512xf32, #tpu.memory_space<vmem>> -> memref<1024x512xf32, #tpu.memory_space<vmem>>
      %dma_wait3A_291 = arith.constant 0 : i32
      %dma_wait3A_292 = arith.constant 0 : i32
      %dma_wait3A_293 = tpu.memref_slice %arg3[%scan3A_272, %dma_wait3A_291, %dma_wait3A_292] : memref<64x1024x512xf32, #tpu.memory_space<any>> -> memref<1x1024x512xf32, #tpu.memory_space<any>>
      %dma_wait3A_294 = tpu.memref_squeeze %dma_wait3A_293 : memref<1x1024x512xf32, #tpu.memory_space<any>> -> memref<1024x512xf32, #tpu.memory_space<any>>
      tpu.wait_dma2 semaphore(%dma_wait3A_286 : memref<!tpu.dma_semaphore, #tpu.memory_space<semaphore_mem>>) src(%dma_wait3A_294 : memref<1024x512xf32, #tpu.memory_space<any>>) dst(%dma_wait3A_290 : memref<1024x512xf32, #tpu.memory_space<vmem>>)
      %dma_wait3A_295 = arith.constant 2 : i32
      %dma_wait3A_296 = tpu.memref_slice %arg14[%rem3A_273, %dma_wait3A_295] : memref<4x3x!tpu.dma_semaphore, #tpu.memory_space<semaphore_mem>> -> memref<1x1x!tpu.dma_semaphore, #tpu.memory_space<semaphore_mem>>
      %dma_wait3A_297 = tpu.memref_squeeze %dma_wait3A_296 : memref<1x1x!tpu.dma_semaphore, #tpu.memory_space<semaphore_mem>> -> memref<!tpu.dma_semaphore, #tpu.memory_space<semaphore_mem>>
      %dma_wait3A_298 = arith.constant 0 : i32
      %dma_wait3A_299 = arith.constant 0 : i32
      %dma_wait3A_300 = tpu.memref_slice %arg13[%rem3A_273, %dma_wait3A_298, %dma_wait3A_299] : memref<4x512x1024xf32, #tpu.memory_space<vmem>> -> memref<1x512x1024xf32, #tpu.memory_space<vmem>>
      %dma_wait3A_301 = tpu.memref_squeeze %dma_wait3A_300 : memref<1x512x1024xf32, #tpu.memory_space<vmem>> -> memref<512x1024xf32, #tpu.memory_space<vmem>>
      %dma_wait3A_302 = arith.constant 0 : i32
      %dma_wait3A_303 = arith.constant 0 : i32
      %dma_wait3A_304 = tpu.memref_slice %arg4[%scan3A_272, %dma_wait3A_302, %dma_wait3A_303] : memref<64x512x1024xf32, #tpu.memory_space<any>> -> memref<1x512x1024xf32, #tpu.memory_space<any>>
      %dma_wait3A_305 = tpu.memref_squeeze %dma_wait3A_304 : memref<1x512x1024xf32, #tpu.memory_space<any>> -> memref<512x1024xf32, #tpu.memory_space<any>>
      tpu.wait_dma2 semaphore(%dma_wait3A_297 : memref<!tpu.dma_semaphore, #tpu.memory_space<semaphore_mem>>) src(%dma_wait3A_305 : memref<512x1024xf32, #tpu.memory_space<any>>) dst(%dma_wait3A_301 : memref<512x1024xf32, #tpu.memory_space<vmem>>)
      %get3A_306 = arith.index_cast %rem3A_273 : i32 to index
      %get3A_307 = arith.constant 0 : index
      %get3A_308 = arith.constant 0 : index
      %get3A_309 = vector.load %arg11[%get3A_306, %get3A_307, %get3A_308] : memref<4x512x1024xf32, #tpu.memory_space<vmem>>, vector<1x512x1024xf32>
      %get3A_310 = vector.shape_cast %get3A_309 : vector<1x512x1024xf32> to vector<512x1024xf32>
      %get3A_311 = arith.index_cast %rem3A_273 : i32 to index
      %get3A_312 = arith.constant 0 : index
      %get3A_313 = arith.constant 0 : index
      %get3A_314 = vector.load %arg12[%get3A_311, %get3A_312, %get3A_313] : memref<4x1024x512xf32, #tpu.memory_space<vmem>>, vector<1x1024x512xf32>
      %get3A_315 = vector.shape_cast %get3A_314 : vector<1x1024x512xf32> to vector<1024x512xf32>
      %get3A_316 = arith.index_cast %rem3A_273 : i32 to index
      %get3A_317 = arith.constant 0 : index
      %get3A_318 = arith.constant 0 : index
      %get3A_319 = vector.load %arg13[%get3A_316, %get3A_317, %get3A_318] : memref<4x512x1024xf32, #tpu.memory_space<vmem>>, vector<1x512x1024xf32>
      %get3A_320 = vector.shape_cast %get3A_319 : vector<1x512x1024xf32> to vector<512x1024xf32>
      %dot_general3A_321 = arith.constant dense<0.000000e+00> : vector<128x512xf32>
      %dot_general3A_322 = tpu.matmul %get3A_1, %get3A_310, %dot_general3A_321 {dimension_numbers = #tpu.dot_dimension_numbers<[1], [1], [0], [0], [0, 0, 1, 0], [], []>, transpose_lhs_hint = false} : vector<128x1024xf32>, vector<512x1024xf32>, vector<128x512xf32> -> vector<128x512xf32>
      %dot_general3A_323 = arith.constant dense<0.000000e+00> : vector<128x512xf32>
      %dot_general3A_324 = tpu.matmul %get3A_1, %get3A_320, %dot_general3A_323 {dimension_numbers = #tpu.dot_dimension_numbers<[1], [1], [0], [0], [0, 0, 1, 0], [], []>, transpose_lhs_hint = false} : vector<128x1024xf32>, vector<512x1024xf32>, vector<128x512xf32> -> vector<128x512xf32>
      %logistic3A_325 = arith.negf %dot_general3A_322 : vector<128x512xf32>
      %logistic3A_326 = math.exp %logistic3A_325 : vector<128x512xf32>
      %logistic3A_327 = arith.constant 1.000000e+00 : f32
      %logistic3A_328 = vector.broadcast %logistic3A_327 : f32 to vector<128x512xf32>
      %logistic3A_329 = arith.addf %logistic3A_328, %logistic3A_326 : vector<128x512xf32>
      %logistic3A_330 = arith.divf %logistic3A_328, %logistic3A_329 : vector<128x512xf32>
      %mul3A_331 = arith.mulf %dot_general3A_322, %logistic3A_330 : vector<128x512xf32>
      %mul3A_332 = arith.mulf %mul3A_331, %dot_general3A_324 : vector<128x512xf32>
      %eq3A = vector.broadcast %scan3A_272 : i32 to vector<128x64xi32>
      %eq3A_333 = arith.cmpi eq, %iota3A, %eq3A : vector<128x64xi32>
      %get3A_334 = arith.constant 0 : index
      %get3A_335 = arith.constant 0 : index
      %get3A_336 = vector.load %arg10[%get3A_334, %get3A_335] : memref<128x64xf32, #tpu.memory_space<vmem>>, vector<128x64xf32>
      %jit3A = arith.constant 0.000000e+00 : f32
      %broadcast_in_dim3A = vector.broadcast %jit3A : f32 to vector<128x64xf32>
      %select_n3A = arith.select %eq3A_333, %get3A_336, %broadcast_in_dim3A : vector<128x64xi1>, vector<128x64xf32>
      %reduce_sum3A = arith.constant dense<0.000000e+00> : vector<128xf32>
      %reduce_sum3A_337 = vector.multi_reduction <add>, %select_n3A, %reduce_sum3A [1] : vector<128x64xf32> to vector<128xf32>
      %broadcast_in_dim3A_338 = vector.shape_cast %reduce_sum3A_337 : vector<128xf32> to vector<128x1xf32>
      %get3A_339 = arith.constant 0 : index
      %get3A_340 = arith.constant 0 : index
      %get3A_341 = vector.load %arg9[%get3A_339, %get3A_340] : memref<128x1024xf32, #tpu.memory_space<vmem>>, vector<128x1024xf32>
      %mul3A_342 = vector.broadcast %broadcast_in_dim3A_338 : vector<128x1xf32> to vector<128x512xf32>
      %mul3A_343 = arith.mulf %mul3A_332, %mul3A_342 : vector<128x512xf32>
      %dot_general3A_344 = arith.constant dense<0.000000e+00> : vector<128x1024xf32>
      %dot_general3A_345 = tpu.matmul %mul3A_343, %get3A_315, %dot_general3A_344 {dimension_numbers = #tpu.dot_dimension_numbers<[1], [1], [0], [0], [0, 0, 1, 0], [], []>, transpose_lhs_hint = false} : vector<128x512xf32>, vector<1024x512xf32>, vector<128x1024xf32> -> vector<128x1024xf32>
      %add3A = arith.addf %get3A_341, %dot_general3A_345 : vector<128x1024xf32>
      %swap3A_346 = arith.constant 0 : index
      %swap3A_347 = arith.constant 0 : index
      %swap3A_348 = vector.load %arg9[%swap3A_346, %swap3A_347] : memref<128x1024xf32, #tpu.memory_space<vmem>>, vector<128x1024xf32>
      tpu.vector_store %arg9[%swap3A_346, %swap3A_347], %add3A {strides = array<i32>} : memref<128x1024xf32, #tpu.memory_space<vmem>>, vector<128x1024xf32>,
      %add3A_349 = arith.constant 4 : i32
      %add3A_350 = arith.addi %scan3A_272, %add3A_349 : i32
      %lt3A = arith.constant 64 : i32
      %lt3A_351 = arith.cmpi slt, %add3A_350, %lt3A : i32
      %convert_element_type3A = arith.extui %lt3A_351 : i1 to i32
      %cond3A = arith.constant 0 : i32
      %cond3A_352 = arith.cmpi ne, %convert_element_type3A, %cond3A : i32
      scf.if %cond3A_352 {
        %dma_start3A_446 = arith.constant 0 : i32
        %dma_start3A_447 = tpu.memref_slice %arg14[%rem3A_273, %dma_start3A_446] : memref<4x3x!tpu.dma_semaphore, #tpu.memory_space<semaphore_mem>> -> memref<1x1x!tpu.dma_semaphore, #tpu.memory_space<semaphore_mem>>
        %dma_start3A_448 = tpu.memref_squeeze %dma_start3A_447 : memref<1x1x!tpu.dma_semaphore, #tpu.memory_space<semaphore_mem>> -> memref<!tpu.dma_semaphore, #tpu.memory_space<semaphore_mem>>
        %dma_start3A_449 = arith.constant 0 : i32
        %dma_start3A_450 = arith.constant 0 : i32
        %dma_start3A_451 = tpu.memref_slice %arg11[%rem3A_273, %dma_start3A_449, %dma_start3A_450] : memref<4x512x1024xf32, #tpu.memory_space<vmem>> -> memref<1x512x1024xf32, #tpu.memory_space<vmem>>
        %dma_start3A_452 = tpu.memref_squeeze %dma_start3A_451 : memref<1x512x1024xf32, #tpu.memory_space<vmem>> -> memref<512x1024xf32, #tpu.memory_space<vmem>>
        %dma_start3A_453 = arith.constant 0 : i32
        %dma_start3A_454 = arith.constant 0 : i32
        %dma_start3A_455 = tpu.memref_slice %arg2[%add3A_350, %dma_start3A_453, %dma_start3A_454] : memref<64x512x1024xf32, #tpu.memory_space<any>> -> memref<1x512x1024xf32, #tpu.memory_space<any>>
        %dma_start3A_456 = tpu.memref_squeeze %dma_start3A_455 : memref<1x512x1024xf32, #tpu.memory_space<any>> -> memref<512x1024xf32, #tpu.memory_space<any>>
        tpu.enqueue_dma source(%dma_start3A_456 : memref<512x1024xf32, #tpu.memory_space<any>>) target(%dma_start3A_452 : memref<512x1024xf32, #tpu.memory_space<vmem>>) target_semaphore(%dma_start3A_448 : memref<!tpu.dma_semaphore, #tpu.memory_space<semaphore_mem>>)
        %dma_start3A_457 = arith.constant 1 : i32
        %dma_start3A_458 = tpu.memref_slice %arg14[%rem3A_273, %dma_start3A_457] : memref<4x3x!tpu.dma_semaphore, #tpu.memory_space<semaphore_mem>> -> memref<1x1x!tpu.dma_semaphore, #tpu.memory_space<semaphore_mem>>
        %dma_start3A_459 = tpu.memref_squeeze %dma_start3A_458 : memref<1x1x!tpu.dma_semaphore, #tpu.memory_space<semaphore_mem>> -> memref<!tpu.dma_semaphore, #tpu.memory_space<semaphore_mem>>
        %dma_start3A_460 = arith.constant 0 : i32
        %dma_start3A_461 = arith.constant 0 : i32
        %dma_start3A_462 = tpu.memref_slice %arg12[%rem3A_273, %dma_start3A_460, %dma_start3A_461] : memref<4x1024x512xf32, #tpu.memory_space<vmem>> -> memref<1x1024x512xf32, #tpu.memory_space<vmem>>
        %dma_start3A_463 = tpu.memref_squeeze %dma_start3A_462 : memref<1x1024x512xf32, #tpu.memory_space<vmem>> -> memref<1024x512xf32, #tpu.memory_space<vmem>>
        %dma_start3A_464 = arith.constant 0 : i32
        %dma_start3A_465 = arith.constant 0 : i32
        %dma_start3A_466 = tpu.memref_slice %arg3[%add3A_350, %dma_start3A_464, %dma_start3A_465] : memref<64x1024x512xf32, #tpu.memory_space<any>> -> memref<1x1024x512xf32, #tpu.memory_space<any>>
        %dma_start3A_467 = tpu.memref_squeeze %dma_start3A_466 : memref<1x1024x512xf32, #tpu.memory_space<any>> -> memref<1024x512xf32, #tpu.memory_space<any>>
        tpu.enqueue_dma source(%dma_start3A_467 : memref<1024x512xf32, #tpu.memory_space<any>>) target(%dma_start3A_463 : memref<1024x512xf32, #tpu.memory_space<vmem>>) target_semaphore(%dma_start3A_459 : memref<!tpu.dma_semaphore, #tpu.memory_space<semaphore_mem>>)
        %dma_start3A_468 = arith.constant 2 : i32
        %dma_start3A_469 = tpu.memref_slice %arg14[%rem3A_273, %dma_start3A_468] : memref<4x3x!tpu.dma_semaphore, #tpu.memory_space<semaphore_mem>> -> memref<1x1x!tpu.dma_semaphore, #tpu.memory_space<semaphore_mem>>
        %dma_start3A_470 = tpu.memref_squeeze %dma_start3A_469 : memref<1x1x!tpu.dma_semaphore, #tpu.memory_space<semaphore_mem>> -> memref<!tpu.dma_semaphore, #tpu.memory_space<semaphore_mem>>
        %dma_start3A_471 = arith.constant 0 : i32
        %dma_start3A_472 = arith.constant 0 : i32
        %dma_start3A_473 = tpu.memref_slice %arg13[%rem3A_273, %dma_start3A_471, %dma_start3A_472] : memref<4x512x1024xf32, #tpu.memory_space<vmem>> -> memref<1x512x1024xf32, #tpu.memory_space<vmem>>
        %dma_start3A_474 = tpu.memref_squeeze %dma_start3A_473 : memref<1x512x1024xf32, #tpu.memory_space<vmem>> -> memref<512x1024xf32, #tpu.memory_space<vmem>>
        %dma_start3A_475 = arith.constant 0 : i32
        %dma_start3A_476 = arith.constant 0 : i32
        %dma_start3A_477 = tpu.memref_slice %arg4[%add3A_350, %dma_start3A_475, %dma_start3A_476] : memref<64x512x1024xf32, #tpu.memory_space<any>> -> memref<1x512x1024xf32, #tpu.memory_space<any>>
        %dma_start3A_478 = tpu.memref_squeeze %dma_start3A_477 : memref<1x512x1024xf32, #tpu.memory_space<any>> -> memref<512x1024xf32, #tpu.memory_space<any>>
        tpu.enqueue_dma source(%dma_start3A_478 : memref<512x1024xf32, #tpu.memory_space<any>>) target(%dma_start3A_474 : memref<512x1024xf32, #tpu.memory_space<vmem>>) target_semaphore(%dma_start3A_470 : memref<!tpu.dma_semaphore, #tpu.memory_space<semaphore_mem>>)
      } else {
      }
      %scan3A_353 = arith.constant 1 : i32
      %scan3A_354 = arith.addi %scan3A_272, %scan3A_353 : i32
      %rem3A_355 = arith.constant 4 : i32
      %rem3A_356 = arith.remsi %scan3A_354, %rem3A_355 : i32
      %dma_wait3A_357 = arith.constant 0 : i32
      %dma_wait3A_358 = tpu.memref_slice %arg14[%rem3A_356, %dma_wait3A_357] : memref<4x3x!tpu.dma_semaphore, #tpu.memory_space<semaphore_mem>> -> memref<1x1x!tpu.dma_semaphore, #tpu.memory_space<semaphore_mem>>
      %dma_wait3A_359 = tpu.memref_squeeze %dma_wait3A_358 : memref<1x1x!tpu.dma_semaphore, #tpu.memory_space<semaphore_mem>> -> memref<!tpu.dma_semaphore, #tpu.memory_space<semaphore_mem>>
      %dma_wait3A_360 = arith.constant 0 : i32
      %dma_wait3A_361 = arith.constant 0 : i32
      %dma_wait3A_362 = tpu.memref_slice %arg11[%rem3A_356, %dma_wait3A_360, %dma_wait3A_361] : memref<4x512x1024xf32, #tpu.memory_space<vmem>> -> memref<1x512x1024xf32, #tpu.memory_space<vmem>>
      %dma_wait3A_363 = tpu.memref_squeeze %dma_wait3A_362 : memref<1x512x1024xf32, #tpu.memory_space<vmem>> -> memref<512x1024xf32, #tpu.memory_space<vmem>>
      %dma_wait3A_364 = arith.constant 0 : i32
      %dma_wait3A_365 = arith.constant 0 : i32
      %dma_wait3A_366 = tpu.memref_slice %arg2[%scan3A_354, %dma_wait3A_364, %dma_wait3A_365] : memref<64x512x1024xf32, #tpu.memory_space<any>> -> memref<1x512x1024xf32, #tpu.memory_space<any>>
      %dma_wait3A_367 = tpu.memref_squeeze %dma_wait3A_366 : memref<1x512x1024xf32, #tpu.memory_space<any>> -> memref<512x1024xf32, #tpu.memory_space<any>>
      tpu.wait_dma2 semaphore(%dma_wait3A_359 : memref<!tpu.dma_semaphore, #tpu.memory_space<semaphore_mem>>) src(%dma_wait3A_367 : memref<512x1024xf32, #tpu.memory_space<any>>) dst(%dma_wait3A_363 : memref<512x1024xf32, #tpu.memory_space<vmem>>)
      %dma_wait3A_368 = arith.constant 1 : i32
      %dma_wait3A_369 = tpu.memref_slice %arg14[%rem3A_356, %dma_wait3A_368] : memref<4x3x!tpu.dma_semaphore, #tpu.memory_space<semaphore_mem>> -> memref<1x1x!tpu.dma_semaphore, #tpu.memory_space<semaphore_mem>>
      %dma_wait3A_370 = tpu.memref_squeeze %dma_wait3A_369 : memref<1x1x!tpu.dma_semaphore, #tpu.memory_space<semaphore_mem>> -> memref<!tpu.dma_semaphore, #tpu.memory_space<semaphore_mem>>
      %dma_wait3A_371 = arith.constant 0 : i32
      %dma_wait3A_372 = arith.constant 0 : i32
      %dma_wait3A_373 = tpu.memref_slice %arg12[%rem3A_356, %dma_wait3A_371, %dma_wait3A_372] : memref<4x1024x512xf32, #tpu.memory_space<vmem>> -> memref<1x1024x512xf32, #tpu.memory_space<vmem>>
      %dma_wait3A_374 = tpu.memref_squeeze %dma_wait3A_373 : memref<1x1024x512xf32, #tpu.memory_space<vmem>> -> memref<1024x512xf32, #tpu.memory_space<vmem>>
      %dma_wait3A_375 = arith.constant 0 : i32
      %dma_wait3A_376 = arith.constant 0 : i32
      %dma_wait3A_377 = tpu.memref_slice %arg3[%scan3A_354, %dma_wait3A_375, %dma_wait3A_376] : memref<64x1024x512xf32, #tpu.memory_space<any>> -> memref<1x1024x512xf32, #tpu.memory_space<any>>
      %dma_wait3A_378 = tpu.memref_squeeze %dma_wait3A_377 : memref<1x1024x512xf32, #tpu.memory_space<any>> -> memref<1024x512xf32, #tpu.memory_space<any>>
      tpu.wait_dma2 semaphore(%dma_wait3A_370 : memref<!tpu.dma_semaphore, #tpu.memory_space<semaphore_mem>>) src(%dma_wait3A_378 : memref<1024x512xf32, #tpu.memory_space<any>>) dst(%dma_wait3A_374 : memref<1024x512xf32, #tpu.memory_space<vmem>>)
      %dma_wait3A_379 = arith.constant 2 : i32
      %dma_wait3A_380 = tpu.memref_slice %arg14[%rem3A_356, %dma_wait3A_379] : memref<4x3x!tpu.dma_semaphore, #tpu.memory_space<semaphore_mem>> -> memref<1x1x!tpu.dma_semaphore, #tpu.memory_space<semaphore_mem>>
      %dma_wait3A_381 = tpu.memref_squeeze %dma_wait3A_380 : memref<1x1x!tpu.dma_semaphore, #tpu.memory_space<semaphore_mem>> -> memref<!tpu.dma_semaphore, #tpu.memory_space<semaphore_mem>>
      %dma_wait3A_382 = arith.constant 0 : i32
      %dma_wait3A_383 = arith.constant 0 : i32
      %dma_wait3A_384 = tpu.memref_slice %arg13[%rem3A_356, %dma_wait3A_382, %dma_wait3A_383] : memref<4x512x1024xf32, #tpu.memory_space<vmem>> -> memref<1x512x1024xf32, #tpu.memory_space<vmem>>
      %dma_wait3A_385 = tpu.memref_squeeze %dma_wait3A_384 : memref<1x512x1024xf32, #tpu.memory_space<vmem>> -> memref<512x1024xf32, #tpu.memory_space<vmem>>
      %dma_wait3A_386 = arith.constant 0 : i32
      %dma_wait3A_387 = arith.constant 0 : i32
      %dma_wait3A_388 = tpu.memref_slice %arg4[%scan3A_354, %dma_wait3A_386, %dma_wait3A_387] : memref<64x512x1024xf32, #tpu.memory_space<any>> -> memref<1x512x1024xf32, #tpu.memory_space<any>>
      %dma_wait3A_389 = tpu.memref_squeeze %dma_wait3A_388 : memref<1x512x1024xf32, #tpu.memory_space<any>> -> memref<512x1024xf32, #tpu.memory_space<any>>
      tpu.wait_dma2 semaphore(%dma_wait3A_381 : memref<!tpu.dma_semaphore, #tpu.memory_space<semaphore_mem>>) src(%dma_wait3A_389 : memref<512x1024xf32, #tpu.memory_space<any>>) dst(%dma_wait3A_385 : memref<512x1024xf32, #tpu.memory_space<vmem>>)
      %get3A_390 = arith.index_cast %rem3A_356 : i32 to index
      %get3A_391 = arith.constant 0 : index
      %get3A_392 = arith.constant 0 : index
      %get3A_393 = vector.load %arg11[%get3A_390, %get3A_391, %get3A_392] : memref<4x512x1024xf32, #tpu.memory_space<vmem>>, vector<1x512x1024xf32>
      %get3A_394 = vector.shape_cast %get3A_393 : vector<1x512x1024xf32> to vector<512x1024xf32>
      %get3A_395 = arith.index_cast %rem3A_356 : i32 to index
      %get3A_396 = arith.constant 0 : index
      %get3A_397 = arith.constant 0 : index
      %get3A_398 = vector.load %arg12[%get3A_395, %get3A_396, %get3A_397] : memref<4x1024x512xf32, #tpu.memory_space<vmem>>, vector<1x1024x512xf32>
      %get3A_399 = vector.shape_cast %get3A_398 : vector<1x1024x512xf32> to vector<1024x512xf32>
      %get3A_400 = arith.index_cast %rem3A_356 : i32 to index
      %get3A_401 = arith.constant 0 : index
      %get3A_402 = arith.constant 0 : index
      %get3A_403 = vector.load %arg13[%get3A_400, %get3A_401, %get3A_402] : memref<4x512x1024xf32, #tpu.memory_space<vmem>>, vector<1x512x1024xf32>
      %get3A_404 = vector.shape_cast %get3A_403 : vector<1x512x1024xf32> to vector<512x1024xf32>
      %dot_general3A_405 = arith.constant dense<0.000000e+00> : vector<128x512xf32>
      %dot_general3A_406 = tpu.matmul %get3A_1, %get3A_394, %dot_general3A_405 {dimension_numbers = #tpu.dot_dimension_numbers<[1], [1], [0], [0], [0, 0, 1, 0], [], []>, transpose_lhs_hint = false} : vector<128x1024xf32>, vector<512x1024xf32>, vector<128x512xf32> -> vector<128x512xf32>
      %dot_general3A_407 = arith.constant dense<0.000000e+00> : vector<128x512xf32>
      %dot_general3A_408 = tpu.matmul %get3A_1, %get3A_404, %dot_general3A_407 {dimension_numbers = #tpu.dot_dimension_numbers<[1], [1], [0], [0], [0, 0, 1, 0], [], []>, transpose_lhs_hint = false} : vector<128x1024xf32>, vector<512x1024xf32>, vector<128x512xf32> -> vector<128x512xf32>
      %logistic3A_409 = arith.negf %dot_general3A_406 : vector<128x512xf32>
      %logistic3A_410 = math.exp %logistic3A_409 : vector<128x512xf32>
      %logistic3A_411 = arith.constant 1.000000e+00 : f32
      %logistic3A_412 = vector.broadcast %logistic3A_411 : f32 to vector<128x512xf32>
      %logistic3A_413 = arith.addf %logistic3A_412, %logistic3A_410 : vector<128x512xf32>
      %logistic3A_414 = arith.divf %logistic3A_412, %logistic3A_413 : vector<128x512xf32>
      %mul3A_415 = arith.mulf %dot_general3A_406, %logistic3A_414 : vector<128x512xf32>
      %mul3A_416 = arith.mulf %mul3A_415, %dot_general3A_408 : vector<128x512xf32>
      %eq3A_417 = vector.broadcast %scan3A_354 : i32 to vector<128x64xi32>
      %eq3A_418 = arith.cmpi eq, %iota3A, %eq3A_417 : vector<128x64xi32>
      %get3A_419 = arith.constant 0 : index
      %get3A_420 = arith.constant 0 : index
      %get3A_421 = vector.load %arg10[%get3A_419, %get3A_420] : memref<128x64xf32, #tpu.memory_space<vmem>>, vector<128x64xf32>
      %jit3A_422 = arith.constant 0.000000e+00 : f32
      %broadcast_in_dim3A_423 = vector.broadcast %jit3A_422 : f32 to vector<128x64xf32>
      %select_n3A_424 = arith.select %eq3A_418, %get3A_421, %broadcast_in_dim3A_423 : vector<128x64xi1>, vector<128x64xf32>
      %reduce_sum3A_425 = arith.constant dense<0.000000e+00> : vector<128xf32>
      %reduce_sum3A_426 = vector.multi_reduction <add>, %select_n3A_424, %reduce_sum3A_425 [1] : vector<128x64xf32> to vector<128xf32>
      %broadcast_in_dim3A_427 = vector.shape_cast %reduce_sum3A_426 : vector<128xf32> to vector<128x1xf32>
      %get3A_428 = arith.constant 0 : index
      %get3A_429 = arith.constant 0 : index
      %get3A_430 = vector.load %arg9[%get3A_428, %get3A_429] : memref<128x1024xf32, #tpu.memory_space<vmem>>, vector<128x1024xf32>
      %mul3A_431 = vector.broadcast %broadcast_in_dim3A_427 : vector<128x1xf32> to vector<128x512xf32>
      %mul3A_432 = arith.mulf %mul3A_416, %mul3A_431 : vector<128x512xf32>
      %dot_general3A_433 = arith.constant dense<0.000000e+00> : vector<128x1024xf32>
      %dot_general3A_434 = tpu.matmul %mul3A_432, %get3A_399, %dot_general3A_433 {dimension_numbers = #tpu.dot_dimension_numbers<[1], [1], [0], [0], [0, 0, 1, 0], [], []>, transpose_lhs_hint = false} : vector<128x512xf32>, vector<1024x512xf32>, vector<128x1024xf32> -> vector<128x1024xf32>
      %add3A_435 = arith.addf %get3A_430, %dot_general3A_434 : vector<128x1024xf32>
      %swap3A_436 = arith.constant 0 : index
      %swap3A_437 = arith.constant 0 : index
      %swap3A_438 = vector.load %arg9[%swap3A_436, %swap3A_437] : memref<128x1024xf32, #tpu.memory_space<vmem>>, vector<128x1024xf32>
      tpu.vector_store %arg9[%swap3A_436, %swap3A_437], %add3A_435 {strides = array<i32>} : memref<128x1024xf32, #tpu.memory_space<vmem>>, vector<128x1024xf32>,
      %add3A_439 = arith.constant 4 : i32
      %add3A_440 = arith.addi %scan3A_354, %add3A_439 : i32
      %lt3A_441 = arith.constant 64 : i32
      %lt3A_442 = arith.cmpi slt, %add3A_440, %lt3A_441 : i32
      %convert_element_type3A_443 = arith.extui %lt3A_442 : i1 to i32
      %cond3A_444 = arith.constant 0 : i32
      %cond3A_445 = arith.cmpi ne, %convert_element_type3A_443, %cond3A_444 : i32
      scf.if %cond3A_445 {
        %dma_start3A_446 = arith.constant 0 : i32
        %dma_start3A_447 = tpu.memref_slice %arg14[%rem3A_356, %dma_start3A_446] : memref<4x3x!tpu.dma_semaphore, #tpu.memory_space<semaphore_mem>> -> memref<1x1x!tpu.dma_semaphore, #tpu.memory_space<semaphore_mem>>
        %dma_start3A_448 = tpu.memref_squeeze %dma_start3A_447 : memref<1x1x!tpu.dma_semaphore, #tpu.memory_space<semaphore_mem>> -> memref<!tpu.dma_semaphore, #tpu.memory_space<semaphore_mem>>
        %dma_start3A_449 = arith.constant 0 : i32
        %dma_start3A_450 = arith.constant 0 : i32
        %dma_start3A_451 = tpu.memref_slice %arg11[%rem3A_356, %dma_start3A_449, %dma_start3A_450] : memref<4x512x1024xf32, #tpu.memory_space<vmem>> -> memref<1x512x1024xf32, #tpu.memory_space<vmem>>
        %dma_start3A_452 = tpu.memref_squeeze %dma_start3A_451 : memref<1x512x1024xf32, #tpu.memory_space<vmem>> -> memref<512x1024xf32, #tpu.memory_space<vmem>>
        %dma_start3A_453 = arith.constant 0 : i32
        %dma_start3A_454 = arith.constant 0 : i32
        %dma_start3A_455 = tpu.memref_slice %arg2[%add3A_440, %dma_start3A_453, %dma_start3A_454] : memref<64x512x1024xf32, #tpu.memory_space<any>> -> memref<1x512x1024xf32, #tpu.memory_space<any>>
        %dma_start3A_456 = tpu.memref_squeeze %dma_start3A_455 : memref<1x512x1024xf32, #tpu.memory_space<any>> -> memref<512x1024xf32, #tpu.memory_space<any>>
        tpu.enqueue_dma source(%dma_start3A_456 : memref<512x1024xf32, #tpu.memory_space<any>>) target(%dma_start3A_452 : memref<512x1024xf32, #tpu.memory_space<vmem>>) target_semaphore(%dma_start3A_448 : memref<!tpu.dma_semaphore, #tpu.memory_space<semaphore_mem>>)
        %dma_start3A_457 = arith.constant 1 : i32
        %dma_start3A_458 = tpu.memref_slice %arg14[%rem3A_356, %dma_start3A_457] : memref<4x3x!tpu.dma_semaphore, #tpu.memory_space<semaphore_mem>> -> memref<1x1x!tpu.dma_semaphore, #tpu.memory_space<semaphore_mem>>
        %dma_start3A_459 = tpu.memref_squeeze %dma_start3A_458 : memref<1x1x!tpu.dma_semaphore, #tpu.memory_space<semaphore_mem>> -> memref<!tpu.dma_semaphore, #tpu.memory_space<semaphore_mem>>
        %dma_start3A_460 = arith.constant 0 : i32
        %dma_start3A_461 = arith.constant 0 : i32
        %dma_start3A_462 = tpu.memref_slice %arg12[%rem3A_356, %dma_start3A_460, %dma_start3A_461] : memref<4x1024x512xf32, #tpu.memory_space<vmem>> -> memref<1x1024x512xf32, #tpu.memory_space<vmem>>
        %dma_start3A_463 = tpu.memref_squeeze %dma_start3A_462 : memref<1x1024x512xf32, #tpu.memory_space<vmem>> -> memref<1024x512xf32, #tpu.memory_space<vmem>>
        %dma_start3A_464 = arith.constant 0 : i32
        %dma_start3A_465 = arith.constant 0 : i32
        %dma_start3A_466 = tpu.memref_slice %arg3[%add3A_440, %dma_start3A_464, %dma_start3A_465] : memref<64x1024x512xf32, #tpu.memory_space<any>> -> memref<1x1024x512xf32, #tpu.memory_space<any>>
        %dma_start3A_467 = tpu.memref_squeeze %dma_start3A_466 : memref<1x1024x512xf32, #tpu.memory_space<any>> -> memref<1024x512xf32, #tpu.memory_space<any>>
        tpu.enqueue_dma source(%dma_start3A_467 : memref<1024x512xf32, #tpu.memory_space<any>>) target(%dma_start3A_463 : memref<1024x512xf32, #tpu.memory_space<vmem>>) target_semaphore(%dma_start3A_459 : memref<!tpu.dma_semaphore, #tpu.memory_space<semaphore_mem>>)
        %dma_start3A_468 = arith.constant 2 : i32
        %dma_start3A_469 = tpu.memref_slice %arg14[%rem3A_356, %dma_start3A_468] : memref<4x3x!tpu.dma_semaphore, #tpu.memory_space<semaphore_mem>> -> memref<1x1x!tpu.dma_semaphore, #tpu.memory_space<semaphore_mem>>
        %dma_start3A_470 = tpu.memref_squeeze %dma_start3A_469 : memref<1x1x!tpu.dma_semaphore, #tpu.memory_space<semaphore_mem>> -> memref<!tpu.dma_semaphore, #tpu.memory_space<semaphore_mem>>
        %dma_start3A_471 = arith.constant 0 : i32
        %dma_start3A_472 = arith.constant 0 : i32
        %dma_start3A_473 = tpu.memref_slice %arg13[%rem3A_356, %dma_start3A_471, %dma_start3A_472] : memref<4x512x1024xf32, #tpu.memory_space<vmem>> -> memref<1x512x1024xf32, #tpu.memory_space<vmem>>
        %dma_start3A_474 = tpu.memref_squeeze %dma_start3A_473 : memref<1x512x1024xf32, #tpu.memory_space<vmem>> -> memref<512x1024xf32, #tpu.memory_space<vmem>>
        %dma_start3A_475 = arith.constant 0 : i32
        %dma_start3A_476 = arith.constant 0 : i32
        %dma_start3A_477 = tpu.memref_slice %arg4[%add3A_440, %dma_start3A_475, %dma_start3A_476] : memref<64x512x1024xf32, #tpu.memory_space<any>> -> memref<1x512x1024xf32, #tpu.memory_space<any>>
        %dma_start3A_478 = tpu.memref_squeeze %dma_start3A_477 : memref<1x512x1024xf32, #tpu.memory_space<any>> -> memref<512x1024xf32, #tpu.memory_space<any>>
        tpu.enqueue_dma source(%dma_start3A_478 : memref<512x1024xf32, #tpu.memory_space<any>>) target(%dma_start3A_474 : memref<512x1024xf32, #tpu.memory_space<vmem>>) target_semaphore(%dma_start3A_470 : memref<!tpu.dma_semaphore, #tpu.memory_space<semaphore_mem>>)
      } else {
      }
    }
    %scan3A_265 = arith.constant 64 : i32
    %get3A_266 = arith.constant 0 : index
    %get3A_267 = arith.constant 0 : index
    %get3A_268 = vector.load %arg9[%get3A_266, %get3A_267] : memref<128x1024xf32, #tpu.memory_space<vmem>>, vector<128x1024xf32>
    %swap3A_269 = arith.constant 0 : index
    %swap3A_270 = arith.constant 0 : index
    %swap3A_271 = vector.load %arg8[%swap3A_269, %swap3A_270] : memref<128x1024xf32, #tpu.memory_space<vmem>>, vector<128x1024xf32>
    tpu.vector_store %arg8[%swap3A_269, %swap3A_270], %get3A_268 {strides = array<i32>} : memref<128x1024xf32, #tpu.memory_space<vmem>>, vector<128x1024xf32>,
    return
  }
}

</mosaic_0001>

<sc_bundles>
// kernel: kernel.5.cloned.1.call-start
scs
__scs_entry_jumppad:
0x0: {  	(pc) =	sbr.rel $0x88, $3  }
0x1: {  	(tag) =	ssettag $0x0;
	lr =	simm.s32 $0x1  }
0x2: {  	[smem:$0x3F99] =	sst lr;
	_ =	strace $0xD0000000  }
0x3: {  	_ = 	snop  }
0x4: {  	_ = 	snop  }
0x5: {  	_ = 	snop  }
0x6: {  	_ = 	snop  }
0x7: {  	_ = 	snop  }
__scs_overlays_trampoline_lowered:
0x8: {  	[smem:$0x3FA8] =	sst s0  }
0x9: {  	[smem:$0x3FA9] =	sst s1  }
0xa: {  	[smem:$0x3FAA] =	sst s2  }
0xb: {  	[smem:$0x3FAB] =	sst s3  }
0xc: {  	[smem:$0x3FAC] =	sst s4  }
0xd: {  	[smem:$0x3FAD] =	sst s5  }
0xe: {  	[smem:$0x3FAE] =	sst s6  }
0xf: {  	[smem:$0x3FAF] =	sst s7  }
0x10: {  	[smem:$0x3FB0] =	sst s8  }
0x11: {  	[smem:$0x3FB1] =	sst s9;
	s0 =	simm.s32 @!p0 $0x0  }
0x12: {  	s1 =	sld [smem:$0x3F97];
	s0 =	simm.s32 @p0 $0x1  }
0x13: {  	[smem:$0x3FB2] =	sst s0;
	s0 =	simm.s32 @!p1 $0x0  }
0x14: {  	s2 =	sld [smem:$0x3F96];
	s0 =	simm.s32 @p1 $0x1  }
0x15: {  	[smem:$0x3FB3] =	sst s0;
	s0 =	simm.s32 @!p2 $0x0  }
0x16: {  	s3 =	sld [smem:$0x3FDB];
	s0 =	simm.s32 @p2 $0x1  }
0x17: {  	s4 =	simm.s32 $0x1BF5;
	[smem:$0x3FB5] =	sst s0  }
0x18: {  	s0 =	sld [smem:$0x3F98];
	_ =	swait.ge [sflag:s4], $0x0  }
0x19: {  	s7 =	sld [smem:$0x3F99]  }
0x1a: {  	s8 =	sadd.s32 $0xFFFFE003, lr  }
0x1b: {  	s9 =	sadd.s32 $0xFFFFFEF7, lr;
	s5 =	simm.s32 $0xFFFFFFFF;
	p2 =	slt.u32 s8, $0xFFFFF086  }
0x1c: {  	p1 =	slt.u32 s9, $0xF7A;
	s5 =	simm.s32 @!p2 $0x0  }
0x1d: {  	s5 =	simm.s32 @p1 $0x1;
	p0 =	seq.s32 s7, s2  }
0x1e: {  	s7 =	smul.u32 @!p0 $0xF7A, s2;
	p2 =	seq.s32 @!p0 s5, $0x0  }
0x1f: {  	s9 =	smul.u32 $0xF7A, s1;
	s8 =	simm.s32 @!p0 $0x1BF5;
	p2 =	por !p2, p0  }
0x20: {  	[sflag:s8] =	ssyncset.s32 @!p0 $0xFFFFF086;
	s6 =	sadd.s32 @!p0 s3, s7;
	s7 =	simm.s32 @!p0 $0x108  }
0x21: {  	s3 =	sadd.s32 s3, s9;
	s6 =	sadd.s32 @!p0 $0x88, s6;
	s7 =	simm.s32 @p2 $0x1082  }
0x22: {  	[simem:s7], [sflag:s8] =	dma.local @!p0 [hbm:s6], $0xF7A  }
0x23: {  	s9 =	sor.u32 $0xD0000000, s2;
	s6 =	simm.s32 $0x108;
	_ =	swait.ge @!p0 [sflag:s8], $0x0  }
0x24: {  	s3 =	sadd.s32 $0x88, s3;
	s6 =	simm.s32 @!p1 $0x1082;
	[sflag:s4] =	ssyncset.s32 $0xFFFFF086  }
0x25: {  	[simem:s6], [sflag:s4] =	dma.local [hbm:s3], $0xF7A  }
0x26: {  	[smem:$0x3F99] =	sst s1;
	(tag) =	ssettag s2;
	_ =	strace s9  }
0x27: {  	s1 =	sld [smem:$0x3FA9]  }
0x28: {  	s2 =	sld [smem:$0x3FAA]  }
0x29: {  	s4 =	sld [smem:$0x3FAC]  }
0x2a: {  	p0 =	seq.s32 s5, $0x0;
	s5 =	sld [smem:$0x3FAD]  }
0x2b: {  	s6 =	sld [smem:$0x3FAE]  }
0x2c: {  	s7 =	sld [smem:$0x3FAF]  }
0x2d: {  	s3 =	simm.s32 $0x108;
	s8 =	sld [smem:$0x3FB0]  }
0x2e: {  	s3 =	simm.s32 @!p0 $0x1082;
	s9 =	sld [smem:$0x3FB1]  }
0x2f: {  	lr =	sadd.s32 s0, s3;
	s0 =	sld [smem:$0x3FA8]  }
0x30: {  	s3 =	sld [smem:$0x3FAB]  }
0x31: {  	[smem:$0x3FB4] =	sst s10  }
0x32: {  	s10 =	sld [smem:$0x3FB2];
	_ =	sdelay $0x3  }
0x33: {  	p0 =	seq.s32 s10, $0x1;
	s10 =	sld [smem:$0x3FB4];
	_ =	sdelay $0x3  }
0x34: {  	[smem:$0x3FB4] =	sst s10  }
0x35: {  	s10 =	sld [smem:$0x3FB3];
	_ =	sdelay $0x3  }
0x36: {  	p1 =	seq.s32 s10, $0x1;
	s10 =	sld [smem:$0x3FB4];
	_ =	sdelay $0x3  }
0x37: {  	[smem:$0x3FB4] =	sst s10  }
0x38: {  	s10 =	sld [smem:$0x3FB5]  }
0x39: {  	_ = 	snop;
	(pc) =	sbr.ind lr, $3  }
0x3a: {  	_ = 	snop  }
0x3b: {  	_ = 	snop  }
0x3c: {  	p2 =	seq.s32 s10, $0x1;
	s10 =	sld [smem:$0x3FB4]  }
0x3d: {  	_ =	shalt  }
0x3e: {  	_ =	shalt  }
0x3f: {  	_ =	shalt  }
0x40: {  	_ =	shalt  }
0x41: {  	_ =	shalt  }
0x42: {  	_ =	shalt  }
0x43: {  	_ =	shalt  }
0x44: {  	_ =	shalt  }
0x45: {  	_ =	shalt  }
0x46: {  	_ =	shalt  }
0x47: {  	_ =	shalt  }
0x48: {  	_ =	shalt  }
0x49: {  	_ =	shalt  }
0x4a: {  	_ =	shalt  }
0x4b: {  	_ =	shalt  }
0x4c: {  	_ =	shalt  }
0x4d: {  	_ =	shalt  }
0x4e: {  	_ =	shalt  }
0x4f: {  	_ =	shalt  }
0x50: {  	_ =	shalt  }
0x51: {  	_ =	shalt  }
0x52: {  	_ =	shalt  }
0x53: {  	_ =	shalt  }
0x54: {  	_ =	shalt  }
0x55: {  	_ =	shalt  }
0x56: {  	_ =	shalt  }
0x57: {  	_ =	shalt  }
0x58: {  	_ =	shalt  }
0x59: {  	_ =	shalt  }
0x5a: {  	_ =	shalt  }
0x5b: {  	_ =	shalt  }
0x5c: {  	_ =	shalt  }
0x5d: {  	_ =	shalt  }
0x5e: {  	_ =	shalt  }
0x5f: {  	_ =	shalt  }
0x60: {  	_ =	shalt  }
0x61: {  	_ =	shalt  }
0x62: {  	_ =	shalt  }
0x63: {  	_ =	shalt  }
0x64: {  	_ =	shalt  }
0x65: {  	_ =	shalt  }
0x66: {  	_ =	shalt  }
0x67: {  	_ =	shalt  }
0x68: {  	_ =	shalt  }
0x69: {  	_ =	shalt  }
0x6a: {  	_ =	shalt  }
0x6b: {  	_ =	shalt  }
0x6c: {  	_ =	shalt  }
0x6d: {  	_ =	shalt  }
0x6e: {  	_ =	shalt  }
0x6f: {  	_ =	shalt  }
0x70: {  	_ =	shalt  }
0x71: {  	_ =	shalt  }
0x72: {  	_ =	shalt  }
0x73: {  	_ =	shalt  }
0x74: {  	_ =	shalt  }
0x75: {  	_ =	shalt  }
0x76: {  	_ =	shalt  }
0x77: {  	_ =	shalt  }
0x78: {  	_ =	shalt  }
0x79: {  	_ =	shalt  }
0x7a: {  	_ =	shalt  }
0x7b: {  	_ =	shalt  }
0x7c: {  	_ =	shalt  }
0x7d: {  	_ =	shalt  }
0x7e: {  	_ =	shalt  }
0x7f: {  	_ =	shalt  }
0x80: {  	_ =	shalt  }
0x81: {  	_ =	shalt  }
0x82: {  	_ =	shalt  }
0x83: {  	_ =	shalt  }
0x84: {  	_ =	shalt  }
0x85: {  	_ =	shalt  }
0x86: {  	_ =	shalt  }
0x87: {  	_ =	shalt  }
.Lfunc_end0:
.L_simem_size_0:
called_computation_lowered:
.L_overlay_start_0:
0x88: {  	s2 =	sld [smem:$0x3FD9]  }
0x89: {  	s3 =	sld [smem:$0x3FFE];
	_ =	sdelay $0x1  }
0x8a: {  	s1 =	srdreg.scid  }
0x8b: {  	s0 =	sand.u32 $0x1, s1  }
0x8c: {  	s17 =	sshll.u32 s0, $0xA;
	s2 =	sadd.s32 s3, s2  }
0x8d: {  	s2 =	sadd.s32 s2, s17  }
0x8e: {  	[smem:$0x3FC0] =	sst s2  }
0x8f: {  	_ = 	snop  }
0x90: {  	s2 =	sld [smem:$0x3FD0];
	(tm) =	ssettm $0x1  }
0x91: {  	s18 =	sld [smem:$0x3FFB];
	_ =	sdelay $0x3  }
0x92: {  	_ =	strace s18  }
0x93: {  	s3 =	sld [smem:$0x3FFC];
	_ =	sdelay $0x3  }
0x94: {  	_ =	strace s3  }
0x95: {  	s3 =	sld [smem:$0x3FFD];
	_ =	sdelay $0x3  }
0x96: {  	_ =	strace s3  }
0x97: {  	_ =	strace $0x8FFFFFFF  }
0x98: {  	s19 =	sld [smem:$0x3FDB];
	_ =	sdelay $0x1  }
0x99: {  	s4 =	simm.s32 $_scs_section_size  }
0x9a: {  	s5 =	simm.s32 $_size__tile_overlayer_lowered;
	s6 =	simm.s32 $_tile_overlayer_lowered  }
0x9b: {  	s22 =	simm.s32 $0x1BFF;
	s21 =	sshll.u32 s6, $0x1;
	s3 =	sadd.s32 s4, s19  }
0x9c: {  	s7 =	simm.s32 $0x0;
	s20 =	sshll.u32 s5, $0x1;
	s5 =	sadd.s32 s21, s3  }
0x9d: {  	[timem:s7], [sflag:s22] =	dma.local [hbm:s5], s20  }
0x9e: {  	_ =	swait.ge [sflag:s22], s20  }
0x9f: {  	s4 =	ssub.s32 $0x0, s20;
	[sflag:s22] =	ssyncset.done $0x0  }
0xa0: {  	[sflag:s22] =	ssyncadd.s32 s4;
	_ =	sdelay $0x1  }
0xa1: {  	s23 =	simm.s32 $0x1B8B  }
0xa2: {  	_ =	swait.ge [sflag:s23], $0x1  }
0xa3: {  	[sflag:s23] =	ssyncset.done $0x0  }
0xa4: {  	s25 =	simm.s32 $0x1B8E;
	s24 =	sld [smem:$0x3FFE];
	[sflag:s23] =	ssyncadd.s32 $0xFFFFFFFF  }
0xa5: {  	s26 =	simm.s32 $execute0_lowered;
	[smem:$0x3FD2] =	sst s25  }
0xa6: {  	s5 =	sshll.u32 s26, $0x1;
	_ =	strace $0x80000046;
	[dreg:$0x1] =	wrdreg $0xFFFFFFFF  }
0xa7: {  	s28 =	simm.s32 $_size_execute0_lowered;
	s3 =	sadd.s32 s3, s5;
	[dreg:$0x0] =	wrdreg $0x0  }
0xa8: {  	s5 =	sshll.u32 s28, $0x1;
	[dreg:$0x2] =	wrdreg s3  }
0xa9: {  	[dreg:$0x3] =	wrdreg s5  }
0xaa: {  	[dreg:$0x4] =	wrdreg $0xC0  }
0xab: {  	_ =	task [dreg:s7], $0x5FFFF  }
0xac: {  	[dreg:$0x1] =	wrdreg $0xFFFFFFFF  }
0xad: {  	[dreg:$0x0] =	wrdreg $0x60  }
0xae: {  	[dreg:$0x2] =	wrdreg s24  }
0xaf: {  	[dreg:$0x3] =	wrdreg s2  }
0xb0: {  	[dreg:$0x4] =	wrdreg $0x9  }
0xb1: {  	_ =	task.clear_ibuf [dreg:s7], $0x5FFFF;
	_ =	strace $0x90000046  }
0xb2: {  	s29 =	simm.s32 $0x9;
	_ =	strace $0x80000048  }
0xb3: {  	_ =	swait.ge [sflag:s29], $0x1  }
0xb4: {  	[sflag:s29] =	ssyncadd.s32 $0xFFFFFFFF  }
0xb5: {  	_ =	strace $0x90000048  }
0xb6: {  	_ =	sfence  }
0xb7: {  	s30 =	sld [smem:$0x0];
	_ =	sdelay $0x2  }
0xb8: {  	s31 =	sshll.u32 s1, $0xD;
	s1 =	sshrl.u32 s1, $0x2  }
0xb9: {  	s3 =	sand.u32 $0x4000, s31;
	s1 =	sadd.s32 s1, s30  }
0xba: {  	s0 =	sor.u32 s3, s0;
	s1 =	sshll.u32 s1, $0x11  }
0xbb: {  	s0 =	sor.u32 s1, s0  }
0xbc: {  	s0 =	sadd.s32 $0x8F2B, s0  }
0xbd: {  	[sflag:s0] =	ssyncadd.remote.s32 $0x1  }
0xbe: {  	_ =	sfence.sel $0xFFFF  }
0xbf: {  	[dreg:$0x0] =	wrdreg $0xFFFFFFFF;
	(pc) =	sbr.abs _section_cstart, $3  }
0xc0: {  	[dreg:$0x1] =	wrdreg $0xFFFFFFFF  }
0xc1: {  	_ =	task.clear_ibuf [dreg:s7], $0x2FFFF;
	_ =	strace $0x9FFFFFFF  }
0xc2: {  	(tm) =	ssettm $0x7FFFFFFF  }
0xc3: {  	_ =	shalt  }
tec
execute0_lowered:
.L_overlay_start_1:
0x0: {  	(tag) =	ssettag $0x1  }
0x1: {  	s1 =	stileid.u32  }
0x2: {  	p0 =	sgt.u32 s1, $0x3  }
.Ltmp0:
0x3: {  	_ = 	snop;
	(pc) =	sbr.rel @p0 .LBB2_3-.Ltmp0, $4  }
0x4: {  	s3 =	rddreg [dreg:$0x0]  }
0x5: {  	s5 =	rddreg [dreg:$0x1];
	s2 =	simm.s32 $0x0  }
0x6: {  	[smem:$0x7FF] =	sst s2  }
0x7: {  	s0 =	rddreg [dreg:$0x2];
	_ =	strace $0x80000047  }
0x8: {  	s4 =	srdreg.scid  }
0x9: {  	s6 =	sshll.u32 s1, $0x1;
	s4 =	sand.u32 $0x1, s4  }
0xa: {  	s6 =	sor.u32 s4, s6;
	s7 =	ssub.s32 $0x2, s4  }
0xb: {  	s3 =	sadd.s32 $0x1400, s3;
	s8 =	sshll.u32 s6, $0xA;
	s9 =	sshrl.u32 s7, $0x1  }
0xc: {  	s4 =	sshll.u32 s6, $0x4;
	s5 =	sadd.s32 s5, s8;
	s31 =	ssub.s32 s7, s9  }
0xd: {  	v0 =	vimm.s32 $0x0;
	s7 =	simm.s32 $0x1;
	s8 =	simm.s32 $0x2000;
	s6 =	smax.u32 s31, $0x1  }
.LBB2_2:
0xe: {  	[tilespmem:s2], [sflag:$0x1] =	stream.linear.gather [hbm4b:s3+s2], $0x2000, $0x38;
	[tilespmem:$0x4000] =	vst v63  }
0xf: {  	_ =	swait.ge [sflag:s7], $0x2000  }
0x10: {  	[sflag:s7] =	ssyncset.done $0x0  }
0x11: {  	[sflag:s7] =	ssyncadd.s32 $0xFFFFE000  }
0x12: {  	v1 =	vld [tilespmem:s4+$0x0]  }
0x13: {  	v2 =	vld [tilespmem:s4+$0x80];
	_ =	sdelay $0x2  }
0x14: {  	v3 =	vld [tilespmem:s4+$0x100];
	_ =	sdelay $0x1  }
0x15: {  	v4 =	vimm.s32 $0x0;
	vm0 =	vgt.f32 v2, v1;
	vm15 =	vgt.f32 v2, $-3.000000010e+38  }
0x16: {  	v4 =	vsel vm0, $0xFFFFFFFF, v4;
	vm1 =	vmneg vm0;
	v18 =	vnsel vm15, $0xFF61B1E6, v2  }
0x17: {  	v5 =	vld [tilespmem:s4+$0x180];
	[tilespmem:$0x1FBD0] =	vst v4;
	v4 =	vsel vm1, v18, v1  }
0x18: {  	v1 =	vsel vm1, v1, v2;
	v2 =	vimm.s32 $0x0;
	vm9 =	vgt.f32 v3, v4  }
0x19: {  	v2 =	vsel vm9, $0xFFFFFFFF, v2  }
0x1a: {  	vm2 =	vgt.f32 v3, v1;
	[tilespmem:$0x1FBE0] =	vst v2;
	v2 =	vsel vm9, v3, v4  }
0x1b: {  	v19 =	vld [tilespmem:s4+$0x200];
	v2 =	vsel vm2, v1, v2  }
0x1c: {  	v1 =	vsel vm2, v3, v1;
	v3 =	vimm.s32 $0x0;
	vm10 =	vgt.f32 v5, v2  }
0x1d: {  	v3 =	vsel vm10, $0xFFFFFFFF, v3  }
0x1e: {  	vm3 =	vgt.f32 v5, v1;
	v2 =	vsel vm10, v5, v2;
	[tilespmem:$0x1FBF0] =	vst v3;
	v3 =	vld [tilespmem:s4+$0x280]  }
0x1f: {  	v2 =	vsel vm3, v1, v2  }
0x20: {  	v1 =	vsel vm3, v5, v1;
	vm11 =	vgt.f32 v19, v2  }
0x21: {  	v21 =	vld [tilespmem:s4+$0x300];
	vm4 =	vgt.f32 v19, v1;
	v2 =	vsel vm11, v19, v2  }
0x22: {  	v2 =	vsel vm4, v1, v2  }
0x23: {  	v1 =	vsel vm4, v19, v1;
	vm12 =	vgt.f32 v3, v2  }
0x24: {  	vm5 =	vgt.f32 v3, v1;
	v2 =	vsel vm12, v3, v2  }
0x25: {  	v23 =	vld [tilespmem:s4+$0x380];
	v2 =	vsel vm5, v1, v2  }
0x26: {  	v1 =	vsel vm5, v3, v1;
	v3 =	vimm.s32 $0x0;
	vm13 =	vgt.f32 v21, v2  }
0x27: {  	v3 =	vsel vm13, $0xFFFFFFFF, v3  }
0x28: {  	vm6 =	vgt.f32 v21, v1;
	v2 =	vsel vm13, v21, v2;
	[tilespmem:$0x1FC20] =	vst v3;
	v3 =	vld [tilespmem:s4+$0x400]  }
0x29: {  	v2 =	vsel vm6, v1, v2  }
0x2a: {  	v1 =	vsel vm6, v21, v1;
	vm14 =	vgt.f32 v23, v2  }
0x2b: {  	v25 =	vld [tilespmem:s4+$0x480];
	vm7 =	vgt.f32 v23, v1;
	v2 =	vsel vm14, v23, v2  }
0x2c: {  	v22 =	vimm.s32 $0x0;
	v26 =	vimm.s32 $0x0;
	v2 =	vsel vm7, v1, v2  }
0x2d: {  	v4 =	vsel vm12, $0xFFFFFFFF, v22;
	v1 =	vsel vm7, v23, v1;
	vm8 =	vgt.f32 v3, v2  }
0x2e: {  	[tilespmem:$0x1FC10] =	vst v4;
	v4 =	vsel vm8, $0xFFFFFFFF, v26;
	v2 =	vsel vm8, v3, v2;
	vm8 =	vgt.f32 v3, v1  }
0x2f: {  	v27 =	vld [tilespmem:s4+$0x500];
	v2 =	vsel vm8, v1, v2  }
0x30: {  	v1 =	vsel vm8, v3, v1;
	v3 =	vimm.s32 $0x0;
	vm9 =	vgt.f32 v25, v2  }
0x31: {  	v20 =	vimm.s32 $0x0;
	v3 =	vsel vm9, $0xFFFFFFFF, v3  }
0x32: {  	v24 =	vimm.s32 $0x0;
	v2 =	vsel vm9, v25, v2;
	vm9 =	vgt.f32 v25, v1;
	[tilespmem:$0x1FC50] =	vst v3;
	v3 =	vld [tilespmem:s4+$0x580]  }
0x33: {  	v28 =	vimm.s32 $0x0;
	v5 =	vsel vm11, $0xFFFFFFFF, v20;
	v2 =	vsel vm9, v1, v2  }
0x34: {  	[tilespmem:$0x1FC00] =	vst v5;
	v5 =	vsel vm14, $0xFFFFFFFF, v24;
	v1 =	vsel vm9, v25, v1;
	vm10 =	vgt.f32 v27, v2  }
0x35: {  	v29 =	vld [tilespmem:s4+$0x600];
	[tilespmem:$0x1FC30] =	vst v5;
	v5 =	vsel vm10, $0xFFFFFFFF, v28;
	v2 =	vsel vm10, v27, v2;
	vm10 =	vgt.f32 v27, v1  }
0x36: {  	v2 =	vsel vm10, v1, v2  }
0x37: {  	v30 =	vimm.s32 $0x0;
	v1 =	vsel vm10, v27, v1;
	vm11 =	vgt.f32 v3, v2  }
0x38: {  	[tilespmem:$0x1FC40] =	vst v4;
	v4 =	vsel vm11, $0xFFFFFFFF, v30;
	v2 =	vsel vm11, v3, v2;
	vm11 =	vgt.f32 v3, v1  }
0x39: {  	v31 =	vld [tilespmem:s4+$0x680];
	v2 =	vsel vm11, v1, v2  }
0x3a: {  	v1 =	vsel vm11, v3, v1;
	v3 =	vimm.s32 $0x0;
	vm12 =	vgt.f32 v29, v2  }
0x3b: {  	v3 =	vsel vm12, $0xFFFFFFFF, v3  }
0x3c: {  	v2 =	vsel vm12, v29, v2;
	vm12 =	vgt.f32 v29, v1;
	[tilespmem:$0x1FC80] =	vst v3;
	v3 =	vld [tilespmem:s4+$0x700]  }
0x3d: {  	v2 =	vsel vm12, v1, v2  }
0x3e: {  	v32 =	vimm.s32 $0x0;
	v1 =	vsel vm12, v29, v1;
	vm13 =	vgt.f32 v31, v2  }
0x3f: {  	v33 =	vld [tilespmem:s4+$0x780];
	[tilespmem:$0x1FC60] =	vst v5;
	v5 =	vsel vm13, $0xFFFFFFFF, v32;
	v2 =	vsel vm13, v31, v2;
	vm13 =	vgt.f32 v31, v1  }
0x40: {  	v2 =	vsel vm13, v1, v2  }
0x41: {  	v34 =	vimm.s32 $0x0;
	v7 =	vld [tilespmem:$0x1FBD0];
	v1 =	vsel vm13, v31, v1;
	vm14 =	vgt.f32 v3, v2  }
0x42: {  	v35 =	vld [tilespmem:s4+$0x800];
	[tilespmem:$0x1FC70] =	vst v4;
	v4 =	vsel vm14, $0xFFFFFFFF, v34;
	v2 =	vsel vm14, v3, v2;
	vm14 =	vgt.f32 v3, v1  }
0x43: {  	v36 =	vimm.s32 $0x0;
	v39 =	vimm.s32 $0x0;
	v37 =	vld [tilespmem:$0x1FBE0];
	v2 =	vsel vm14, v1, v2  }
0x44: {  	v1 =	vsel vm14, v3, v1;
	v3 =	vimm.s32 $0x0;
	vm0 =	vgt.f32 v33, v2  }
0x45: {  	v43 =	vimm.s32 $0x0;
	vm1 =	vmand vm1, vm15;
	v3 =	vsel vm0, $0xFFFFFFFF, v3  }
0x46: {  	vm15 =	vnez.u8 v7;
	v2 =	vsel vm0, v33, v2;
	vm0 =	vgt.f32 v33, v1;
	[tilespmem:$0x1FCB0] =	vst v3;
	v3 =	vld [tilespmem:s4+$0x880]  }
0x47: {  	v6 =	vsel vm1, $0x1, v0;
	v7 =	vsel vm15, $0x1, v0;
	v40 =	vld [tilespmem:$0x1FBF0];
	v2 =	vsel vm0, v1, v2  }
0x48: {  	vm15 =	vnez.u8 v37;
	v1 =	vsel vm0, v33, v1;
	vm1 =	vgt.f32 v35, v2  }
0x49: {  	[tilespmem:$0x1FC90] =	vst v5;
	v5 =	vsel vm1, $0xFFFFFFFF, v36;
	v2 =	vsel vm1, v35, v2;
	vm1 =	vgt.f32 v35, v1  }
0x4a: {  	v46 =	vimm.s32 $0x0;
	v38 =	vld [tilespmem:s4+$0x900];
	[tilespmem:$0x1FCC0] =	vst v5;
	v5 =	vsel vm15, $0x2, v6;
	v2 =	vsel vm1, v1, v2  }
0x4b: {  	v5 =	vsel vm2, v7, v5;
	v7 =	vsel vm2, $0x2, v7;
	vm2 =	vgt.f32 v3, v2  }
0x4c: {  	[tilespmem:$0x1FCA0] =	vst v4;
	v1 =	vsel vm1, v35, v1;
	vm15 =	vnez.u8 v40;
	v4 =	vsel vm2, $0xFFFFFFFF, v39  }
0x4d: {  	v2 =	vsel vm2, v3, v2;
	vm2 =	vgt.f32 v3, v1;
	[tilespmem:$0x1FCD0] =	vst v4;
	v4 =	vsel vm15, $0x3, v5  }
0x4e: {  	v2 =	vsel vm2, v1, v2;
	v1 =	vsel vm2, v3, v1;
	v3 =	vimm.s32 $0x0  }
0x4f: {  	v4 =	vsel vm3, v7, v4;
	v7 =	vsel vm3, $0x3, v7;
	vm3 =	vgt.f32 v38, v2  }
0x50: {  	v49 =	vimm.s32 $0x0;
	v52 =	vimm.s32 $0x0;
	v3 =	vsel vm3, $0xFFFFFFFF, v3  }
0x51: {  	v55 =	vimm.s32 $0x0;
	v58 =	vimm.s32 $0x0;
	v61 =	vimm.s32 $0x0;
	[tilespmem:$0x1FCE0] =	vst v3;
	v3 =	vld [tilespmem:$0x1FC00]  }
0x52: {  	v8 =	vimm.s32 $0x0;
	v11 =	vimm.s32 $0x0;
	v14 =	vimm.s32 $0x0;
	v44 =	vld [tilespmem:$0x1FC10]  }
0x53: {  	v17 =	vimm.s32 $0x0;
	v41 =	vld [tilespmem:s4+$0x980];
	v20 =	vimm.s32 $0x0;
	v23 =	vimm.s32 $0x0  }
0x54: {  	v26 =	vimm.s32 $0x0;
	v29 =	vimm.s32 $0x0;
	v32 =	vimm.s32 $0x0  }
0x55: {  	v47 =	vld [tilespmem:$0x1FC20];
	v35 =	vimm.s32 $0x0;
	v2 =	vsel vm3, v38, v2;
	vm3 =	vgt.f32 v38, v1  }
0x56: {  	v2 =	vsel vm3, v1, v2;
	v1 =	vsel vm3, v38, v1;
	vm15 =	vnez.u8 v3  }
0x57: {  	v42 =	vld [tilespmem:s4+$0xA00];
	v38 =	vimm.s32 $0x0;
	v3 =	vsel vm15, $0x4, v4;
	vm15 =	vnez.u8 v44  }
0x58: {  	v50 =	vld [tilespmem:$0x1FC30];
	v3 =	vsel vm4, v7, v3;
	v7 =	vsel vm4, $0x4, v7;
	vm4 =	vgt.f32 v41, v2  }
0x59: {  	v44 =	vimm.s32 $0x0;
	v6 =	vsel vm4, $0xFFFFFFFF, v43;
	v3 =	vsel vm15, $0x5, v3  }
0x5a: {  	v2 =	vsel vm4, v41, v2;
	vm4 =	vgt.f32 v41, v1;
	vm15 =	vnez.u8 v47  }
0x5b: {  	v45 =	vld [tilespmem:s4+$0xA80];
	v47 =	vimm.s32 $0x0;
	v3 =	vsel vm5, v7, v3;
	v2 =	vsel vm4, v1, v2  }
0x5c: {  	v53 =	vld [tilespmem:$0x1FC40];
	v7 =	vsel vm5, $0x5, v7;
	v1 =	vsel vm4, v41, v1;
	v41 =	vimm.s32 $0x0  }
0x5d: {  	vm5 =	vgt.f32 v42, v2;
	v3 =	vsel vm15, $0x6, v3;
	vm15 =	vnez.u8 v50  }
0x5e: {  	v50 =	vimm.s32 $0x0;
	v5 =	vsel vm5, $0xFFFFFFFF, v46;
	v2 =	vsel vm5, v42, v2  }
0x5f: {  	v56 =	vld [tilespmem:$0x1FC50];
	vm5 =	vgt.f32 v42, v1;
	v3 =	vsel vm6, v7, v3;
	v7 =	vsel vm6, $0x6, v7  }
0x60: {  	v48 =	vld [tilespmem:s4+$0xB00];
	v2 =	vsel vm5, v1, v2;
	v1 =	vsel vm5, v42, v1;
	v3 =	vsel vm15, $0x7, v3  }
0x61: {  	v59 =	vld [tilespmem:$0x1FC60];
	vm15 =	vnez.u8 v53;
	v53 =	vimm.s32 $0x0;
	vm6 =	vgt.f32 v45, v2  }
0x62: {  	v3 =	vsel vm7, v7, v3;
	v7 =	vsel vm7, $0x7, v7;
	v4 =	vsel vm6, $0xFFFFFFFF, v49  }
0x63: {  	v51 =	vld [tilespmem:s4+$0xB80];
	v2 =	vsel vm6, v45, v2;
	vm6 =	vgt.f32 v45, v1;
	v3 =	vsel vm15, $0x8, v3  }
0x64: {  	v62 =	vld [tilespmem:$0x1FC70];
	vm15 =	vnez.u8 v56;
	v2 =	vsel vm6, v1, v2;
	v1 =	vsel vm6, v45, v1  }
0x65: {  	v3 =	vsel vm8, v7, v3;
	v7 =	vsel vm8, $0x8, v7;
	vm7 =	vgt.f32 v48, v2  }
0x66: {  	[tilespmem:$0x1FCF0] =	vst v6;
	v3 =	vsel vm15, $0x9, v3;
	vm15 =	vnez.u8 v59;
	v6 =	vsel vm7, $0xFFFFFFFF, v52  }
0x67: {  	v9 =	vld [tilespmem:$0x1FC80];
	v2 =	vsel vm7, v48, v2;
	vm7 =	vgt.f32 v48, v1;
	v3 =	vsel vm9, v7, v3  }
0x68: {  	v54 =	vld [tilespmem:s4+$0xC00];
	v7 =	vsel vm9, $0x9, v7;
	v2 =	vsel vm7, v1, v2;
	v1 =	vsel vm7, v48, v1  }
0x69: {  	v12 =	vld [tilespmem:$0x1FC90];
	v3 =	vsel vm15, $0xA, v3;
	vm15 =	vnez.u8 v62;
	vm8 =	vgt.f32 v51, v2  }
0x6a: {  	[tilespmem:$0x1FD00] =	vst v5;
	v3 =	vsel vm10, v7, v3;
	v7 =	vsel vm10, $0xA, v7;
	v5 =	vsel vm8, $0xFFFFFFFF, v55  }
0x6b: {  	v2 =	vsel vm8, v51, v2;
	vm8 =	vgt.f32 v51, v1;
	v3 =	vsel vm15, $0xB, v3  }
0x6c: {  	v57 =	vld [tilespmem:s4+$0xC80];
	vm15 =	vnez.u8 v9;
	v2 =	vsel vm8, v1, v2;
	v1 =	vsel vm8, v51, v1  }
0x6d: {  	v15 =	vld [tilespmem:$0x1FCA0];
	v3 =	vsel vm11, v7, v3;
	v7 =	vsel vm11, $0xB, v7;
	vm9 =	vgt.f32 v54, v2  }
0x6e: {  	v3 =	vsel vm15, $0xC, v3;
	vm15 =	vnez.u8 v12;
	v12 =	vimm.s32 $0x0  }
0x6f: {  	[tilespmem:$0x1FD10] =	vst v4;
	v4 =	vsel vm9, $0xFFFFFFFF, v58;
	v2 =	vsel vm9, v54, v2;
	vm9 =	vgt.f32 v54, v1  }
0x70: {  	v18 =	vld [tilespmem:$0x1FCB0];
	v3 =	vsel vm12, v7, v3;
	v7 =	vsel vm12, $0xC, v7;
	v58 =	vimm.s32 $0x0  }
0x71: {  	v60 =	vld [tilespmem:s4+$0xD00];
	v2 =	vsel vm9, v1, v2;
	v1 =	vsel vm9, v54, v1;
	v3 =	vsel vm15, $0xD, v3  }
0x72: {  	vm15 =	vnez.u8 v15;
	v54 =	vimm.s32 $0x0;
	vm10 =	vgt.f32 v57, v2  }
0x73: {  	[tilespmem:$0x1FD20] =	vst v6;
	v3 =	vsel vm13, v7, v3;
	v7 =	vsel vm13, $0xD, v7;
	v6 =	vsel vm10, $0xFFFFFFFF, v61  }
0x74: {  	v63 =	vld [tilespmem:s4+$0xD80];
	v2 =	vsel vm10, v57, v2;
	vm10 =	vgt.f32 v57, v1;
	v3 =	vsel vm15, $0xE, v3  }
0x75: {  	vm15 =	vnez.u8 v18;
	v61 =	vimm.s32 $0x0;
	v2 =	vsel vm10, v1, v2  }
0x76: {  	v10 =	vld [tilespmem:s4+$0xE00];
	v1 =	vsel vm10, v57, v1;
	v3 =	vsel vm14, v7, v3;
	vm11 =	vgt.f32 v60, v2  }
0x77: {  	v21 =	vld [tilespmem:$0x1FCC0];
	[tilespmem:$0x1FD30] =	vst v5;
	v5 =	vsel vm11, $0xFFFFFFFF, v8;
	v2 =	vsel vm11, v60, v2;
	vm11 =	vgt.f32 v60, v1  }
0x78: {  	v7 =	vsel vm14, $0xE, v7;
	v57 =	vimm.s32 $0x0;
	v2 =	vsel vm11, v1, v2  }
0x79: {  	v3 =	vsel vm15, $0xF, v3;
	v1 =	vsel vm11, v60, v1;
	vm12 =	vgt.f32 v63, v2  }
0x7a: {  	v13 =	vld [tilespmem:s4+$0xE80];
	[tilespmem:$0x1FD40] =	vst v4;
	v4 =	vsel vm12, $0xFFFFFFFF, v11;
	v2 =	vsel vm12, v63, v2;
	vm12 =	vgt.f32 v63, v1  }
0x7b: {  	v3 =	vsel vm0, v7, v3;
	v7 =	vsel vm0, $0xF, v7;
	v2 =	vsel vm12, v1, v2  }
0x7c: {  	vm0 =	vnez.u8 v21;
	v1 =	vsel vm12, v63, v1;
	vm13 =	vgt.f32 v10, v2  }
0x7d: {  	v16 =	vld [tilespmem:s4+$0xF00];
	[tilespmem:$0x1FD50] =	vst v6;
	v6 =	vsel vm13, $0xFFFFFFFF, v14;
	v2 =	vsel vm13, v10, v2;
	vm13 =	vgt.f32 v10, v1  }
0x7e: {  	v8 =	vimm.s32 $0x0;
	v3 =	vsel vm0, $0x10, v3;
	v2 =	vsel vm13, v1, v2  }
0x7f: {  	v24 =	vld [tilespmem:$0x1FCD0];
	v3 =	vsel vm1, v7, v3;
	v1 =	vsel vm13, v10, v1;
	vm14 =	vgt.f32 v13, v2  }
0x80: {  	v27 =	vld [tilespmem:$0x1FCE0];
	[tilespmem:$0x1FD60] =	vst v5;
	v5 =	vsel vm14, $0xFFFFFFFF, v17;
	v2 =	vsel vm14, v13, v2;
	vm14 =	vgt.f32 v13, v1  }
0x81: {  	v19 =	vld [tilespmem:s4+$0xF80];
	v7 =	vsel vm1, $0x10, v7;
	v17 =	vimm.s32 $0x0;
	v2 =	vsel vm14, v1, v2  }
0x82: {  	v1 =	vsel vm14, v13, v1;
	v13 =	vimm.s32 $0x0;
	vm15 =	vgt.f32 v16, v2  }
0x83: {  	v30 =	vld [tilespmem:$0x1FCF0];
	[tilespmem:$0x1FD70] =	vst v4;
	vm0 =	vgt.f32 v16, v1;
	v4 =	vsel vm15, $0xFFFFFFFF, v20;
	v2 =	vsel vm15, v16, v2  }
0x84: {  	vm15 =	vnez.u8 v24;
	v20 =	vimm.s32 $0x0;
	v2 =	vsel vm0, v1, v2  }
0x85: {  	v22 =	vld [tilespmem:s4+$0x1000];
	v1 =	vsel vm0, v16, v1;
	v3 =	vsel vm15, $0x11, v3;
	vm15 =	vnez.u8 v27  }
0x86: {  	v33 =	vld [tilespmem:$0x1FD00];
	v16 =	vimm.s32 $0x0;
	vm1 =	vgt.f32 v19, v2;
	v3 =	vsel vm2, v7, v3  }
0x87: {  	[tilespmem:$0x1FD80] =	vst v6;
	v7 =	vsel vm2, $0x11, v7;
	v6 =	vsel vm1, $0xFFFFFFFF, v23;
	v2 =	vsel vm1, v19, v2  }
0x88: {  	vm1 =	vgt.f32 v19, v1;
	v3 =	vsel vm15, $0x12, v3;
	vm15 =	vnez.u8 v30  }
0x89: {  	v36 =	vld [tilespmem:$0x1FD10];
	v23 =	vimm.s32 $0x0;
	v2 =	vsel vm1, v1, v2;
	v1 =	vsel vm1, v19, v1  }
0x8a: {  	v25 =	vld [tilespmem:s4+$0x1080];
	v3 =	vsel vm3, v7, v3;
	v7 =	vsel vm3, $0x12, v7;
	vm2 =	vgt.f32 v22, v2  }
0x8b: {  	[tilespmem:$0x1FD90] =	vst v5;
	v3 =	vsel vm15, $0x13, v3;
	vm15 =	vnez.u8 v33;
	v5 =	vsel vm2, $0xFFFFFFFF, v26  }
0x8c: {  	v39 =	vld [tilespmem:$0x1FD20];
	v2 =	vsel vm2, v22, v2;
	vm2 =	vgt.f32 v22, v1;
	v3 =	vsel vm4, v7, v3  }
0x8d: {  	v7 =	vsel vm4, $0x13, v7;
	v26 =	vimm.s32 $0x0;
	v2 =	vsel vm2, v1, v2  }
0x8e: {  	v28 =	vld [tilespmem:s4+$0x1100];
	v1 =	vsel vm2, v22, v1;
	v3 =	vsel vm15, $0x14, v3;
	vm15 =	vnez.u8 v36  }
0x8f: {  	v42 =	vld [tilespmem:$0x1FD30];
	v36 =	vimm.s32 $0x0;
	vm3 =	vgt.f32 v25, v2;
	v3 =	vsel vm5, v7, v3  }
0x90: {  	[tilespmem:$0x1FDA0] =	vst v4;
	v7 =	vsel vm5, $0x14, v7;
	v4 =	vsel vm3, $0xFFFFFFFF, v29;
	v2 =	vsel vm3, v25, v2  }
0x91: {  	vm3 =	vgt.f32 v25, v1;
	v3 =	vsel vm15, $0x15, v3;
	vm15 =	vnez.u8 v39  }
0x92: {  	v31 =	vld [tilespmem:s4+$0x1180];
	v29 =	vimm.s32 $0x0;
	v39 =	vimm.s32 $0x0;
	v2 =	vsel vm3, v1, v2  }
0x93: {  	v45 =	vld [tilespmem:$0x1FD40];
	v1 =	vsel vm3, v25, v1;
	v3 =	vsel vm6, v7, v3;
	v7 =	vsel vm6, $0x15, v7  }
0x94: {  	vm4 =	vgt.f32 v28, v2;
	v3 =	vsel vm15, $0x16, v3;
	vm15 =	vnez.u8 v42  }
0x95: {  	[tilespmem:$0x1FDB0] =	vst v6;
	v42 =	vimm.s32 $0x0;
	v6 =	vsel vm4, $0xFFFFFFFF, v32;
	v2 =	vsel vm4, v28, v2  }
0x96: {  	v34 =	vld [tilespmem:s4+$0x1200];
	vm4 =	vgt.f32 v28, v1;
	v3 =	vsel vm7, v7, v3;
	v7 =	vsel vm7, $0x16, v7  }
0x97: {  	v32 =	vimm.s32 $0x0;
	v2 =	vsel vm4, v1, v2;
	v1 =	vsel vm4, v28, v1  }
0x98: {  	v48 =	vld [tilespmem:$0x1FD50];
	v3 =	vsel vm15, $0x17, v3;
	vm15 =	vnez.u8 v45;
	vm5 =	vgt.f32 v31, v2  }
0x99: {  	v37 =	vld [tilespmem:s4+$0x1280];
	[tilespmem:$0x1FDC0] =	vst v5;
	v5 =	vsel vm5, $0xFFFFFFFF, v35;
	v2 =	vsel vm5, v31, v2;
	vm5 =	vgt.f32 v31, v1  }
0x9a: {  	v3 =	vsel vm8, v7, v3;
	v7 =	vsel vm8, $0x17, v7;
	v2 =	vsel vm5, v1, v2  }
0x9b: {  	v3 =	vsel vm15, $0x18, v3;
	v1 =	vsel vm5, v31, v1;
	vm6 =	vgt.f32 v34, v2  }
0x9c: {  	v40 =	vld [tilespmem:s4+$0x1300];
	[tilespmem:$0x1FDD0] =	vst v4;
	v4 =	vsel vm6, $0xFFFFFFFF, v38;
	v2 =	vsel vm6, v34, v2;
	vm6 =	vgt.f32 v34, v1  }
0x9d: {  	vm15 =	vnez.u8 v48;
	v35 =	vimm.s32 $0x0;
	v2 =	vsel vm6, v1, v2  }
0x9e: {  	v43 =	vld [tilespmem:s4+$0x1380];
	[tilespmem:$0x1FDF0] =	vst v5;
	v3 =	vsel vm9, v7, v3;
	v1 =	vsel vm6, v34, v1;
	vm7 =	vgt.f32 v37, v2  }
0x9f: {  	[tilespmem:$0x1FDE0] =	vst v6;
	v30 =	vld [tilespmem:$0x1FDF0];
	v6 =	vsel vm7, $0xFFFFFFFF, v41;
	v2 =	vsel vm7, v37, v2;
	vm7 =	vgt.f32 v37, v1  }
0xa0: {  	v7 =	vsel vm9, $0x18, v7;
	v3 =	vsel vm15, $0x19, v3;
	v2 =	vsel vm7, v1, v2  }
0xa1: {  	v51 =	vld [tilespmem:$0x1FD60];
	v3 =	vsel vm10, v7, v3;
	v1 =	vsel vm7, v37, v1;
	vm8 =	vgt.f32 v40, v2  }
0xa2: {  	v46 =	vld [tilespmem:s4+$0x1400];
	v5 =	vsel vm8, $0xFFFFFFFF, v44;
	v2 =	vsel vm8, v40, v2;
	vm8 =	vgt.f32 v40, v1  }
0xa3: {  	v7 =	vsel vm10, $0x19, v7;
	v2 =	vsel vm8, v1, v2;
	v1 =	vsel vm8, v40, v1  }
0xa4: {  	vm10 =	vnez.u8 v30;
	vm9 =	vgt.f32 v43, v2;
	vm15 =	vgt.f32 v43, v1  }
0xa5: {  	v55 =	vld [tilespmem:$0x1FD70];
	[tilespmem:$0x1FE00] =	vst v4;
	v4 =	vsel vm9, $0xFFFFFFFF, v47;
	v2 =	vsel vm9, v43, v2;
	v8 =	vsel vm15, $0xFFFFFFFF, v8  }
0xa6: {  	v49 =	vld [tilespmem:s4+$0x1480];
	v2 =	vsel vm15, v1, v2;
	v1 =	vsel vm15, v43, v1;
	vm15 =	vnez.u8 v51  }
0xa7: {  	[tilespmem:$0x1FE10] =	vst v6;
	vm9 =	vgt.f32 v46, v2;
	v3 =	vsel vm15, $0x1A, v3;
	vm15 =	vgt.f32 v46, v1  }
0xa8: {  	[tilespmem:$0x1FE40] =	vst v8;
	v6 =	vsel vm9, $0xFFFFFFFF, v50;
	v2 =	vsel vm9, v46, v2;
	v8 =	vsel vm15, $0xFFFFFFFF, v53  }
0xa9: {  	v59 =	vld [tilespmem:$0x1FD80];
	v3 =	vsel vm11, v7, v3;
	v7 =	vsel vm11, $0x1A, v7;
	v50 =	vimm.s32 $0x0  }
0xaa: {  	v2 =	vsel vm15, v1, v2;
	v1 =	vsel vm15, v46, v1;
	vm15 =	vnez.u8 v55  }
0xab: {  	v52 =	vld [tilespmem:s4+$0x1500];
	v46 =	vimm.s32 $0x0;
	vm9 =	vgt.f32 v49, v2;
	v3 =	vsel vm15, $0x1B, v3  }
0xac: {  	v62 =	vld [tilespmem:$0x1FD90];
	[tilespmem:$0x1FE20] =	vst v5;
	vm15 =	vgt.f32 v49, v1;
	v5 =	vsel vm9, $0xFFFFFFFF, v54;
	v2 =	vsel vm9, v49, v2  }
0xad: {  	[tilespmem:$0x1FE60] =	vst v8;
	v8 =	vsel vm15, $0xFFFFFFFF, v57;
	v3 =	vsel vm12, v7, v3;
	v7 =	vsel vm12, $0x1B, v7  }
0xae: {  	v14 =	vld [tilespmem:$0x1FDA0];
	vm12 =	vnez.u8 v59;
	v54 =	vimm.s32 $0x0;
	v57 =	vimm.s32 $0x0  }
0xaf: {  	v56 =	vld [tilespmem:s4+$0x1580];
	v2 =	vsel vm15, v1, v2;
	v1 =	vsel vm15, v49, v1;
	v3 =	vsel vm12, $0x1C, v3  }
0xb0: {  	v18 =	vld [tilespmem:$0x1FDB0];
	vm15 =	vgt.f32 v52, v2;
	vm12 =	vgt.f32 v52, v1;
	v3 =	vsel vm13, v7, v3  }
0xb1: {  	v7 =	vsel vm13, $0x1C, v7;
	vm13 =	vnez.u8 v62;
	v2 =	vsel vm15, v52, v2  }
0xb2: {  	[tilespmem:$0x1FE30] =	vst v4;
	v4 =	vsel vm15, $0xFFFFFFFF, v58;
	v3 =	vsel vm13, $0x1D, v3;
	v2 =	vsel vm12, v1, v2  }
0xb3: {  	v60 =	vld [tilespmem:s4+$0x1600];
	v3 =	vsel vm14, v7, v3;
	v7 =	vsel vm14, $0x1D, v7;
	vm14 =	vnez.u8 v14  }
0xb4: {  	v1 =	vsel vm12, v52, v1;
	vm15 =	vgt.f32 v56, v2;
	v3 =	vsel vm14, $0x1E, v3  }
0xb5: {  	[tilespmem:$0x1FE50] =	vst v6;
	vm14 =	vnez.u8 v18;
	v6 =	vsel vm15, $0xFFFFFFFF, v61;
	v2 =	vsel vm15, v56, v2  }
0xb6: {  	vm15 =	vgt.f32 v56, v1;
	v3 =	vsel vm0, v7, v3;
	v7 =	vsel vm0, $0x1E, v7  }
0xb7: {  	v63 =	vld [tilespmem:s4+$0x1680];
	[tilespmem:$0x1FE80] =	vst v8;
	v61 =	vimm.s32 $0x0;
	v8 =	vsel vm15, $0xFFFFFFFF, v12;
	v2 =	vsel vm15, v1, v2  }
0xb8: {  	v21 =	vld [tilespmem:$0x1FDC0];
	v1 =	vsel vm15, v56, v1;
	v3 =	vsel vm14, $0x1F, v3;
	vm13 =	vgt.f32 v60, v2  }
0xb9: {  	[tilespmem:$0x1FE70] =	vst v5;
	vm15 =	vgt.f32 v60, v1;
	v3 =	vsel vm1, v7, v3;
	v7 =	vsel vm1, $0x1F, v7  }
0xba: {  	v15 =	vld [tilespmem:s4+$0x1700];
	[tilespmem:$0x1FEB0] =	vst v8;
	v5 =	vsel vm13, $0xFFFFFFFF, v13;
	v2 =	vsel vm13, v60, v2;
	v8 =	vsel vm15, $0xFFFFFFFF, v16  }
0xbb: {  	v13 =	vimm.s32 $0x0;
	v2 =	vsel vm15, v1, v2;
	v1 =	vsel vm15, v60, v1  }
0xbc: {  	v24 =	vld [tilespmem:$0x1FDD0];
	v16 =	vimm.s32 $0x0;
	vm13 =	vgt.f32 v63, v2;
	vm0 =	vgt.f32 v63, v1  }
0xbd: {  	v19 =	vld [tilespmem:s4+$0x1780];
	[tilespmem:$0x1FE90] =	vst v4;
	v4 =	vsel vm13, $0xFFFFFFFF, v17;
	v2 =	vsel vm13, v63, v2;
	vm13 =	vnez.u8 v21  }
0xbe: {  	v2 =	vsel vm0, v1, v2;
	v1 =	vsel vm0, v63, v1;
	v3 =	vsel vm13, $0x20, v3  }
0xbf: {  	v27 =	vld [tilespmem:$0x1FDE0];
	vm15 =	vgt.f32 v15, v2;
	vm1 =	vgt.f32 v15, v1;
	v3 =	vsel vm2, v7, v3  }
0xc0: {  	v22 =	vld [tilespmem:s4+$0x1800];
	[tilespmem:$0x1FEA0] =	vst v6;
	v7 =	vsel vm2, $0x20, v7;
	v6 =	vsel vm15, $0xFFFFFFFF, v20;
	v2 =	vsel vm15, v15, v2  }
0xc1: {  	v51 =	vld [tilespmem:$0x1FE70];
	vm15 =	vnez.u8 v24;
	v2 =	vsel vm1, v1, v2;
	v1 =	vsel vm1, v15, v1  }
0xc2: {  	v3 =	vsel vm15, $0x21, v3;
	vm14 =	vgt.f32 v19, v2;
	vm15 =	vgt.f32 v19, v1  }
0xc3: {  	v3 =	vsel vm3, v7, v3;
	v7 =	vsel vm3, $0x21, v7;
	v2 =	vsel vm14, v19, v2  }
0xc4: {  	v25 =	vld [tilespmem:s4+$0x1880];
	[tilespmem:$0x1FEC0] =	vst v5;
	v5 =	vsel vm14, $0xFFFFFFFF, v23;
	vm14 =	vnez.u8 v27;
	v2 =	vsel vm15, v1, v2  }
0xc5: {  	v37 =	vld [tilespmem:$0x1FE10];
	v1 =	vsel vm15, v19, v1;
	v3 =	vsel vm14, $0x22, v3;
	vm13 =	vgt.f32 v22, v2  }
0xc6: {  	v33 =	vld [tilespmem:$0x1FE00];
	v3 =	vsel vm4, v7, v3;
	v7 =	vsel vm4, $0x22, v7;
	vm4 =	vnez.u8 v51  }
0xc7: {  	v28 =	vld [tilespmem:s4+$0x1900];
	[tilespmem:$0x1FEE0] =	vst v4;
	v4 =	vsel vm13, $0xFFFFFFFF, v26;
	v2 =	vsel vm13, v22, v2;
	vm13 =	vgt.f32 v22, v1  }
0xc8: {  	v3 =	vsel vm10, $0x23, v3;
	v2 =	vsel vm13, v1, v2;
	v1 =	vsel vm13, v22, v1  }
0xc9: {  	v3 =	vsel vm5, v7, v3;
	v7 =	vsel vm5, $0x23, v7;
	vm9 =	vgt.f32 v25, v2  }
0xca: {  	v47 =	vld [tilespmem:$0x1FE50];
	vm5 =	vnez.u8 v37;
	vm14 =	vgt.f32 v25, v1;
	v2 =	vsel vm9, v25, v2  }
0xcb: {  	v40 =	vld [tilespmem:$0x1FE20];
	[tilespmem:$0x1FEF0] =	vst v6;
	v6 =	vsel vm9, $0xFFFFFFFF, v29;
	vm9 =	vnez.u8 v33;
	v2 =	vsel vm14, v1, v2  }
0xcc: {  	v31 =	vld [tilespmem:s4+$0x1980];
	v1 =	vsel vm14, v25, v1;
	v3 =	vsel vm9, $0x24, v3;
	vm11 =	vgt.f32 v28, v2  }
0xcd: {  	[tilespmem:$0x1FED0] =	vst v8;
	vm10 =	vgt.f32 v28, v1;
	v3 =	vsel vm6, v7, v3;
	v7 =	vsel vm6, $0x24, v7  }
0xce: {  	v45 =	vld [tilespmem:$0x1FE40];
	[tilespmem:$0x1FF00] =	vst v5;
	v5 =	vsel vm11, $0xFFFFFFFF, v32;
	v2 =	vsel vm11, v28, v2;
	v8 =	vsel vm10, $0xFFFFFFFF, v35  }
0xcf: {  	v34 =	vld [tilespmem:s4+$0x1A00];
	v3 =	vsel vm5, $0x25, v3;
	vm5 =	vnez.u8 v47;
	v2 =	vsel vm10, v1, v2  }
0xd0: {  	v38 =	vld [tilespmem:s4+$0x1A80];
	v3 =	vsel vm7, v7, v3;
	v7 =	vsel vm7, $0x25, v7;
	vm7 =	vnez.u8 v40  }
0xd1: {  	v43 =	vld [tilespmem:$0x1FE30];
	v1 =	vsel vm10, v28, v1;
	vm11 =	vgt.f32 v31, v2;
	v3 =	vsel vm7, $0x26, v3  }
0xd2: {  	v49 =	vld [tilespmem:$0x1FE60];
	[tilespmem:$0x1FF10] =	vst v4;
	v4 =	vsel vm11, $0xFFFFFFFF, v36;
	v2 =	vsel vm11, v31, v2;
	vm11 =	vgt.f32 v31, v1  }
0xd3: {  	vm7 =	vnez.u8 v45;
	v3 =	vsel vm8, v7, v3;
	v2 =	vsel vm11, v1, v2  }
0xd4: {  	v7 =	vsel vm8, $0x26, v7;
	v1 =	vsel vm11, v31, v1;
	vm6 =	vgt.f32 v34, v2  }
0xd5: {  	v53 =	vld [tilespmem:$0x1FE80];
	[tilespmem:$0x1FF20] =	vst v6;
	vm10 =	vgt.f32 v34, v1;
	v6 =	vsel vm6, $0xFFFFFFFF, v39;
	v2 =	vsel vm6, v34, v2  }
0xd6: {  	v41 =	vld [tilespmem:s4+$0x1B00];
	vm6 =	vnez.u8 v43;
	v2 =	vsel vm10, v1, v2;
	v1 =	vsel vm10, v34, v1  }
0xd7: {  	v60 =	vld [tilespmem:$0x1FEB0];
	v3 =	vsel vm6, $0x27, v3;
	vm6 =	vnez.u8 v49;
	vm9 =	vgt.f32 v38, v2  }
0xd8: {  	[tilespmem:$0x1FF30] =	vst v5;
	v3 =	vsel vm7, v7, v3;
	v7 =	vsel vm7, $0x27, v7;
	v5 =	vsel vm9, $0xFFFFFFFF, v42  }
0xd9: {  	v55 =	vld [tilespmem:$0x1FE90];
	v2 =	vsel vm9, v38, v2;
	vm9 =	vgt.f32 v38, v1;
	v3 =	vsel vm5, $0x28, v3  }
0xda: {  	v44 =	vld [tilespmem:s4+$0x1B80];
	vm5 =	vnez.u8 v53;
	v2 =	vsel vm9, v1, v2;
	v1 =	vsel vm9, v38, v1  }
0xdb: {  	v3 =	vsel vm6, v7, v3;
	v7 =	vsel vm6, $0x28, v7;
	vm8 =	vgt.f32 v41, v2  }
0xdc: {  	v58 =	vld [tilespmem:$0x1FEA0];
	vm7 =	vgt.f32 v41, v1;
	v3 =	vsel vm4, $0x29, v3;
	vm4 =	vnez.u8 v60  }
0xdd: {  	v48 =	vld [tilespmem:s4+$0x1C00];
	[tilespmem:$0x1FF50] =	vst v4;
	v4 =	vsel vm8, $0xFFFFFFFF, v46;
	v2 =	vsel vm8, v41, v2;
	v3 =	vsel vm5, v7, v3  }
0xde: {  	v7 =	vsel vm5, $0x29, v7;
	vm5 =	vnez.u8 v55;
	v2 =	vsel vm7, v1, v2  }
0xdf: {  	v1 =	vsel vm7, v41, v1;
	v3 =	vsel vm5, $0x2A, v3;
	vm8 =	vgt.f32 v44, v2  }
0xe0: {  	v52 =	vld [tilespmem:s4+$0x1C80];
	vm6 =	vgt.f32 v44, v1;
	v3 =	vsel vm12, v7, v3;
	v2 =	vsel vm8, v44, v2  }
0xe1: {  	v62 =	vld [tilespmem:$0x1FEC0];
	v7 =	vsel vm12, $0x2A, v7;
	vm12 =	vnez.u8 v58;
	v2 =	vsel vm6, v1, v2  }
0xe2: {  	[tilespmem:$0x1FF60] =	vst v6;
	v6 =	vsel vm8, $0xFFFFFFFF, v50;
	v1 =	vsel vm6, v44, v1;
	vm8 =	vgt.f32 v48, v2  }
0xe3: {  	v56 =	vld [tilespmem:s4+$0x1D00];
	v3 =	vsel vm12, $0x2B, v3;
	vm5 =	vgt.f32 v48, v1;
	v2 =	vsel vm8, v48, v2  }
0xe4: {  	v12 =	vld [tilespmem:$0x1FED0];
	v3 =	vsel vm4, v7, v3;
	v7 =	vsel vm4, $0x2B, v7;
	v2 =	vsel vm5, v1, v2  }
0xe5: {  	v59 =	vld [tilespmem:s4+$0x1D80];
	[tilespmem:$0x1FF70] =	vst v5;
	v5 =	vsel vm8, $0xFFFFFFFF, v54;
	v1 =	vsel vm5, v48, v1;
	vm8 =	vgt.f32 v52, v2  }
0xe6: {  	v14 =	vld [tilespmem:$0x1FEE0];
	vm4 =	vnez.u8 v62;
	vm12 =	vgt.f32 v52, v1;
	v2 =	vsel vm8, v52, v2  }
0xe7: {  	v17 =	vld [tilespmem:$0x1FEF0];
	v3 =	vsel vm4, $0x2C, v3;
	v2 =	vsel vm12, v1, v2;
	v1 =	vsel vm12, v52, v1  }
0xe8: {  	[tilespmem:$0x1FF80] =	vst v4;
	v4 =	vsel vm8, $0xFFFFFFFF, v57;
	vm8 =	vgt.f32 v56, v2;
	vm4 =	vgt.f32 v56, v1  }
0xe9: {  	[tilespmem:$0x1FF90] =	vst v6;
	v6 =	vsel vm8, $0xFFFFFFFF, v61;
	v2 =	vsel vm8, v56, v2;
	vm8 =	vnez.u8 v12  }
0xea: {  	v19 =	vimm.s32 $0x0;
	v20 =	vld [tilespmem:$0x1FF00];
	v3 =	vsel vm8, v7, v3;
	v2 =	vsel vm4, v1, v2  }
0xeb: {  	v63 =	vld [tilespmem:s4+$0x1E00];
	v7 =	vsel vm8, $0x2C, v7;
	v1 =	vsel vm4, v56, v1;
	vm8 =	vnez.u8 v14  }
0xec: {  	vm3 =	vgt.f32 v59, v2;
	v3 =	vsel vm8, $0x2D, v3;
	vm8 =	vnez.u8 v17  }
0xed: {  	v22 =	vld [tilespmem:$0x1FF10];
	[tilespmem:$0x1FFA0] =	vst v5;
	v5 =	vsel vm3, $0xFFFFFFFF, v13;
	v2 =	vsel vm3, v59, v2;
	vm3 =	vgt.f32 v59, v1  }
0xee: {  	v3 =	vsel vm0, v7, v3;
	v7 =	vsel vm0, $0x2D, v7;
	v2 =	vsel vm3, v1, v2  }
0xef: {  	v15 =	vld [tilespmem:s4+$0x1E80];
	v1 =	vsel vm3, v59, v1;
	v3 =	vsel vm8, $0x2E, v3;
	vm8 =	vnez.u8 v20  }
0xf0: {  	vm2 =	vgt.f32 v63, v2;
	v3 =	vsel vm1, v7, v3;
	v7 =	vsel vm1, $0x2E, v7  }
0xf1: {  	v24 =	vld [tilespmem:$0x1FF20];
	[tilespmem:$0x1FFB0] =	vst v4;
	v4 =	vsel vm2, $0xFFFFFFFF, v16;
	v2 =	vsel vm2, v63, v2;
	vm2 =	vgt.f32 v63, v1  }
0xf2: {  	v18 =	vld [tilespmem:s4+$0x1F00];
	v3 =	vsel vm8, $0x2F, v3;
	vm8 =	vnez.u8 v22;
	v2 =	vsel vm2, v1, v2  }
0xf3: {  	v1 =	vsel vm2, v63, v1;
	v3 =	vsel vm15, v7, v3;
	v7 =	vsel vm15, $0x2F, v7  }
0xf4: {  	[tilespmem:$0x1FF40] =	vst v8;
	v26 =	vld [tilespmem:$0x1FF30];
	vm1 =	vgt.f32 v15, v2;
	v3 =	vsel vm8, $0x30, v3;
	v23 =	vsel vm13, $0x30, v7  }
0xf5: {  	v21 =	vld [tilespmem:s4+$0x1F80];
	[tilespmem:$0x1FFC0] =	vst v6;
	v6 =	vsel vm1, $0xFFFFFFFF, v19;
	v2 =	vsel vm1, v15, v2;
	vm1 =	vgt.f32 v15, v1  }
0xf6: {  	v27 =	vld [tilespmem:$0x1FF40];
	v3 =	vsel vm13, v7, v3;
	vm13 =	vnez.u8 v24;
	v2 =	vsel vm1, v1, v2  }
0xf7: {  	v25 =	vsel vm14, $0x31, v23;
	v1 =	vsel vm1, v15, v1;
	vm15 =	vgt.f32 v18, v2  }
0xf8: {  	v28 =	vld [tilespmem:$0x1FF50];
	v3 =	vsel vm13, $0x31, v3;
	vm0 =	vgt.f32 v18, v1;
	v2 =	vsel vm15, v18, v2  }
0xf9: {  	vm13 =	vnez.u8 v26;
	v3 =	vsel vm14, v23, v3;
	v2 =	vsel vm0, v1, v2  }
0xfa: {  	v29 =	vld [tilespmem:$0x1FF60];
	v3 =	vsel vm13, $0x32, v3;
	v1 =	vsel vm0, v18, v1;
	vm8 =	vgt.f32 v21, v2  }
0xfb: {  	vm13 =	vnez.u8 v27;
	vm14 =	vgt.f32 v21, v1;
	v2 =	vsel vm8, v21, v2  }
0xfc: {  	v3 =	vsel vm13, v25, v3;
	v2 =	vsel vm14, v1, v2;
	v1 =	vsel vm14, v21, v1  }
0xfd: {  	v1 =	vsub.f32 v2, v1;
	v2 =	vsel vm13, $0x32, v25;
	vm13 =	vnez.u8 v28  }
0xfe: {  	v3 =	vsel vm13, $0x33, v3  }
0xff: {  	vm13 =	vnez.u8 v29;
	v3 =	vsel vm11, v2, v3;
	v1 =	vmul.f32 $1.442695020e+00, v1  }
0x100: {  	v2 =	vsel vm11, $0x33, v2;
	v3 =	vsel vm13, $0x34, v3  }
0x101: {  	v3 =	vsel vm10, v2, v3;
	(erf) = vpow2.f32 v1;
	v1 =	vsel vm10, $0x34, v2;
	v2 =	vld [tilespmem:$0x1FF70];
	_ =	sdelay $0x4  }
0x102: {  	vm13 =	vnez.u8 v2  }
0x103: {  	v2 =	vsel vm13, $0x35, v3;
	v3 =	vld [tilespmem:$0x1FF80];
	_ =	sdelay $0x4  }
0x104: {  	vm13 =	vnez.u8 v3;
	v3 =	vld [tilespmem:$0x1FF90];
	_ =	sdelay $0x4  }
0x105: {  	v2 =	vsel vm9, v1, v2;
	v1 =	vsel vm9, $0x35, v1;
	vm9 =	vnez.u8 v3;
	v3 =	vld [tilespmem:$0x1FFA0];
	_ =	sdelay $0x4  }
0x106: {  	vm10 =	vnez.u8 v3;
	v3 =	vld [tilespmem:$0x1FFB0];
	_ =	sdelay $0x4  }
0x107: {  	vm11 =	vnez.u8 v3;
	v3 =	vpop (erf)  }
0x108: {  	v3 =	vadd.f32 $1.000000000e+00, v3  }
0x109: {  	[tilespmem:$0x1FFD0] =	vst v5  }
0x10a: {  	(erf) = vrcp.f32 v3;
	v3 =	vld [tilespmem:$0x1FFD0];
	_ =	sdelay $0x1  }
0x10b: {  	v2 =	vsel vm13, $0x36, v2  }
0x10c: {  	v2 =	vsel vm7, v1, v2  }
0x10d: {  	v30 =	vld [tilespmem:$0x1FFC0];
	[tilespmem:$0x1FFE0] =	vst v4;
	v1 =	vsel vm7, $0x36, v1;
	v2 =	vsel vm9, $0x37, v2  }
0x10e: {  	v2 =	vsel vm6, v1, v2;
	vm13 =	vnez.u8 v3;
	v3 =	vld [tilespmem:$0x1FFE0]  }
0x10f: {  	v1 =	vsel vm6, $0x37, v1;
	v2 =	vsel vm10, $0x38, v2  }
0x110: {  	v2 =	vsel vm5, v1, v2  }
0x111: {  	v1 =	vsel vm5, $0x38, v1;
	v2 =	vsel vm11, $0x39, v2  }
0x112: {  	[tilespmem:$0x1FFF0] =	vst v6;
	v2 =	vsel vm12, v1, v2;
	v1 =	vsel vm12, $0x39, v1;
	vm12 =	vnez.u8 v30  }
0x113: {  	v2 =	vsel vm12, $0x3A, v2;
	vm6 =	vnez.u8 v3;
	v3 =	vld [tilespmem:$0x1FFF0]  }
0x114: {  	v2 =	vsel vm4, v1, v2  }
0x115: {  	v1 =	vsel vm4, $0x3A, v1;
	v2 =	vsel vm13, $0x3B, v2  }
0x116: {  	v2 =	vsel vm3, v1, v2  }
0x117: {  	v1 =	vsel vm3, $0x3B, v1;
	v2 =	vsel vm6, $0x3C, v2  }
0x118: {  	v2 =	vsel vm2, v1, v2;
	vm7 =	vnez.u8 v3  }
0x119: {  	v1 =	vsel vm2, $0x3C, v1;
	v2 =	vsel vm7, $0x3D, v2  }
0x11a: {  	v2 =	vsel vm1, v1, v2;
	v1 =	vsel vm1, $0x3D, v1  }
0x11b: {  	v2 =	vsel vm15, $0x3E, v2;
	v31 =	vsel vm0, $0x3E, v1  }
0x11c: {  	v2 =	vsel vm0, v1, v2;
	v4 =	vsel vm14, $0x3F, v31  }
0x11d: {  	v2 =	vsel vm8, $0x3F, v2;
	vm8 =	veq.s32 v4, $0x0;
	vm10 =	veq.s32 v4, $0x1  }
0x11e: {  	v1 =	vpop (erf);
	vm12 =	veq.s32 v4, $0x2;
	vm4 =	veq.s32 v4, $0x4;
	vm6 =	veq.s32 v4, $0x5  }
0x11f: {  	v3 =	vsel vm14, v31, v2;
	v2 =	vsub.f32 $1.000000000e+00, v1;
	v32 =	vnsel vm8, $0x0, v1  }
0x120: {  	v34 =	vnsel vm10, $0x0, v1;
	v36 =	vnsel vm12, $0x0, v1;
	vm14 =	veq.s32 v4, $0x3  }
0x121: {  	v39 =	vnsel vm4, $0x0, v1;
	v40 =	vnsel vm6, $0x0, v1;
	vm8 =	veq.s32 v4, $0x6  }
0x122: {  	vm10 =	veq.s32 v4, $0x7;
	vm12 =	veq.s32 v4, $0x8;
	vm4 =	veq.s32 v4, $0xA  }
0x123: {  	vm6 =	veq.s32 v4, $0xB;
	vm9 =	veq.s32 v3, $0x0;
	vm11 =	veq.s32 v3, $0x1  }
0x124: {  	vm13 =	veq.s32 v3, $0x2;
	vm15 =	veq.s32 v3, $0x3;
	v38 =	vnsel vm14, $0x0, v1  }
0x125: {  	vm5 =	veq.s32 v3, $0x4;
	vm7 =	veq.s32 v3, $0x5;
	v41 =	vnsel vm8, $0x0, v1  }
0x126: {  	v42 =	vnsel vm10, $0x0, v1;
	v43 =	vnsel vm12, $0x0, v1;
	vm14 =	veq.s32 v4, $0x9  }
0x127: {  	v45 =	vnsel vm4, $0x0, v1;
	v46 =	vnsel vm6, $0x0, v1;
	vm8 =	veq.s32 v4, $0xC  }
0x128: {  	vm10 =	veq.s32 v4, $0xD;
	vm12 =	veq.s32 v4, $0xE;
	vm4 =	veq.s32 v4, $0x10  }
0x129: {  	vm6 =	veq.s32 v4, $0x11;
	v33 =	vnsel vm9, $0x0, v2;
	v35 =	vnsel vm11, $0x0, v2  }
0x12a: {  	v37 =	vnsel vm13, $0x0, v2;
	v9 =	vnsel vm15, $0x0, v2;
	v10 =	vnsel vm5, $0x0, v2  }
0x12b: {  	v11 =	vnsel vm7, $0x0, v2;
	vm9 =	veq.s32 v3, $0x6;
	vm11 =	veq.s32 v3, $0x7  }
0x12c: {  	vm13 =	veq.s32 v3, $0x8;
	vm15 =	veq.s32 v3, $0x9;
	v44 =	vnsel vm14, $0x0, v1  }
0x12d: {  	vm5 =	veq.s32 v3, $0xA;
	vm7 =	veq.s32 v3, $0xB;
	v47 =	vnsel vm8, $0x0, v1  }
0x12e: {  	v48 =	vnsel vm10, $0x0, v1;
	v49 =	vnsel vm12, $0x0, v1;
	vm14 =	veq.s32 v4, $0xF  }
0x12f: {  	v51 =	vnsel vm4, $0x0, v1;
	v52 =	vnsel vm6, $0x0, v1;
	vm8 =	veq.s32 v4, $0x12  }
0x130: {  	vm10 =	veq.s32 v4, $0x13;
	vm12 =	veq.s32 v4, $0x14;
	v5 =	vadd.f32 v33, v32  }
0x131: {  	vm4 =	veq.s32 v4, $0x16;
	v7 =	vadd.f32 v35, v34;
	v6 =	vadd.f32 v37, v36  }
0x132: {  	vm6 =	veq.s32 v4, $0x17;
	v8 =	vadd.f32 v9, v38;
	v9 =	vadd.f32 v10, v39  }
0x133: {  	v10 =	vadd.f32 v11, v40;
	v12 =	vnsel vm9, $0x0, v2;
	v13 =	vnsel vm11, $0x0, v2  }
0x134: {  	v14 =	vnsel vm13, $0x0, v2;
	v15 =	vnsel vm15, $0x0, v2;
	v16 =	vnsel vm5, $0x0, v2  }
0x135: {  	v17 =	vnsel vm7, $0x0, v2;
	vm9 =	veq.s32 v3, $0xC;
	vm11 =	veq.s32 v3, $0xD  }
0x136: {  	vm13 =	veq.s32 v3, $0xE;
	vm15 =	veq.s32 v3, $0xF;
	v50 =	vnsel vm14, $0x0, v1  }
0x137: {  	vm5 =	veq.s32 v3, $0x10;
	vm7 =	veq.s32 v3, $0x11;
	v53 =	vnsel vm8, $0x0, v1  }
0x138: {  	v54 =	vnsel vm10, $0x0, v1;
	v55 =	vnsel vm12, $0x0, v1;
	vm14 =	veq.s32 v4, $0x15  }
0x139: {  	v57 =	vnsel vm4, $0x0, v1;
	v58 =	vnsel vm6, $0x0, v1;
	vm8 =	veq.s32 v4, $0x18  }
0x13a: {  	vm10 =	veq.s32 v4, $0x19;
	vm12 =	veq.s32 v4, $0x1A;
	v11 =	vadd.f32 v12, v41  }
0x13b: {  	vm4 =	veq.s32 v4, $0x1C;
	v12 =	vadd.f32 v13, v42;
	v13 =	vadd.f32 v14, v43  }
0x13c: {  	vm6 =	veq.s32 v4, $0x1D;
	v14 =	vadd.f32 v15, v44;
	v15 =	vadd.f32 v16, v45  }
0x13d: {  	v16 =	vadd.f32 v17, v46;
	v18 =	vnsel vm9, $0x0, v2;
	v19 =	vnsel vm11, $0x0, v2  }
0x13e: {  	v20 =	vnsel vm13, $0x0, v2;
	v21 =	vnsel vm15, $0x0, v2;
	v22 =	vnsel vm5, $0x0, v2  }
0x13f: {  	v23 =	vnsel vm7, $0x0, v2;
	vm9 =	veq.s32 v3, $0x12;
	vm11 =	veq.s32 v3, $0x13  }
0x140: {  	vm13 =	veq.s32 v3, $0x14;
	vm15 =	veq.s32 v3, $0x15;
	v56 =	vnsel vm14, $0x0, v1  }
0x141: {  	vm5 =	veq.s32 v3, $0x16;
	vm7 =	veq.s32 v3, $0x17;
	v59 =	vnsel vm8, $0x0, v1  }
0x142: {  	v60 =	vnsel vm10, $0x0, v1;
	v61 =	vnsel vm12, $0x0, v1;
	vm14 =	veq.s32 v4, $0x1B  }
0x143: {  	v33 =	vnsel vm4, $0x0, v1;
	v35 =	vnsel vm6, $0x0, v1;
	vm8 =	veq.s32 v4, $0x1E  }
0x144: {  	vm10 =	veq.s32 v4, $0x1F;
	vm12 =	veq.s32 v4, $0x20;
	v17 =	vadd.f32 v18, v47  }
0x145: {  	vm4 =	veq.s32 v4, $0x22;
	v18 =	vadd.f32 v19, v48;
	v19 =	vadd.f32 v20, v49  }
0x146: {  	vm6 =	veq.s32 v4, $0x23;
	v20 =	vadd.f32 v21, v50;
	v21 =	vadd.f32 v22, v51  }
0x147: {  	v22 =	vadd.f32 v23, v52;
	v24 =	vnsel vm9, $0x0, v2;
	v25 =	vnsel vm11, $0x0, v2  }
0x148: {  	v26 =	vnsel vm13, $0x0, v2;
	v27 =	vnsel vm15, $0x0, v2;
	v28 =	vnsel vm5, $0x0, v2  }
0x149: {  	v29 =	vnsel vm7, $0x0, v2;
	vm9 =	veq.s32 v3, $0x18;
	vm11 =	veq.s32 v3, $0x19  }
0x14a: {  	vm13 =	veq.s32 v3, $0x1A;
	vm15 =	veq.s32 v3, $0x1B;
	v62 =	vnsel vm14, $0x0, v1  }
0x14b: {  	vm5 =	veq.s32 v3, $0x1C;
	vm7 =	veq.s32 v3, $0x1D;
	v37 =	vnsel vm8, $0x0, v1  }
0x14c: {  	[tilespmem:$0x2000] =	vst v5;
	v39 =	vnsel vm10, $0x0, v1;
	v41 =	vnsel vm12, $0x0, v1;
	vm14 =	veq.s32 v4, $0x21  }
0x14d: {  	[tilespmem:$0x2080] =	vst v7;
	v45 =	vnsel vm4, $0x0, v1;
	v47 =	vnsel vm6, $0x0, v1;
	vm8 =	veq.s32 v4, $0x24  }
0x14e: {  	[tilespmem:$0x2100] =	vst v6;
	vm10 =	veq.s32 v4, $0x25;
	vm12 =	veq.s32 v4, $0x26;
	v23 =	vadd.f32 v24, v53  }
0x14f: {  	[tilespmem:$0x2180] =	vst v8;
	vm4 =	veq.s32 v4, $0x28;
	v24 =	vadd.f32 v25, v54;
	v25 =	vadd.f32 v26, v55  }
0x150: {  	[tilespmem:$0x2200] =	vst v9;
	vm6 =	veq.s32 v4, $0x29;
	v26 =	vadd.f32 v27, v56;
	v27 =	vadd.f32 v28, v57  }
0x151: {  	[tilespmem:$0x2280] =	vst v10;
	v28 =	vadd.f32 v29, v58;
	v30 =	vnsel vm9, $0x0, v2;
	v31 =	vnsel vm11, $0x0, v2  }
0x152: {  	v32 =	vnsel vm13, $0x0, v2;
	v63 =	vnsel vm15, $0x0, v2;
	v34 =	vnsel vm5, $0x0, v2;
	[tilespmem:$0x2300] =	vst v11  }
0x153: {  	v36 =	vnsel vm7, $0x0, v2;
	vm9 =	veq.s32 v3, $0x1E;
	vm11 =	veq.s32 v3, $0x1F;
	[tilespmem:$0x2380] =	vst v12  }
0x154: {  	vm13 =	veq.s32 v3, $0x20;
	[tilespmem:$0x2400] =	vst v13;
	vm15 =	veq.s32 v3, $0x21;
	v43 =	vnsel vm14, $0x0, v1  }
0x155: {  	[tilespmem:$0x2480] =	vst v14;
	vm5 =	veq.s32 v3, $0x22;
	vm7 =	veq.s32 v3, $0x23;
	v49 =	vnsel vm8, $0x0, v1  }
0x156: {  	[tilespmem:$0x2500] =	vst v15;
	v51 =	vnsel vm10, $0x0, v1;
	v53 =	vnsel vm12, $0x0, v1;
	vm14 =	veq.s32 v4, $0x27  }
0x157: {  	[tilespmem:$0x2580] =	vst v16;
	v57 =	vnsel vm4, $0x0, v1;
	vm8 =	veq.s32 v4, $0x2A;
	vm10 =	veq.s32 v4, $0x2B  }
0x158: {  	vm12 =	veq.s32 v4, $0x2C;
	v29 =	vadd.f32 v30, v59;
	v30 =	vadd.f32 v31, v60;
	[tilespmem:$0x2600] =	vst v17  }
0x159: {  	vm4 =	veq.s32 v4, $0x2E;
	v31 =	vadd.f32 v32, v61;
	v5 =	vadd.f32 v63, v62;
	[tilespmem:$0x2680] =	vst v18  }
0x15a: {  	v6 =	vadd.f32 v34, v33;
	v7 =	vadd.f32 v36, v35;
	v38 =	vnsel vm9, $0x0, v2;
	[tilespmem:$0x2700] =	vst v19  }
0x15b: {  	v40 =	vnsel vm11, $0x0, v2;
	v42 =	vnsel vm13, $0x0, v2;
	v44 =	vnsel vm15, $0x0, v2;
	[tilespmem:$0x2780] =	vst v20  }
0x15c: {  	v46 =	vnsel vm5, $0x0, v2;
	v48 =	vnsel vm7, $0x0, v2;
	vm9 =	veq.s32 v3, $0x24;
	[tilespmem:$0x2800] =	vst v21  }
0x15d: {  	vm11 =	veq.s32 v3, $0x25;
	[tilespmem:$0x2880] =	vst v22;
	vm13 =	veq.s32 v3, $0x26;
	vm15 =	veq.s32 v3, $0x27  }
0x15e: {  	v55 =	vnsel vm14, $0x0, v1;
	vm5 =	veq.s32 v3, $0x28;
	vm7 =	veq.s32 v3, $0x29;
	[tilespmem:$0x2900] =	vst v23  }
0x15f: {  	v59 =	vnsel vm6, $0x0, v1;
	v61 =	vnsel vm8, $0x0, v1;
	v63 =	vnsel vm10, $0x0, v1;
	[tilespmem:$0x2980] =	vst v24  }
0x160: {  	vm14 =	veq.s32 v4, $0x2D;
	vm6 =	veq.s32 v4, $0x2F;
	v8 =	vadd.f32 v38, v37;
	[tilespmem:$0x2A00] =	vst v25  }
0x161: {  	vm8 =	veq.s32 v4, $0x30;
	v9 =	vadd.f32 v40, v39;
	v10 =	vadd.f32 v42, v41;
	[tilespmem:$0x2A80] =	vst v26  }
0x162: {  	vm10 =	veq.s32 v4, $0x31;
	v11 =	vadd.f32 v44, v43;
	v12 =	vadd.f32 v46, v45;
	[tilespmem:$0x2B00] =	vst v27  }
0x163: {  	v13 =	vadd.f32 v48, v47;
	v50 =	vnsel vm9, $0x0, v2;
	v52 =	vnsel vm11, $0x0, v2;
	[tilespmem:$0x2B80] =	vst v28  }
0x164: {  	v54 =	vnsel vm13, $0x0, v2;
	v56 =	vnsel vm15, $0x0, v2;
	v58 =	vnsel vm5, $0x0, v2;
	[tilespmem:$0x2C00] =	vst v29  }
0x165: {  	v60 =	vnsel vm7, $0x0, v2;
	vm9 =	veq.s32 v3, $0x2A;
	vm11 =	veq.s32 v3, $0x2B;
	[tilespmem:$0x2C80] =	vst v30  }
0x166: {  	vm13 =	veq.s32 v3, $0x2C;
	v24 =	vnsel vm12, $0x0, v1;
	vm15 =	veq.s32 v3, $0x2D;
	[tilespmem:$0x2D00] =	vst v31  }
0x167: {  	v26 =	vnsel vm14, $0x0, v1;
	v28 =	vnsel vm4, $0x0, v1;
	vm5 =	veq.s32 v3, $0x2E;
	[tilespmem:$0x2D80] =	vst v5  }
0x168: {  	vm7 =	veq.s32 v3, $0x2F;
	v32 =	vnsel vm8, $0x0, v1;
	v34 =	vnsel vm10, $0x0, v1;
	[tilespmem:$0x2E00] =	vst v6  }
0x169: {  	vm12 =	veq.s32 v4, $0x32;
	vm14 =	veq.s32 v4, $0x33;
	vm4 =	veq.s32 v4, $0x34;
	[tilespmem:$0x2E80] =	vst v7  }
0x16a: {  	vm8 =	veq.s32 v4, $0x36;
	v14 =	vadd.f32 v50, v49;
	v15 =	vadd.f32 v52, v51;
	[tilespmem:$0x2F00] =	vst v8  }
0x16b: {  	vm10 =	veq.s32 v4, $0x37;
	v16 =	vadd.f32 v54, v53;
	v17 =	vadd.f32 v56, v55;
	[tilespmem:$0x2F80] =	vst v9  }
0x16c: {  	v18 =	vadd.f32 v58, v57;
	v19 =	vadd.f32 v60, v59;
	v62 =	vnsel vm9, $0x0, v2;
	[tilespmem:$0x3000] =	vst v10  }
0x16d: {  	v23 =	vnsel vm11, $0x0, v2;
	v25 =	vnsel vm13, $0x0, v2;
	v27 =	vnsel vm15, $0x0, v2;
	[tilespmem:$0x3080] =	vst v11  }
0x16e: {  	v29 =	vnsel vm5, $0x0, v2;
	v30 =	vnsel vm6, $0x0, v1;
	v31 =	vnsel vm7, $0x0, v2;
	[tilespmem:$0x3100] =	vst v12  }
0x16f: {  	vm9 =	veq.s32 v3, $0x30;
	vm11 =	veq.s32 v3, $0x31;
	vm13 =	veq.s32 v3, $0x32;
	[tilespmem:$0x3180] =	vst v13  }
0x170: {  	v36 =	vnsel vm12, $0x0, v1;
	vm15 =	veq.s32 v3, $0x33;
	v38 =	vnsel vm14, $0x0, v1;
	[tilespmem:$0x3200] =	vst v14  }
0x171: {  	v40 =	vnsel vm4, $0x0, v1;
	vm5 =	veq.s32 v3, $0x34;
	vm6 =	veq.s32 v4, $0x35;
	[tilespmem:$0x3280] =	vst v15  }
0x172: {  	vm7 =	veq.s32 v3, $0x35;
	v46 =	vnsel vm8, $0x0, v1;
	v48 =	vnsel vm10, $0x0, v1;
	[tilespmem:$0x3300] =	vst v16  }
0x173: {  	vm12 =	veq.s32 v4, $0x38;
	vm14 =	veq.s32 v4, $0x39;
	vm4 =	veq.s32 v4, $0x3A;
	[tilespmem:$0x3380] =	vst v17  }
0x174: {  	vm8 =	veq.s32 v4, $0x3C;
	v20 =	vadd.f32 v62, v61;
	v5 =	vadd.f32 v23, v63;
	[tilespmem:$0x3400] =	vst v18  }
0x175: {  	vm10 =	veq.s32 v4, $0x3D;
	v6 =	vadd.f32 v25, v24;
	v7 =	vadd.f32 v27, v26;
	[tilespmem:$0x3480] =	vst v19  }
0x176: {  	v8 =	vadd.f32 v29, v28;
	v9 =	vadd.f32 v31, v30;
	v33 =	vnsel vm9, $0x0, v2;
	[tilespmem:$0x3500] =	vst v20  }
0x177: {  	v35 =	vnsel vm11, $0x0, v2;
	v37 =	vnsel vm13, $0x0, v2;
	v39 =	vnsel vm15, $0x0, v2;
	[tilespmem:$0x3580] =	vst v5  }
0x178: {  	v41 =	vnsel vm5, $0x0, v2;
	v43 =	vnsel vm6, $0x0, v1;
	v44 =	vnsel vm7, $0x0, v2;
	[tilespmem:$0x3600] =	vst v6  }
0x179: {  	vm9 =	veq.s32 v3, $0x36;
	vm11 =	veq.s32 v3, $0x37;
	vm13 =	veq.s32 v3, $0x38;
	[tilespmem:$0x3680] =	vst v7  }
0x17a: {  	v50 =	vnsel vm12, $0x0, v1;
	vm15 =	veq.s32 v3, $0x39;
	v10 =	vadd.f32 v33, v32;
	[tilespmem:$0x3700] =	vst v8  }
0x17b: {  	v52 =	vnsel vm14, $0x0, v1;
	v54 =	vnsel vm4, $0x0, v1;
	v11 =	vadd.f32 v35, v34;
	[tilespmem:$0x3780] =	vst v9  }
0x17c: {  	vm5 =	veq.s32 v3, $0x3A;
	vm6 =	veq.s32 v4, $0x3B;
	v12 =	vadd.f32 v37, v36;
	[tilespmem:$0x3800] =	vst v10  }
0x17d: {  	vm7 =	veq.s32 v3, $0x3B;
	v58 =	vnsel vm8, $0x0, v1;
	v13 =	vadd.f32 v39, v38;
	[tilespmem:$0x3880] =	vst v11  }
0x17e: {  	vm12 =	veq.s32 v4, $0x3E;
	vm14 =	veq.s32 v3, $0x3E;
	v42 =	vadd.f32 v41, v40;
	[tilespmem:$0x3900] =	vst v12  }
0x17f: {  	v45 =	vadd.f32 v44, v43;
	v47 =	vnsel vm9, $0x0, v2;
	v49 =	vnsel vm11, $0x0, v2;
	[tilespmem:$0x3980] =	vst v13  }
0x180: {  	v51 =	vnsel vm13, $0x0, v2;
	v53 =	vnsel vm15, $0x0, v2;
	v7 =	vadd.f32 v47, v46;
	[tilespmem:$0x3A00] =	vst v42  }
0x181: {  	v55 =	vnsel vm5, $0x0, v2;
	v56 =	vnsel vm6, $0x0, v1;
	v8 =	vadd.f32 v49, v48;
	[tilespmem:$0x3A80] =	vst v45  }
0x182: {  	v57 =	vnsel vm7, $0x0, v2;
	vm9 =	veq.s32 v3, $0x3C;
	v9 =	vadd.f32 v51, v50;
	[tilespmem:$0x3B00] =	vst v7  }
0x183: {  	vm11 =	veq.s32 v3, $0x3D;
	v63 =	vnsel vm12, $0x0, v1;
	v5 =	vadd.f32 v55, v54;
	[tilespmem:$0x3B80] =	vst v8  }
0x184: {  	vm15 =	veq.s32 v3, $0x3F;
	v3 =	vnsel vm14, $0x0, v2;
	v6 =	vadd.f32 v57, v56;
	[tilespmem:$0x3C00] =	vst v9  }
0x185: {  	v60 =	vnsel vm10, $0x0, v1;
	vm13 =	veq.s32 v4, $0x3F;
	v3 =	vadd.f32 v3, v63;
	[tilespmem:$0x3D00] =	vst v5  }
0x186: {  	v59 =	vnsel vm9, $0x0, v2;
	v61 =	vnsel vm11, $0x0, v2;
	v10 =	vadd.f32 v53, v52;
	[tilespmem:$0x3D80] =	vst v6  }
0x187: {  	v1 =	vnsel vm13, $0x0, v1;
	v2 =	vnsel vm15, $0x0, v2;
	v62 =	vadd.f32 v61, v60;
	[tilespmem:$0x3F00] =	vst v3  }
0x188: {  	v1 =	vadd.f32 v2, v1;
	[tilespmem:$0x3C80] =	vst v10  }
0x189: {  	v7 =	vadd.f32 v59, v58;
	[tilespmem:$0x3E80] =	vst v62  }
0x18a: {  	p0 =	sne.s32 s6, $0x1;
	[tilespmem:$0x3F80] =	vst v1  }
.Ltmp1:
0x18b: {  	[tilespmem:$0x3E00] =	vst v7;
	(pc) =	sbr.rel @p0 .LBB2_2-.Ltmp1, $4  }
0x18c: {  	[hbm4b:s5+s2] =	stream.linear.scatter [tilespmem:s8], [sflag:$0x1], $0x2000, $0x38;
	[tilespmem:$0x4000] =	vst v63  }
0x18d: {  	_ =	swait.ge [sflag:s7], $0x2000  }
0x18e: {  	[sflag:s7] =	ssyncset.done $0x0  }
0x18f: {  	s6 =	sadd.s32 $0xFFFFFFFF, s6;
	[sflag:s7] =	ssyncadd.s32 $0xFFFFE000  }
.LBB2_3:
0x190: {  	_ =	sfence.sel $0x180000  }
0x191: {  	[bflag:$0x0] =	sbarrier.arrive $0xFFFF  }
0x192: {  	p0 =	sne.s32 s1, $0x0;
	_ =	strace $0x90000047  }
0x193: {  	s0 =	sadd.s32 @!p0 $0x100000, s0;
	[bflag:$0x2] =	sbarrier.arrive $0xFFFF  }
0x194: {  	[sflag:s0] =	ssyncadd.tile.s32 @!p0 $0x1;
	_ =	shalt  }
.Lfunc_end2:
_tile_overlayer_lowered:
.L_overlay_start_2:
0x195: {  	(tag) =	ssettag $0x2  }
0x196: {  	s0 =	rddreg [dreg:$0x0];
	s2 =	stileid.u32  }
0x197: {  	s1 =	rddreg [dreg:$0x1];
	p0 =	sne.s32 s2, $0x0  }
0x198: {  	s3 =	rddreg [dreg:$0x2];
	[bflag:$0x3] =	sbarrier.arrive $0xFFFF;
	s2 =	simm.s32 @!p0 $0x1C02  }
0x199: {  	[timem:s3], [sflag:s2] =	dma.local @!p0 [hbm:s0], s1  }
0x19a: {  	s0 =	simm.s32 @!p0 $0x2  }
0x19b: {  	_ =	swait.ge @!p0 [sflag:s0], s1  }
0x19c: {  	s1 =	ssub.s32 @!p0 $0x0, s1;
	[sflag:s0] =	ssyncset.done @!p0 $0x0  }
0x19d: {  	[sflag:s0] =	ssyncadd.s32 @!p0 s1  }
0x19e: {  	[bflag:$0x3] =	sbarrier.arrive $0xFFFF  }
0x19f: {  	_ =	shalt  }

</sc_bundles>
